<compile_context>
chip_gen: v7x
topology: tpu7x:2x2x1
jax: 0.10.2.dev20260603
libtpu: 0.0.44.dev20260713+nightly
codegen_flags: <defaults>
</compile_context>

<pallas_src>
import functools

import jax
import jax.numpy as jnp
from jax import lax
from jax.experimental import pallas as pl
from jax.experimental.pallas import tpu as pltpu
from jax.experimental.pallas import tpu_sc as plsc

_BLK = 256
_NBUF = 4
_RING = 64


@functools.lru_cache(maxsize=None)
def _make_gather(V, D, B):
    info = plsc.get_sparse_core_info()
    NC, NS = info.num_cores, info.num_subcores
    NW = NC * NS
    V_pad = -(-V // 128) * 128
    s_last = V_pad - _BLK
    n_blk = -(-V_pad // (_BLK * NW))
    n_blk = -(-n_blk // _NBUF) * _NBUF
    span = n_blk * _BLK
    mesh = plsc.VectorSubcoreMesh(core_axis_name="c", subcore_axis_name="s")

    @functools.partial(
        pl.kernel,
        mesh=mesh,
        out_type=jax.ShapeDtypeStruct((B, D), jnp.float32),
        compiler_params=pltpu.CompilerParams(needs_layout_passes=False),
        scratch_types=[
            pltpu.VMEM((B,), jnp.int32),
            pltpu.VMEM((B,), jnp.int32),
            pltpu.VMEM((B + 16,), jnp.int32),
            pltpu.VMEM((_NBUF, D // 8, 8, _BLK), jnp.float32),
            pltpu.VMEM((_RING, D), jnp.float32),
        ] + [pltpu.SemaphoreType.DMA] * (_NBUF + 1),
    )
    def gather_kernel(
        tab_hbm, idx_hbm, out_hbm,
        lab_v, mp_v, pk_v, blk_v, row_v, *sems,
    ):
        wid = lax.axis_index("s") * NC + lax.axis_index("c")
        lo = wid * span
        hi = lo + span
        lanes = lax.iota(jnp.int32, 16)

        pltpu.sync_copy(idx_hbm, lab_v)

        def scan_body(i, count):
            vec = lab_v[pl.ds(i * 16, 16)]
            pos = lanes + i * 16
            m = (vec >= lo) & (vec < hi)
            plsc.store_compressed(lab_v.at[pl.ds(count, 16)], vec, mask=m)
            plsc.store_compressed(mp_v.at[pl.ds(count, 16)], pos, mask=m)
            n = plsc.all_reduce_population_count(m)
            return count + (n if n.ndim == 0 else n[0])

        k = lax.fori_loop(0, B // 16, scan_body, jnp.int32(0))
        n_chunks = (k + 15) // 16

        def blk_start(b):
            s = jnp.minimum(lo + b * _BLK, s_last)
            return pl.multiple_of(s, 128)

        def start_block(b, u, sem):
            s0 = blk_start(b)
            for tr in range(D // 8):
                pltpu.async_copy(
                    tab_hbm.at[
                        pl.ds(tr * 8, 8),
                        pl.ds(pl.multiple_of(s0, 128), _BLK),
                    ],
                    blk_v.at[u, tr],
                    sem,
                )

        def wait_block(b, u, sem):
            s0 = blk_start(b)
            for tr in range(D // 8):
                pltpu.make_async_copy(
                    tab_hbm.at[
                        pl.ds(tr * 8, 8),
                        pl.ds(pl.multiple_of(s0, 128), _BLK),
                    ],
                    blk_v.at[u, tr],
                    sem,
                ).wait()

        osem = sems[_NBUF]

        for u in range(_NBUF):
            start_block(u, u, sems[u])

        def drain(n_out):
            def d1(_, c):
                pltpu.make_async_copy(
                    row_v.at[pl.ds(0, 1)], out_hbm.at[pl.ds(0, 1)], osem
                ).wait()
                return c

            lax.fori_loop(0, n_out, d1, 0)

        def outer(g, n_out):
            for u in range(_NBUF):
                sem = sems[u]
                b = g * _NBUF + u
                nom = lo + b * _BLK
                s = blk_start(b)
                wait_block(b, u, sem)

                def pha(c, ke):
                    vec = lab_v[pl.ds(c * 16, 16)]
                    pv = mp_v[pl.ds(c * 16, 16)]
                    m = (vec >= nom) & (vec < nom + _BLK) & (lanes + c * 16 < k)
                    packed = (vec - nom) | (pv << 9)
                    plsc.store_compressed(pk_v.at[pl.ds(ke, 16)], packed, mask=m)
                    nv = plsc.all_reduce_population_count(m)
                    return ke + (nv if nv.ndim == 0 else nv[0])

                ke = lax.fori_loop(0, n_chunks, pha, jnp.int32(0))
                dsh = nom - s

                def phb(e, st):
                    x = pk_v[pl.ds(e, 16)][0]
                    col = (x & (_BLK - 1)) + dsh
                    pos = x >> 9
                    jsp = lanes * 0 + col
                    need = st >= _RING

                    @pl.when(need)
                    def _():
                        drain(_RING)

                    st = jnp.where(need, 0, st)
                    for q in range(D // 16):
                        cvec = lanes + q * 16
                        r = plsc.load_gather(
                            blk_v.at[u],
                            [cvec >> 3, cvec & 7, jsp],
                        )
                        row_v[st, pl.ds(q * 16, 16)] = r
                    pltpu.async_copy(
                        row_v.at[pl.ds(st, 1)],
                        out_hbm.at[pl.ds(pos, 1)],
                        osem,
                    )
                    return st + 1

                n_out = lax.fori_loop(0, ke, phb, n_out)
                nxt = b + _NBUF

                @pl.when(nxt < n_blk)
                def _():
                    start_block(nxt, u, sem)

            return n_out

        n_out = lax.fori_loop(0, n_blk // _NBUF, outer, jnp.int32(0))
        drain(n_out)

    return gather_kernel, NW


def kernel(labels, train, embedding_table):
    del train
    B = labels.shape[0]
    V, D = embedding_table.shape
    fn, NW = _make_gather(V, D, B)
    return fn(embedding_table.T, labels.astype(jnp.int32))

# --- scband reference (transcript-rebuilt; emitter-appended) ---
"""Pipeline reference for scband-label-embedder-46291157516788 (READ-ONLY COPY).

The authoritative reference and input builder live on the scoring server;
editing this copy changes nothing except your own understanding.
"""

import jax, jax.numpy as jnp
import numpy as np

NUM_CLASSES = 1000000
HIDDEN_SIZE = 64
USE_CFG = 1
BATCH = 16384

def setup_inputs(seed: int = 0) -> dict:
    key = jax.random.key(seed)
    k_labels, k_table = jax.random.split(key)
    labels = jax.random.randint(k_labels, (BATCH,), 0, NUM_CLASSES + USE_CFG, dtype=jnp.int64 if jax.config.jax_enable_x64 else jnp.int32)
    # embedding table sized (num_classes + use_cfg_embedding, hidden_size)
    table = jax.random.normal(k_table, (NUM_CLASSES + USE_CFG, HIDDEN_SIZE), dtype=jnp.float32) * 0.02
    return {"labels": labels, "train": 0, "embedding_table": table}

def reference(labels, train, embedding_table):
    # LabelEmbedder.__call__: train and force_drop_ids are deleted; pure table lookup
    del train
    out = jnp.take(embedding_table, labels, axis=0)
    return out

if __name__ == "__main__":
    import jax
    _d = setup_inputs()
    print(jax.jit(kernel)(*tuple(_d.values())))

</pallas_src>

<mosaic_0001>
#map = affine_map<(d0, d1) -> (0, 0)>
#map1 = affine_map<(d0, d1) -> (0)>
module attributes {stable_mosaic.version = 14 : i64} {
  func.func @gather_kernel(%arg0: i32, %arg1: i32, %arg2: memref<64x1000001xf32, #tpu.memory_space<hbm>>, %arg3: memref<16384xi32, #tpu.memory_space<hbm>>, %arg4: memref<16384x64xf32, #tpu.memory_space<hbm>>, %arg5: memref<16384xi32, #tpu.memory_space<vmem>>, %arg6: memref<16384xi32, #tpu.memory_space<vmem>>, %arg7: memref<16400xi32, #tpu.memory_space<vmem>>, %arg8: memref<4x8x8x256xf32, #tpu.memory_space<vmem>>, %arg9: memref<64x64xf32, #tpu.memory_space<vmem>>, %arg10: memref<!tpu.dma_semaphore, #tpu.memory_space<semaphore_mem>>, %arg11: memref<!tpu.dma_semaphore, #tpu.memory_space<semaphore_mem>>, %arg12: memref<!tpu.dma_semaphore, #tpu.memory_space<semaphore_mem>>, %arg13: memref<!tpu.dma_semaphore, #tpu.memory_space<semaphore_mem>>, %arg14: memref<!tpu.dma_semaphore, #tpu.memory_space<semaphore_mem>>) attributes {dimension_semantics = [#tpu.dimension_semantics<core_parallel>, #tpu.dimension_semantics<subcore_parallel>], iteration_bounds = array<i64: 2, 16>, scalar_prefetch = 0 : i64, scratch_operands = 10 : i64, tpu.core_type = #tpu.core_type<sc_vector_subcore>, window_params = [{transform_indices = #map}, {transform_indices = #map1}, {transform_indices = #map}]} {
    %mul3A = arith.constant 2 : i32
    %mul3A_0 = arith.muli %arg1, %mul3A : i32
    %add3A = arith.addi %mul3A_0, %arg0 : i32
    %mul3A_1 = arith.constant 31744 : i32
    %mul3A_2 = arith.muli %add3A, %mul3A_1 : i32
    %add3A_3 = arith.constant 31744 : i32
    %add3A_4 = arith.addi %mul3A_2, %add3A_3 : i32
    %iota3A = tpu.iota {dimensions = array<i32: 0>} : vector<16xi32>
    "tpu.region"() ({
      %run_scoped3A = tpu.sem_alloc : memref<!tpu.dma_semaphore, #tpu.memory_space<semaphore_mem>>
      tpu.enqueue_dma source(%arg3 : memref<16384xi32, #tpu.memory_space<hbm>>) target(%arg5 : memref<16384xi32, #tpu.memory_space<vmem>>) target_semaphore(%run_scoped3A : memref<!tpu.dma_semaphore, #tpu.memory_space<semaphore_mem>>)
      tpu.wait_dma2 semaphore(%run_scoped3A : memref<!tpu.dma_semaphore, #tpu.memory_space<semaphore_mem>>) src(%arg3 : memref<16384xi32, #tpu.memory_space<hbm>>) dst(%arg5 : memref<16384xi32, #tpu.memory_space<vmem>>)
      tpu.yield
    }) : () -> ()
    %scan3A = arith.constant 0 : i32
    %scan3A_5 = arith.constant 0 : i32
    %scan3A_6 = arith.constant 1024 : i32
    %scan3A_7 = arith.addi %scan3A_5, %scan3A_6 : i32
    %scan3A_8 = arith.constant 1 : i32
    %scan3A_9 = scf.for %scan3A_542 = %scan3A_5 to %scan3A_7 step %scan3A_8 iter_args(%scan3A_543 = %scan3A) -> (i32)  : i32 {
      %mul3A_544 = arith.constant 16 : i32
      %mul3A_545 = arith.muli %scan3A_542, %mul3A_544 : i32
      %get3A = arith.index_cast %mul3A_545 : i32 to index
      %get3A_546 = tpu.vector_load %arg5[%get3A] {strides = array<i32>} : memref<16384xi32, #tpu.memory_space<vmem>>, vector<16xi32>,
      %mul3A_547 = arith.constant 16 : i32
      %mul3A_548 = arith.muli %scan3A_542, %mul3A_547 : i32
      %add3A_549 = vector.broadcast %mul3A_548 : i32 to vector<16xi32>
      %add3A_550 = arith.addi %iota3A, %add3A_549 : vector<16xi32>
      %ge3A = vector.broadcast %mul3A_2 : i32 to vector<16xi32>
      %ge3A_551 = arith.cmpi sge, %get3A_546, %ge3A : vector<16xi32>
      %lt3A = vector.broadcast %add3A_4 : i32 to vector<16xi32>
      %lt3A_552 = arith.cmpi slt, %get3A_546, %lt3A : vector<16xi32>
      %and3A_553 = arith.andi %ge3A_551, %lt3A_552 : vector<16xi1>
      %swap3A = arith.index_cast %scan3A_543 : i32 to index
      %swap3A_554 = tpu.vector_load %arg5[%swap3A] masked %and3A_553 {strides = array<i32>} : memref<16384xi32, #tpu.memory_space<vmem>>, vector<16xi32>, vector<16xi1>
      tpu.vector_store %arg5[%swap3A], %get3A_546 masked %and3A_553 {strides = array<i32>} : memref<16384xi32, #tpu.memory_space<vmem>>, vector<16xi32>, vector<16xi1>
      %swap3A_555 = arith.index_cast %scan3A_543 : i32 to index
      %swap3A_556 = tpu.vector_load %arg6[%swap3A_555] masked %and3A_553 {strides = array<i32>} : memref<16384xi32, #tpu.memory_space<vmem>>, vector<16xi32>, vector<16xi1>
      tpu.vector_store %arg6[%swap3A_555], %add3A_550 masked %and3A_553 {strides = array<i32>} : memref<16384xi32, #tpu.memory_space<vmem>>, vector<16xi32>, vector<16xi1>
      %all_reduce_population_count3A = tpu.all_reduce %and3A_553 {dim = 0 : i64, kind = #tpu.reduction_kind<sum>} : vector<16xi1> -> vector<16xi32>
      %slice3A = vector.extract_strided_slice %all_reduce_population_count3A {offsets = [0], sizes = [1], strides = [1]} : vector<16xi32> to vector<1xi32>
      %squeeze3A = vector.extract %slice3A[0] : i32 from vector<1xi32>
      %add3A_557 = arith.addi %scan3A_543, %squeeze3A : i32
      scf.yield %add3A_557 : i32
    }
    %scan3A_10 = arith.constant 1024 : i32
    %add3A_11 = arith.constant 15 : i32
    %add3A_12 = arith.addi %scan3A_9, %add3A_11 : i32
    %jit3A = arith.constant 16 : i32
    %div3A = arith.divsi %add3A_12, %jit3A : i32
    %sign3A = arith.constant 0 : i32
    %sign3A_13 = arith.cmpi sgt, %add3A_12, %sign3A : i32
    %sign3A_14 = arith.extui %sign3A_13 : i1 to i32
    %sign3A_15 = arith.constant 0 : i32
    %sign3A_16 = arith.cmpi slt, %add3A_12, %sign3A_15 : i32
    %sign3A_17 = arith.extui %sign3A_16 : i1 to i32
    %sign3A_18 = arith.subi %sign3A_14, %sign3A_17 : i32
    %sign3A_19 = arith.constant 0 : i32
    %sign3A_20 = arith.cmpi sgt, %jit3A, %sign3A_19 : i32
    %sign3A_21 = arith.extui %sign3A_20 : i1 to i32
    %sign3A_22 = arith.constant 0 : i32
    %sign3A_23 = arith.cmpi slt, %jit3A, %sign3A_22 : i32
    %sign3A_24 = arith.extui %sign3A_23 : i1 to i32
    %sign3A_25 = arith.subi %sign3A_21, %sign3A_24 : i32
    %ne3A = arith.cmpi ne, %sign3A_18, %sign3A_25 : i32
    %rem3A = arith.remsi %add3A_12, %jit3A : i32
    %ne3A_26 = arith.constant 0 : i32
    %ne3A_27 = arith.cmpi ne, %rem3A, %ne3A_26 : i32
    %and3A = arith.andi %ne3A, %ne3A_27 : i1
    %sub3A = arith.constant 1 : i32
    %sub3A_28 = arith.subi %div3A, %sub3A : i32
    %select_n3A = arith.select %and3A, %sub3A_28, %div3A : i32
    %add3A_29 = arith.constant 0 : i32
    %add3A_30 = arith.addi %mul3A_2, %add3A_29 : i32
    %min3A = arith.constant 999808 : i32
    %min3A_31 = arith.minsi %add3A_30, %min3A : i32
    %multiple_of3A = tpu.assume_multiple %min3A_31, 128 : i32
    %multiple_of3A_32 = tpu.assume_multiple %multiple_of3A, 128 : i32
    %dma_start3A = arith.constant 0 : i32
    %dma_start3A_33 = arith.constant 0 : i32
    %dma_start3A_34 = arith.constant 0 : i32
    %dma_start3A_35 = arith.constant 0 : i32
    %dma_start3A_36 = tpu.memref_slice %arg8[%dma_start3A, %dma_start3A_33, %dma_start3A_34, %dma_start3A_35] : memref<4x8x8x256xf32, #tpu.memory_space<vmem>> -> memref<1x1x8x256xf32, #tpu.memory_space<vmem>>
    %dma_start3A_37 = tpu.memref_squeeze %dma_start3A_36 : memref<1x1x8x256xf32, #tpu.memory_space<vmem>> -> memref<8x256xf32, #tpu.memory_space<vmem>>
    %dma_start3A_38 = arith.constant 0 : i32
    %dma_start3A_39 = tpu.memref_slice %arg2[%dma_start3A_38, %multiple_of3A_32] : memref<64x1000001xf32, #tpu.memory_space<hbm>> -> memref<8x256xf32, #tpu.memory_space<hbm>>
    %dma_start3A_40 = arith.constant 0 : i32
    %dma_start3A_41 = arith.constant 0 : i32
    %dma_start3A_42 = tpu.memref_slice %arg8[%dma_start3A, %dma_start3A_33, %dma_start3A_40, %dma_start3A_41] : memref<4x8x8x256xf32, #tpu.memory_space<vmem>> -> memref<1x1x8x256xf32, #tpu.memory_space<vmem>>
    %dma_start3A_43 = tpu.memref_squeeze %dma_start3A_42 : memref<1x1x8x256xf32, #tpu.memory_space<vmem>> -> memref<8x256xf32, #tpu.memory_space<vmem>>
    %dma_start3A_44 = arith.constant 0 : i32
    %dma_start3A_45 = tpu.memref_slice %arg2[%dma_start3A_44, %multiple_of3A_32] : memref<64x1000001xf32, #tpu.memory_space<hbm>> -> memref<8x256xf32, #tpu.memory_space<hbm>>
    tpu.enqueue_dma source(%dma_start3A_45 : memref<8x256xf32, #tpu.memory_space<hbm>>) target(%dma_start3A_43 : memref<8x256xf32, #tpu.memory_space<vmem>>) target_semaphore(%arg10 : memref<!tpu.dma_semaphore, #tpu.memory_space<semaphore_mem>>)
    %multiple_of3A_46 = tpu.assume_multiple %multiple_of3A, 128 : i32
    %dma_start3A_47 = arith.constant 0 : i32
    %dma_start3A_48 = arith.constant 1 : i32
    %dma_start3A_49 = arith.constant 0 : i32
    %dma_start3A_50 = arith.constant 0 : i32
    %dma_start3A_51 = tpu.memref_slice %arg8[%dma_start3A_47, %dma_start3A_48, %dma_start3A_49, %dma_start3A_50] : memref<4x8x8x256xf32, #tpu.memory_space<vmem>> -> memref<1x1x8x256xf32, #tpu.memory_space<vmem>>
    %dma_start3A_52 = tpu.memref_squeeze %dma_start3A_51 : memref<1x1x8x256xf32, #tpu.memory_space<vmem>> -> memref<8x256xf32, #tpu.memory_space<vmem>>
    %dma_start3A_53 = arith.constant 8 : i32
    %dma_start3A_54 = tpu.memref_slice %arg2[%dma_start3A_53, %multiple_of3A_46] : memref<64x1000001xf32, #tpu.memory_space<hbm>> -> memref<8x256xf32, #tpu.memory_space<hbm>>
    %dma_start3A_55 = arith.constant 0 : i32
    %dma_start3A_56 = arith.constant 0 : i32
    %dma_start3A_57 = tpu.memref_slice %arg8[%dma_start3A_47, %dma_start3A_48, %dma_start3A_55, %dma_start3A_56] : memref<4x8x8x256xf32, #tpu.memory_space<vmem>> -> memref<1x1x8x256xf32, #tpu.memory_space<vmem>>
    %dma_start3A_58 = tpu.memref_squeeze %dma_start3A_57 : memref<1x1x8x256xf32, #tpu.memory_space<vmem>> -> memref<8x256xf32, #tpu.memory_space<vmem>>
    %dma_start3A_59 = arith.constant 8 : i32
    %dma_start3A_60 = tpu.memref_slice %arg2[%dma_start3A_59, %multiple_of3A_46] : memref<64x1000001xf32, #tpu.memory_space<hbm>> -> memref<8x256xf32, #tpu.memory_space<hbm>>
    tpu.enqueue_dma source(%dma_start3A_60 : memref<8x256xf32, #tpu.memory_space<hbm>>) target(%dma_start3A_58 : memref<8x256xf32, #tpu.memory_space<vmem>>) target_semaphore(%arg10 : memref<!tpu.dma_semaphore, #tpu.memory_space<semaphore_mem>>)
    %multiple_of3A_61 = tpu.assume_multiple %multiple_of3A, 128 : i32
    %dma_start3A_62 = arith.constant 0 : i32
    %dma_start3A_63 = arith.constant 2 : i32
    %dma_start3A_64 = arith.constant 0 : i32
    %dma_start3A_65 = arith.constant 0 : i32
    %dma_start3A_66 = tpu.memref_slice %arg8[%dma_start3A_62, %dma_start3A_63, %dma_start3A_64, %dma_start3A_65] : memref<4x8x8x256xf32, #tpu.memory_space<vmem>> -> memref<1x1x8x256xf32, #tpu.memory_space<vmem>>
    %dma_start3A_67 = tpu.memref_squeeze %dma_start3A_66 : memref<1x1x8x256xf32, #tpu.memory_space<vmem>> -> memref<8x256xf32, #tpu.memory_space<vmem>>
    %dma_start3A_68 = arith.constant 16 : i32
    %dma_start3A_69 = tpu.memref_slice %arg2[%dma_start3A_68, %multiple_of3A_61] : memref<64x1000001xf32, #tpu.memory_space<hbm>> -> memref<8x256xf32, #tpu.memory_space<hbm>>
    %dma_start3A_70 = arith.constant 0 : i32
    %dma_start3A_71 = arith.constant 0 : i32
    %dma_start3A_72 = tpu.memref_slice %arg8[%dma_start3A_62, %dma_start3A_63, %dma_start3A_70, %dma_start3A_71] : memref<4x8x8x256xf32, #tpu.memory_space<vmem>> -> memref<1x1x8x256xf32, #tpu.memory_space<vmem>>
    %dma_start3A_73 = tpu.memref_squeeze %dma_start3A_72 : memref<1x1x8x256xf32, #tpu.memory_space<vmem>> -> memref<8x256xf32, #tpu.memory_space<vmem>>
    %dma_start3A_74 = arith.constant 16 : i32
    %dma_start3A_75 = tpu.memref_slice %arg2[%dma_start3A_74, %multiple_of3A_61] : memref<64x1000001xf32, #tpu.memory_space<hbm>> -> memref<8x256xf32, #tpu.memory_space<hbm>>
    tpu.enqueue_dma source(%dma_start3A_75 : memref<8x256xf32, #tpu.memory_space<hbm>>) target(%dma_start3A_73 : memref<8x256xf32, #tpu.memory_space<vmem>>) target_semaphore(%arg10 : memref<!tpu.dma_semaphore, #tpu.memory_space<semaphore_mem>>)
    %multiple_of3A_76 = tpu.assume_multiple %multiple_of3A, 128 : i32
    %dma_start3A_77 = arith.constant 0 : i32
    %dma_start3A_78 = arith.constant 3 : i32
    %dma_start3A_79 = arith.constant 0 : i32
    %dma_start3A_80 = arith.constant 0 : i32
    %dma_start3A_81 = tpu.memref_slice %arg8[%dma_start3A_77, %dma_start3A_78, %dma_start3A_79, %dma_start3A_80] : memref<4x8x8x256xf32, #tpu.memory_space<vmem>> -> memref<1x1x8x256xf32, #tpu.memory_space<vmem>>
    %dma_start3A_82 = tpu.memref_squeeze %dma_start3A_81 : memref<1x1x8x256xf32, #tpu.memory_space<vmem>> -> memref<8x256xf32, #tpu.memory_space<vmem>>
    %dma_start3A_83 = arith.constant 24 : i32
    %dma_start3A_84 = tpu.memref_slice %arg2[%dma_start3A_83, %multiple_of3A_76] : memref<64x1000001xf32, #tpu.memory_space<hbm>> -> memref<8x256xf32, #tpu.memory_space<hbm>>
    %dma_start3A_85 = arith.constant 0 : i32
    %dma_start3A_86 = arith.constant 0 : i32
    %dma_start3A_87 = tpu.memref_slice %arg8[%dma_start3A_77, %dma_start3A_78, %dma_start3A_85, %dma_start3A_86] : memref<4x8x8x256xf32, #tpu.memory_space<vmem>> -> memref<1x1x8x256xf32, #tpu.memory_space<vmem>>
    %dma_start3A_88 = tpu.memref_squeeze %dma_start3A_87 : memref<1x1x8x256xf32, #tpu.memory_space<vmem>> -> memref<8x256xf32, #tpu.memory_space<vmem>>
    %dma_start3A_89 = arith.constant 24 : i32
    %dma_start3A_90 = tpu.memref_slice %arg2[%dma_start3A_89, %multiple_of3A_76] : memref<64x1000001xf32, #tpu.memory_space<hbm>> -> memref<8x256xf32, #tpu.memory_space<hbm>>
    tpu.enqueue_dma source(%dma_start3A_90 : memref<8x256xf32, #tpu.memory_space<hbm>>) target(%dma_start3A_88 : memref<8x256xf32, #tpu.memory_space<vmem>>) target_semaphore(%arg10 : memref<!tpu.dma_semaphore, #tpu.memory_space<semaphore_mem>>)
    %multiple_of3A_91 = tpu.assume_multiple %multiple_of3A, 128 : i32
    %dma_start3A_92 = arith.constant 0 : i32
    %dma_start3A_93 = arith.constant 4 : i32
    %dma_start3A_94 = arith.constant 0 : i32
    %dma_start3A_95 = arith.constant 0 : i32
    %dma_start3A_96 = tpu.memref_slice %arg8[%dma_start3A_92, %dma_start3A_93, %dma_start3A_94, %dma_start3A_95] : memref<4x8x8x256xf32, #tpu.memory_space<vmem>> -> memref<1x1x8x256xf32, #tpu.memory_space<vmem>>
    %dma_start3A_97 = tpu.memref_squeeze %dma_start3A_96 : memref<1x1x8x256xf32, #tpu.memory_space<vmem>> -> memref<8x256xf32, #tpu.memory_space<vmem>>
    %dma_start3A_98 = arith.constant 32 : i32
    %dma_start3A_99 = tpu.memref_slice %arg2[%dma_start3A_98, %multiple_of3A_91] : memref<64x1000001xf32, #tpu.memory_space<hbm>> -> memref<8x256xf32, #tpu.memory_space<hbm>>
    %dma_start3A_100 = arith.constant 0 : i32
    %dma_start3A_101 = arith.constant 0 : i32
    %dma_start3A_102 = tpu.memref_slice %arg8[%dma_start3A_92, %dma_start3A_93, %dma_start3A_100, %dma_start3A_101] : memref<4x8x8x256xf32, #tpu.memory_space<vmem>> -> memref<1x1x8x256xf32, #tpu.memory_space<vmem>>
    %dma_start3A_103 = tpu.memref_squeeze %dma_start3A_102 : memref<1x1x8x256xf32, #tpu.memory_space<vmem>> -> memref<8x256xf32, #tpu.memory_space<vmem>>
    %dma_start3A_104 = arith.constant 32 : i32
    %dma_start3A_105 = tpu.memref_slice %arg2[%dma_start3A_104, %multiple_of3A_91] : memref<64x1000001xf32, #tpu.memory_space<hbm>> -> memref<8x256xf32, #tpu.memory_space<hbm>>
    tpu.enqueue_dma source(%dma_start3A_105 : memref<8x256xf32, #tpu.memory_space<hbm>>) target(%dma_start3A_103 : memref<8x256xf32, #tpu.memory_space<vmem>>) target_semaphore(%arg10 : memref<!tpu.dma_semaphore, #tpu.memory_space<semaphore_mem>>)
    %multiple_of3A_106 = tpu.assume_multiple %multiple_of3A, 128 : i32
    %dma_start3A_107 = arith.constant 0 : i32
    %dma_start3A_108 = arith.constant 5 : i32
    %dma_start3A_109 = arith.constant 0 : i32
    %dma_start3A_110 = arith.constant 0 : i32
    %dma_start3A_111 = tpu.memref_slice %arg8[%dma_start3A_107, %dma_start3A_108, %dma_start3A_109, %dma_start3A_110] : memref<4x8x8x256xf32, #tpu.memory_space<vmem>> -> memref<1x1x8x256xf32, #tpu.memory_space<vmem>>
    %dma_start3A_112 = tpu.memref_squeeze %dma_start3A_111 : memref<1x1x8x256xf32, #tpu.memory_space<vmem>> -> memref<8x256xf32, #tpu.memory_space<vmem>>
    %dma_start3A_113 = arith.constant 40 : i32
    %dma_start3A_114 = tpu.memref_slice %arg2[%dma_start3A_113, %multiple_of3A_106] : memref<64x1000001xf32, #tpu.memory_space<hbm>> -> memref<8x256xf32, #tpu.memory_space<hbm>>
    %dma_start3A_115 = arith.constant 0 : i32
    %dma_start3A_116 = arith.constant 0 : i32
    %dma_start3A_117 = tpu.memref_slice %arg8[%dma_start3A_107, %dma_start3A_108, %dma_start3A_115, %dma_start3A_116] : memref<4x8x8x256xf32, #tpu.memory_space<vmem>> -> memref<1x1x8x256xf32, #tpu.memory_space<vmem>>
    %dma_start3A_118 = tpu.memref_squeeze %dma_start3A_117 : memref<1x1x8x256xf32, #tpu.memory_space<vmem>> -> memref<8x256xf32, #tpu.memory_space<vmem>>
    %dma_start3A_119 = arith.constant 40 : i32
    %dma_start3A_120 = tpu.memref_slice %arg2[%dma_start3A_119, %multiple_of3A_106] : memref<64x1000001xf32, #tpu.memory_space<hbm>> -> memref<8x256xf32, #tpu.memory_space<hbm>>
    tpu.enqueue_dma source(%dma_start3A_120 : memref<8x256xf32, #tpu.memory_space<hbm>>) target(%dma_start3A_118 : memref<8x256xf32, #tpu.memory_space<vmem>>) target_semaphore(%arg10 : memref<!tpu.dma_semaphore, #tpu.memory_space<semaphore_mem>>)
    %multiple_of3A_121 = tpu.assume_multiple %multiple_of3A, 128 : i32
    %dma_start3A_122 = arith.constant 0 : i32
    %dma_start3A_123 = arith.constant 6 : i32
    %dma_start3A_124 = arith.constant 0 : i32
    %dma_start3A_125 = arith.constant 0 : i32
    %dma_start3A_126 = tpu.memref_slice %arg8[%dma_start3A_122, %dma_start3A_123, %dma_start3A_124, %dma_start3A_125] : memref<4x8x8x256xf32, #tpu.memory_space<vmem>> -> memref<1x1x8x256xf32, #tpu.memory_space<vmem>>
    %dma_start3A_127 = tpu.memref_squeeze %dma_start3A_126 : memref<1x1x8x256xf32, #tpu.memory_space<vmem>> -> memref<8x256xf32, #tpu.memory_space<vmem>>
    %dma_start3A_128 = arith.constant 48 : i32
    %dma_start3A_129 = tpu.memref_slice %arg2[%dma_start3A_128, %multiple_of3A_121] : memref<64x1000001xf32, #tpu.memory_space<hbm>> -> memref<8x256xf32, #tpu.memory_space<hbm>>
    %dma_start3A_130 = arith.constant 0 : i32
    %dma_start3A_131 = arith.constant 0 : i32
    %dma_start3A_132 = tpu.memref_slice %arg8[%dma_start3A_122, %dma_start3A_123, %dma_start3A_130, %dma_start3A_131] : memref<4x8x8x256xf32, #tpu.memory_space<vmem>> -> memref<1x1x8x256xf32, #tpu.memory_space<vmem>>
    %dma_start3A_133 = tpu.memref_squeeze %dma_start3A_132 : memref<1x1x8x256xf32, #tpu.memory_space<vmem>> -> memref<8x256xf32, #tpu.memory_space<vmem>>
    %dma_start3A_134 = arith.constant 48 : i32
    %dma_start3A_135 = tpu.memref_slice %arg2[%dma_start3A_134, %multiple_of3A_121] : memref<64x1000001xf32, #tpu.memory_space<hbm>> -> memref<8x256xf32, #tpu.memory_space<hbm>>
    tpu.enqueue_dma source(%dma_start3A_135 : memref<8x256xf32, #tpu.memory_space<hbm>>) target(%dma_start3A_133 : memref<8x256xf32, #tpu.memory_space<vmem>>) target_semaphore(%arg10 : memref<!tpu.dma_semaphore, #tpu.memory_space<semaphore_mem>>)
    %multiple_of3A_136 = tpu.assume_multiple %multiple_of3A, 128 : i32
    %dma_start3A_137 = arith.constant 0 : i32
    %dma_start3A_138 = arith.constant 7 : i32
    %dma_start3A_139 = arith.constant 0 : i32
    %dma_start3A_140 = arith.constant 0 : i32
    %dma_start3A_141 = tpu.memref_slice %arg8[%dma_start3A_137, %dma_start3A_138, %dma_start3A_139, %dma_start3A_140] : memref<4x8x8x256xf32, #tpu.memory_space<vmem>> -> memref<1x1x8x256xf32, #tpu.memory_space<vmem>>
    %dma_start3A_142 = tpu.memref_squeeze %dma_start3A_141 : memref<1x1x8x256xf32, #tpu.memory_space<vmem>> -> memref<8x256xf32, #tpu.memory_space<vmem>>
    %dma_start3A_143 = arith.constant 56 : i32
    %dma_start3A_144 = tpu.memref_slice %arg2[%dma_start3A_143, %multiple_of3A_136] : memref<64x1000001xf32, #tpu.memory_space<hbm>> -> memref<8x256xf32, #tpu.memory_space<hbm>>
    %dma_start3A_145 = arith.constant 0 : i32
    %dma_start3A_146 = arith.constant 0 : i32
    %dma_start3A_147 = tpu.memref_slice %arg8[%dma_start3A_137, %dma_start3A_138, %dma_start3A_145, %dma_start3A_146] : memref<4x8x8x256xf32, #tpu.memory_space<vmem>> -> memref<1x1x8x256xf32, #tpu.memory_space<vmem>>
    %dma_start3A_148 = tpu.memref_squeeze %dma_start3A_147 : memref<1x1x8x256xf32, #tpu.memory_space<vmem>> -> memref<8x256xf32, #tpu.memory_space<vmem>>
    %dma_start3A_149 = arith.constant 56 : i32
    %dma_start3A_150 = tpu.memref_slice %arg2[%dma_start3A_149, %multiple_of3A_136] : memref<64x1000001xf32, #tpu.memory_space<hbm>> -> memref<8x256xf32, #tpu.memory_space<hbm>>
    tpu.enqueue_dma source(%dma_start3A_150 : memref<8x256xf32, #tpu.memory_space<hbm>>) target(%dma_start3A_148 : memref<8x256xf32, #tpu.memory_space<vmem>>) target_semaphore(%arg10 : memref<!tpu.dma_semaphore, #tpu.memory_space<semaphore_mem>>)
    %add3A_151 = arith.constant 256 : i32
    %add3A_152 = arith.addi %mul3A_2, %add3A_151 : i32
    %min3A_153 = arith.constant 999808 : i32
    %min3A_154 = arith.minsi %add3A_152, %min3A_153 : i32
    %multiple_of3A_155 = tpu.assume_multiple %min3A_154, 128 : i32
    %multiple_of3A_156 = tpu.assume_multiple %multiple_of3A_155, 128 : i32
    %dma_start3A_157 = arith.constant 1 : i32
    %dma_start3A_158 = arith.constant 0 : i32
    %dma_start3A_159 = arith.constant 0 : i32
    %dma_start3A_160 = arith.constant 0 : i32
    %dma_start3A_161 = tpu.memref_slice %arg8[%dma_start3A_157, %dma_start3A_158, %dma_start3A_159, %dma_start3A_160] : memref<4x8x8x256xf32, #tpu.memory_space<vmem>> -> memref<1x1x8x256xf32, #tpu.memory_space<vmem>>
    %dma_start3A_162 = tpu.memref_squeeze %dma_start3A_161 : memref<1x1x8x256xf32, #tpu.memory_space<vmem>> -> memref<8x256xf32, #tpu.memory_space<vmem>>
    %dma_start3A_163 = arith.constant 0 : i32
    %dma_start3A_164 = tpu.memref_slice %arg2[%dma_start3A_163, %multiple_of3A_156] : memref<64x1000001xf32, #tpu.memory_space<hbm>> -> memref<8x256xf32, #tpu.memory_space<hbm>>
    %dma_start3A_165 = arith.constant 0 : i32
    %dma_start3A_166 = arith.constant 0 : i32
    %dma_start3A_167 = tpu.memref_slice %arg8[%dma_start3A_157, %dma_start3A_158, %dma_start3A_165, %dma_start3A_166] : memref<4x8x8x256xf32, #tpu.memory_space<vmem>> -> memref<1x1x8x256xf32, #tpu.memory_space<vmem>>
    %dma_start3A_168 = tpu.memref_squeeze %dma_start3A_167 : memref<1x1x8x256xf32, #tpu.memory_space<vmem>> -> memref<8x256xf32, #tpu.memory_space<vmem>>
    %dma_start3A_169 = arith.constant 0 : i32
    %dma_start3A_170 = tpu.memref_slice %arg2[%dma_start3A_169, %multiple_of3A_156] : memref<64x1000001xf32, #tpu.memory_space<hbm>> -> memref<8x256xf32, #tpu.memory_space<hbm>>
    tpu.enqueue_dma source(%dma_start3A_170 : memref<8x256xf32, #tpu.memory_space<hbm>>) target(%dma_start3A_168 : memref<8x256xf32, #tpu.memory_space<vmem>>) target_semaphore(%arg11 : memref<!tpu.dma_semaphore, #tpu.memory_space<semaphore_mem>>)
    %multiple_of3A_171 = tpu.assume_multiple %multiple_of3A_155, 128 : i32
    %dma_start3A_172 = arith.constant 1 : i32
    %dma_start3A_173 = arith.constant 1 : i32
    %dma_start3A_174 = arith.constant 0 : i32
    %dma_start3A_175 = arith.constant 0 : i32
    %dma_start3A_176 = tpu.memref_slice %arg8[%dma_start3A_172, %dma_start3A_173, %dma_start3A_174, %dma_start3A_175] : memref<4x8x8x256xf32, #tpu.memory_space<vmem>> -> memref<1x1x8x256xf32, #tpu.memory_space<vmem>>
    %dma_start3A_177 = tpu.memref_squeeze %dma_start3A_176 : memref<1x1x8x256xf32, #tpu.memory_space<vmem>> -> memref<8x256xf32, #tpu.memory_space<vmem>>
    %dma_start3A_178 = arith.constant 8 : i32
    %dma_start3A_179 = tpu.memref_slice %arg2[%dma_start3A_178, %multiple_of3A_171] : memref<64x1000001xf32, #tpu.memory_space<hbm>> -> memref<8x256xf32, #tpu.memory_space<hbm>>
    %dma_start3A_180 = arith.constant 0 : i32
    %dma_start3A_181 = arith.constant 0 : i32
    %dma_start3A_182 = tpu.memref_slice %arg8[%dma_start3A_172, %dma_start3A_173, %dma_start3A_180, %dma_start3A_181] : memref<4x8x8x256xf32, #tpu.memory_space<vmem>> -> memref<1x1x8x256xf32, #tpu.memory_space<vmem>>
    %dma_start3A_183 = tpu.memref_squeeze %dma_start3A_182 : memref<1x1x8x256xf32, #tpu.memory_space<vmem>> -> memref<8x256xf32, #tpu.memory_space<vmem>>
    %dma_start3A_184 = arith.constant 8 : i32
    %dma_start3A_185 = tpu.memref_slice %arg2[%dma_start3A_184, %multiple_of3A_171] : memref<64x1000001xf32, #tpu.memory_space<hbm>> -> memref<8x256xf32, #tpu.memory_space<hbm>>
    tpu.enqueue_dma source(%dma_start3A_185 : memref<8x256xf32, #tpu.memory_space<hbm>>) target(%dma_start3A_183 : memref<8x256xf32, #tpu.memory_space<vmem>>) target_semaphore(%arg11 : memref<!tpu.dma_semaphore, #tpu.memory_space<semaphore_mem>>)
    %multiple_of3A_186 = tpu.assume_multiple %multiple_of3A_155, 128 : i32
    %dma_start3A_187 = arith.constant 1 : i32
    %dma_start3A_188 = arith.constant 2 : i32
    %dma_start3A_189 = arith.constant 0 : i32
    %dma_start3A_190 = arith.constant 0 : i32
    %dma_start3A_191 = tpu.memref_slice %arg8[%dma_start3A_187, %dma_start3A_188, %dma_start3A_189, %dma_start3A_190] : memref<4x8x8x256xf32, #tpu.memory_space<vmem>> -> memref<1x1x8x256xf32, #tpu.memory_space<vmem>>
    %dma_start3A_192 = tpu.memref_squeeze %dma_start3A_191 : memref<1x1x8x256xf32, #tpu.memory_space<vmem>> -> memref<8x256xf32, #tpu.memory_space<vmem>>
    %dma_start3A_193 = arith.constant 16 : i32
    %dma_start3A_194 = tpu.memref_slice %arg2[%dma_start3A_193, %multiple_of3A_186] : memref<64x1000001xf32, #tpu.memory_space<hbm>> -> memref<8x256xf32, #tpu.memory_space<hbm>>
    %dma_start3A_195 = arith.constant 0 : i32
    %dma_start3A_196 = arith.constant 0 : i32
    %dma_start3A_197 = tpu.memref_slice %arg8[%dma_start3A_187, %dma_start3A_188, %dma_start3A_195, %dma_start3A_196] : memref<4x8x8x256xf32, #tpu.memory_space<vmem>> -> memref<1x1x8x256xf32, #tpu.memory_space<vmem>>
    %dma_start3A_198 = tpu.memref_squeeze %dma_start3A_197 : memref<1x1x8x256xf32, #tpu.memory_space<vmem>> -> memref<8x256xf32, #tpu.memory_space<vmem>>
    %dma_start3A_199 = arith.constant 16 : i32
    %dma_start3A_200 = tpu.memref_slice %arg2[%dma_start3A_199, %multiple_of3A_186] : memref<64x1000001xf32, #tpu.memory_space<hbm>> -> memref<8x256xf32, #tpu.memory_space<hbm>>
    tpu.enqueue_dma source(%dma_start3A_200 : memref<8x256xf32, #tpu.memory_space<hbm>>) target(%dma_start3A_198 : memref<8x256xf32, #tpu.memory_space<vmem>>) target_semaphore(%arg11 : memref<!tpu.dma_semaphore, #tpu.memory_space<semaphore_mem>>)
    %multiple_of3A_201 = tpu.assume_multiple %multiple_of3A_155, 128 : i32
    %dma_start3A_202 = arith.constant 1 : i32
    %dma_start3A_203 = arith.constant 3 : i32
    %dma_start3A_204 = arith.constant 0 : i32
    %dma_start3A_205 = arith.constant 0 : i32
    %dma_start3A_206 = tpu.memref_slice %arg8[%dma_start3A_202, %dma_start3A_203, %dma_start3A_204, %dma_start3A_205] : memref<4x8x8x256xf32, #tpu.memory_space<vmem>> -> memref<1x1x8x256xf32, #tpu.memory_space<vmem>>
    %dma_start3A_207 = tpu.memref_squeeze %dma_start3A_206 : memref<1x1x8x256xf32, #tpu.memory_space<vmem>> -> memref<8x256xf32, #tpu.memory_space<vmem>>
    %dma_start3A_208 = arith.constant 24 : i32
    %dma_start3A_209 = tpu.memref_slice %arg2[%dma_start3A_208, %multiple_of3A_201] : memref<64x1000001xf32, #tpu.memory_space<hbm>> -> memref<8x256xf32, #tpu.memory_space<hbm>>
    %dma_start3A_210 = arith.constant 0 : i32
    %dma_start3A_211 = arith.constant 0 : i32
    %dma_start3A_212 = tpu.memref_slice %arg8[%dma_start3A_202, %dma_start3A_203, %dma_start3A_210, %dma_start3A_211] : memref<4x8x8x256xf32, #tpu.memory_space<vmem>> -> memref<1x1x8x256xf32, #tpu.memory_space<vmem>>
    %dma_start3A_213 = tpu.memref_squeeze %dma_start3A_212 : memref<1x1x8x256xf32, #tpu.memory_space<vmem>> -> memref<8x256xf32, #tpu.memory_space<vmem>>
    %dma_start3A_214 = arith.constant 24 : i32
    %dma_start3A_215 = tpu.memref_slice %arg2[%dma_start3A_214, %multiple_of3A_201] : memref<64x1000001xf32, #tpu.memory_space<hbm>> -> memref<8x256xf32, #tpu.memory_space<hbm>>
    tpu.enqueue_dma source(%dma_start3A_215 : memref<8x256xf32, #tpu.memory_space<hbm>>) target(%dma_start3A_213 : memref<8x256xf32, #tpu.memory_space<vmem>>) target_semaphore(%arg11 : memref<!tpu.dma_semaphore, #tpu.memory_space<semaphore_mem>>)
    %multiple_of3A_216 = tpu.assume_multiple %multiple_of3A_155, 128 : i32
    %dma_start3A_217 = arith.constant 1 : i32
    %dma_start3A_218 = arith.constant 4 : i32
    %dma_start3A_219 = arith.constant 0 : i32
    %dma_start3A_220 = arith.constant 0 : i32
    %dma_start3A_221 = tpu.memref_slice %arg8[%dma_start3A_217, %dma_start3A_218, %dma_start3A_219, %dma_start3A_220] : memref<4x8x8x256xf32, #tpu.memory_space<vmem>> -> memref<1x1x8x256xf32, #tpu.memory_space<vmem>>
    %dma_start3A_222 = tpu.memref_squeeze %dma_start3A_221 : memref<1x1x8x256xf32, #tpu.memory_space<vmem>> -> memref<8x256xf32, #tpu.memory_space<vmem>>
    %dma_start3A_223 = arith.constant 32 : i32
    %dma_start3A_224 = tpu.memref_slice %arg2[%dma_start3A_223, %multiple_of3A_216] : memref<64x1000001xf32, #tpu.memory_space<hbm>> -> memref<8x256xf32, #tpu.memory_space<hbm>>
    %dma_start3A_225 = arith.constant 0 : i32
    %dma_start3A_226 = arith.constant 0 : i32
    %dma_start3A_227 = tpu.memref_slice %arg8[%dma_start3A_217, %dma_start3A_218, %dma_start3A_225, %dma_start3A_226] : memref<4x8x8x256xf32, #tpu.memory_space<vmem>> -> memref<1x1x8x256xf32, #tpu.memory_space<vmem>>
    %dma_start3A_228 = tpu.memref_squeeze %dma_start3A_227 : memref<1x1x8x256xf32, #tpu.memory_space<vmem>> -> memref<8x256xf32, #tpu.memory_space<vmem>>
    %dma_start3A_229 = arith.constant 32 : i32
    %dma_start3A_230 = tpu.memref_slice %arg2[%dma_start3A_229, %multiple_of3A_216] : memref<64x1000001xf32, #tpu.memory_space<hbm>> -> memref<8x256xf32, #tpu.memory_space<hbm>>
    tpu.enqueue_dma source(%dma_start3A_230 : memref<8x256xf32, #tpu.memory_space<hbm>>) target(%dma_start3A_228 : memref<8x256xf32, #tpu.memory_space<vmem>>) target_semaphore(%arg11 : memref<!tpu.dma_semaphore, #tpu.memory_space<semaphore_mem>>)
    %multiple_of3A_231 = tpu.assume_multiple %multiple_of3A_155, 128 : i32
    %dma_start3A_232 = arith.constant 1 : i32
    %dma_start3A_233 = arith.constant 5 : i32
    %dma_start3A_234 = arith.constant 0 : i32
    %dma_start3A_235 = arith.constant 0 : i32
    %dma_start3A_236 = tpu.memref_slice %arg8[%dma_start3A_232, %dma_start3A_233, %dma_start3A_234, %dma_start3A_235] : memref<4x8x8x256xf32, #tpu.memory_space<vmem>> -> memref<1x1x8x256xf32, #tpu.memory_space<vmem>>
    %dma_start3A_237 = tpu.memref_squeeze %dma_start3A_236 : memref<1x1x8x256xf32, #tpu.memory_space<vmem>> -> memref<8x256xf32, #tpu.memory_space<vmem>>
    %dma_start3A_238 = arith.constant 40 : i32
    %dma_start3A_239 = tpu.memref_slice %arg2[%dma_start3A_238, %multiple_of3A_231] : memref<64x1000001xf32, #tpu.memory_space<hbm>> -> memref<8x256xf32, #tpu.memory_space<hbm>>
    %dma_start3A_240 = arith.constant 0 : i32
    %dma_start3A_241 = arith.constant 0 : i32
    %dma_start3A_242 = tpu.memref_slice %arg8[%dma_start3A_232, %dma_start3A_233, %dma_start3A_240, %dma_start3A_241] : memref<4x8x8x256xf32, #tpu.memory_space<vmem>> -> memref<1x1x8x256xf32, #tpu.memory_space<vmem>>
    %dma_start3A_243 = tpu.memref_squeeze %dma_start3A_242 : memref<1x1x8x256xf32, #tpu.memory_space<vmem>> -> memref<8x256xf32, #tpu.memory_space<vmem>>
    %dma_start3A_244 = arith.constant 40 : i32
    %dma_start3A_245 = tpu.memref_slice %arg2[%dma_start3A_244, %multiple_of3A_231] : memref<64x1000001xf32, #tpu.memory_space<hbm>> -> memref<8x256xf32, #tpu.memory_space<hbm>>
    tpu.enqueue_dma source(%dma_start3A_245 : memref<8x256xf32, #tpu.memory_space<hbm>>) target(%dma_start3A_243 : memref<8x256xf32, #tpu.memory_space<vmem>>) target_semaphore(%arg11 : memref<!tpu.dma_semaphore, #tpu.memory_space<semaphore_mem>>)
    %multiple_of3A_246 = tpu.assume_multiple %multiple_of3A_155, 128 : i32
    %dma_start3A_247 = arith.constant 1 : i32
    %dma_start3A_248 = arith.constant 6 : i32
    %dma_start3A_249 = arith.constant 0 : i32
    %dma_start3A_250 = arith.constant 0 : i32
    %dma_start3A_251 = tpu.memref_slice %arg8[%dma_start3A_247, %dma_start3A_248, %dma_start3A_249, %dma_start3A_250] : memref<4x8x8x256xf32, #tpu.memory_space<vmem>> -> memref<1x1x8x256xf32, #tpu.memory_space<vmem>>
    %dma_start3A_252 = tpu.memref_squeeze %dma_start3A_251 : memref<1x1x8x256xf32, #tpu.memory_space<vmem>> -> memref<8x256xf32, #tpu.memory_space<vmem>>
    %dma_start3A_253 = arith.constant 48 : i32
    %dma_start3A_254 = tpu.memref_slice %arg2[%dma_start3A_253, %multiple_of3A_246] : memref<64x1000001xf32, #tpu.memory_space<hbm>> -> memref<8x256xf32, #tpu.memory_space<hbm>>
    %dma_start3A_255 = arith.constant 0 : i32
    %dma_start3A_256 = arith.constant 0 : i32
    %dma_start3A_257 = tpu.memref_slice %arg8[%dma_start3A_247, %dma_start3A_248, %dma_start3A_255, %dma_start3A_256] : memref<4x8x8x256xf32, #tpu.memory_space<vmem>> -> memref<1x1x8x256xf32, #tpu.memory_space<vmem>>
    %dma_start3A_258 = tpu.memref_squeeze %dma_start3A_257 : memref<1x1x8x256xf32, #tpu.memory_space<vmem>> -> memref<8x256xf32, #tpu.memory_space<vmem>>
    %dma_start3A_259 = arith.constant 48 : i32
    %dma_start3A_260 = tpu.memref_slice %arg2[%dma_start3A_259, %multiple_of3A_246] : memref<64x1000001xf32, #tpu.memory_space<hbm>> -> memref<8x256xf32, #tpu.memory_space<hbm>>
    tpu.enqueue_dma source(%dma_start3A_260 : memref<8x256xf32, #tpu.memory_space<hbm>>) target(%dma_start3A_258 : memref<8x256xf32, #tpu.memory_space<vmem>>) target_semaphore(%arg11 : memref<!tpu.dma_semaphore, #tpu.memory_space<semaphore_mem>>)
    %multiple_of3A_261 = tpu.assume_multiple %multiple_of3A_155, 128 : i32
    %dma_start3A_262 = arith.constant 1 : i32
    %dma_start3A_263 = arith.constant 7 : i32
    %dma_start3A_264 = arith.constant 0 : i32
    %dma_start3A_265 = arith.constant 0 : i32
    %dma_start3A_266 = tpu.memref_slice %arg8[%dma_start3A_262, %dma_start3A_263, %dma_start3A_264, %dma_start3A_265] : memref<4x8x8x256xf32, #tpu.memory_space<vmem>> -> memref<1x1x8x256xf32, #tpu.memory_space<vmem>>
    %dma_start3A_267 = tpu.memref_squeeze %dma_start3A_266 : memref<1x1x8x256xf32, #tpu.memory_space<vmem>> -> memref<8x256xf32, #tpu.memory_space<vmem>>
    %dma_start3A_268 = arith.constant 56 : i32
    %dma_start3A_269 = tpu.memref_slice %arg2[%dma_start3A_268, %multiple_of3A_261] : memref<64x1000001xf32, #tpu.memory_space<hbm>> -> memref<8x256xf32, #tpu.memory_space<hbm>>
    %dma_start3A_270 = arith.constant 0 : i32
    %dma_start3A_271 = arith.constant 0 : i32
    %dma_start3A_272 = tpu.memref_slice %arg8[%dma_start3A_262, %dma_start3A_263, %dma_start3A_270, %dma_start3A_271] : memref<4x8x8x256xf32, #tpu.memory_space<vmem>> -> memref<1x1x8x256xf32, #tpu.memory_space<vmem>>
    %dma_start3A_273 = tpu.memref_squeeze %dma_start3A_272 : memref<1x1x8x256xf32, #tpu.memory_space<vmem>> -> memref<8x256xf32, #tpu.memory_space<vmem>>
    %dma_start3A_274 = arith.constant 56 : i32
    %dma_start3A_275 = tpu.memref_slice %arg2[%dma_start3A_274, %multiple_of3A_261] : memref<64x1000001xf32, #tpu.memory_space<hbm>> -> memref<8x256xf32, #tpu.memory_space<hbm>>
    tpu.enqueue_dma source(%dma_start3A_275 : memref<8x256xf32, #tpu.memory_space<hbm>>) target(%dma_start3A_273 : memref<8x256xf32, #tpu.memory_space<vmem>>) target_semaphore(%arg11 : memref<!tpu.dma_semaphore, #tpu.memory_space<semaphore_mem>>)
    %add3A_276 = arith.constant 512 : i32
    %add3A_277 = arith.addi %mul3A_2, %add3A_276 : i32
    %min3A_278 = arith.constant 999808 : i32
    %min3A_279 = arith.minsi %add3A_277, %min3A_278 : i32
    %multiple_of3A_280 = tpu.assume_multiple %min3A_279, 128 : i32
    %multiple_of3A_281 = tpu.assume_multiple %multiple_of3A_280, 128 : i32
    %dma_start3A_282 = arith.constant 2 : i32
    %dma_start3A_283 = arith.constant 0 : i32
    %dma_start3A_284 = arith.constant 0 : i32
    %dma_start3A_285 = arith.constant 0 : i32
    %dma_start3A_286 = tpu.memref_slice %arg8[%dma_start3A_282, %dma_start3A_283, %dma_start3A_284, %dma_start3A_285] : memref<4x8x8x256xf32, #tpu.memory_space<vmem>> -> memref<1x1x8x256xf32, #tpu.memory_space<vmem>>
    %dma_start3A_287 = tpu.memref_squeeze %dma_start3A_286 : memref<1x1x8x256xf32, #tpu.memory_space<vmem>> -> memref<8x256xf32, #tpu.memory_space<vmem>>
    %dma_start3A_288 = arith.constant 0 : i32
    %dma_start3A_289 = tpu.memref_slice %arg2[%dma_start3A_288, %multiple_of3A_281] : memref<64x1000001xf32, #tpu.memory_space<hbm>> -> memref<8x256xf32, #tpu.memory_space<hbm>>
    %dma_start3A_290 = arith.constant 0 : i32
    %dma_start3A_291 = arith.constant 0 : i32
    %dma_start3A_292 = tpu.memref_slice %arg8[%dma_start3A_282, %dma_start3A_283, %dma_start3A_290, %dma_start3A_291] : memref<4x8x8x256xf32, #tpu.memory_space<vmem>> -> memref<1x1x8x256xf32, #tpu.memory_space<vmem>>
    %dma_start3A_293 = tpu.memref_squeeze %dma_start3A_292 : memref<1x1x8x256xf32, #tpu.memory_space<vmem>> -> memref<8x256xf32, #tpu.memory_space<vmem>>
    %dma_start3A_294 = arith.constant 0 : i32
    %dma_start3A_295 = tpu.memref_slice %arg2[%dma_start3A_294, %multiple_of3A_281] : memref<64x1000001xf32, #tpu.memory_space<hbm>> -> memref<8x256xf32, #tpu.memory_space<hbm>>
    tpu.enqueue_dma source(%dma_start3A_295 : memref<8x256xf32, #tpu.memory_space<hbm>>) target(%dma_start3A_293 : memref<8x256xf32, #tpu.memory_space<vmem>>) target_semaphore(%arg12 : memref<!tpu.dma_semaphore, #tpu.memory_space<semaphore_mem>>)
    %multiple_of3A_296 = tpu.assume_multiple %multiple_of3A_280, 128 : i32
    %dma_start3A_297 = arith.constant 2 : i32
    %dma_start3A_298 = arith.constant 1 : i32
    %dma_start3A_299 = arith.constant 0 : i32
    %dma_start3A_300 = arith.constant 0 : i32
    %dma_start3A_301 = tpu.memref_slice %arg8[%dma_start3A_297, %dma_start3A_298, %dma_start3A_299, %dma_start3A_300] : memref<4x8x8x256xf32, #tpu.memory_space<vmem>> -> memref<1x1x8x256xf32, #tpu.memory_space<vmem>>
    %dma_start3A_302 = tpu.memref_squeeze %dma_start3A_301 : memref<1x1x8x256xf32, #tpu.memory_space<vmem>> -> memref<8x256xf32, #tpu.memory_space<vmem>>
    %dma_start3A_303 = arith.constant 8 : i32
    %dma_start3A_304 = tpu.memref_slice %arg2[%dma_start3A_303, %multiple_of3A_296] : memref<64x1000001xf32, #tpu.memory_space<hbm>> -> memref<8x256xf32, #tpu.memory_space<hbm>>
    %dma_start3A_305 = arith.constant 0 : i32
    %dma_start3A_306 = arith.constant 0 : i32
    %dma_start3A_307 = tpu.memref_slice %arg8[%dma_start3A_297, %dma_start3A_298, %dma_start3A_305, %dma_start3A_306] : memref<4x8x8x256xf32, #tpu.memory_space<vmem>> -> memref<1x1x8x256xf32, #tpu.memory_space<vmem>>
    %dma_start3A_308 = tpu.memref_squeeze %dma_start3A_307 : memref<1x1x8x256xf32, #tpu.memory_space<vmem>> -> memref<8x256xf32, #tpu.memory_space<vmem>>
    %dma_start3A_309 = arith.constant 8 : i32
    %dma_start3A_310 = tpu.memref_slice %arg2[%dma_start3A_309, %multiple_of3A_296] : memref<64x1000001xf32, #tpu.memory_space<hbm>> -> memref<8x256xf32, #tpu.memory_space<hbm>>
    tpu.enqueue_dma source(%dma_start3A_310 : memref<8x256xf32, #tpu.memory_space<hbm>>) target(%dma_start3A_308 : memref<8x256xf32, #tpu.memory_space<vmem>>) target_semaphore(%arg12 : memref<!tpu.dma_semaphore, #tpu.memory_space<semaphore_mem>>)
    %multiple_of3A_311 = tpu.assume_multiple %multiple_of3A_280, 128 : i32
    %dma_start3A_312 = arith.constant 2 : i32
    %dma_start3A_313 = arith.constant 2 : i32
    %dma_start3A_314 = arith.constant 0 : i32
    %dma_start3A_315 = arith.constant 0 : i32
    %dma_start3A_316 = tpu.memref_slice %arg8[%dma_start3A_312, %dma_start3A_313, %dma_start3A_314, %dma_start3A_315] : memref<4x8x8x256xf32, #tpu.memory_space<vmem>> -> memref<1x1x8x256xf32, #tpu.memory_space<vmem>>
    %dma_start3A_317 = tpu.memref_squeeze %dma_start3A_316 : memref<1x1x8x256xf32, #tpu.memory_space<vmem>> -> memref<8x256xf32, #tpu.memory_space<vmem>>
    %dma_start3A_318 = arith.constant 16 : i32
    %dma_start3A_319 = tpu.memref_slice %arg2[%dma_start3A_318, %multiple_of3A_311] : memref<64x1000001xf32, #tpu.memory_space<hbm>> -> memref<8x256xf32, #tpu.memory_space<hbm>>
    %dma_start3A_320 = arith.constant 0 : i32
    %dma_start3A_321 = arith.constant 0 : i32
    %dma_start3A_322 = tpu.memref_slice %arg8[%dma_start3A_312, %dma_start3A_313, %dma_start3A_320, %dma_start3A_321] : memref<4x8x8x256xf32, #tpu.memory_space<vmem>> -> memref<1x1x8x256xf32, #tpu.memory_space<vmem>>
    %dma_start3A_323 = tpu.memref_squeeze %dma_start3A_322 : memref<1x1x8x256xf32, #tpu.memory_space<vmem>> -> memref<8x256xf32, #tpu.memory_space<vmem>>
    %dma_start3A_324 = arith.constant 16 : i32
    %dma_start3A_325 = tpu.memref_slice %arg2[%dma_start3A_324, %multiple_of3A_311] : memref<64x1000001xf32, #tpu.memory_space<hbm>> -> memref<8x256xf32, #tpu.memory_space<hbm>>
    tpu.enqueue_dma source(%dma_start3A_325 : memref<8x256xf32, #tpu.memory_space<hbm>>) target(%dma_start3A_323 : memref<8x256xf32, #tpu.memory_space<vmem>>) target_semaphore(%arg12 : memref<!tpu.dma_semaphore, #tpu.memory_space<semaphore_mem>>)
    %multiple_of3A_326 = tpu.assume_multiple %multiple_of3A_280, 128 : i32
    %dma_start3A_327 = arith.constant 2 : i32
    %dma_start3A_328 = arith.constant 3 : i32
    %dma_start3A_329 = arith.constant 0 : i32
    %dma_start3A_330 = arith.constant 0 : i32
    %dma_start3A_331 = tpu.memref_slice %arg8[%dma_start3A_327, %dma_start3A_328, %dma_start3A_329, %dma_start3A_330] : memref<4x8x8x256xf32, #tpu.memory_space<vmem>> -> memref<1x1x8x256xf32, #tpu.memory_space<vmem>>
    %dma_start3A_332 = tpu.memref_squeeze %dma_start3A_331 : memref<1x1x8x256xf32, #tpu.memory_space<vmem>> -> memref<8x256xf32, #tpu.memory_space<vmem>>
    %dma_start3A_333 = arith.constant 24 : i32
    %dma_start3A_334 = tpu.memref_slice %arg2[%dma_start3A_333, %multiple_of3A_326] : memref<64x1000001xf32, #tpu.memory_space<hbm>> -> memref<8x256xf32, #tpu.memory_space<hbm>>
    %dma_start3A_335 = arith.constant 0 : i32
    %dma_start3A_336 = arith.constant 0 : i32
    %dma_start3A_337 = tpu.memref_slice %arg8[%dma_start3A_327, %dma_start3A_328, %dma_start3A_335, %dma_start3A_336] : memref<4x8x8x256xf32, #tpu.memory_space<vmem>> -> memref<1x1x8x256xf32, #tpu.memory_space<vmem>>
    %dma_start3A_338 = tpu.memref_squeeze %dma_start3A_337 : memref<1x1x8x256xf32, #tpu.memory_space<vmem>> -> memref<8x256xf32, #tpu.memory_space<vmem>>
    %dma_start3A_339 = arith.constant 24 : i32
    %dma_start3A_340 = tpu.memref_slice %arg2[%dma_start3A_339, %multiple_of3A_326] : memref<64x1000001xf32, #tpu.memory_space<hbm>> -> memref<8x256xf32, #tpu.memory_space<hbm>>
    tpu.enqueue_dma source(%dma_start3A_340 : memref<8x256xf32, #tpu.memory_space<hbm>>) target(%dma_start3A_338 : memref<8x256xf32, #tpu.memory_space<vmem>>) target_semaphore(%arg12 : memref<!tpu.dma_semaphore, #tpu.memory_space<semaphore_mem>>)
    %multiple_of3A_341 = tpu.assume_multiple %multiple_of3A_280, 128 : i32
    %dma_start3A_342 = arith.constant 2 : i32
    %dma_start3A_343 = arith.constant 4 : i32
    %dma_start3A_344 = arith.constant 0 : i32
    %dma_start3A_345 = arith.constant 0 : i32
    %dma_start3A_346 = tpu.memref_slice %arg8[%dma_start3A_342, %dma_start3A_343, %dma_start3A_344, %dma_start3A_345] : memref<4x8x8x256xf32, #tpu.memory_space<vmem>> -> memref<1x1x8x256xf32, #tpu.memory_space<vmem>>
    %dma_start3A_347 = tpu.memref_squeeze %dma_start3A_346 : memref<1x1x8x256xf32, #tpu.memory_space<vmem>> -> memref<8x256xf32, #tpu.memory_space<vmem>>
    %dma_start3A_348 = arith.constant 32 : i32
    %dma_start3A_349 = tpu.memref_slice %arg2[%dma_start3A_348, %multiple_of3A_341] : memref<64x1000001xf32, #tpu.memory_space<hbm>> -> memref<8x256xf32, #tpu.memory_space<hbm>>
    %dma_start3A_350 = arith.constant 0 : i32
    %dma_start3A_351 = arith.constant 0 : i32
    %dma_start3A_352 = tpu.memref_slice %arg8[%dma_start3A_342, %dma_start3A_343, %dma_start3A_350, %dma_start3A_351] : memref<4x8x8x256xf32, #tpu.memory_space<vmem>> -> memref<1x1x8x256xf32, #tpu.memory_space<vmem>>
    %dma_start3A_353 = tpu.memref_squeeze %dma_start3A_352 : memref<1x1x8x256xf32, #tpu.memory_space<vmem>> -> memref<8x256xf32, #tpu.memory_space<vmem>>
    %dma_start3A_354 = arith.constant 32 : i32
    %dma_start3A_355 = tpu.memref_slice %arg2[%dma_start3A_354, %multiple_of3A_341] : memref<64x1000001xf32, #tpu.memory_space<hbm>> -> memref<8x256xf32, #tpu.memory_space<hbm>>
    tpu.enqueue_dma source(%dma_start3A_355 : memref<8x256xf32, #tpu.memory_space<hbm>>) target(%dma_start3A_353 : memref<8x256xf32, #tpu.memory_space<vmem>>) target_semaphore(%arg12 : memref<!tpu.dma_semaphore, #tpu.memory_space<semaphore_mem>>)
    %multiple_of3A_356 = tpu.assume_multiple %multiple_of3A_280, 128 : i32
    %dma_start3A_357 = arith.constant 2 : i32
    %dma_start3A_358 = arith.constant 5 : i32
    %dma_start3A_359 = arith.constant 0 : i32
    %dma_start3A_360 = arith.constant 0 : i32
    %dma_start3A_361 = tpu.memref_slice %arg8[%dma_start3A_357, %dma_start3A_358, %dma_start3A_359, %dma_start3A_360] : memref<4x8x8x256xf32, #tpu.memory_space<vmem>> -> memref<1x1x8x256xf32, #tpu.memory_space<vmem>>
    %dma_start3A_362 = tpu.memref_squeeze %dma_start3A_361 : memref<1x1x8x256xf32, #tpu.memory_space<vmem>> -> memref<8x256xf32, #tpu.memory_space<vmem>>
    %dma_start3A_363 = arith.constant 40 : i32
    %dma_start3A_364 = tpu.memref_slice %arg2[%dma_start3A_363, %multiple_of3A_356] : memref<64x1000001xf32, #tpu.memory_space<hbm>> -> memref<8x256xf32, #tpu.memory_space<hbm>>
    %dma_start3A_365 = arith.constant 0 : i32
    %dma_start3A_366 = arith.constant 0 : i32
    %dma_start3A_367 = tpu.memref_slice %arg8[%dma_start3A_357, %dma_start3A_358, %dma_start3A_365, %dma_start3A_366] : memref<4x8x8x256xf32, #tpu.memory_space<vmem>> -> memref<1x1x8x256xf32, #tpu.memory_space<vmem>>
    %dma_start3A_368 = tpu.memref_squeeze %dma_start3A_367 : memref<1x1x8x256xf32, #tpu.memory_space<vmem>> -> memref<8x256xf32, #tpu.memory_space<vmem>>
    %dma_start3A_369 = arith.constant 40 : i32
    %dma_start3A_370 = tpu.memref_slice %arg2[%dma_start3A_369, %multiple_of3A_356] : memref<64x1000001xf32, #tpu.memory_space<hbm>> -> memref<8x256xf32, #tpu.memory_space<hbm>>
    tpu.enqueue_dma source(%dma_start3A_370 : memref<8x256xf32, #tpu.memory_space<hbm>>) target(%dma_start3A_368 : memref<8x256xf32, #tpu.memory_space<vmem>>) target_semaphore(%arg12 : memref<!tpu.dma_semaphore, #tpu.memory_space<semaphore_mem>>)
    %multiple_of3A_371 = tpu.assume_multiple %multiple_of3A_280, 128 : i32
    %dma_start3A_372 = arith.constant 2 : i32
    %dma_start3A_373 = arith.constant 6 : i32
    %dma_start3A_374 = arith.constant 0 : i32
    %dma_start3A_375 = arith.constant 0 : i32
    %dma_start3A_376 = tpu.memref_slice %arg8[%dma_start3A_372, %dma_start3A_373, %dma_start3A_374, %dma_start3A_375] : memref<4x8x8x256xf32, #tpu.memory_space<vmem>> -> memref<1x1x8x256xf32, #tpu.memory_space<vmem>>
    %dma_start3A_377 = tpu.memref_squeeze %dma_start3A_376 : memref<1x1x8x256xf32, #tpu.memory_space<vmem>> -> memref<8x256xf32, #tpu.memory_space<vmem>>
    %dma_start3A_378 = arith.constant 48 : i32
    %dma_start3A_379 = tpu.memref_slice %arg2[%dma_start3A_378, %multiple_of3A_371] : memref<64x1000001xf32, #tpu.memory_space<hbm>> -> memref<8x256xf32, #tpu.memory_space<hbm>>
    %dma_start3A_380 = arith.constant 0 : i32
    %dma_start3A_381 = arith.constant 0 : i32
    %dma_start3A_382 = tpu.memref_slice %arg8[%dma_start3A_372, %dma_start3A_373, %dma_start3A_380, %dma_start3A_381] : memref<4x8x8x256xf32, #tpu.memory_space<vmem>> -> memref<1x1x8x256xf32, #tpu.memory_space<vmem>>
    %dma_start3A_383 = tpu.memref_squeeze %dma_start3A_382 : memref<1x1x8x256xf32, #tpu.memory_space<vmem>> -> memref<8x256xf32, #tpu.memory_space<vmem>>
    %dma_start3A_384 = arith.constant 48 : i32
    %dma_start3A_385 = tpu.memref_slice %arg2[%dma_start3A_384, %multiple_of3A_371] : memref<64x1000001xf32, #tpu.memory_space<hbm>> -> memref<8x256xf32, #tpu.memory_space<hbm>>
    tpu.enqueue_dma source(%dma_start3A_385 : memref<8x256xf32, #tpu.memory_space<hbm>>) target(%dma_start3A_383 : memref<8x256xf32, #tpu.memory_space<vmem>>) target_semaphore(%arg12 : memref<!tpu.dma_semaphore, #tpu.memory_space<semaphore_mem>>)
    %multiple_of3A_386 = tpu.assume_multiple %multiple_of3A_280, 128 : i32
    %dma_start3A_387 = arith.constant 2 : i32
    %dma_start3A_388 = arith.constant 7 : i32
    %dma_start3A_389 = arith.constant 0 : i32
    %dma_start3A_390 = arith.constant 0 : i32
    %dma_start3A_391 = tpu.memref_slice %arg8[%dma_start3A_387, %dma_start3A_388, %dma_start3A_389, %dma_start3A_390] : memref<4x8x8x256xf32, #tpu.memory_space<vmem>> -> memref<1x1x8x256xf32, #tpu.memory_space<vmem>>
    %dma_start3A_392 = tpu.memref_squeeze %dma_start3A_391 : memref<1x1x8x256xf32, #tpu.memory_space<vmem>> -> memref<8x256xf32, #tpu.memory_space<vmem>>
    %dma_start3A_393 = arith.constant 56 : i32
    %dma_start3A_394 = tpu.memref_slice %arg2[%dma_start3A_393, %multiple_of3A_386] : memref<64x1000001xf32, #tpu.memory_space<hbm>> -> memref<8x256xf32, #tpu.memory_space<hbm>>
    %dma_start3A_395 = arith.constant 0 : i32
    %dma_start3A_396 = arith.constant 0 : i32
    %dma_start3A_397 = tpu.memref_slice %arg8[%dma_start3A_387, %dma_start3A_388, %dma_start3A_395, %dma_start3A_396] : memref<4x8x8x256xf32, #tpu.memory_space<vmem>> -> memref<1x1x8x256xf32, #tpu.memory_space<vmem>>
    %dma_start3A_398 = tpu.memref_squeeze %dma_start3A_397 : memref<1x1x8x256xf32, #tpu.memory_space<vmem>> -> memref<8x256xf32, #tpu.memory_space<vmem>>
    %dma_start3A_399 = arith.constant 56 : i32
    %dma_start3A_400 = tpu.memref_slice %arg2[%dma_start3A_399, %multiple_of3A_386] : memref<64x1000001xf32, #tpu.memory_space<hbm>> -> memref<8x256xf32, #tpu.memory_space<hbm>>
    tpu.enqueue_dma source(%dma_start3A_400 : memref<8x256xf32, #tpu.memory_space<hbm>>) target(%dma_start3A_398 : memref<8x256xf32, #tpu.memory_space<vmem>>) target_semaphore(%arg12 : memref<!tpu.dma_semaphore, #tpu.memory_space<semaphore_mem>>)
    %add3A_401 = arith.constant 768 : i32
    %add3A_402 = arith.addi %mul3A_2, %add3A_401 : i32
    %min3A_403 = arith.constant 999808 : i32
    %min3A_404 = arith.minsi %add3A_402, %min3A_403 : i32
    %multiple_of3A_405 = tpu.assume_multiple %min3A_404, 128 : i32
    %multiple_of3A_406 = tpu.assume_multiple %multiple_of3A_405, 128 : i32
    %dma_start3A_407 = arith.constant 3 : i32
    %dma_start3A_408 = arith.constant 0 : i32
    %dma_start3A_409 = arith.constant 0 : i32
    %dma_start3A_410 = arith.constant 0 : i32
    %dma_start3A_411 = tpu.memref_slice %arg8[%dma_start3A_407, %dma_start3A_408, %dma_start3A_409, %dma_start3A_410] : memref<4x8x8x256xf32, #tpu.memory_space<vmem>> -> memref<1x1x8x256xf32, #tpu.memory_space<vmem>>
    %dma_start3A_412 = tpu.memref_squeeze %dma_start3A_411 : memref<1x1x8x256xf32, #tpu.memory_space<vmem>> -> memref<8x256xf32, #tpu.memory_space<vmem>>
    %dma_start3A_413 = arith.constant 0 : i32
    %dma_start3A_414 = tpu.memref_slice %arg2[%dma_start3A_413, %multiple_of3A_406] : memref<64x1000001xf32, #tpu.memory_space<hbm>> -> memref<8x256xf32, #tpu.memory_space<hbm>>
    %dma_start3A_415 = arith.constant 0 : i32
    %dma_start3A_416 = arith.constant 0 : i32
    %dma_start3A_417 = tpu.memref_slice %arg8[%dma_start3A_407, %dma_start3A_408, %dma_start3A_415, %dma_start3A_416] : memref<4x8x8x256xf32, #tpu.memory_space<vmem>> -> memref<1x1x8x256xf32, #tpu.memory_space<vmem>>
    %dma_start3A_418 = tpu.memref_squeeze %dma_start3A_417 : memref<1x1x8x256xf32, #tpu.memory_space<vmem>> -> memref<8x256xf32, #tpu.memory_space<vmem>>
    %dma_start3A_419 = arith.constant 0 : i32
    %dma_start3A_420 = tpu.memref_slice %arg2[%dma_start3A_419, %multiple_of3A_406] : memref<64x1000001xf32, #tpu.memory_space<hbm>> -> memref<8x256xf32, #tpu.memory_space<hbm>>
    tpu.enqueue_dma source(%dma_start3A_420 : memref<8x256xf32, #tpu.memory_space<hbm>>) target(%dma_start3A_418 : memref<8x256xf32, #tpu.memory_space<vmem>>) target_semaphore(%arg13 : memref<!tpu.dma_semaphore, #tpu.memory_space<semaphore_mem>>)
    %multiple_of3A_421 = tpu.assume_multiple %multiple_of3A_405, 128 : i32
    %dma_start3A_422 = arith.constant 3 : i32
    %dma_start3A_423 = arith.constant 1 : i32
    %dma_start3A_424 = arith.constant 0 : i32
    %dma_start3A_425 = arith.constant 0 : i32
    %dma_start3A_426 = tpu.memref_slice %arg8[%dma_start3A_422, %dma_start3A_423, %dma_start3A_424, %dma_start3A_425] : memref<4x8x8x256xf32, #tpu.memory_space<vmem>> -> memref<1x1x8x256xf32, #tpu.memory_space<vmem>>
    %dma_start3A_427 = tpu.memref_squeeze %dma_start3A_426 : memref<1x1x8x256xf32, #tpu.memory_space<vmem>> -> memref<8x256xf32, #tpu.memory_space<vmem>>
    %dma_start3A_428 = arith.constant 8 : i32
    %dma_start3A_429 = tpu.memref_slice %arg2[%dma_start3A_428, %multiple_of3A_421] : memref<64x1000001xf32, #tpu.memory_space<hbm>> -> memref<8x256xf32, #tpu.memory_space<hbm>>
    %dma_start3A_430 = arith.constant 0 : i32
    %dma_start3A_431 = arith.constant 0 : i32
    %dma_start3A_432 = tpu.memref_slice %arg8[%dma_start3A_422, %dma_start3A_423, %dma_start3A_430, %dma_start3A_431] : memref<4x8x8x256xf32, #tpu.memory_space<vmem>> -> memref<1x1x8x256xf32, #tpu.memory_space<vmem>>
    %dma_start3A_433 = tpu.memref_squeeze %dma_start3A_432 : memref<1x1x8x256xf32, #tpu.memory_space<vmem>> -> memref<8x256xf32, #tpu.memory_space<vmem>>
    %dma_start3A_434 = arith.constant 8 : i32
    %dma_start3A_435 = tpu.memref_slice %arg2[%dma_start3A_434, %multiple_of3A_421] : memref<64x1000001xf32, #tpu.memory_space<hbm>> -> memref<8x256xf32, #tpu.memory_space<hbm>>
    tpu.enqueue_dma source(%dma_start3A_435 : memref<8x256xf32, #tpu.memory_space<hbm>>) target(%dma_start3A_433 : memref<8x256xf32, #tpu.memory_space<vmem>>) target_semaphore(%arg13 : memref<!tpu.dma_semaphore, #tpu.memory_space<semaphore_mem>>)
    %multiple_of3A_436 = tpu.assume_multiple %multiple_of3A_405, 128 : i32
    %dma_start3A_437 = arith.constant 3 : i32
    %dma_start3A_438 = arith.constant 2 : i32
    %dma_start3A_439 = arith.constant 0 : i32
    %dma_start3A_440 = arith.constant 0 : i32
    %dma_start3A_441 = tpu.memref_slice %arg8[%dma_start3A_437, %dma_start3A_438, %dma_start3A_439, %dma_start3A_440] : memref<4x8x8x256xf32, #tpu.memory_space<vmem>> -> memref<1x1x8x256xf32, #tpu.memory_space<vmem>>
    %dma_start3A_442 = tpu.memref_squeeze %dma_start3A_441 : memref<1x1x8x256xf32, #tpu.memory_space<vmem>> -> memref<8x256xf32, #tpu.memory_space<vmem>>
    %dma_start3A_443 = arith.constant 16 : i32
    %dma_start3A_444 = tpu.memref_slice %arg2[%dma_start3A_443, %multiple_of3A_436] : memref<64x1000001xf32, #tpu.memory_space<hbm>> -> memref<8x256xf32, #tpu.memory_space<hbm>>
    %dma_start3A_445 = arith.constant 0 : i32
    %dma_start3A_446 = arith.constant 0 : i32
    %dma_start3A_447 = tpu.memref_slice %arg8[%dma_start3A_437, %dma_start3A_438, %dma_start3A_445, %dma_start3A_446] : memref<4x8x8x256xf32, #tpu.memory_space<vmem>> -> memref<1x1x8x256xf32, #tpu.memory_space<vmem>>
    %dma_start3A_448 = tpu.memref_squeeze %dma_start3A_447 : memref<1x1x8x256xf32, #tpu.memory_space<vmem>> -> memref<8x256xf32, #tpu.memory_space<vmem>>
    %dma_start3A_449 = arith.constant 16 : i32
    %dma_start3A_450 = tpu.memref_slice %arg2[%dma_start3A_449, %multiple_of3A_436] : memref<64x1000001xf32, #tpu.memory_space<hbm>> -> memref<8x256xf32, #tpu.memory_space<hbm>>
    tpu.enqueue_dma source(%dma_start3A_450 : memref<8x256xf32, #tpu.memory_space<hbm>>) target(%dma_start3A_448 : memref<8x256xf32, #tpu.memory_space<vmem>>) target_semaphore(%arg13 : memref<!tpu.dma_semaphore, #tpu.memory_space<semaphore_mem>>)
    %multiple_of3A_451 = tpu.assume_multiple %multiple_of3A_405, 128 : i32
    %dma_start3A_452 = arith.constant 3 : i32
    %dma_start3A_453 = arith.constant 3 : i32
    %dma_start3A_454 = arith.constant 0 : i32
    %dma_start3A_455 = arith.constant 0 : i32
    %dma_start3A_456 = tpu.memref_slice %arg8[%dma_start3A_452, %dma_start3A_453, %dma_start3A_454, %dma_start3A_455] : memref<4x8x8x256xf32, #tpu.memory_space<vmem>> -> memref<1x1x8x256xf32, #tpu.memory_space<vmem>>
    %dma_start3A_457 = tpu.memref_squeeze %dma_start3A_456 : memref<1x1x8x256xf32, #tpu.memory_space<vmem>> -> memref<8x256xf32, #tpu.memory_space<vmem>>
    %dma_start3A_458 = arith.constant 24 : i32
    %dma_start3A_459 = tpu.memref_slice %arg2[%dma_start3A_458, %multiple_of3A_451] : memref<64x1000001xf32, #tpu.memory_space<hbm>> -> memref<8x256xf32, #tpu.memory_space<hbm>>
    %dma_start3A_460 = arith.constant 0 : i32
    %dma_start3A_461 = arith.constant 0 : i32
    %dma_start3A_462 = tpu.memref_slice %arg8[%dma_start3A_452, %dma_start3A_453, %dma_start3A_460, %dma_start3A_461] : memref<4x8x8x256xf32, #tpu.memory_space<vmem>> -> memref<1x1x8x256xf32, #tpu.memory_space<vmem>>
    %dma_start3A_463 = tpu.memref_squeeze %dma_start3A_462 : memref<1x1x8x256xf32, #tpu.memory_space<vmem>> -> memref<8x256xf32, #tpu.memory_space<vmem>>
    %dma_start3A_464 = arith.constant 24 : i32
    %dma_start3A_465 = tpu.memref_slice %arg2[%dma_start3A_464, %multiple_of3A_451] : memref<64x1000001xf32, #tpu.memory_space<hbm>> -> memref<8x256xf32, #tpu.memory_space<hbm>>
    tpu.enqueue_dma source(%dma_start3A_465 : memref<8x256xf32, #tpu.memory_space<hbm>>) target(%dma_start3A_463 : memref<8x256xf32, #tpu.memory_space<vmem>>) target_semaphore(%arg13 : memref<!tpu.dma_semaphore, #tpu.memory_space<semaphore_mem>>)
    %multiple_of3A_466 = tpu.assume_multiple %multiple_of3A_405, 128 : i32
    %dma_start3A_467 = arith.constant 3 : i32
    %dma_start3A_468 = arith.constant 4 : i32
    %dma_start3A_469 = arith.constant 0 : i32
    %dma_start3A_470 = arith.constant 0 : i32
    %dma_start3A_471 = tpu.memref_slice %arg8[%dma_start3A_467, %dma_start3A_468, %dma_start3A_469, %dma_start3A_470] : memref<4x8x8x256xf32, #tpu.memory_space<vmem>> -> memref<1x1x8x256xf32, #tpu.memory_space<vmem>>
    %dma_start3A_472 = tpu.memref_squeeze %dma_start3A_471 : memref<1x1x8x256xf32, #tpu.memory_space<vmem>> -> memref<8x256xf32, #tpu.memory_space<vmem>>
    %dma_start3A_473 = arith.constant 32 : i32
    %dma_start3A_474 = tpu.memref_slice %arg2[%dma_start3A_473, %multiple_of3A_466] : memref<64x1000001xf32, #tpu.memory_space<hbm>> -> memref<8x256xf32, #tpu.memory_space<hbm>>
    %dma_start3A_475 = arith.constant 0 : i32
    %dma_start3A_476 = arith.constant 0 : i32
    %dma_start3A_477 = tpu.memref_slice %arg8[%dma_start3A_467, %dma_start3A_468, %dma_start3A_475, %dma_start3A_476] : memref<4x8x8x256xf32, #tpu.memory_space<vmem>> -> memref<1x1x8x256xf32, #tpu.memory_space<vmem>>
    %dma_start3A_478 = tpu.memref_squeeze %dma_start3A_477 : memref<1x1x8x256xf32, #tpu.memory_space<vmem>> -> memref<8x256xf32, #tpu.memory_space<vmem>>
    %dma_start3A_479 = arith.constant 32 : i32
    %dma_start3A_480 = tpu.memref_slice %arg2[%dma_start3A_479, %multiple_of3A_466] : memref<64x1000001xf32, #tpu.memory_space<hbm>> -> memref<8x256xf32, #tpu.memory_space<hbm>>
    tpu.enqueue_dma source(%dma_start3A_480 : memref<8x256xf32, #tpu.memory_space<hbm>>) target(%dma_start3A_478 : memref<8x256xf32, #tpu.memory_space<vmem>>) target_semaphore(%arg13 : memref<!tpu.dma_semaphore, #tpu.memory_space<semaphore_mem>>)
    %multiple_of3A_481 = tpu.assume_multiple %multiple_of3A_405, 128 : i32
    %dma_start3A_482 = arith.constant 3 : i32
    %dma_start3A_483 = arith.constant 5 : i32
    %dma_start3A_484 = arith.constant 0 : i32
    %dma_start3A_485 = arith.constant 0 : i32
    %dma_start3A_486 = tpu.memref_slice %arg8[%dma_start3A_482, %dma_start3A_483, %dma_start3A_484, %dma_start3A_485] : memref<4x8x8x256xf32, #tpu.memory_space<vmem>> -> memref<1x1x8x256xf32, #tpu.memory_space<vmem>>
    %dma_start3A_487 = tpu.memref_squeeze %dma_start3A_486 : memref<1x1x8x256xf32, #tpu.memory_space<vmem>> -> memref<8x256xf32, #tpu.memory_space<vmem>>
    %dma_start3A_488 = arith.constant 40 : i32
    %dma_start3A_489 = tpu.memref_slice %arg2[%dma_start3A_488, %multiple_of3A_481] : memref<64x1000001xf32, #tpu.memory_space<hbm>> -> memref<8x256xf32, #tpu.memory_space<hbm>>
    %dma_start3A_490 = arith.constant 0 : i32
    %dma_start3A_491 = arith.constant 0 : i32
    %dma_start3A_492 = tpu.memref_slice %arg8[%dma_start3A_482, %dma_start3A_483, %dma_start3A_490, %dma_start3A_491] : memref<4x8x8x256xf32, #tpu.memory_space<vmem>> -> memref<1x1x8x256xf32, #tpu.memory_space<vmem>>
    %dma_start3A_493 = tpu.memref_squeeze %dma_start3A_492 : memref<1x1x8x256xf32, #tpu.memory_space<vmem>> -> memref<8x256xf32, #tpu.memory_space<vmem>>
    %dma_start3A_494 = arith.constant 40 : i32
    %dma_start3A_495 = tpu.memref_slice %arg2[%dma_start3A_494, %multiple_of3A_481] : memref<64x1000001xf32, #tpu.memory_space<hbm>> -> memref<8x256xf32, #tpu.memory_space<hbm>>
    tpu.enqueue_dma source(%dma_start3A_495 : memref<8x256xf32, #tpu.memory_space<hbm>>) target(%dma_start3A_493 : memref<8x256xf32, #tpu.memory_space<vmem>>) target_semaphore(%arg13 : memref<!tpu.dma_semaphore, #tpu.memory_space<semaphore_mem>>)
    %multiple_of3A_496 = tpu.assume_multiple %multiple_of3A_405, 128 : i32
    %dma_start3A_497 = arith.constant 3 : i32
    %dma_start3A_498 = arith.constant 6 : i32
    %dma_start3A_499 = arith.constant 0 : i32
    %dma_start3A_500 = arith.constant 0 : i32
    %dma_start3A_501 = tpu.memref_slice %arg8[%dma_start3A_497, %dma_start3A_498, %dma_start3A_499, %dma_start3A_500] : memref<4x8x8x256xf32, #tpu.memory_space<vmem>> -> memref<1x1x8x256xf32, #tpu.memory_space<vmem>>
    %dma_start3A_502 = tpu.memref_squeeze %dma_start3A_501 : memref<1x1x8x256xf32, #tpu.memory_space<vmem>> -> memref<8x256xf32, #tpu.memory_space<vmem>>
    %dma_start3A_503 = arith.constant 48 : i32
    %dma_start3A_504 = tpu.memref_slice %arg2[%dma_start3A_503, %multiple_of3A_496] : memref<64x1000001xf32, #tpu.memory_space<hbm>> -> memref<8x256xf32, #tpu.memory_space<hbm>>
    %dma_start3A_505 = arith.constant 0 : i32
    %dma_start3A_506 = arith.constant 0 : i32
    %dma_start3A_507 = tpu.memref_slice %arg8[%dma_start3A_497, %dma_start3A_498, %dma_start3A_505, %dma_start3A_506] : memref<4x8x8x256xf32, #tpu.memory_space<vmem>> -> memref<1x1x8x256xf32, #tpu.memory_space<vmem>>
    %dma_start3A_508 = tpu.memref_squeeze %dma_start3A_507 : memref<1x1x8x256xf32, #tpu.memory_space<vmem>> -> memref<8x256xf32, #tpu.memory_space<vmem>>
    %dma_start3A_509 = arith.constant 48 : i32
    %dma_start3A_510 = tpu.memref_slice %arg2[%dma_start3A_509, %multiple_of3A_496] : memref<64x1000001xf32, #tpu.memory_space<hbm>> -> memref<8x256xf32, #tpu.memory_space<hbm>>
    tpu.enqueue_dma source(%dma_start3A_510 : memref<8x256xf32, #tpu.memory_space<hbm>>) target(%dma_start3A_508 : memref<8x256xf32, #tpu.memory_space<vmem>>) target_semaphore(%arg13 : memref<!tpu.dma_semaphore, #tpu.memory_space<semaphore_mem>>)
    %multiple_of3A_511 = tpu.assume_multiple %multiple_of3A_405, 128 : i32
    %dma_start3A_512 = arith.constant 3 : i32
    %dma_start3A_513 = arith.constant 7 : i32
    %dma_start3A_514 = arith.constant 0 : i32
    %dma_start3A_515 = arith.constant 0 : i32
    %dma_start3A_516 = tpu.memref_slice %arg8[%dma_start3A_512, %dma_start3A_513, %dma_start3A_514, %dma_start3A_515] : memref<4x8x8x256xf32, #tpu.memory_space<vmem>> -> memref<1x1x8x256xf32, #tpu.memory_space<vmem>>
    %dma_start3A_517 = tpu.memref_squeeze %dma_start3A_516 : memref<1x1x8x256xf32, #tpu.memory_space<vmem>> -> memref<8x256xf32, #tpu.memory_space<vmem>>
    %dma_start3A_518 = arith.constant 56 : i32
    %dma_start3A_519 = tpu.memref_slice %arg2[%dma_start3A_518, %multiple_of3A_511] : memref<64x1000001xf32, #tpu.memory_space<hbm>> -> memref<8x256xf32, #tpu.memory_space<hbm>>
    %dma_start3A_520 = arith.constant 0 : i32
    %dma_start3A_521 = arith.constant 0 : i32
    %dma_start3A_522 = tpu.memref_slice %arg8[%dma_start3A_512, %dma_start3A_513, %dma_start3A_520, %dma_start3A_521] : memref<4x8x8x256xf32, #tpu.memory_space<vmem>> -> memref<1x1x8x256xf32, #tpu.memory_space<vmem>>
    %dma_start3A_523 = tpu.memref_squeeze %dma_start3A_522 : memref<1x1x8x256xf32, #tpu.memory_space<vmem>> -> memref<8x256xf32, #tpu.memory_space<vmem>>
    %dma_start3A_524 = arith.constant 56 : i32
    %dma_start3A_525 = tpu.memref_slice %arg2[%dma_start3A_524, %multiple_of3A_511] : memref<64x1000001xf32, #tpu.memory_space<hbm>> -> memref<8x256xf32, #tpu.memory_space<hbm>>
    tpu.enqueue_dma source(%dma_start3A_525 : memref<8x256xf32, #tpu.memory_space<hbm>>) target(%dma_start3A_523 : memref<8x256xf32, #tpu.memory_space<vmem>>) target_semaphore(%arg13 : memref<!tpu.dma_semaphore, #tpu.memory_space<semaphore_mem>>)
    %scan3A_526 = arith.constant 0 : i32
    %scan3A_527 = arith.constant 0 : i32
    %scan3A_528 = arith.constant 31 : i32
    %scan3A_529 = arith.addi %scan3A_527, %scan3A_528 : i32
    %scan3A_530 = arith.constant 1 : i32
    %scan3A_531 = scf.for %scan3A_542 = %scan3A_527 to %scan3A_529 step %scan3A_530 iter_args(%scan3A_543 = %scan3A_526) -> (i32)  : i32 {
      %mul3A_544 = arith.constant 4 : i32
      %mul3A_545 = arith.muli %scan3A_542, %mul3A_544 : i32
      %add3A_546 = arith.constant 0 : i32
      %add3A_547 = arith.addi %mul3A_545, %add3A_546 : i32
      %mul3A_548 = arith.constant 256 : i32
      %mul3A_549 = arith.muli %add3A_547, %mul3A_548 : i32
      %add3A_550 = arith.addi %mul3A_2, %mul3A_549 : i32
      %mul3A_551 = arith.constant 256 : i32
      %mul3A_552 = arith.muli %add3A_547, %mul3A_551 : i32
      %add3A_553 = arith.addi %mul3A_2, %mul3A_552 : i32
      %min3A_554 = arith.constant 999808 : i32
      %min3A_555 = arith.minsi %add3A_553, %min3A_554 : i32
      %multiple_of3A_556 = tpu.assume_multiple %min3A_555, 128 : i32
      %mul3A_557 = arith.constant 256 : i32
      %mul3A_558 = arith.muli %add3A_547, %mul3A_557 : i32
      %add3A_559 = arith.addi %mul3A_2, %mul3A_558 : i32
      %min3A_560 = arith.constant 999808 : i32
      %min3A_561 = arith.minsi %add3A_559, %min3A_560 : i32
      %multiple_of3A_562 = tpu.assume_multiple %min3A_561, 128 : i32
      %multiple_of3A_563 = tpu.assume_multiple %multiple_of3A_562, 128 : i32
      %dma_wait3A = arith.constant 0 : i32
      %dma_wait3A_564 = arith.constant 0 : i32
      %dma_wait3A_565 = arith.constant 0 : i32
      %dma_wait3A_566 = arith.constant 0 : i32
      %dma_wait3A_567 = tpu.memref_slice %arg8[%dma_wait3A, %dma_wait3A_564, %dma_wait3A_565, %dma_wait3A_566] : memref<4x8x8x256xf32, #tpu.memory_space<vmem>> -> memref<1x1x8x256xf32, #tpu.memory_space<vmem>>
      %dma_wait3A_568 = tpu.memref_squeeze %dma_wait3A_567 : memref<1x1x8x256xf32, #tpu.memory_space<vmem>> -> memref<8x256xf32, #tpu.memory_space<vmem>>
      %dma_wait3A_569 = arith.constant 0 : i32
      %dma_wait3A_570 = tpu.memref_slice %arg2[%dma_wait3A_569, %multiple_of3A_563] : memref<64x1000001xf32, #tpu.memory_space<hbm>> -> memref<8x256xf32, #tpu.memory_space<hbm>>
      %dma_wait3A_571 = arith.constant 0 : i32
      %dma_wait3A_572 = arith.constant 0 : i32
      %dma_wait3A_573 = tpu.memref_slice %arg8[%dma_wait3A, %dma_wait3A_564, %dma_wait3A_571, %dma_wait3A_572] : memref<4x8x8x256xf32, #tpu.memory_space<vmem>> -> memref<1x1x8x256xf32, #tpu.memory_space<vmem>>
      %dma_wait3A_574 = tpu.memref_squeeze %dma_wait3A_573 : memref<1x1x8x256xf32, #tpu.memory_space<vmem>> -> memref<8x256xf32, #tpu.memory_space<vmem>>
      %dma_wait3A_575 = arith.constant 0 : i32
      %dma_wait3A_576 = tpu.memref_slice %arg2[%dma_wait3A_575, %multiple_of3A_563] : memref<64x1000001xf32, #tpu.memory_space<hbm>> -> memref<8x256xf32, #tpu.memory_space<hbm>>
      tpu.wait_dma2 semaphore(%arg10 : memref<!tpu.dma_semaphore, #tpu.memory_space<semaphore_mem>>) src(%dma_wait3A_576 : memref<8x256xf32, #tpu.memory_space<hbm>>) dst(%dma_wait3A_574 : memref<8x256xf32, #tpu.memory_space<vmem>>)
      %multiple_of3A_577 = tpu.assume_multiple %multiple_of3A_562, 128 : i32
      %dma_wait3A_578 = arith.constant 0 : i32
      %dma_wait3A_579 = arith.constant 1 : i32
      %dma_wait3A_580 = arith.constant 0 : i32
      %dma_wait3A_581 = arith.constant 0 : i32
      %dma_wait3A_582 = tpu.memref_slice %arg8[%dma_wait3A_578, %dma_wait3A_579, %dma_wait3A_580, %dma_wait3A_581] : memref<4x8x8x256xf32, #tpu.memory_space<vmem>> -> memref<1x1x8x256xf32, #tpu.memory_space<vmem>>
      %dma_wait3A_583 = tpu.memref_squeeze %dma_wait3A_582 : memref<1x1x8x256xf32, #tpu.memory_space<vmem>> -> memref<8x256xf32, #tpu.memory_space<vmem>>
      %dma_wait3A_584 = arith.constant 8 : i32
      %dma_wait3A_585 = tpu.memref_slice %arg2[%dma_wait3A_584, %multiple_of3A_577] : memref<64x1000001xf32, #tpu.memory_space<hbm>> -> memref<8x256xf32, #tpu.memory_space<hbm>>
      %dma_wait3A_586 = arith.constant 0 : i32
      %dma_wait3A_587 = arith.constant 0 : i32
      %dma_wait3A_588 = tpu.memref_slice %arg8[%dma_wait3A_578, %dma_wait3A_579, %dma_wait3A_586, %dma_wait3A_587] : memref<4x8x8x256xf32, #tpu.memory_space<vmem>> -> memref<1x1x8x256xf32, #tpu.memory_space<vmem>>
      %dma_wait3A_589 = tpu.memref_squeeze %dma_wait3A_588 : memref<1x1x8x256xf32, #tpu.memory_space<vmem>> -> memref<8x256xf32, #tpu.memory_space<vmem>>
      %dma_wait3A_590 = arith.constant 8 : i32
      %dma_wait3A_591 = tpu.memref_slice %arg2[%dma_wait3A_590, %multiple_of3A_577] : memref<64x1000001xf32, #tpu.memory_space<hbm>> -> memref<8x256xf32, #tpu.memory_space<hbm>>
      tpu.wait_dma2 semaphore(%arg10 : memref<!tpu.dma_semaphore, #tpu.memory_space<semaphore_mem>>) src(%dma_wait3A_591 : memref<8x256xf32, #tpu.memory_space<hbm>>) dst(%dma_wait3A_589 : memref<8x256xf32, #tpu.memory_space<vmem>>)
      %multiple_of3A_592 = tpu.assume_multiple %multiple_of3A_562, 128 : i32
      %dma_wait3A_593 = arith.constant 0 : i32
      %dma_wait3A_594 = arith.constant 2 : i32
      %dma_wait3A_595 = arith.constant 0 : i32
      %dma_wait3A_596 = arith.constant 0 : i32
      %dma_wait3A_597 = tpu.memref_slice %arg8[%dma_wait3A_593, %dma_wait3A_594, %dma_wait3A_595, %dma_wait3A_596] : memref<4x8x8x256xf32, #tpu.memory_space<vmem>> -> memref<1x1x8x256xf32, #tpu.memory_space<vmem>>
      %dma_wait3A_598 = tpu.memref_squeeze %dma_wait3A_597 : memref<1x1x8x256xf32, #tpu.memory_space<vmem>> -> memref<8x256xf32, #tpu.memory_space<vmem>>
      %dma_wait3A_599 = arith.constant 16 : i32
      %dma_wait3A_600 = tpu.memref_slice %arg2[%dma_wait3A_599, %multiple_of3A_592] : memref<64x1000001xf32, #tpu.memory_space<hbm>> -> memref<8x256xf32, #tpu.memory_space<hbm>>
      %dma_wait3A_601 = arith.constant 0 : i32
      %dma_wait3A_602 = arith.constant 0 : i32
      %dma_wait3A_603 = tpu.memref_slice %arg8[%dma_wait3A_593, %dma_wait3A_594, %dma_wait3A_601, %dma_wait3A_602] : memref<4x8x8x256xf32, #tpu.memory_space<vmem>> -> memref<1x1x8x256xf32, #tpu.memory_space<vmem>>
      %dma_wait3A_604 = tpu.memref_squeeze %dma_wait3A_603 : memref<1x1x8x256xf32, #tpu.memory_space<vmem>> -> memref<8x256xf32, #tpu.memory_space<vmem>>
      %dma_wait3A_605 = arith.constant 16 : i32
      %dma_wait3A_606 = tpu.memref_slice %arg2[%dma_wait3A_605, %multiple_of3A_592] : memref<64x1000001xf32, #tpu.memory_space<hbm>> -> memref<8x256xf32, #tpu.memory_space<hbm>>
      tpu.wait_dma2 semaphore(%arg10 : memref<!tpu.dma_semaphore, #tpu.memory_space<semaphore_mem>>) src(%dma_wait3A_606 : memref<8x256xf32, #tpu.memory_space<hbm>>) dst(%dma_wait3A_604 : memref<8x256xf32, #tpu.memory_space<vmem>>)
      %multiple_of3A_607 = tpu.assume_multiple %multiple_of3A_562, 128 : i32
      %dma_wait3A_608 = arith.constant 0 : i32
      %dma_wait3A_609 = arith.constant 3 : i32
      %dma_wait3A_610 = arith.constant 0 : i32
      %dma_wait3A_611 = arith.constant 0 : i32
      %dma_wait3A_612 = tpu.memref_slice %arg8[%dma_wait3A_608, %dma_wait3A_609, %dma_wait3A_610, %dma_wait3A_611] : memref<4x8x8x256xf32, #tpu.memory_space<vmem>> -> memref<1x1x8x256xf32, #tpu.memory_space<vmem>>
      %dma_wait3A_613 = tpu.memref_squeeze %dma_wait3A_612 : memref<1x1x8x256xf32, #tpu.memory_space<vmem>> -> memref<8x256xf32, #tpu.memory_space<vmem>>
      %dma_wait3A_614 = arith.constant 24 : i32
      %dma_wait3A_615 = tpu.memref_slice %arg2[%dma_wait3A_614, %multiple_of3A_607] : memref<64x1000001xf32, #tpu.memory_space<hbm>> -> memref<8x256xf32, #tpu.memory_space<hbm>>
      %dma_wait3A_616 = arith.constant 0 : i32
      %dma_wait3A_617 = arith.constant 0 : i32
      %dma_wait3A_618 = tpu.memref_slice %arg8[%dma_wait3A_608, %dma_wait3A_609, %dma_wait3A_616, %dma_wait3A_617] : memref<4x8x8x256xf32, #tpu.memory_space<vmem>> -> memref<1x1x8x256xf32, #tpu.memory_space<vmem>>
      %dma_wait3A_619 = tpu.memref_squeeze %dma_wait3A_618 : memref<1x1x8x256xf32, #tpu.memory_space<vmem>> -> memref<8x256xf32, #tpu.memory_space<vmem>>
      %dma_wait3A_620 = arith.constant 24 : i32
      %dma_wait3A_621 = tpu.memref_slice %arg2[%dma_wait3A_620, %multiple_of3A_607] : memref<64x1000001xf32, #tpu.memory_space<hbm>> -> memref<8x256xf32, #tpu.memory_space<hbm>>
      tpu.wait_dma2 semaphore(%arg10 : memref<!tpu.dma_semaphore, #tpu.memory_space<semaphore_mem>>) src(%dma_wait3A_621 : memref<8x256xf32, #tpu.memory_space<hbm>>) dst(%dma_wait3A_619 : memref<8x256xf32, #tpu.memory_space<vmem>>)
      %multiple_of3A_622 = tpu.assume_multiple %multiple_of3A_562, 128 : i32
      %dma_wait3A_623 = arith.constant 0 : i32
      %dma_wait3A_624 = arith.constant 4 : i32
      %dma_wait3A_625 = arith.constant 0 : i32
      %dma_wait3A_626 = arith.constant 0 : i32
      %dma_wait3A_627 = tpu.memref_slice %arg8[%dma_wait3A_623, %dma_wait3A_624, %dma_wait3A_625, %dma_wait3A_626] : memref<4x8x8x256xf32, #tpu.memory_space<vmem>> -> memref<1x1x8x256xf32, #tpu.memory_space<vmem>>
      %dma_wait3A_628 = tpu.memref_squeeze %dma_wait3A_627 : memref<1x1x8x256xf32, #tpu.memory_space<vmem>> -> memref<8x256xf32, #tpu.memory_space<vmem>>
      %dma_wait3A_629 = arith.constant 32 : i32
      %dma_wait3A_630 = tpu.memref_slice %arg2[%dma_wait3A_629, %multiple_of3A_622] : memref<64x1000001xf32, #tpu.memory_space<hbm>> -> memref<8x256xf32, #tpu.memory_space<hbm>>
      %dma_wait3A_631 = arith.constant 0 : i32
      %dma_wait3A_632 = arith.constant 0 : i32
      %dma_wait3A_633 = tpu.memref_slice %arg8[%dma_wait3A_623, %dma_wait3A_624, %dma_wait3A_631, %dma_wait3A_632] : memref<4x8x8x256xf32, #tpu.memory_space<vmem>> -> memref<1x1x8x256xf32, #tpu.memory_space<vmem>>
      %dma_wait3A_634 = tpu.memref_squeeze %dma_wait3A_633 : memref<1x1x8x256xf32, #tpu.memory_space<vmem>> -> memref<8x256xf32, #tpu.memory_space<vmem>>
      %dma_wait3A_635 = arith.constant 32 : i32
      %dma_wait3A_636 = tpu.memref_slice %arg2[%dma_wait3A_635, %multiple_of3A_622] : memref<64x1000001xf32, #tpu.memory_space<hbm>> -> memref<8x256xf32, #tpu.memory_space<hbm>>
      tpu.wait_dma2 semaphore(%arg10 : memref<!tpu.dma_semaphore, #tpu.memory_space<semaphore_mem>>) src(%dma_wait3A_636 : memref<8x256xf32, #tpu.memory_space<hbm>>) dst(%dma_wait3A_634 : memref<8x256xf32, #tpu.memory_space<vmem>>)
      %multiple_of3A_637 = tpu.assume_multiple %multiple_of3A_562, 128 : i32
      %dma_wait3A_638 = arith.constant 0 : i32
      %dma_wait3A_639 = arith.constant 5 : i32
      %dma_wait3A_640 = arith.constant 0 : i32
      %dma_wait3A_641 = arith.constant 0 : i32
      %dma_wait3A_642 = tpu.memref_slice %arg8[%dma_wait3A_638, %dma_wait3A_639, %dma_wait3A_640, %dma_wait3A_641] : memref<4x8x8x256xf32, #tpu.memory_space<vmem>> -> memref<1x1x8x256xf32, #tpu.memory_space<vmem>>
      %dma_wait3A_643 = tpu.memref_squeeze %dma_wait3A_642 : memref<1x1x8x256xf32, #tpu.memory_space<vmem>> -> memref<8x256xf32, #tpu.memory_space<vmem>>
      %dma_wait3A_644 = arith.constant 40 : i32
      %dma_wait3A_645 = tpu.memref_slice %arg2[%dma_wait3A_644, %multiple_of3A_637] : memref<64x1000001xf32, #tpu.memory_space<hbm>> -> memref<8x256xf32, #tpu.memory_space<hbm>>
      %dma_wait3A_646 = arith.constant 0 : i32
      %dma_wait3A_647 = arith.constant 0 : i32
      %dma_wait3A_648 = tpu.memref_slice %arg8[%dma_wait3A_638, %dma_wait3A_639, %dma_wait3A_646, %dma_wait3A_647] : memref<4x8x8x256xf32, #tpu.memory_space<vmem>> -> memref<1x1x8x256xf32, #tpu.memory_space<vmem>>
      %dma_wait3A_649 = tpu.memref_squeeze %dma_wait3A_648 : memref<1x1x8x256xf32, #tpu.memory_space<vmem>> -> memref<8x256xf32, #tpu.memory_space<vmem>>
      %dma_wait3A_650 = arith.constant 40 : i32
      %dma_wait3A_651 = tpu.memref_slice %arg2[%dma_wait3A_650, %multiple_of3A_637] : memref<64x1000001xf32, #tpu.memory_space<hbm>> -> memref<8x256xf32, #tpu.memory_space<hbm>>
      tpu.wait_dma2 semaphore(%arg10 : memref<!tpu.dma_semaphore, #tpu.memory_space<semaphore_mem>>) src(%dma_wait3A_651 : memref<8x256xf32, #tpu.memory_space<hbm>>) dst(%dma_wait3A_649 : memref<8x256xf32, #tpu.memory_space<vmem>>)
      %multiple_of3A_652 = tpu.assume_multiple %multiple_of3A_562, 128 : i32
      %dma_wait3A_653 = arith.constant 0 : i32
      %dma_wait3A_654 = arith.constant 6 : i32
      %dma_wait3A_655 = arith.constant 0 : i32
      %dma_wait3A_656 = arith.constant 0 : i32
      %dma_wait3A_657 = tpu.memref_slice %arg8[%dma_wait3A_653, %dma_wait3A_654, %dma_wait3A_655, %dma_wait3A_656] : memref<4x8x8x256xf32, #tpu.memory_space<vmem>> -> memref<1x1x8x256xf32, #tpu.memory_space<vmem>>
      %dma_wait3A_658 = tpu.memref_squeeze %dma_wait3A_657 : memref<1x1x8x256xf32, #tpu.memory_space<vmem>> -> memref<8x256xf32, #tpu.memory_space<vmem>>
      %dma_wait3A_659 = arith.constant 48 : i32
      %dma_wait3A_660 = tpu.memref_slice %arg2[%dma_wait3A_659, %multiple_of3A_652] : memref<64x1000001xf32, #tpu.memory_space<hbm>> -> memref<8x256xf32, #tpu.memory_space<hbm>>
      %dma_wait3A_661 = arith.constant 0 : i32
      %dma_wait3A_662 = arith.constant 0 : i32
      %dma_wait3A_663 = tpu.memref_slice %arg8[%dma_wait3A_653, %dma_wait3A_654, %dma_wait3A_661, %dma_wait3A_662] : memref<4x8x8x256xf32, #tpu.memory_space<vmem>> -> memref<1x1x8x256xf32, #tpu.memory_space<vmem>>
      %dma_wait3A_664 = tpu.memref_squeeze %dma_wait3A_663 : memref<1x1x8x256xf32, #tpu.memory_space<vmem>> -> memref<8x256xf32, #tpu.memory_space<vmem>>
      %dma_wait3A_665 = arith.constant 48 : i32
      %dma_wait3A_666 = tpu.memref_slice %arg2[%dma_wait3A_665, %multiple_of3A_652] : memref<64x1000001xf32, #tpu.memory_space<hbm>> -> memref<8x256xf32, #tpu.memory_space<hbm>>
      tpu.wait_dma2 semaphore(%arg10 : memref<!tpu.dma_semaphore, #tpu.memory_space<semaphore_mem>>) src(%dma_wait3A_666 : memref<8x256xf32, #tpu.memory_space<hbm>>) dst(%dma_wait3A_664 : memref<8x256xf32, #tpu.memory_space<vmem>>)
      %multiple_of3A_667 = tpu.assume_multiple %multiple_of3A_562, 128 : i32
      %dma_wait3A_668 = arith.constant 0 : i32
      %dma_wait3A_669 = arith.constant 7 : i32
      %dma_wait3A_670 = arith.constant 0 : i32
      %dma_wait3A_671 = arith.constant 0 : i32
      %dma_wait3A_672 = tpu.memref_slice %arg8[%dma_wait3A_668, %dma_wait3A_669, %dma_wait3A_670, %dma_wait3A_671] : memref<4x8x8x256xf32, #tpu.memory_space<vmem>> -> memref<1x1x8x256xf32, #tpu.memory_space<vmem>>
      %dma_wait3A_673 = tpu.memref_squeeze %dma_wait3A_672 : memref<1x1x8x256xf32, #tpu.memory_space<vmem>> -> memref<8x256xf32, #tpu.memory_space<vmem>>
      %dma_wait3A_674 = arith.constant 56 : i32
      %dma_wait3A_675 = tpu.memref_slice %arg2[%dma_wait3A_674, %multiple_of3A_667] : memref<64x1000001xf32, #tpu.memory_space<hbm>> -> memref<8x256xf32, #tpu.memory_space<hbm>>
      %dma_wait3A_676 = arith.constant 0 : i32
      %dma_wait3A_677 = arith.constant 0 : i32
      %dma_wait3A_678 = tpu.memref_slice %arg8[%dma_wait3A_668, %dma_wait3A_669, %dma_wait3A_676, %dma_wait3A_677] : memref<4x8x8x256xf32, #tpu.memory_space<vmem>> -> memref<1x1x8x256xf32, #tpu.memory_space<vmem>>
      %dma_wait3A_679 = tpu.memref_squeeze %dma_wait3A_678 : memref<1x1x8x256xf32, #tpu.memory_space<vmem>> -> memref<8x256xf32, #tpu.memory_space<vmem>>
      %dma_wait3A_680 = arith.constant 56 : i32
      %dma_wait3A_681 = tpu.memref_slice %arg2[%dma_wait3A_680, %multiple_of3A_667] : memref<64x1000001xf32, #tpu.memory_space<hbm>> -> memref<8x256xf32, #tpu.memory_space<hbm>>
      tpu.wait_dma2 semaphore(%arg10 : memref<!tpu.dma_semaphore, #tpu.memory_space<semaphore_mem>>) src(%dma_wait3A_681 : memref<8x256xf32, #tpu.memory_space<hbm>>) dst(%dma_wait3A_679 : memref<8x256xf32, #tpu.memory_space<vmem>>)
      %while3A_682 = arith.constant 0 : i32
      %while3A_683 = arith.constant 0 : i32
      %while3A_684 = arith.subi %select_n3A, %while3A_682 : i32
      %while3A_685 = arith.addi %while3A_682, %while3A_684 : i32
      %while3A_686 = arith.constant 1 : i32
      %while3A_687 = arith.divsi %while3A_684, %while3A_686 : i32
      %while3A_688 = arith.muli %while3A_687, %while3A_686 : i32
      %while3A_689 = arith.addi %while3A_682, %while3A_688 : i32
      %while3A_690 = arith.constant 1 : i32
      %while3A_691 = scf.for %while3A_1220 = %while3A_682 to %while3A_689 step %while3A_690 iter_args(%while3A_1221 = %while3A_683) -> (i32)  : i32 {
        %mul3A_1222 = arith.constant 16 : i32
        %mul3A_1223 = arith.muli %while3A_1220, %mul3A_1222 : i32
        %get3A = arith.index_cast %mul3A_1223 : i32 to index
        %get3A_1224 = tpu.vector_load %arg5[%get3A] {strides = array<i32>} : memref<16384xi32, #tpu.memory_space<vmem>>, vector<16xi32>,
        %mul3A_1225 = arith.constant 16 : i32
        %mul3A_1226 = arith.muli %while3A_1220, %mul3A_1225 : i32
        %get3A_1227 = arith.index_cast %mul3A_1226 : i32 to index
        %get3A_1228 = tpu.vector_load %arg6[%get3A_1227] {strides = array<i32>} : memref<16384xi32, #tpu.memory_space<vmem>>, vector<16xi32>,
        %ge3A = vector.broadcast %add3A_550 : i32 to vector<16xi32>
        %ge3A_1229 = arith.cmpi sge, %get3A_1224, %ge3A : vector<16xi32>
        %add3A_1230 = arith.constant 256 : i32
        %add3A_1231 = arith.addi %add3A_550, %add3A_1230 : i32
        %lt3A_1232 = vector.broadcast %add3A_1231 : i32 to vector<16xi32>
        %lt3A_1233 = arith.cmpi slt, %get3A_1224, %lt3A_1232 : vector<16xi32>
        %and3A_1234 = arith.andi %ge3A_1229, %lt3A_1233 : vector<16xi1>
        %mul3A_1235 = arith.constant 16 : i32
        %mul3A_1236 = arith.muli %while3A_1220, %mul3A_1235 : i32
        %add3A_1237 = vector.broadcast %mul3A_1236 : i32 to vector<16xi32>
        %add3A_1238 = arith.addi %iota3A, %add3A_1237 : vector<16xi32>
        %lt3A_1239 = vector.broadcast %scan3A_9 : i32 to vector<16xi32>
        %lt3A_1240 = arith.cmpi slt, %add3A_1238, %lt3A_1239 : vector<16xi32>
        %and3A_1241 = arith.andi %and3A_1234, %lt3A_1240 : vector<16xi1>
        %sub3A_1242 = vector.broadcast %add3A_550 : i32 to vector<16xi32>
        %sub3A_1243 = arith.subi %get3A_1224, %sub3A_1242 : vector<16xi32>
        %shift_left3A = arith.constant 9 : i32
        %shift_left3A_1244 = vector.broadcast %shift_left3A : i32 to vector<16xi32>
        %shift_left3A_1245 = arith.shli %get3A_1228, %shift_left3A_1244 : vector<16xi32>
        %or3A = arith.ori %sub3A_1243, %shift_left3A_1245 : vector<16xi32>
        %swap3A = arith.index_cast %while3A_1221 : i32 to index
        %swap3A_1246 = tpu.vector_load %arg7[%swap3A] masked %and3A_1241 {strides = array<i32>} : memref<16400xi32, #tpu.memory_space<vmem>>, vector<16xi32>, vector<16xi1>
        tpu.vector_store %arg7[%swap3A], %or3A masked %and3A_1241 {strides = array<i32>} : memref<16400xi32, #tpu.memory_space<vmem>>, vector<16xi32>, vector<16xi1>
        %all_reduce_population_count3A = tpu.all_reduce %and3A_1241 {dim = 0 : i64, kind = #tpu.reduction_kind<sum>} : vector<16xi1> -> vector<16xi32>
        %slice3A = vector.extract_strided_slice %all_reduce_population_count3A {offsets = [0], sizes = [1], strides = [1]} : vector<16xi32> to vector<1xi32>
        %squeeze3A = vector.extract %slice3A[0] : i32 from vector<1xi32>
        %add3A_1247 = arith.addi %while3A_1221, %squeeze3A : i32
        scf.yield %add3A_1247 : i32
      }
      %while3A_692 = arith.constant 1 : i32
      %while3A_693 = scf.for %while3A_1220 = %while3A_689 to %while3A_685 step %while3A_692 iter_args(%while3A_1221 = %while3A_691) -> (i32)  : i32 {
        %mul3A_1222 = arith.constant 16 : i32
        %mul3A_1223 = arith.muli %while3A_1220, %mul3A_1222 : i32
        %get3A = arith.index_cast %mul3A_1223 : i32 to index
        %get3A_1224 = tpu.vector_load %arg5[%get3A] {strides = array<i32>} : memref<16384xi32, #tpu.memory_space<vmem>>, vector<16xi32>,
        %mul3A_1225 = arith.constant 16 : i32
        %mul3A_1226 = arith.muli %while3A_1220, %mul3A_1225 : i32
        %get3A_1227 = arith.index_cast %mul3A_1226 : i32 to index
        %get3A_1228 = tpu.vector_load %arg6[%get3A_1227] {strides = array<i32>} : memref<16384xi32, #tpu.memory_space<vmem>>, vector<16xi32>,
        %ge3A = vector.broadcast %add3A_550 : i32 to vector<16xi32>
        %ge3A_1229 = arith.cmpi sge, %get3A_1224, %ge3A : vector<16xi32>
        %add3A_1230 = arith.constant 256 : i32
        %add3A_1231 = arith.addi %add3A_550, %add3A_1230 : i32
        %lt3A_1232 = vector.broadcast %add3A_1231 : i32 to vector<16xi32>
        %lt3A_1233 = arith.cmpi slt, %get3A_1224, %lt3A_1232 : vector<16xi32>
        %and3A_1234 = arith.andi %ge3A_1229, %lt3A_1233 : vector<16xi1>
        %mul3A_1235 = arith.constant 16 : i32
        %mul3A_1236 = arith.muli %while3A_1220, %mul3A_1235 : i32
        %add3A_1237 = vector.broadcast %mul3A_1236 : i32 to vector<16xi32>
        %add3A_1238 = arith.addi %iota3A, %add3A_1237 : vector<16xi32>
        %lt3A_1239 = vector.broadcast %scan3A_9 : i32 to vector<16xi32>
        %lt3A_1240 = arith.cmpi slt, %add3A_1238, %lt3A_1239 : vector<16xi32>
        %and3A_1241 = arith.andi %and3A_1234, %lt3A_1240 : vector<16xi1>
        %sub3A_1242 = vector.broadcast %add3A_550 : i32 to vector<16xi32>
        %sub3A_1243 = arith.subi %get3A_1224, %sub3A_1242 : vector<16xi32>
        %shift_left3A = arith.constant 9 : i32
        %shift_left3A_1244 = vector.broadcast %shift_left3A : i32 to vector<16xi32>
        %shift_left3A_1245 = arith.shli %get3A_1228, %shift_left3A_1244 : vector<16xi32>
        %or3A = arith.ori %sub3A_1243, %shift_left3A_1245 : vector<16xi32>
        %swap3A = arith.index_cast %while3A_1221 : i32 to index
        %swap3A_1246 = tpu.vector_load %arg7[%swap3A] masked %and3A_1241 {strides = array<i32>} : memref<16400xi32, #tpu.memory_space<vmem>>, vector<16xi32>, vector<16xi1>
        tpu.vector_store %arg7[%swap3A], %or3A masked %and3A_1241 {strides = array<i32>} : memref<16400xi32, #tpu.memory_space<vmem>>, vector<16xi32>, vector<16xi1>
        %all_reduce_population_count3A = tpu.all_reduce %and3A_1241 {dim = 0 : i64, kind = #tpu.reduction_kind<sum>} : vector<16xi1> -> vector<16xi32>
        %slice3A = vector.extract_strided_slice %all_reduce_population_count3A {offsets = [0], sizes = [1], strides = [1]} : vector<16xi32> to vector<1xi32>
        %squeeze3A = vector.extract %slice3A[0] : i32 from vector<1xi32>
        %add3A_1247 = arith.addi %while3A_1221, %squeeze3A : i32
        scf.yield %add3A_1247 : i32
      }
      %sub3A_694 = arith.subi %add3A_550, %multiple_of3A_556 : i32
      %while3A_695 = arith.constant 0 : i32
      %while3A_696 = arith.subi %while3A_693, %while3A_695 : i32
      %while3A_697 = arith.addi %while3A_695, %while3A_696 : i32
      %while3A_698 = arith.constant 1 : i32
      %while3A_699 = arith.divsi %while3A_696, %while3A_698 : i32
      %while3A_700 = arith.muli %while3A_699, %while3A_698 : i32
      %while3A_701 = arith.addi %while3A_695, %while3A_700 : i32
      %while3A_702 = arith.constant 1 : i32
      %while3A_703 = scf.for %while3A_1220 = %while3A_695 to %while3A_701 step %while3A_702 iter_args(%while3A_1221 = %scan3A_543) -> (i32)  : i32 {
        %get3A = arith.index_cast %while3A_1220 : i32 to index
        %get3A_1222 = tpu.vector_load %arg7[%get3A] {strides = array<i32>} : memref<16400xi32, #tpu.memory_space<vmem>>, vector<16xi32>,
        %slice3A = vector.extract_strided_slice %get3A_1222 {offsets = [0], sizes = [1], strides = [1]} : vector<16xi32> to vector<1xi32>
        %squeeze3A = vector.extract %slice3A[0] : i32 from vector<1xi32>
        %and3A_1223 = arith.constant 255 : i32
        %and3A_1224 = arith.andi %squeeze3A, %and3A_1223 : i32
        %add3A_1225 = arith.addi %and3A_1224, %sub3A_694 : i32
        %shift_right_arithmetic3A = arith.constant 9 : i32
        %shift_right_arithmetic3A_1226 = arith.shrsi %squeeze3A, %shift_right_arithmetic3A : i32
        %mul3A_1227 = arith.constant 0 : i32
        %mul3A_1228 = vector.broadcast %mul3A_1227 : i32 to vector<16xi32>
        %mul3A_1229 = arith.muli %iota3A, %mul3A_1228 : vector<16xi32>
        %add3A_1230 = vector.broadcast %add3A_1225 : i32 to vector<16xi32>
        %add3A_1231 = arith.addi %mul3A_1229, %add3A_1230 : vector<16xi32>
        %ge3A = arith.constant 64 : i32
        %ge3A_1232 = arith.cmpi sge, %while3A_1221, %ge3A : i32
        %convert_element_type3A_1233 = arith.extui %ge3A_1232 : i1 to i32
        %cond3A_1234 = arith.constant 0 : i32
        %cond3A_1235 = arith.cmpi ne, %convert_element_type3A_1233, %cond3A_1234 : i32
        scf.if %cond3A_1235 {
          %scan3A_1322 = arith.constant 0 : i32
          %scan3A_1323 = arith.constant 0 : i32
          %scan3A_1324 = arith.constant 64 : i32
          %scan3A_1325 = arith.addi %scan3A_1323, %scan3A_1324 : i32
          %scan3A_1326 = arith.constant 1 : i32
          scf.for %scan3A_1328 = %scan3A_1323 to %scan3A_1325 step %scan3A_1326  : i32 {
            %dma_wait3A_1329 = arith.constant 0 : i32
            %dma_wait3A_1330 = arith.constant 0 : i32
            %dma_wait3A_1331 = tpu.memref_slice %arg9[%dma_wait3A_1329, %dma_wait3A_1330] : memref<64x64xf32, #tpu.memory_space<vmem>> -> memref<1x64xf32, #tpu.memory_space<vmem>>
            %dma_wait3A_1332 = arith.constant 0 : i32
            %dma_wait3A_1333 = arith.constant 0 : i32
            %dma_wait3A_1334 = tpu.memref_slice %arg4[%dma_wait3A_1332, %dma_wait3A_1333] : memref<16384x64xf32, #tpu.memory_space<hbm>> -> memref<1x64xf32, #tpu.memory_space<hbm>>
            %dma_wait3A_1335 = arith.constant 0 : i32
            %dma_wait3A_1336 = arith.constant 0 : i32
            %dma_wait3A_1337 = tpu.memref_slice %arg4[%dma_wait3A_1335, %dma_wait3A_1336] : memref<16384x64xf32, #tpu.memory_space<hbm>> -> memref<1x64xf32, #tpu.memory_space<hbm>>
            %dma_wait3A_1338 = arith.constant 0 : i32
            %dma_wait3A_1339 = arith.constant 0 : i32
            %dma_wait3A_1340 = tpu.memref_slice %arg9[%dma_wait3A_1338, %dma_wait3A_1339] : memref<64x64xf32, #tpu.memory_space<vmem>> -> memref<1x64xf32, #tpu.memory_space<vmem>>
            tpu.wait_dma2 semaphore(%arg14 : memref<!tpu.dma_semaphore, #tpu.memory_space<semaphore_mem>>) src(%dma_wait3A_1340 : memref<1x64xf32, #tpu.memory_space<vmem>>) dst(%dma_wait3A_1337 : memref<1x64xf32, #tpu.memory_space<hbm>>)
          }
          %scan3A_1327 = arith.constant 64 : i32
        } else {
        }
        %jit3A_1236 = arith.constant 0 : i32
        %select_n3A_1237 = arith.select %ge3A_1232, %jit3A_1236, %while3A_1221 : i32
        %add3A_1238 = arith.constant 0 : i32
        %add3A_1239 = vector.broadcast %add3A_1238 : i32 to vector<16xi32>
        %add3A_1240 = arith.addi %iota3A, %add3A_1239 : vector<16xi32>
        %shift_right_arithmetic3A_1241 = arith.constant 3 : i32
        %shift_right_arithmetic3A_1242 = vector.broadcast %shift_right_arithmetic3A_1241 : i32 to vector<16xi32>
        %shift_right_arithmetic3A_1243 = arith.shrsi %add3A_1240, %shift_right_arithmetic3A_1242 : vector<16xi32>
        %and3A_1244 = arith.constant 7 : i32
        %and3A_1245 = vector.broadcast %and3A_1244 : i32 to vector<16xi32>
        %and3A_1246 = arith.andi %add3A_1240, %and3A_1245 : vector<16xi32>
        %gather3A = arith.constant 0 : i32
        %gather3A_1247 = arith.constant 0 : i32
        %gather3A_1248 = arith.constant 0 : i32
        %gather3A_1249 = arith.constant 0 : i32
        %gather3A_1250 = tpu.memref_slice %arg8[%gather3A, %gather3A_1247, %gather3A_1248, %gather3A_1249] : memref<4x8x8x256xf32, #tpu.memory_space<vmem>> -> memref<1x8x8x256xf32, #tpu.memory_space<vmem>>
        %gather3A_1251 = tpu.memref_squeeze %gather3A_1250 : memref<1x8x8x256xf32, #tpu.memory_space<vmem>> -> memref<8x8x256xf32, #tpu.memory_space<vmem>>
        %gather3A_1252 = tpu.vector_load_idx %gather3A_1251[%shift_right_arithmetic3A_1243, %and3A_1246, %add3A_1231] : memref<8x8x256xf32, #tpu.memory_space<vmem>>[vector<16xi32>, vector<16xi32>, vector<16xi32>], vector<16xf32>,
        %swap3A = arith.index_cast %select_n3A_1237 : i32 to index
        %swap3A_1253 = arith.constant 0 : index
        %swap3A_1254 = tpu.vector_load %arg9[%swap3A, %swap3A_1253] {strides = array<i32>} : memref<64x64xf32, #tpu.memory_space<vmem>>, vector<16xf32>,
        tpu.vector_store %arg9[%swap3A, %swap3A_1253], %gather3A_1252 {strides = array<i32>} : memref<64x64xf32, #tpu.memory_space<vmem>>, vector<16xf32>,
        %add3A_1255 = arith.constant 16 : i32
        %add3A_1256 = vector.broadcast %add3A_1255 : i32 to vector<16xi32>
        %add3A_1257 = arith.addi %iota3A, %add3A_1256 : vector<16xi32>
        %shift_right_arithmetic3A_1258 = arith.constant 3 : i32
        %shift_right_arithmetic3A_1259 = vector.broadcast %shift_right_arithmetic3A_1258 : i32 to vector<16xi32>
        %shift_right_arithmetic3A_1260 = arith.shrsi %add3A_1257, %shift_right_arithmetic3A_1259 : vector<16xi32>
        %and3A_1261 = arith.constant 7 : i32
        %and3A_1262 = vector.broadcast %and3A_1261 : i32 to vector<16xi32>
        %and3A_1263 = arith.andi %add3A_1257, %and3A_1262 : vector<16xi32>
        %gather3A_1264 = arith.constant 0 : i32
        %gather3A_1265 = arith.constant 0 : i32
        %gather3A_1266 = arith.constant 0 : i32
        %gather3A_1267 = arith.constant 0 : i32
        %gather3A_1268 = tpu.memref_slice %arg8[%gather3A_1264, %gather3A_1265, %gather3A_1266, %gather3A_1267] : memref<4x8x8x256xf32, #tpu.memory_space<vmem>> -> memref<1x8x8x256xf32, #tpu.memory_space<vmem>>
        %gather3A_1269 = tpu.memref_squeeze %gather3A_1268 : memref<1x8x8x256xf32, #tpu.memory_space<vmem>> -> memref<8x8x256xf32, #tpu.memory_space<vmem>>
        %gather3A_1270 = tpu.vector_load_idx %gather3A_1269[%shift_right_arithmetic3A_1260, %and3A_1263, %add3A_1231] : memref<8x8x256xf32, #tpu.memory_space<vmem>>[vector<16xi32>, vector<16xi32>, vector<16xi32>], vector<16xf32>,
        %swap3A_1271 = arith.index_cast %select_n3A_1237 : i32 to index
        %swap3A_1272 = arith.constant 16 : index
        %swap3A_1273 = tpu.vector_load %arg9[%swap3A_1271, %swap3A_1272] {strides = array<i32>} : memref<64x64xf32, #tpu.memory_space<vmem>>, vector<16xf32>,
        tpu.vector_store %arg9[%swap3A_1271, %swap3A_1272], %gather3A_1270 {strides = array<i32>} : memref<64x64xf32, #tpu.memory_space<vmem>>, vector<16xf32>,
        %add3A_1274 = arith.constant 32 : i32
        %add3A_1275 = vector.broadcast %add3A_1274 : i32 to vector<16xi32>
        %add3A_1276 = arith.addi %iota3A, %add3A_1275 : vector<16xi32>
        %shift_right_arithmetic3A_1277 = arith.constant 3 : i32
        %shift_right_arithmetic3A_1278 = vector.broadcast %shift_right_arithmetic3A_1277 : i32 to vector<16xi32>
        %shift_right_arithmetic3A_1279 = arith.shrsi %add3A_1276, %shift_right_arithmetic3A_1278 : vector<16xi32>
        %and3A_1280 = arith.constant 7 : i32
        %and3A_1281 = vector.broadcast %and3A_1280 : i32 to vector<16xi32>
        %and3A_1282 = arith.andi %add3A_1276, %and3A_1281 : vector<16xi32>
        %gather3A_1283 = arith.constant 0 : i32
        %gather3A_1284 = arith.constant 0 : i32
        %gather3A_1285 = arith.constant 0 : i32
        %gather3A_1286 = arith.constant 0 : i32
        %gather3A_1287 = tpu.memref_slice %arg8[%gather3A_1283, %gather3A_1284, %gather3A_1285, %gather3A_1286] : memref<4x8x8x256xf32, #tpu.memory_space<vmem>> -> memref<1x8x8x256xf32, #tpu.memory_space<vmem>>
        %gather3A_1288 = tpu.memref_squeeze %gather3A_1287 : memref<1x8x8x256xf32, #tpu.memory_space<vmem>> -> memref<8x8x256xf32, #tpu.memory_space<vmem>>
        %gather3A_1289 = tpu.vector_load_idx %gather3A_1288[%shift_right_arithmetic3A_1279, %and3A_1282, %add3A_1231] : memref<8x8x256xf32, #tpu.memory_space<vmem>>[vector<16xi32>, vector<16xi32>, vector<16xi32>], vector<16xf32>,
        %swap3A_1290 = arith.index_cast %select_n3A_1237 : i32 to index
        %swap3A_1291 = arith.constant 32 : index
        %swap3A_1292 = tpu.vector_load %arg9[%swap3A_1290, %swap3A_1291] {strides = array<i32>} : memref<64x64xf32, #tpu.memory_space<vmem>>, vector<16xf32>,
        tpu.vector_store %arg9[%swap3A_1290, %swap3A_1291], %gather3A_1289 {strides = array<i32>} : memref<64x64xf32, #tpu.memory_space<vmem>>, vector<16xf32>,
        %add3A_1293 = arith.constant 48 : i32
        %add3A_1294 = vector.broadcast %add3A_1293 : i32 to vector<16xi32>
        %add3A_1295 = arith.addi %iota3A, %add3A_1294 : vector<16xi32>
        %shift_right_arithmetic3A_1296 = arith.constant 3 : i32
        %shift_right_arithmetic3A_1297 = vector.broadcast %shift_right_arithmetic3A_1296 : i32 to vector<16xi32>
        %shift_right_arithmetic3A_1298 = arith.shrsi %add3A_1295, %shift_right_arithmetic3A_1297 : vector<16xi32>
        %and3A_1299 = arith.constant 7 : i32
        %and3A_1300 = vector.broadcast %and3A_1299 : i32 to vector<16xi32>
        %and3A_1301 = arith.andi %add3A_1295, %and3A_1300 : vector<16xi32>
        %gather3A_1302 = arith.constant 0 : i32
        %gather3A_1303 = arith.constant 0 : i32
        %gather3A_1304 = arith.constant 0 : i32
        %gather3A_1305 = arith.constant 0 : i32
        %gather3A_1306 = tpu.memref_slice %arg8[%gather3A_1302, %gather3A_1303, %gather3A_1304, %gather3A_1305] : memref<4x8x8x256xf32, #tpu.memory_space<vmem>> -> memref<1x8x8x256xf32, #tpu.memory_space<vmem>>
        %gather3A_1307 = tpu.memref_squeeze %gather3A_1306 : memref<1x8x8x256xf32, #tpu.memory_space<vmem>> -> memref<8x8x256xf32, #tpu.memory_space<vmem>>
        %gather3A_1308 = tpu.vector_load_idx %gather3A_1307[%shift_right_arithmetic3A_1298, %and3A_1301, %add3A_1231] : memref<8x8x256xf32, #tpu.memory_space<vmem>>[vector<16xi32>, vector<16xi32>, vector<16xi32>], vector<16xf32>,
        %swap3A_1309 = arith.index_cast %select_n3A_1237 : i32 to index
        %swap3A_1310 = arith.constant 48 : index
        %swap3A_1311 = tpu.vector_load %arg9[%swap3A_1309, %swap3A_1310] {strides = array<i32>} : memref<64x64xf32, #tpu.memory_space<vmem>>, vector<16xf32>,
        tpu.vector_store %arg9[%swap3A_1309, %swap3A_1310], %gather3A_1308 {strides = array<i32>} : memref<64x64xf32, #tpu.memory_space<vmem>>, vector<16xf32>,
        %dma_start3A_1312 = arith.constant 0 : i32
        %dma_start3A_1313 = tpu.memref_slice %arg9[%select_n3A_1237, %dma_start3A_1312] : memref<64x64xf32, #tpu.memory_space<vmem>> -> memref<1x64xf32, #tpu.memory_space<vmem>>
        %dma_start3A_1314 = arith.constant 0 : i32
        %dma_start3A_1315 = tpu.memref_slice %arg4[%shift_right_arithmetic3A_1226, %dma_start3A_1314] : memref<16384x64xf32, #tpu.memory_space<hbm>> -> memref<1x64xf32, #tpu.memory_space<hbm>>
        %dma_start3A_1316 = arith.constant 0 : i32
        %dma_start3A_1317 = tpu.memref_slice %arg4[%shift_right_arithmetic3A_1226, %dma_start3A_1316] : memref<16384x64xf32, #tpu.memory_space<hbm>> -> memref<1x64xf32, #tpu.memory_space<hbm>>
        %dma_start3A_1318 = arith.constant 0 : i32
        %dma_start3A_1319 = tpu.memref_slice %arg9[%select_n3A_1237, %dma_start3A_1318] : memref<64x64xf32, #tpu.memory_space<vmem>> -> memref<1x64xf32, #tpu.memory_space<vmem>>
        tpu.enqueue_dma source(%dma_start3A_1319 : memref<1x64xf32, #tpu.memory_space<vmem>>) target(%dma_start3A_1317 : memref<1x64xf32, #tpu.memory_space<hbm>>) target_semaphore(%arg14 : memref<!tpu.dma_semaphore, #tpu.memory_space<semaphore_mem>>)
        %add3A_1320 = arith.constant 1 : i32
        %add3A_1321 = arith.addi %select_n3A_1237, %add3A_1320 : i32
        scf.yield %add3A_1321 : i32
      }
      %while3A_704 = arith.constant 1 : i32
      %while3A_705 = scf.for %while3A_1220 = %while3A_701 to %while3A_697 step %while3A_704 iter_args(%while3A_1221 = %while3A_703) -> (i32)  : i32 {
        %get3A = arith.index_cast %while3A_1220 : i32 to index
        %get3A_1222 = tpu.vector_load %arg7[%get3A] {strides = array<i32>} : memref<16400xi32, #tpu.memory_space<vmem>>, vector<16xi32>,
        %slice3A = vector.extract_strided_slice %get3A_1222 {offsets = [0], sizes = [1], strides = [1]} : vector<16xi32> to vector<1xi32>
        %squeeze3A = vector.extract %slice3A[0] : i32 from vector<1xi32>
        %and3A_1223 = arith.constant 255 : i32
        %and3A_1224 = arith.andi %squeeze3A, %and3A_1223 : i32
        %add3A_1225 = arith.addi %and3A_1224, %sub3A_694 : i32
        %shift_right_arithmetic3A = arith.constant 9 : i32
        %shift_right_arithmetic3A_1226 = arith.shrsi %squeeze3A, %shift_right_arithmetic3A : i32
        %mul3A_1227 = arith.constant 0 : i32
        %mul3A_1228 = vector.broadcast %mul3A_1227 : i32 to vector<16xi32>
        %mul3A_1229 = arith.muli %iota3A, %mul3A_1228 : vector<16xi32>
        %add3A_1230 = vector.broadcast %add3A_1225 : i32 to vector<16xi32>
        %add3A_1231 = arith.addi %mul3A_1229, %add3A_1230 : vector<16xi32>
        %ge3A = arith.constant 64 : i32
        %ge3A_1232 = arith.cmpi sge, %while3A_1221, %ge3A : i32
        %convert_element_type3A_1233 = arith.extui %ge3A_1232 : i1 to i32
        %cond3A_1234 = arith.constant 0 : i32
        %cond3A_1235 = arith.cmpi ne, %convert_element_type3A_1233, %cond3A_1234 : i32
        scf.if %cond3A_1235 {
          %scan3A_1322 = arith.constant 0 : i32
          %scan3A_1323 = arith.constant 0 : i32
          %scan3A_1324 = arith.constant 64 : i32
          %scan3A_1325 = arith.addi %scan3A_1323, %scan3A_1324 : i32
          %scan3A_1326 = arith.constant 1 : i32
          scf.for %scan3A_1328 = %scan3A_1323 to %scan3A_1325 step %scan3A_1326  : i32 {
            %dma_wait3A_1329 = arith.constant 0 : i32
            %dma_wait3A_1330 = arith.constant 0 : i32
            %dma_wait3A_1331 = tpu.memref_slice %arg9[%dma_wait3A_1329, %dma_wait3A_1330] : memref<64x64xf32, #tpu.memory_space<vmem>> -> memref<1x64xf32, #tpu.memory_space<vmem>>
            %dma_wait3A_1332 = arith.constant 0 : i32
            %dma_wait3A_1333 = arith.constant 0 : i32
            %dma_wait3A_1334 = tpu.memref_slice %arg4[%dma_wait3A_1332, %dma_wait3A_1333] : memref<16384x64xf32, #tpu.memory_space<hbm>> -> memref<1x64xf32, #tpu.memory_space<hbm>>
            %dma_wait3A_1335 = arith.constant 0 : i32
            %dma_wait3A_1336 = arith.constant 0 : i32
            %dma_wait3A_1337 = tpu.memref_slice %arg4[%dma_wait3A_1335, %dma_wait3A_1336] : memref<16384x64xf32, #tpu.memory_space<hbm>> -> memref<1x64xf32, #tpu.memory_space<hbm>>
            %dma_wait3A_1338 = arith.constant 0 : i32
            %dma_wait3A_1339 = arith.constant 0 : i32
            %dma_wait3A_1340 = tpu.memref_slice %arg9[%dma_wait3A_1338, %dma_wait3A_1339] : memref<64x64xf32, #tpu.memory_space<vmem>> -> memref<1x64xf32, #tpu.memory_space<vmem>>
            tpu.wait_dma2 semaphore(%arg14 : memref<!tpu.dma_semaphore, #tpu.memory_space<semaphore_mem>>) src(%dma_wait3A_1340 : memref<1x64xf32, #tpu.memory_space<vmem>>) dst(%dma_wait3A_1337 : memref<1x64xf32, #tpu.memory_space<hbm>>)
          }
          %scan3A_1327 = arith.constant 64 : i32
        } else {
        }
        %jit3A_1236 = arith.constant 0 : i32
        %select_n3A_1237 = arith.select %ge3A_1232, %jit3A_1236, %while3A_1221 : i32
        %add3A_1238 = arith.constant 0 : i32
        %add3A_1239 = vector.broadcast %add3A_1238 : i32 to vector<16xi32>
        %add3A_1240 = arith.addi %iota3A, %add3A_1239 : vector<16xi32>
        %shift_right_arithmetic3A_1241 = arith.constant 3 : i32
        %shift_right_arithmetic3A_1242 = vector.broadcast %shift_right_arithmetic3A_1241 : i32 to vector<16xi32>
        %shift_right_arithmetic3A_1243 = arith.shrsi %add3A_1240, %shift_right_arithmetic3A_1242 : vector<16xi32>
        %and3A_1244 = arith.constant 7 : i32
        %and3A_1245 = vector.broadcast %and3A_1244 : i32 to vector<16xi32>
        %and3A_1246 = arith.andi %add3A_1240, %and3A_1245 : vector<16xi32>
        %gather3A = arith.constant 0 : i32
        %gather3A_1247 = arith.constant 0 : i32
        %gather3A_1248 = arith.constant 0 : i32
        %gather3A_1249 = arith.constant 0 : i32
        %gather3A_1250 = tpu.memref_slice %arg8[%gather3A, %gather3A_1247, %gather3A_1248, %gather3A_1249] : memref<4x8x8x256xf32, #tpu.memory_space<vmem>> -> memref<1x8x8x256xf32, #tpu.memory_space<vmem>>
        %gather3A_1251 = tpu.memref_squeeze %gather3A_1250 : memref<1x8x8x256xf32, #tpu.memory_space<vmem>> -> memref<8x8x256xf32, #tpu.memory_space<vmem>>
        %gather3A_1252 = tpu.vector_load_idx %gather3A_1251[%shift_right_arithmetic3A_1243, %and3A_1246, %add3A_1231] : memref<8x8x256xf32, #tpu.memory_space<vmem>>[vector<16xi32>, vector<16xi32>, vector<16xi32>], vector<16xf32>,
        %swap3A = arith.index_cast %select_n3A_1237 : i32 to index
        %swap3A_1253 = arith.constant 0 : index
        %swap3A_1254 = tpu.vector_load %arg9[%swap3A, %swap3A_1253] {strides = array<i32>} : memref<64x64xf32, #tpu.memory_space<vmem>>, vector<16xf32>,
        tpu.vector_store %arg9[%swap3A, %swap3A_1253], %gather3A_1252 {strides = array<i32>} : memref<64x64xf32, #tpu.memory_space<vmem>>, vector<16xf32>,
        %add3A_1255 = arith.constant 16 : i32
        %add3A_1256 = vector.broadcast %add3A_1255 : i32 to vector<16xi32>
        %add3A_1257 = arith.addi %iota3A, %add3A_1256 : vector<16xi32>
        %shift_right_arithmetic3A_1258 = arith.constant 3 : i32
        %shift_right_arithmetic3A_1259 = vector.broadcast %shift_right_arithmetic3A_1258 : i32 to vector<16xi32>
        %shift_right_arithmetic3A_1260 = arith.shrsi %add3A_1257, %shift_right_arithmetic3A_1259 : vector<16xi32>
        %and3A_1261 = arith.constant 7 : i32
        %and3A_1262 = vector.broadcast %and3A_1261 : i32 to vector<16xi32>
        %and3A_1263 = arith.andi %add3A_1257, %and3A_1262 : vector<16xi32>
        %gather3A_1264 = arith.constant 0 : i32
        %gather3A_1265 = arith.constant 0 : i32
        %gather3A_1266 = arith.constant 0 : i32
        %gather3A_1267 = arith.constant 0 : i32
        %gather3A_1268 = tpu.memref_slice %arg8[%gather3A_1264, %gather3A_1265, %gather3A_1266, %gather3A_1267] : memref<4x8x8x256xf32, #tpu.memory_space<vmem>> -> memref<1x8x8x256xf32, #tpu.memory_space<vmem>>
        %gather3A_1269 = tpu.memref_squeeze %gather3A_1268 : memref<1x8x8x256xf32, #tpu.memory_space<vmem>> -> memref<8x8x256xf32, #tpu.memory_space<vmem>>
        %gather3A_1270 = tpu.vector_load_idx %gather3A_1269[%shift_right_arithmetic3A_1260, %and3A_1263, %add3A_1231] : memref<8x8x256xf32, #tpu.memory_space<vmem>>[vector<16xi32>, vector<16xi32>, vector<16xi32>], vector<16xf32>,
        %swap3A_1271 = arith.index_cast %select_n3A_1237 : i32 to index
        %swap3A_1272 = arith.constant 16 : index
        %swap3A_1273 = tpu.vector_load %arg9[%swap3A_1271, %swap3A_1272] {strides = array<i32>} : memref<64x64xf32, #tpu.memory_space<vmem>>, vector<16xf32>,
        tpu.vector_store %arg9[%swap3A_1271, %swap3A_1272], %gather3A_1270 {strides = array<i32>} : memref<64x64xf32, #tpu.memory_space<vmem>>, vector<16xf32>,
        %add3A_1274 = arith.constant 32 : i32
        %add3A_1275 = vector.broadcast %add3A_1274 : i32 to vector<16xi32>
        %add3A_1276 = arith.addi %iota3A, %add3A_1275 : vector<16xi32>
        %shift_right_arithmetic3A_1277 = arith.constant 3 : i32
        %shift_right_arithmetic3A_1278 = vector.broadcast %shift_right_arithmetic3A_1277 : i32 to vector<16xi32>
        %shift_right_arithmetic3A_1279 = arith.shrsi %add3A_1276, %shift_right_arithmetic3A_1278 : vector<16xi32>
        %and3A_1280 = arith.constant 7 : i32
        %and3A_1281 = vector.broadcast %and3A_1280 : i32 to vector<16xi32>
        %and3A_1282 = arith.andi %add3A_1276, %and3A_1281 : vector<16xi32>
        %gather3A_1283 = arith.constant 0 : i32
        %gather3A_1284 = arith.constant 0 : i32
        %gather3A_1285 = arith.constant 0 : i32
        %gather3A_1286 = arith.constant 0 : i32
        %gather3A_1287 = tpu.memref_slice %arg8[%gather3A_1283, %gather3A_1284, %gather3A_1285, %gather3A_1286] : memref<4x8x8x256xf32, #tpu.memory_space<vmem>> -> memref<1x8x8x256xf32, #tpu.memory_space<vmem>>
        %gather3A_1288 = tpu.memref_squeeze %gather3A_1287 : memref<1x8x8x256xf32, #tpu.memory_space<vmem>> -> memref<8x8x256xf32, #tpu.memory_space<vmem>>
        %gather3A_1289 = tpu.vector_load_idx %gather3A_1288[%shift_right_arithmetic3A_1279, %and3A_1282, %add3A_1231] : memref<8x8x256xf32, #tpu.memory_space<vmem>>[vector<16xi32>, vector<16xi32>, vector<16xi32>], vector<16xf32>,
        %swap3A_1290 = arith.index_cast %select_n3A_1237 : i32 to index
        %swap3A_1291 = arith.constant 32 : index
        %swap3A_1292 = tpu.vector_load %arg9[%swap3A_1290, %swap3A_1291] {strides = array<i32>} : memref<64x64xf32, #tpu.memory_space<vmem>>, vector<16xf32>,
        tpu.vector_store %arg9[%swap3A_1290, %swap3A_1291], %gather3A_1289 {strides = array<i32>} : memref<64x64xf32, #tpu.memory_space<vmem>>, vector<16xf32>,
        %add3A_1293 = arith.constant 48 : i32
        %add3A_1294 = vector.broadcast %add3A_1293 : i32 to vector<16xi32>
        %add3A_1295 = arith.addi %iota3A, %add3A_1294 : vector<16xi32>
        %shift_right_arithmetic3A_1296 = arith.constant 3 : i32
        %shift_right_arithmetic3A_1297 = vector.broadcast %shift_right_arithmetic3A_1296 : i32 to vector<16xi32>
        %shift_right_arithmetic3A_1298 = arith.shrsi %add3A_1295, %shift_right_arithmetic3A_1297 : vector<16xi32>
        %and3A_1299 = arith.constant 7 : i32
        %and3A_1300 = vector.broadcast %and3A_1299 : i32 to vector<16xi32>
        %and3A_1301 = arith.andi %add3A_1295, %and3A_1300 : vector<16xi32>
        %gather3A_1302 = arith.constant 0 : i32
        %gather3A_1303 = arith.constant 0 : i32
        %gather3A_1304 = arith.constant 0 : i32
        %gather3A_1305 = arith.constant 0 : i32
        %gather3A_1306 = tpu.memref_slice %arg8[%gather3A_1302, %gather3A_1303, %gather3A_1304, %gather3A_1305] : memref<4x8x8x256xf32, #tpu.memory_space<vmem>> -> memref<1x8x8x256xf32, #tpu.memory_space<vmem>>
        %gather3A_1307 = tpu.memref_squeeze %gather3A_1306 : memref<1x8x8x256xf32, #tpu.memory_space<vmem>> -> memref<8x8x256xf32, #tpu.memory_space<vmem>>
        %gather3A_1308 = tpu.vector_load_idx %gather3A_1307[%shift_right_arithmetic3A_1298, %and3A_1301, %add3A_1231] : memref<8x8x256xf32, #tpu.memory_space<vmem>>[vector<16xi32>, vector<16xi32>, vector<16xi32>], vector<16xf32>,
        %swap3A_1309 = arith.index_cast %select_n3A_1237 : i32 to index
        %swap3A_1310 = arith.constant 48 : index
        %swap3A_1311 = tpu.vector_load %arg9[%swap3A_1309, %swap3A_1310] {strides = array<i32>} : memref<64x64xf32, #tpu.memory_space<vmem>>, vector<16xf32>,
        tpu.vector_store %arg9[%swap3A_1309, %swap3A_1310], %gather3A_1308 {strides = array<i32>} : memref<64x64xf32, #tpu.memory_space<vmem>>, vector<16xf32>,
        %dma_start3A_1312 = arith.constant 0 : i32
        %dma_start3A_1313 = tpu.memref_slice %arg9[%select_n3A_1237, %dma_start3A_1312] : memref<64x64xf32, #tpu.memory_space<vmem>> -> memref<1x64xf32, #tpu.memory_space<vmem>>
        %dma_start3A_1314 = arith.constant 0 : i32
        %dma_start3A_1315 = tpu.memref_slice %arg4[%shift_right_arithmetic3A_1226, %dma_start3A_1314] : memref<16384x64xf32, #tpu.memory_space<hbm>> -> memref<1x64xf32, #tpu.memory_space<hbm>>
        %dma_start3A_1316 = arith.constant 0 : i32
        %dma_start3A_1317 = tpu.memref_slice %arg4[%shift_right_arithmetic3A_1226, %dma_start3A_1316] : memref<16384x64xf32, #tpu.memory_space<hbm>> -> memref<1x64xf32, #tpu.memory_space<hbm>>
        %dma_start3A_1318 = arith.constant 0 : i32
        %dma_start3A_1319 = tpu.memref_slice %arg9[%select_n3A_1237, %dma_start3A_1318] : memref<64x64xf32, #tpu.memory_space<vmem>> -> memref<1x64xf32, #tpu.memory_space<vmem>>
        tpu.enqueue_dma source(%dma_start3A_1319 : memref<1x64xf32, #tpu.memory_space<vmem>>) target(%dma_start3A_1317 : memref<1x64xf32, #tpu.memory_space<hbm>>) target_semaphore(%arg14 : memref<!tpu.dma_semaphore, #tpu.memory_space<semaphore_mem>>)
        %add3A_1320 = arith.constant 1 : i32
        %add3A_1321 = arith.addi %select_n3A_1237, %add3A_1320 : i32
        scf.yield %add3A_1321 : i32
      }
      %add3A_706 = arith.constant 4 : i32
      %add3A_707 = arith.addi %add3A_547, %add3A_706 : i32
      %lt3A = arith.constant 124 : i32
      %lt3A_708 = arith.cmpi slt, %add3A_707, %lt3A : i32
      %convert_element_type3A = arith.extui %lt3A_708 : i1 to i32
      %cond3A = arith.constant 0 : i32
      %cond3A_709 = arith.cmpi ne, %convert_element_type3A, %cond3A : i32
      scf.if %cond3A_709 {
        %mul3A_1220 = arith.constant 256 : i32
        %mul3A_1221 = arith.muli %add3A_707, %mul3A_1220 : i32
        %add3A_1222 = arith.addi %mul3A_2, %mul3A_1221 : i32
        %min3A_1223 = arith.constant 999808 : i32
        %min3A_1224 = arith.minsi %add3A_1222, %min3A_1223 : i32
        %multiple_of3A_1225 = tpu.assume_multiple %min3A_1224, 128 : i32
        %multiple_of3A_1226 = tpu.assume_multiple %multiple_of3A_1225, 128 : i32
        %dma_start3A_1227 = arith.constant 0 : i32
        %dma_start3A_1228 = arith.constant 0 : i32
        %dma_start3A_1229 = arith.constant 0 : i32
        %dma_start3A_1230 = arith.constant 0 : i32
        %dma_start3A_1231 = tpu.memref_slice %arg8[%dma_start3A_1227, %dma_start3A_1228, %dma_start3A_1229, %dma_start3A_1230] : memref<4x8x8x256xf32, #tpu.memory_space<vmem>> -> memref<1x1x8x256xf32, #tpu.memory_space<vmem>>
        %dma_start3A_1232 = tpu.memref_squeeze %dma_start3A_1231 : memref<1x1x8x256xf32, #tpu.memory_space<vmem>> -> memref<8x256xf32, #tpu.memory_space<vmem>>
        %dma_start3A_1233 = arith.constant 0 : i32
        %dma_start3A_1234 = tpu.memref_slice %arg2[%dma_start3A_1233, %multiple_of3A_1226] : memref<64x1000001xf32, #tpu.memory_space<hbm>> -> memref<8x256xf32, #tpu.memory_space<hbm>>
        %dma_start3A_1235 = arith.constant 0 : i32
        %dma_start3A_1236 = arith.constant 0 : i32
        %dma_start3A_1237 = tpu.memref_slice %arg8[%dma_start3A_1227, %dma_start3A_1228, %dma_start3A_1235, %dma_start3A_1236] : memref<4x8x8x256xf32, #tpu.memory_space<vmem>> -> memref<1x1x8x256xf32, #tpu.memory_space<vmem>>
        %dma_start3A_1238 = tpu.memref_squeeze %dma_start3A_1237 : memref<1x1x8x256xf32, #tpu.memory_space<vmem>> -> memref<8x256xf32, #tpu.memory_space<vmem>>
        %dma_start3A_1239 = arith.constant 0 : i32
        %dma_start3A_1240 = tpu.memref_slice %arg2[%dma_start3A_1239, %multiple_of3A_1226] : memref<64x1000001xf32, #tpu.memory_space<hbm>> -> memref<8x256xf32, #tpu.memory_space<hbm>>
        tpu.enqueue_dma source(%dma_start3A_1240 : memref<8x256xf32, #tpu.memory_space<hbm>>) target(%dma_start3A_1238 : memref<8x256xf32, #tpu.memory_space<vmem>>) target_semaphore(%arg10 : memref<!tpu.dma_semaphore, #tpu.memory_space<semaphore_mem>>)
        %multiple_of3A_1241 = tpu.assume_multiple %multiple_of3A_1225, 128 : i32
        %dma_start3A_1242 = arith.constant 0 : i32
        %dma_start3A_1243 = arith.constant 1 : i32
        %dma_start3A_1244 = arith.constant 0 : i32
        %dma_start3A_1245 = arith.constant 0 : i32
        %dma_start3A_1246 = tpu.memref_slice %arg8[%dma_start3A_1242, %dma_start3A_1243, %dma_start3A_1244, %dma_start3A_1245] : memref<4x8x8x256xf32, #tpu.memory_space<vmem>> -> memref<1x1x8x256xf32, #tpu.memory_space<vmem>>
        %dma_start3A_1247 = tpu.memref_squeeze %dma_start3A_1246 : memref<1x1x8x256xf32, #tpu.memory_space<vmem>> -> memref<8x256xf32, #tpu.memory_space<vmem>>
        %dma_start3A_1248 = arith.constant 8 : i32
        %dma_start3A_1249 = tpu.memref_slice %arg2[%dma_start3A_1248, %multiple_of3A_1241] : memref<64x1000001xf32, #tpu.memory_space<hbm>> -> memref<8x256xf32, #tpu.memory_space<hbm>>
        %dma_start3A_1250 = arith.constant 0 : i32
        %dma_start3A_1251 = arith.constant 0 : i32
        %dma_start3A_1252 = tpu.memref_slice %arg8[%dma_start3A_1242, %dma_start3A_1243, %dma_start3A_1250, %dma_start3A_1251] : memref<4x8x8x256xf32, #tpu.memory_space<vmem>> -> memref<1x1x8x256xf32, #tpu.memory_space<vmem>>
        %dma_start3A_1253 = tpu.memref_squeeze %dma_start3A_1252 : memref<1x1x8x256xf32, #tpu.memory_space<vmem>> -> memref<8x256xf32, #tpu.memory_space<vmem>>
        %dma_start3A_1254 = arith.constant 8 : i32
        %dma_start3A_1255 = tpu.memref_slice %arg2[%dma_start3A_1254, %multiple_of3A_1241] : memref<64x1000001xf32, #tpu.memory_space<hbm>> -> memref<8x256xf32, #tpu.memory_space<hbm>>
        tpu.enqueue_dma source(%dma_start3A_1255 : memref<8x256xf32, #tpu.memory_space<hbm>>) target(%dma_start3A_1253 : memref<8x256xf32, #tpu.memory_space<vmem>>) target_semaphore(%arg10 : memref<!tpu.dma_semaphore, #tpu.memory_space<semaphore_mem>>)
        %multiple_of3A_1256 = tpu.assume_multiple %multiple_of3A_1225, 128 : i32
        %dma_start3A_1257 = arith.constant 0 : i32
        %dma_start3A_1258 = arith.constant 2 : i32
        %dma_start3A_1259 = arith.constant 0 : i32
        %dma_start3A_1260 = arith.constant 0 : i32
        %dma_start3A_1261 = tpu.memref_slice %arg8[%dma_start3A_1257, %dma_start3A_1258, %dma_start3A_1259, %dma_start3A_1260] : memref<4x8x8x256xf32, #tpu.memory_space<vmem>> -> memref<1x1x8x256xf32, #tpu.memory_space<vmem>>
        %dma_start3A_1262 = tpu.memref_squeeze %dma_start3A_1261 : memref<1x1x8x256xf32, #tpu.memory_space<vmem>> -> memref<8x256xf32, #tpu.memory_space<vmem>>
        %dma_start3A_1263 = arith.constant 16 : i32
        %dma_start3A_1264 = tpu.memref_slice %arg2[%dma_start3A_1263, %multiple_of3A_1256] : memref<64x1000001xf32, #tpu.memory_space<hbm>> -> memref<8x256xf32, #tpu.memory_space<hbm>>
        %dma_start3A_1265 = arith.constant 0 : i32
        %dma_start3A_1266 = arith.constant 0 : i32
        %dma_start3A_1267 = tpu.memref_slice %arg8[%dma_start3A_1257, %dma_start3A_1258, %dma_start3A_1265, %dma_start3A_1266] : memref<4x8x8x256xf32, #tpu.memory_space<vmem>> -> memref<1x1x8x256xf32, #tpu.memory_space<vmem>>
        %dma_start3A_1268 = tpu.memref_squeeze %dma_start3A_1267 : memref<1x1x8x256xf32, #tpu.memory_space<vmem>> -> memref<8x256xf32, #tpu.memory_space<vmem>>
        %dma_start3A_1269 = arith.constant 16 : i32
        %dma_start3A_1270 = tpu.memref_slice %arg2[%dma_start3A_1269, %multiple_of3A_1256] : memref<64x1000001xf32, #tpu.memory_space<hbm>> -> memref<8x256xf32, #tpu.memory_space<hbm>>
        tpu.enqueue_dma source(%dma_start3A_1270 : memref<8x256xf32, #tpu.memory_space<hbm>>) target(%dma_start3A_1268 : memref<8x256xf32, #tpu.memory_space<vmem>>) target_semaphore(%arg10 : memref<!tpu.dma_semaphore, #tpu.memory_space<semaphore_mem>>)
        %multiple_of3A_1271 = tpu.assume_multiple %multiple_of3A_1225, 128 : i32
        %dma_start3A_1272 = arith.constant 0 : i32
        %dma_start3A_1273 = arith.constant 3 : i32
        %dma_start3A_1274 = arith.constant 0 : i32
        %dma_start3A_1275 = arith.constant 0 : i32
        %dma_start3A_1276 = tpu.memref_slice %arg8[%dma_start3A_1272, %dma_start3A_1273, %dma_start3A_1274, %dma_start3A_1275] : memref<4x8x8x256xf32, #tpu.memory_space<vmem>> -> memref<1x1x8x256xf32, #tpu.memory_space<vmem>>
        %dma_start3A_1277 = tpu.memref_squeeze %dma_start3A_1276 : memref<1x1x8x256xf32, #tpu.memory_space<vmem>> -> memref<8x256xf32, #tpu.memory_space<vmem>>
        %dma_start3A_1278 = arith.constant 24 : i32
        %dma_start3A_1279 = tpu.memref_slice %arg2[%dma_start3A_1278, %multiple_of3A_1271] : memref<64x1000001xf32, #tpu.memory_space<hbm>> -> memref<8x256xf32, #tpu.memory_space<hbm>>
        %dma_start3A_1280 = arith.constant 0 : i32
        %dma_start3A_1281 = arith.constant 0 : i32
        %dma_start3A_1282 = tpu.memref_slice %arg8[%dma_start3A_1272, %dma_start3A_1273, %dma_start3A_1280, %dma_start3A_1281] : memref<4x8x8x256xf32, #tpu.memory_space<vmem>> -> memref<1x1x8x256xf32, #tpu.memory_space<vmem>>
        %dma_start3A_1283 = tpu.memref_squeeze %dma_start3A_1282 : memref<1x1x8x256xf32, #tpu.memory_space<vmem>> -> memref<8x256xf32, #tpu.memory_space<vmem>>
        %dma_start3A_1284 = arith.constant 24 : i32
        %dma_start3A_1285 = tpu.memref_slice %arg2[%dma_start3A_1284, %multiple_of3A_1271] : memref<64x1000001xf32, #tpu.memory_space<hbm>> -> memref<8x256xf32, #tpu.memory_space<hbm>>
        tpu.enqueue_dma source(%dma_start3A_1285 : memref<8x256xf32, #tpu.memory_space<hbm>>) target(%dma_start3A_1283 : memref<8x256xf32, #tpu.memory_space<vmem>>) target_semaphore(%arg10 : memref<!tpu.dma_semaphore, #tpu.memory_space<semaphore_mem>>)
        %multiple_of3A_1286 = tpu.assume_multiple %multiple_of3A_1225, 128 : i32
        %dma_start3A_1287 = arith.constant 0 : i32
        %dma_start3A_1288 = arith.constant 4 : i32
        %dma_start3A_1289 = arith.constant 0 : i32
        %dma_start3A_1290 = arith.constant 0 : i32
        %dma_start3A_1291 = tpu.memref_slice %arg8[%dma_start3A_1287, %dma_start3A_1288, %dma_start3A_1289, %dma_start3A_1290] : memref<4x8x8x256xf32, #tpu.memory_space<vmem>> -> memref<1x1x8x256xf32, #tpu.memory_space<vmem>>
        %dma_start3A_1292 = tpu.memref_squeeze %dma_start3A_1291 : memref<1x1x8x256xf32, #tpu.memory_space<vmem>> -> memref<8x256xf32, #tpu.memory_space<vmem>>
        %dma_start3A_1293 = arith.constant 32 : i32
        %dma_start3A_1294 = tpu.memref_slice %arg2[%dma_start3A_1293, %multiple_of3A_1286] : memref<64x1000001xf32, #tpu.memory_space<hbm>> -> memref<8x256xf32, #tpu.memory_space<hbm>>
        %dma_start3A_1295 = arith.constant 0 : i32
        %dma_start3A_1296 = arith.constant 0 : i32
        %dma_start3A_1297 = tpu.memref_slice %arg8[%dma_start3A_1287, %dma_start3A_1288, %dma_start3A_1295, %dma_start3A_1296] : memref<4x8x8x256xf32, #tpu.memory_space<vmem>> -> memref<1x1x8x256xf32, #tpu.memory_space<vmem>>
        %dma_start3A_1298 = tpu.memref_squeeze %dma_start3A_1297 : memref<1x1x8x256xf32, #tpu.memory_space<vmem>> -> memref<8x256xf32, #tpu.memory_space<vmem>>
        %dma_start3A_1299 = arith.constant 32 : i32
        %dma_start3A_1300 = tpu.memref_slice %arg2[%dma_start3A_1299, %multiple_of3A_1286] : memref<64x1000001xf32, #tpu.memory_space<hbm>> -> memref<8x256xf32, #tpu.memory_space<hbm>>
        tpu.enqueue_dma source(%dma_start3A_1300 : memref<8x256xf32, #tpu.memory_space<hbm>>) target(%dma_start3A_1298 : memref<8x256xf32, #tpu.memory_space<vmem>>) target_semaphore(%arg10 : memref<!tpu.dma_semaphore, #tpu.memory_space<semaphore_mem>>)
        %multiple_of3A_1301 = tpu.assume_multiple %multiple_of3A_1225, 128 : i32
        %dma_start3A_1302 = arith.constant 0 : i32
        %dma_start3A_1303 = arith.constant 5 : i32
        %dma_start3A_1304 = arith.constant 0 : i32
        %dma_start3A_1305 = arith.constant 0 : i32
        %dma_start3A_1306 = tpu.memref_slice %arg8[%dma_start3A_1302, %dma_start3A_1303, %dma_start3A_1304, %dma_start3A_1305] : memref<4x8x8x256xf32, #tpu.memory_space<vmem>> -> memref<1x1x8x256xf32, #tpu.memory_space<vmem>>
        %dma_start3A_1307 = tpu.memref_squeeze %dma_start3A_1306 : memref<1x1x8x256xf32, #tpu.memory_space<vmem>> -> memref<8x256xf32, #tpu.memory_space<vmem>>
        %dma_start3A_1308 = arith.constant 40 : i32
        %dma_start3A_1309 = tpu.memref_slice %arg2[%dma_start3A_1308, %multiple_of3A_1301] : memref<64x1000001xf32, #tpu.memory_space<hbm>> -> memref<8x256xf32, #tpu.memory_space<hbm>>
        %dma_start3A_1310 = arith.constant 0 : i32
        %dma_start3A_1311 = arith.constant 0 : i32
        %dma_start3A_1312 = tpu.memref_slice %arg8[%dma_start3A_1302, %dma_start3A_1303, %dma_start3A_1310, %dma_start3A_1311] : memref<4x8x8x256xf32, #tpu.memory_space<vmem>> -> memref<1x1x8x256xf32, #tpu.memory_space<vmem>>
        %dma_start3A_1313 = tpu.memref_squeeze %dma_start3A_1312 : memref<1x1x8x256xf32, #tpu.memory_space<vmem>> -> memref<8x256xf32, #tpu.memory_space<vmem>>
        %dma_start3A_1314 = arith.constant 40 : i32
        %dma_start3A_1315 = tpu.memref_slice %arg2[%dma_start3A_1314, %multiple_of3A_1301] : memref<64x1000001xf32, #tpu.memory_space<hbm>> -> memref<8x256xf32, #tpu.memory_space<hbm>>
        tpu.enqueue_dma source(%dma_start3A_1315 : memref<8x256xf32, #tpu.memory_space<hbm>>) target(%dma_start3A_1313 : memref<8x256xf32, #tpu.memory_space<vmem>>) target_semaphore(%arg10 : memref<!tpu.dma_semaphore, #tpu.memory_space<semaphore_mem>>)
        %multiple_of3A_1316 = tpu.assume_multiple %multiple_of3A_1225, 128 : i32
        %dma_start3A_1317 = arith.constant 0 : i32
        %dma_start3A_1318 = arith.constant 6 : i32
        %dma_start3A_1319 = arith.constant 0 : i32
        %dma_start3A_1320 = arith.constant 0 : i32
        %dma_start3A_1321 = tpu.memref_slice %arg8[%dma_start3A_1317, %dma_start3A_1318, %dma_start3A_1319, %dma_start3A_1320] : memref<4x8x8x256xf32, #tpu.memory_space<vmem>> -> memref<1x1x8x256xf32, #tpu.memory_space<vmem>>
        %dma_start3A_1322 = tpu.memref_squeeze %dma_start3A_1321 : memref<1x1x8x256xf32, #tpu.memory_space<vmem>> -> memref<8x256xf32, #tpu.memory_space<vmem>>
        %dma_start3A_1323 = arith.constant 48 : i32
        %dma_start3A_1324 = tpu.memref_slice %arg2[%dma_start3A_1323, %multiple_of3A_1316] : memref<64x1000001xf32, #tpu.memory_space<hbm>> -> memref<8x256xf32, #tpu.memory_space<hbm>>
        %dma_start3A_1325 = arith.constant 0 : i32
        %dma_start3A_1326 = arith.constant 0 : i32
        %dma_start3A_1327 = tpu.memref_slice %arg8[%dma_start3A_1317, %dma_start3A_1318, %dma_start3A_1325, %dma_start3A_1326] : memref<4x8x8x256xf32, #tpu.memory_space<vmem>> -> memref<1x1x8x256xf32, #tpu.memory_space<vmem>>
        %dma_start3A_1328 = tpu.memref_squeeze %dma_start3A_1327 : memref<1x1x8x256xf32, #tpu.memory_space<vmem>> -> memref<8x256xf32, #tpu.memory_space<vmem>>
        %dma_start3A_1329 = arith.constant 48 : i32
        %dma_start3A_1330 = tpu.memref_slice %arg2[%dma_start3A_1329, %multiple_of3A_1316] : memref<64x1000001xf32, #tpu.memory_space<hbm>> -> memref<8x256xf32, #tpu.memory_space<hbm>>
        tpu.enqueue_dma source(%dma_start3A_1330 : memref<8x256xf32, #tpu.memory_space<hbm>>) target(%dma_start3A_1328 : memref<8x256xf32, #tpu.memory_space<vmem>>) target_semaphore(%arg10 : memref<!tpu.dma_semaphore, #tpu.memory_space<semaphore_mem>>)
        %multiple_of3A_1331 = tpu.assume_multiple %multiple_of3A_1225, 128 : i32
        %dma_start3A_1332 = arith.constant 0 : i32
        %dma_start3A_1333 = arith.constant 7 : i32
        %dma_start3A_1334 = arith.constant 0 : i32
        %dma_start3A_1335 = arith.constant 0 : i32
        %dma_start3A_1336 = tpu.memref_slice %arg8[%dma_start3A_1332, %dma_start3A_1333, %dma_start3A_1334, %dma_start3A_1335] : memref<4x8x8x256xf32, #tpu.memory_space<vmem>> -> memref<1x1x8x256xf32, #tpu.memory_space<vmem>>
        %dma_start3A_1337 = tpu.memref_squeeze %dma_start3A_1336 : memref<1x1x8x256xf32, #tpu.memory_space<vmem>> -> memref<8x256xf32, #tpu.memory_space<vmem>>
        %dma_start3A_1338 = arith.constant 56 : i32
        %dma_start3A_1339 = tpu.memref_slice %arg2[%dma_start3A_1338, %multiple_of3A_1331] : memref<64x1000001xf32, #tpu.memory_space<hbm>> -> memref<8x256xf32, #tpu.memory_space<hbm>>
        %dma_start3A_1340 = arith.constant 0 : i32
        %dma_start3A_1341 = arith.constant 0 : i32
        %dma_start3A_1342 = tpu.memref_slice %arg8[%dma_start3A_1332, %dma_start3A_1333, %dma_start3A_1340, %dma_start3A_1341] : memref<4x8x8x256xf32, #tpu.memory_space<vmem>> -> memref<1x1x8x256xf32, #tpu.memory_space<vmem>>
        %dma_start3A_1343 = tpu.memref_squeeze %dma_start3A_1342 : memref<1x1x8x256xf32, #tpu.memory_space<vmem>> -> memref<8x256xf32, #tpu.memory_space<vmem>>
        %dma_start3A_1344 = arith.constant 56 : i32
        %dma_start3A_1345 = tpu.memref_slice %arg2[%dma_start3A_1344, %multiple_of3A_1331] : memref<64x1000001xf32, #tpu.memory_space<hbm>> -> memref<8x256xf32, #tpu.memory_space<hbm>>
        tpu.enqueue_dma source(%dma_start3A_1345 : memref<8x256xf32, #tpu.memory_space<hbm>>) target(%dma_start3A_1343 : memref<8x256xf32, #tpu.memory_space<vmem>>) target_semaphore(%arg10 : memref<!tpu.dma_semaphore, #tpu.memory_space<semaphore_mem>>)
      } else {
      }
      %mul3A_710 = arith.constant 4 : i32
      %mul3A_711 = arith.muli %scan3A_542, %mul3A_710 : i32
      %add3A_712 = arith.constant 1 : i32
      %add3A_713 = arith.addi %mul3A_711, %add3A_712 : i32
      %mul3A_714 = arith.constant 256 : i32
      %mul3A_715 = arith.muli %add3A_713, %mul3A_714 : i32
      %add3A_716 = arith.addi %mul3A_2, %mul3A_715 : i32
      %mul3A_717 = arith.constant 256 : i32
      %mul3A_718 = arith.muli %add3A_713, %mul3A_717 : i32
      %add3A_719 = arith.addi %mul3A_2, %mul3A_718 : i32
      %min3A_720 = arith.constant 999808 : i32
      %min3A_721 = arith.minsi %add3A_719, %min3A_720 : i32
      %multiple_of3A_722 = tpu.assume_multiple %min3A_721, 128 : i32
      %mul3A_723 = arith.constant 256 : i32
      %mul3A_724 = arith.muli %add3A_713, %mul3A_723 : i32
      %add3A_725 = arith.addi %mul3A_2, %mul3A_724 : i32
      %min3A_726 = arith.constant 999808 : i32
      %min3A_727 = arith.minsi %add3A_725, %min3A_726 : i32
      %multiple_of3A_728 = tpu.assume_multiple %min3A_727, 128 : i32
      %multiple_of3A_729 = tpu.assume_multiple %multiple_of3A_728, 128 : i32
      %dma_wait3A_730 = arith.constant 1 : i32
      %dma_wait3A_731 = arith.constant 0 : i32
      %dma_wait3A_732 = arith.constant 0 : i32
      %dma_wait3A_733 = arith.constant 0 : i32
      %dma_wait3A_734 = tpu.memref_slice %arg8[%dma_wait3A_730, %dma_wait3A_731, %dma_wait3A_732, %dma_wait3A_733] : memref<4x8x8x256xf32, #tpu.memory_space<vmem>> -> memref<1x1x8x256xf32, #tpu.memory_space<vmem>>
      %dma_wait3A_735 = tpu.memref_squeeze %dma_wait3A_734 : memref<1x1x8x256xf32, #tpu.memory_space<vmem>> -> memref<8x256xf32, #tpu.memory_space<vmem>>
      %dma_wait3A_736 = arith.constant 0 : i32
      %dma_wait3A_737 = tpu.memref_slice %arg2[%dma_wait3A_736, %multiple_of3A_729] : memref<64x1000001xf32, #tpu.memory_space<hbm>> -> memref<8x256xf32, #tpu.memory_space<hbm>>
      %dma_wait3A_738 = arith.constant 0 : i32
      %dma_wait3A_739 = arith.constant 0 : i32
      %dma_wait3A_740 = tpu.memref_slice %arg8[%dma_wait3A_730, %dma_wait3A_731, %dma_wait3A_738, %dma_wait3A_739] : memref<4x8x8x256xf32, #tpu.memory_space<vmem>> -> memref<1x1x8x256xf32, #tpu.memory_space<vmem>>
      %dma_wait3A_741 = tpu.memref_squeeze %dma_wait3A_740 : memref<1x1x8x256xf32, #tpu.memory_space<vmem>> -> memref<8x256xf32, #tpu.memory_space<vmem>>
      %dma_wait3A_742 = arith.constant 0 : i32
      %dma_wait3A_743 = tpu.memref_slice %arg2[%dma_wait3A_742, %multiple_of3A_729] : memref<64x1000001xf32, #tpu.memory_space<hbm>> -> memref<8x256xf32, #tpu.memory_space<hbm>>
      tpu.wait_dma2 semaphore(%arg11 : memref<!tpu.dma_semaphore, #tpu.memory_space<semaphore_mem>>) src(%dma_wait3A_743 : memref<8x256xf32, #tpu.memory_space<hbm>>) dst(%dma_wait3A_741 : memref<8x256xf32, #tpu.memory_space<vmem>>)
      %multiple_of3A_744 = tpu.assume_multiple %multiple_of3A_728, 128 : i32
      %dma_wait3A_745 = arith.constant 1 : i32
      %dma_wait3A_746 = arith.constant 1 : i32
      %dma_wait3A_747 = arith.constant 0 : i32
      %dma_wait3A_748 = arith.constant 0 : i32
      %dma_wait3A_749 = tpu.memref_slice %arg8[%dma_wait3A_745, %dma_wait3A_746, %dma_wait3A_747, %dma_wait3A_748] : memref<4x8x8x256xf32, #tpu.memory_space<vmem>> -> memref<1x1x8x256xf32, #tpu.memory_space<vmem>>
      %dma_wait3A_750 = tpu.memref_squeeze %dma_wait3A_749 : memref<1x1x8x256xf32, #tpu.memory_space<vmem>> -> memref<8x256xf32, #tpu.memory_space<vmem>>
      %dma_wait3A_751 = arith.constant 8 : i32
      %dma_wait3A_752 = tpu.memref_slice %arg2[%dma_wait3A_751, %multiple_of3A_744] : memref<64x1000001xf32, #tpu.memory_space<hbm>> -> memref<8x256xf32, #tpu.memory_space<hbm>>
      %dma_wait3A_753 = arith.constant 0 : i32
      %dma_wait3A_754 = arith.constant 0 : i32
      %dma_wait3A_755 = tpu.memref_slice %arg8[%dma_wait3A_745, %dma_wait3A_746, %dma_wait3A_753, %dma_wait3A_754] : memref<4x8x8x256xf32, #tpu.memory_space<vmem>> -> memref<1x1x8x256xf32, #tpu.memory_space<vmem>>
      %dma_wait3A_756 = tpu.memref_squeeze %dma_wait3A_755 : memref<1x1x8x256xf32, #tpu.memory_space<vmem>> -> memref<8x256xf32, #tpu.memory_space<vmem>>
      %dma_wait3A_757 = arith.constant 8 : i32
      %dma_wait3A_758 = tpu.memref_slice %arg2[%dma_wait3A_757, %multiple_of3A_744] : memref<64x1000001xf32, #tpu.memory_space<hbm>> -> memref<8x256xf32, #tpu.memory_space<hbm>>
      tpu.wait_dma2 semaphore(%arg11 : memref<!tpu.dma_semaphore, #tpu.memory_space<semaphore_mem>>) src(%dma_wait3A_758 : memref<8x256xf32, #tpu.memory_space<hbm>>) dst(%dma_wait3A_756 : memref<8x256xf32, #tpu.memory_space<vmem>>)
      %multiple_of3A_759 = tpu.assume_multiple %multiple_of3A_728, 128 : i32
      %dma_wait3A_760 = arith.constant 1 : i32
      %dma_wait3A_761 = arith.constant 2 : i32
      %dma_wait3A_762 = arith.constant 0 : i32
      %dma_wait3A_763 = arith.constant 0 : i32
      %dma_wait3A_764 = tpu.memref_slice %arg8[%dma_wait3A_760, %dma_wait3A_761, %dma_wait3A_762, %dma_wait3A_763] : memref<4x8x8x256xf32, #tpu.memory_space<vmem>> -> memref<1x1x8x256xf32, #tpu.memory_space<vmem>>
      %dma_wait3A_765 = tpu.memref_squeeze %dma_wait3A_764 : memref<1x1x8x256xf32, #tpu.memory_space<vmem>> -> memref<8x256xf32, #tpu.memory_space<vmem>>
      %dma_wait3A_766 = arith.constant 16 : i32
      %dma_wait3A_767 = tpu.memref_slice %arg2[%dma_wait3A_766, %multiple_of3A_759] : memref<64x1000001xf32, #tpu.memory_space<hbm>> -> memref<8x256xf32, #tpu.memory_space<hbm>>
      %dma_wait3A_768 = arith.constant 0 : i32
      %dma_wait3A_769 = arith.constant 0 : i32
      %dma_wait3A_770 = tpu.memref_slice %arg8[%dma_wait3A_760, %dma_wait3A_761, %dma_wait3A_768, %dma_wait3A_769] : memref<4x8x8x256xf32, #tpu.memory_space<vmem>> -> memref<1x1x8x256xf32, #tpu.memory_space<vmem>>
      %dma_wait3A_771 = tpu.memref_squeeze %dma_wait3A_770 : memref<1x1x8x256xf32, #tpu.memory_space<vmem>> -> memref<8x256xf32, #tpu.memory_space<vmem>>
      %dma_wait3A_772 = arith.constant 16 : i32
      %dma_wait3A_773 = tpu.memref_slice %arg2[%dma_wait3A_772, %multiple_of3A_759] : memref<64x1000001xf32, #tpu.memory_space<hbm>> -> memref<8x256xf32, #tpu.memory_space<hbm>>
      tpu.wait_dma2 semaphore(%arg11 : memref<!tpu.dma_semaphore, #tpu.memory_space<semaphore_mem>>) src(%dma_wait3A_773 : memref<8x256xf32, #tpu.memory_space<hbm>>) dst(%dma_wait3A_771 : memref<8x256xf32, #tpu.memory_space<vmem>>)
      %multiple_of3A_774 = tpu.assume_multiple %multiple_of3A_728, 128 : i32
      %dma_wait3A_775 = arith.constant 1 : i32
      %dma_wait3A_776 = arith.constant 3 : i32
      %dma_wait3A_777 = arith.constant 0 : i32
      %dma_wait3A_778 = arith.constant 0 : i32
      %dma_wait3A_779 = tpu.memref_slice %arg8[%dma_wait3A_775, %dma_wait3A_776, %dma_wait3A_777, %dma_wait3A_778] : memref<4x8x8x256xf32, #tpu.memory_space<vmem>> -> memref<1x1x8x256xf32, #tpu.memory_space<vmem>>
      %dma_wait3A_780 = tpu.memref_squeeze %dma_wait3A_779 : memref<1x1x8x256xf32, #tpu.memory_space<vmem>> -> memref<8x256xf32, #tpu.memory_space<vmem>>
      %dma_wait3A_781 = arith.constant 24 : i32
      %dma_wait3A_782 = tpu.memref_slice %arg2[%dma_wait3A_781, %multiple_of3A_774] : memref<64x1000001xf32, #tpu.memory_space<hbm>> -> memref<8x256xf32, #tpu.memory_space<hbm>>
      %dma_wait3A_783 = arith.constant 0 : i32
      %dma_wait3A_784 = arith.constant 0 : i32
      %dma_wait3A_785 = tpu.memref_slice %arg8[%dma_wait3A_775, %dma_wait3A_776, %dma_wait3A_783, %dma_wait3A_784] : memref<4x8x8x256xf32, #tpu.memory_space<vmem>> -> memref<1x1x8x256xf32, #tpu.memory_space<vmem>>
      %dma_wait3A_786 = tpu.memref_squeeze %dma_wait3A_785 : memref<1x1x8x256xf32, #tpu.memory_space<vmem>> -> memref<8x256xf32, #tpu.memory_space<vmem>>
      %dma_wait3A_787 = arith.constant 24 : i32
      %dma_wait3A_788 = tpu.memref_slice %arg2[%dma_wait3A_787, %multiple_of3A_774] : memref<64x1000001xf32, #tpu.memory_space<hbm>> -> memref<8x256xf32, #tpu.memory_space<hbm>>
      tpu.wait_dma2 semaphore(%arg11 : memref<!tpu.dma_semaphore, #tpu.memory_space<semaphore_mem>>) src(%dma_wait3A_788 : memref<8x256xf32, #tpu.memory_space<hbm>>) dst(%dma_wait3A_786 : memref<8x256xf32, #tpu.memory_space<vmem>>)
      %multiple_of3A_789 = tpu.assume_multiple %multiple_of3A_728, 128 : i32
      %dma_wait3A_790 = arith.constant 1 : i32
      %dma_wait3A_791 = arith.constant 4 : i32
      %dma_wait3A_792 = arith.constant 0 : i32
      %dma_wait3A_793 = arith.constant 0 : i32
      %dma_wait3A_794 = tpu.memref_slice %arg8[%dma_wait3A_790, %dma_wait3A_791, %dma_wait3A_792, %dma_wait3A_793] : memref<4x8x8x256xf32, #tpu.memory_space<vmem>> -> memref<1x1x8x256xf32, #tpu.memory_space<vmem>>
      %dma_wait3A_795 = tpu.memref_squeeze %dma_wait3A_794 : memref<1x1x8x256xf32, #tpu.memory_space<vmem>> -> memref<8x256xf32, #tpu.memory_space<vmem>>
      %dma_wait3A_796 = arith.constant 32 : i32
      %dma_wait3A_797 = tpu.memref_slice %arg2[%dma_wait3A_796, %multiple_of3A_789] : memref<64x1000001xf32, #tpu.memory_space<hbm>> -> memref<8x256xf32, #tpu.memory_space<hbm>>
      %dma_wait3A_798 = arith.constant 0 : i32
      %dma_wait3A_799 = arith.constant 0 : i32
      %dma_wait3A_800 = tpu.memref_slice %arg8[%dma_wait3A_790, %dma_wait3A_791, %dma_wait3A_798, %dma_wait3A_799] : memref<4x8x8x256xf32, #tpu.memory_space<vmem>> -> memref<1x1x8x256xf32, #tpu.memory_space<vmem>>
      %dma_wait3A_801 = tpu.memref_squeeze %dma_wait3A_800 : memref<1x1x8x256xf32, #tpu.memory_space<vmem>> -> memref<8x256xf32, #tpu.memory_space<vmem>>
      %dma_wait3A_802 = arith.constant 32 : i32
      %dma_wait3A_803 = tpu.memref_slice %arg2[%dma_wait3A_802, %multiple_of3A_789] : memref<64x1000001xf32, #tpu.memory_space<hbm>> -> memref<8x256xf32, #tpu.memory_space<hbm>>
      tpu.wait_dma2 semaphore(%arg11 : memref<!tpu.dma_semaphore, #tpu.memory_space<semaphore_mem>>) src(%dma_wait3A_803 : memref<8x256xf32, #tpu.memory_space<hbm>>) dst(%dma_wait3A_801 : memref<8x256xf32, #tpu.memory_space<vmem>>)
      %multiple_of3A_804 = tpu.assume_multiple %multiple_of3A_728, 128 : i32
      %dma_wait3A_805 = arith.constant 1 : i32
      %dma_wait3A_806 = arith.constant 5 : i32
      %dma_wait3A_807 = arith.constant 0 : i32
      %dma_wait3A_808 = arith.constant 0 : i32
      %dma_wait3A_809 = tpu.memref_slice %arg8[%dma_wait3A_805, %dma_wait3A_806, %dma_wait3A_807, %dma_wait3A_808] : memref<4x8x8x256xf32, #tpu.memory_space<vmem>> -> memref<1x1x8x256xf32, #tpu.memory_space<vmem>>
      %dma_wait3A_810 = tpu.memref_squeeze %dma_wait3A_809 : memref<1x1x8x256xf32, #tpu.memory_space<vmem>> -> memref<8x256xf32, #tpu.memory_space<vmem>>
      %dma_wait3A_811 = arith.constant 40 : i32
      %dma_wait3A_812 = tpu.memref_slice %arg2[%dma_wait3A_811, %multiple_of3A_804] : memref<64x1000001xf32, #tpu.memory_space<hbm>> -> memref<8x256xf32, #tpu.memory_space<hbm>>
      %dma_wait3A_813 = arith.constant 0 : i32
      %dma_wait3A_814 = arith.constant 0 : i32
      %dma_wait3A_815 = tpu.memref_slice %arg8[%dma_wait3A_805, %dma_wait3A_806, %dma_wait3A_813, %dma_wait3A_814] : memref<4x8x8x256xf32, #tpu.memory_space<vmem>> -> memref<1x1x8x256xf32, #tpu.memory_space<vmem>>
      %dma_wait3A_816 = tpu.memref_squeeze %dma_wait3A_815 : memref<1x1x8x256xf32, #tpu.memory_space<vmem>> -> memref<8x256xf32, #tpu.memory_space<vmem>>
      %dma_wait3A_817 = arith.constant 40 : i32
      %dma_wait3A_818 = tpu.memref_slice %arg2[%dma_wait3A_817, %multiple_of3A_804] : memref<64x1000001xf32, #tpu.memory_space<hbm>> -> memref<8x256xf32, #tpu.memory_space<hbm>>
      tpu.wait_dma2 semaphore(%arg11 : memref<!tpu.dma_semaphore, #tpu.memory_space<semaphore_mem>>) src(%dma_wait3A_818 : memref<8x256xf32, #tpu.memory_space<hbm>>) dst(%dma_wait3A_816 : memref<8x256xf32, #tpu.memory_space<vmem>>)
      %multiple_of3A_819 = tpu.assume_multiple %multiple_of3A_728, 128 : i32
      %dma_wait3A_820 = arith.constant 1 : i32
      %dma_wait3A_821 = arith.constant 6 : i32
      %dma_wait3A_822 = arith.constant 0 : i32
      %dma_wait3A_823 = arith.constant 0 : i32
      %dma_wait3A_824 = tpu.memref_slice %arg8[%dma_wait3A_820, %dma_wait3A_821, %dma_wait3A_822, %dma_wait3A_823] : memref<4x8x8x256xf32, #tpu.memory_space<vmem>> -> memref<1x1x8x256xf32, #tpu.memory_space<vmem>>
      %dma_wait3A_825 = tpu.memref_squeeze %dma_wait3A_824 : memref<1x1x8x256xf32, #tpu.memory_space<vmem>> -> memref<8x256xf32, #tpu.memory_space<vmem>>
      %dma_wait3A_826 = arith.constant 48 : i32
      %dma_wait3A_827 = tpu.memref_slice %arg2[%dma_wait3A_826, %multiple_of3A_819] : memref<64x1000001xf32, #tpu.memory_space<hbm>> -> memref<8x256xf32, #tpu.memory_space<hbm>>
      %dma_wait3A_828 = arith.constant 0 : i32
      %dma_wait3A_829 = arith.constant 0 : i32
      %dma_wait3A_830 = tpu.memref_slice %arg8[%dma_wait3A_820, %dma_wait3A_821, %dma_wait3A_828, %dma_wait3A_829] : memref<4x8x8x256xf32, #tpu.memory_space<vmem>> -> memref<1x1x8x256xf32, #tpu.memory_space<vmem>>
      %dma_wait3A_831 = tpu.memref_squeeze %dma_wait3A_830 : memref<1x1x8x256xf32, #tpu.memory_space<vmem>> -> memref<8x256xf32, #tpu.memory_space<vmem>>
      %dma_wait3A_832 = arith.constant 48 : i32
      %dma_wait3A_833 = tpu.memref_slice %arg2[%dma_wait3A_832, %multiple_of3A_819] : memref<64x1000001xf32, #tpu.memory_space<hbm>> -> memref<8x256xf32, #tpu.memory_space<hbm>>
      tpu.wait_dma2 semaphore(%arg11 : memref<!tpu.dma_semaphore, #tpu.memory_space<semaphore_mem>>) src(%dma_wait3A_833 : memref<8x256xf32, #tpu.memory_space<hbm>>) dst(%dma_wait3A_831 : memref<8x256xf32, #tpu.memory_space<vmem>>)
      %multiple_of3A_834 = tpu.assume_multiple %multiple_of3A_728, 128 : i32
      %dma_wait3A_835 = arith.constant 1 : i32
      %dma_wait3A_836 = arith.constant 7 : i32
      %dma_wait3A_837 = arith.constant 0 : i32
      %dma_wait3A_838 = arith.constant 0 : i32
      %dma_wait3A_839 = tpu.memref_slice %arg8[%dma_wait3A_835, %dma_wait3A_836, %dma_wait3A_837, %dma_wait3A_838] : memref<4x8x8x256xf32, #tpu.memory_space<vmem>> -> memref<1x1x8x256xf32, #tpu.memory_space<vmem>>
      %dma_wait3A_840 = tpu.memref_squeeze %dma_wait3A_839 : memref<1x1x8x256xf32, #tpu.memory_space<vmem>> -> memref<8x256xf32, #tpu.memory_space<vmem>>
      %dma_wait3A_841 = arith.constant 56 : i32
      %dma_wait3A_842 = tpu.memref_slice %arg2[%dma_wait3A_841, %multiple_of3A_834] : memref<64x1000001xf32, #tpu.memory_space<hbm>> -> memref<8x256xf32, #tpu.memory_space<hbm>>
      %dma_wait3A_843 = arith.constant 0 : i32
      %dma_wait3A_844 = arith.constant 0 : i32
      %dma_wait3A_845 = tpu.memref_slice %arg8[%dma_wait3A_835, %dma_wait3A_836, %dma_wait3A_843, %dma_wait3A_844] : memref<4x8x8x256xf32, #tpu.memory_space<vmem>> -> memref<1x1x8x256xf32, #tpu.memory_space<vmem>>
      %dma_wait3A_846 = tpu.memref_squeeze %dma_wait3A_845 : memref<1x1x8x256xf32, #tpu.memory_space<vmem>> -> memref<8x256xf32, #tpu.memory_space<vmem>>
      %dma_wait3A_847 = arith.constant 56 : i32
      %dma_wait3A_848 = tpu.memref_slice %arg2[%dma_wait3A_847, %multiple_of3A_834] : memref<64x1000001xf32, #tpu.memory_space<hbm>> -> memref<8x256xf32, #tpu.memory_space<hbm>>
      tpu.wait_dma2 semaphore(%arg11 : memref<!tpu.dma_semaphore, #tpu.memory_space<semaphore_mem>>) src(%dma_wait3A_848 : memref<8x256xf32, #tpu.memory_space<hbm>>) dst(%dma_wait3A_846 : memref<8x256xf32, #tpu.memory_space<vmem>>)
      %while3A_849 = arith.constant 0 : i32
      %while3A_850 = arith.constant 0 : i32
      %while3A_851 = arith.subi %select_n3A, %while3A_849 : i32
      %while3A_852 = arith.addi %while3A_849, %while3A_851 : i32
      %while3A_853 = arith.constant 1 : i32
      %while3A_854 = arith.divsi %while3A_851, %while3A_853 : i32
      %while3A_855 = arith.muli %while3A_854, %while3A_853 : i32
      %while3A_856 = arith.addi %while3A_849, %while3A_855 : i32
      %while3A_857 = arith.constant 1 : i32
      %while3A_858 = scf.for %while3A_1220 = %while3A_849 to %while3A_856 step %while3A_857 iter_args(%while3A_1221 = %while3A_850) -> (i32)  : i32 {
        %mul3A_1222 = arith.constant 16 : i32
        %mul3A_1223 = arith.muli %while3A_1220, %mul3A_1222 : i32
        %get3A = arith.index_cast %mul3A_1223 : i32 to index
        %get3A_1224 = tpu.vector_load %arg5[%get3A] {strides = array<i32>} : memref<16384xi32, #tpu.memory_space<vmem>>, vector<16xi32>,
        %mul3A_1225 = arith.constant 16 : i32
        %mul3A_1226 = arith.muli %while3A_1220, %mul3A_1225 : i32
        %get3A_1227 = arith.index_cast %mul3A_1226 : i32 to index
        %get3A_1228 = tpu.vector_load %arg6[%get3A_1227] {strides = array<i32>} : memref<16384xi32, #tpu.memory_space<vmem>>, vector<16xi32>,
        %ge3A = vector.broadcast %add3A_716 : i32 to vector<16xi32>
        %ge3A_1229 = arith.cmpi sge, %get3A_1224, %ge3A : vector<16xi32>
        %add3A_1230 = arith.constant 256 : i32
        %add3A_1231 = arith.addi %add3A_716, %add3A_1230 : i32
        %lt3A_1232 = vector.broadcast %add3A_1231 : i32 to vector<16xi32>
        %lt3A_1233 = arith.cmpi slt, %get3A_1224, %lt3A_1232 : vector<16xi32>
        %and3A_1234 = arith.andi %ge3A_1229, %lt3A_1233 : vector<16xi1>
        %mul3A_1235 = arith.constant 16 : i32
        %mul3A_1236 = arith.muli %while3A_1220, %mul3A_1235 : i32
        %add3A_1237 = vector.broadcast %mul3A_1236 : i32 to vector<16xi32>
        %add3A_1238 = arith.addi %iota3A, %add3A_1237 : vector<16xi32>
        %lt3A_1239 = vector.broadcast %scan3A_9 : i32 to vector<16xi32>
        %lt3A_1240 = arith.cmpi slt, %add3A_1238, %lt3A_1239 : vector<16xi32>
        %and3A_1241 = arith.andi %and3A_1234, %lt3A_1240 : vector<16xi1>
        %sub3A_1242 = vector.broadcast %add3A_716 : i32 to vector<16xi32>
        %sub3A_1243 = arith.subi %get3A_1224, %sub3A_1242 : vector<16xi32>
        %shift_left3A = arith.constant 9 : i32
        %shift_left3A_1244 = vector.broadcast %shift_left3A : i32 to vector<16xi32>
        %shift_left3A_1245 = arith.shli %get3A_1228, %shift_left3A_1244 : vector<16xi32>
        %or3A = arith.ori %sub3A_1243, %shift_left3A_1245 : vector<16xi32>
        %swap3A = arith.index_cast %while3A_1221 : i32 to index
        %swap3A_1246 = tpu.vector_load %arg7[%swap3A] masked %and3A_1241 {strides = array<i32>} : memref<16400xi32, #tpu.memory_space<vmem>>, vector<16xi32>, vector<16xi1>
        tpu.vector_store %arg7[%swap3A], %or3A masked %and3A_1241 {strides = array<i32>} : memref<16400xi32, #tpu.memory_space<vmem>>, vector<16xi32>, vector<16xi1>
        %all_reduce_population_count3A = tpu.all_reduce %and3A_1241 {dim = 0 : i64, kind = #tpu.reduction_kind<sum>} : vector<16xi1> -> vector<16xi32>
        %slice3A = vector.extract_strided_slice %all_reduce_population_count3A {offsets = [0], sizes = [1], strides = [1]} : vector<16xi32> to vector<1xi32>
        %squeeze3A = vector.extract %slice3A[0] : i32 from vector<1xi32>
        %add3A_1247 = arith.addi %while3A_1221, %squeeze3A : i32
        scf.yield %add3A_1247 : i32
      }
      %while3A_859 = arith.constant 1 : i32
      %while3A_860 = scf.for %while3A_1220 = %while3A_856 to %while3A_852 step %while3A_859 iter_args(%while3A_1221 = %while3A_858) -> (i32)  : i32 {
        %mul3A_1222 = arith.constant 16 : i32
        %mul3A_1223 = arith.muli %while3A_1220, %mul3A_1222 : i32
        %get3A = arith.index_cast %mul3A_1223 : i32 to index
        %get3A_1224 = tpu.vector_load %arg5[%get3A] {strides = array<i32>} : memref<16384xi32, #tpu.memory_space<vmem>>, vector<16xi32>,
        %mul3A_1225 = arith.constant 16 : i32
        %mul3A_1226 = arith.muli %while3A_1220, %mul3A_1225 : i32
        %get3A_1227 = arith.index_cast %mul3A_1226 : i32 to index
        %get3A_1228 = tpu.vector_load %arg6[%get3A_1227] {strides = array<i32>} : memref<16384xi32, #tpu.memory_space<vmem>>, vector<16xi32>,
        %ge3A = vector.broadcast %add3A_716 : i32 to vector<16xi32>
        %ge3A_1229 = arith.cmpi sge, %get3A_1224, %ge3A : vector<16xi32>
        %add3A_1230 = arith.constant 256 : i32
        %add3A_1231 = arith.addi %add3A_716, %add3A_1230 : i32
        %lt3A_1232 = vector.broadcast %add3A_1231 : i32 to vector<16xi32>
        %lt3A_1233 = arith.cmpi slt, %get3A_1224, %lt3A_1232 : vector<16xi32>
        %and3A_1234 = arith.andi %ge3A_1229, %lt3A_1233 : vector<16xi1>
        %mul3A_1235 = arith.constant 16 : i32
        %mul3A_1236 = arith.muli %while3A_1220, %mul3A_1235 : i32
        %add3A_1237 = vector.broadcast %mul3A_1236 : i32 to vector<16xi32>
        %add3A_1238 = arith.addi %iota3A, %add3A_1237 : vector<16xi32>
        %lt3A_1239 = vector.broadcast %scan3A_9 : i32 to vector<16xi32>
        %lt3A_1240 = arith.cmpi slt, %add3A_1238, %lt3A_1239 : vector<16xi32>
        %and3A_1241 = arith.andi %and3A_1234, %lt3A_1240 : vector<16xi1>
        %sub3A_1242 = vector.broadcast %add3A_716 : i32 to vector<16xi32>
        %sub3A_1243 = arith.subi %get3A_1224, %sub3A_1242 : vector<16xi32>
        %shift_left3A = arith.constant 9 : i32
        %shift_left3A_1244 = vector.broadcast %shift_left3A : i32 to vector<16xi32>
        %shift_left3A_1245 = arith.shli %get3A_1228, %shift_left3A_1244 : vector<16xi32>
        %or3A = arith.ori %sub3A_1243, %shift_left3A_1245 : vector<16xi32>
        %swap3A = arith.index_cast %while3A_1221 : i32 to index
        %swap3A_1246 = tpu.vector_load %arg7[%swap3A] masked %and3A_1241 {strides = array<i32>} : memref<16400xi32, #tpu.memory_space<vmem>>, vector<16xi32>, vector<16xi1>
        tpu.vector_store %arg7[%swap3A], %or3A masked %and3A_1241 {strides = array<i32>} : memref<16400xi32, #tpu.memory_space<vmem>>, vector<16xi32>, vector<16xi1>
        %all_reduce_population_count3A = tpu.all_reduce %and3A_1241 {dim = 0 : i64, kind = #tpu.reduction_kind<sum>} : vector<16xi1> -> vector<16xi32>
        %slice3A = vector.extract_strided_slice %all_reduce_population_count3A {offsets = [0], sizes = [1], strides = [1]} : vector<16xi32> to vector<1xi32>
        %squeeze3A = vector.extract %slice3A[0] : i32 from vector<1xi32>
        %add3A_1247 = arith.addi %while3A_1221, %squeeze3A : i32
        scf.yield %add3A_1247 : i32
      }
      %sub3A_861 = arith.subi %add3A_716, %multiple_of3A_722 : i32
      %while3A_862 = arith.constant 0 : i32
      %while3A_863 = arith.subi %while3A_860, %while3A_862 : i32
      %while3A_864 = arith.addi %while3A_862, %while3A_863 : i32
      %while3A_865 = arith.constant 1 : i32
      %while3A_866 = arith.divsi %while3A_863, %while3A_865 : i32
      %while3A_867 = arith.muli %while3A_866, %while3A_865 : i32
      %while3A_868 = arith.addi %while3A_862, %while3A_867 : i32
      %while3A_869 = arith.constant 1 : i32
      %while3A_870 = scf.for %while3A_1220 = %while3A_862 to %while3A_868 step %while3A_869 iter_args(%while3A_1221 = %while3A_705) -> (i32)  : i32 {
        %get3A = arith.index_cast %while3A_1220 : i32 to index
        %get3A_1222 = tpu.vector_load %arg7[%get3A] {strides = array<i32>} : memref<16400xi32, #tpu.memory_space<vmem>>, vector<16xi32>,
        %slice3A = vector.extract_strided_slice %get3A_1222 {offsets = [0], sizes = [1], strides = [1]} : vector<16xi32> to vector<1xi32>
        %squeeze3A = vector.extract %slice3A[0] : i32 from vector<1xi32>
        %and3A_1223 = arith.constant 255 : i32
        %and3A_1224 = arith.andi %squeeze3A, %and3A_1223 : i32
        %add3A_1225 = arith.addi %and3A_1224, %sub3A_861 : i32
        %shift_right_arithmetic3A = arith.constant 9 : i32
        %shift_right_arithmetic3A_1226 = arith.shrsi %squeeze3A, %shift_right_arithmetic3A : i32
        %mul3A_1227 = arith.constant 0 : i32
        %mul3A_1228 = vector.broadcast %mul3A_1227 : i32 to vector<16xi32>
        %mul3A_1229 = arith.muli %iota3A, %mul3A_1228 : vector<16xi32>
        %add3A_1230 = vector.broadcast %add3A_1225 : i32 to vector<16xi32>
        %add3A_1231 = arith.addi %mul3A_1229, %add3A_1230 : vector<16xi32>
        %ge3A = arith.constant 64 : i32
        %ge3A_1232 = arith.cmpi sge, %while3A_1221, %ge3A : i32
        %convert_element_type3A_1233 = arith.extui %ge3A_1232 : i1 to i32
        %cond3A_1234 = arith.constant 0 : i32
        %cond3A_1235 = arith.cmpi ne, %convert_element_type3A_1233, %cond3A_1234 : i32
        scf.if %cond3A_1235 {
          %scan3A_1322 = arith.constant 0 : i32
          %scan3A_1323 = arith.constant 0 : i32
          %scan3A_1324 = arith.constant 64 : i32
          %scan3A_1325 = arith.addi %scan3A_1323, %scan3A_1324 : i32
          %scan3A_1326 = arith.constant 1 : i32
          scf.for %scan3A_1328 = %scan3A_1323 to %scan3A_1325 step %scan3A_1326  : i32 {
            %dma_wait3A_1329 = arith.constant 0 : i32
            %dma_wait3A_1330 = arith.constant 0 : i32
            %dma_wait3A_1331 = tpu.memref_slice %arg9[%dma_wait3A_1329, %dma_wait3A_1330] : memref<64x64xf32, #tpu.memory_space<vmem>> -> memref<1x64xf32, #tpu.memory_space<vmem>>
            %dma_wait3A_1332 = arith.constant 0 : i32
            %dma_wait3A_1333 = arith.constant 0 : i32
            %dma_wait3A_1334 = tpu.memref_slice %arg4[%dma_wait3A_1332, %dma_wait3A_1333] : memref<16384x64xf32, #tpu.memory_space<hbm>> -> memref<1x64xf32, #tpu.memory_space<hbm>>
            %dma_wait3A_1335 = arith.constant 0 : i32
            %dma_wait3A_1336 = arith.constant 0 : i32
            %dma_wait3A_1337 = tpu.memref_slice %arg4[%dma_wait3A_1335, %dma_wait3A_1336] : memref<16384x64xf32, #tpu.memory_space<hbm>> -> memref<1x64xf32, #tpu.memory_space<hbm>>
            %dma_wait3A_1338 = arith.constant 0 : i32
            %dma_wait3A_1339 = arith.constant 0 : i32
            %dma_wait3A_1340 = tpu.memref_slice %arg9[%dma_wait3A_1338, %dma_wait3A_1339] : memref<64x64xf32, #tpu.memory_space<vmem>> -> memref<1x64xf32, #tpu.memory_space<vmem>>
            tpu.wait_dma2 semaphore(%arg14 : memref<!tpu.dma_semaphore, #tpu.memory_space<semaphore_mem>>) src(%dma_wait3A_1340 : memref<1x64xf32, #tpu.memory_space<vmem>>) dst(%dma_wait3A_1337 : memref<1x64xf32, #tpu.memory_space<hbm>>)
          }
          %scan3A_1327 = arith.constant 64 : i32
        } else {
        }
        %jit3A_1236 = arith.constant 0 : i32
        %select_n3A_1237 = arith.select %ge3A_1232, %jit3A_1236, %while3A_1221 : i32
        %add3A_1238 = arith.constant 0 : i32
        %add3A_1239 = vector.broadcast %add3A_1238 : i32 to vector<16xi32>
        %add3A_1240 = arith.addi %iota3A, %add3A_1239 : vector<16xi32>
        %shift_right_arithmetic3A_1241 = arith.constant 3 : i32
        %shift_right_arithmetic3A_1242 = vector.broadcast %shift_right_arithmetic3A_1241 : i32 to vector<16xi32>
        %shift_right_arithmetic3A_1243 = arith.shrsi %add3A_1240, %shift_right_arithmetic3A_1242 : vector<16xi32>
        %and3A_1244 = arith.constant 7 : i32
        %and3A_1245 = vector.broadcast %and3A_1244 : i32 to vector<16xi32>
        %and3A_1246 = arith.andi %add3A_1240, %and3A_1245 : vector<16xi32>
        %gather3A = arith.constant 1 : i32
        %gather3A_1247 = arith.constant 0 : i32
        %gather3A_1248 = arith.constant 0 : i32
        %gather3A_1249 = arith.constant 0 : i32
        %gather3A_1250 = tpu.memref_slice %arg8[%gather3A, %gather3A_1247, %gather3A_1248, %gather3A_1249] : memref<4x8x8x256xf32, #tpu.memory_space<vmem>> -> memref<1x8x8x256xf32, #tpu.memory_space<vmem>>
        %gather3A_1251 = tpu.memref_squeeze %gather3A_1250 : memref<1x8x8x256xf32, #tpu.memory_space<vmem>> -> memref<8x8x256xf32, #tpu.memory_space<vmem>>
        %gather3A_1252 = tpu.vector_load_idx %gather3A_1251[%shift_right_arithmetic3A_1243, %and3A_1246, %add3A_1231] : memref<8x8x256xf32, #tpu.memory_space<vmem>>[vector<16xi32>, vector<16xi32>, vector<16xi32>], vector<16xf32>,
        %swap3A = arith.index_cast %select_n3A_1237 : i32 to index
        %swap3A_1253 = arith.constant 0 : index
        %swap3A_1254 = tpu.vector_load %arg9[%swap3A, %swap3A_1253] {strides = array<i32>} : memref<64x64xf32, #tpu.memory_space<vmem>>, vector<16xf32>,
        tpu.vector_store %arg9[%swap3A, %swap3A_1253], %gather3A_1252 {strides = array<i32>} : memref<64x64xf32, #tpu.memory_space<vmem>>, vector<16xf32>,
        %add3A_1255 = arith.constant 16 : i32
        %add3A_1256 = vector.broadcast %add3A_1255 : i32 to vector<16xi32>
        %add3A_1257 = arith.addi %iota3A, %add3A_1256 : vector<16xi32>
        %shift_right_arithmetic3A_1258 = arith.constant 3 : i32
        %shift_right_arithmetic3A_1259 = vector.broadcast %shift_right_arithmetic3A_1258 : i32 to vector<16xi32>
        %shift_right_arithmetic3A_1260 = arith.shrsi %add3A_1257, %shift_right_arithmetic3A_1259 : vector<16xi32>
        %and3A_1261 = arith.constant 7 : i32
        %and3A_1262 = vector.broadcast %and3A_1261 : i32 to vector<16xi32>
        %and3A_1263 = arith.andi %add3A_1257, %and3A_1262 : vector<16xi32>
        %gather3A_1264 = arith.constant 1 : i32
        %gather3A_1265 = arith.constant 0 : i32
        %gather3A_1266 = arith.constant 0 : i32
        %gather3A_1267 = arith.constant 0 : i32
        %gather3A_1268 = tpu.memref_slice %arg8[%gather3A_1264, %gather3A_1265, %gather3A_1266, %gather3A_1267] : memref<4x8x8x256xf32, #tpu.memory_space<vmem>> -> memref<1x8x8x256xf32, #tpu.memory_space<vmem>>
        %gather3A_1269 = tpu.memref_squeeze %gather3A_1268 : memref<1x8x8x256xf32, #tpu.memory_space<vmem>> -> memref<8x8x256xf32, #tpu.memory_space<vmem>>
        %gather3A_1270 = tpu.vector_load_idx %gather3A_1269[%shift_right_arithmetic3A_1260, %and3A_1263, %add3A_1231] : memref<8x8x256xf32, #tpu.memory_space<vmem>>[vector<16xi32>, vector<16xi32>, vector<16xi32>], vector<16xf32>,
        %swap3A_1271 = arith.index_cast %select_n3A_1237 : i32 to index
        %swap3A_1272 = arith.constant 16 : index
        %swap3A_1273 = tpu.vector_load %arg9[%swap3A_1271, %swap3A_1272] {strides = array<i32>} : memref<64x64xf32, #tpu.memory_space<vmem>>, vector<16xf32>,
        tpu.vector_store %arg9[%swap3A_1271, %swap3A_1272], %gather3A_1270 {strides = array<i32>} : memref<64x64xf32, #tpu.memory_space<vmem>>, vector<16xf32>,
        %add3A_1274 = arith.constant 32 : i32
        %add3A_1275 = vector.broadcast %add3A_1274 : i32 to vector<16xi32>
        %add3A_1276 = arith.addi %iota3A, %add3A_1275 : vector<16xi32>
        %shift_right_arithmetic3A_1277 = arith.constant 3 : i32
        %shift_right_arithmetic3A_1278 = vector.broadcast %shift_right_arithmetic3A_1277 : i32 to vector<16xi32>
        %shift_right_arithmetic3A_1279 = arith.shrsi %add3A_1276, %shift_right_arithmetic3A_1278 : vector<16xi32>
        %and3A_1280 = arith.constant 7 : i32
        %and3A_1281 = vector.broadcast %and3A_1280 : i32 to vector<16xi32>
        %and3A_1282 = arith.andi %add3A_1276, %and3A_1281 : vector<16xi32>
        %gather3A_1283 = arith.constant 1 : i32
        %gather3A_1284 = arith.constant 0 : i32
        %gather3A_1285 = arith.constant 0 : i32
        %gather3A_1286 = arith.constant 0 : i32
        %gather3A_1287 = tpu.memref_slice %arg8[%gather3A_1283, %gather3A_1284, %gather3A_1285, %gather3A_1286] : memref<4x8x8x256xf32, #tpu.memory_space<vmem>> -> memref<1x8x8x256xf32, #tpu.memory_space<vmem>>
        %gather3A_1288 = tpu.memref_squeeze %gather3A_1287 : memref<1x8x8x256xf32, #tpu.memory_space<vmem>> -> memref<8x8x256xf32, #tpu.memory_space<vmem>>
        %gather3A_1289 = tpu.vector_load_idx %gather3A_1288[%shift_right_arithmetic3A_1279, %and3A_1282, %add3A_1231] : memref<8x8x256xf32, #tpu.memory_space<vmem>>[vector<16xi32>, vector<16xi32>, vector<16xi32>], vector<16xf32>,
        %swap3A_1290 = arith.index_cast %select_n3A_1237 : i32 to index
        %swap3A_1291 = arith.constant 32 : index
        %swap3A_1292 = tpu.vector_load %arg9[%swap3A_1290, %swap3A_1291] {strides = array<i32>} : memref<64x64xf32, #tpu.memory_space<vmem>>, vector<16xf32>,
        tpu.vector_store %arg9[%swap3A_1290, %swap3A_1291], %gather3A_1289 {strides = array<i32>} : memref<64x64xf32, #tpu.memory_space<vmem>>, vector<16xf32>,
        %add3A_1293 = arith.constant 48 : i32
        %add3A_1294 = vector.broadcast %add3A_1293 : i32 to vector<16xi32>
        %add3A_1295 = arith.addi %iota3A, %add3A_1294 : vector<16xi32>
        %shift_right_arithmetic3A_1296 = arith.constant 3 : i32
        %shift_right_arithmetic3A_1297 = vector.broadcast %shift_right_arithmetic3A_1296 : i32 to vector<16xi32>
        %shift_right_arithmetic3A_1298 = arith.shrsi %add3A_1295, %shift_right_arithmetic3A_1297 : vector<16xi32>
        %and3A_1299 = arith.constant 7 : i32
        %and3A_1300 = vector.broadcast %and3A_1299 : i32 to vector<16xi32>
        %and3A_1301 = arith.andi %add3A_1295, %and3A_1300 : vector<16xi32>
        %gather3A_1302 = arith.constant 1 : i32
        %gather3A_1303 = arith.constant 0 : i32
        %gather3A_1304 = arith.constant 0 : i32
        %gather3A_1305 = arith.constant 0 : i32
        %gather3A_1306 = tpu.memref_slice %arg8[%gather3A_1302, %gather3A_1303, %gather3A_1304, %gather3A_1305] : memref<4x8x8x256xf32, #tpu.memory_space<vmem>> -> memref<1x8x8x256xf32, #tpu.memory_space<vmem>>
        %gather3A_1307 = tpu.memref_squeeze %gather3A_1306 : memref<1x8x8x256xf32, #tpu.memory_space<vmem>> -> memref<8x8x256xf32, #tpu.memory_space<vmem>>
        %gather3A_1308 = tpu.vector_load_idx %gather3A_1307[%shift_right_arithmetic3A_1298, %and3A_1301, %add3A_1231] : memref<8x8x256xf32, #tpu.memory_space<vmem>>[vector<16xi32>, vector<16xi32>, vector<16xi32>], vector<16xf32>,
        %swap3A_1309 = arith.index_cast %select_n3A_1237 : i32 to index
        %swap3A_1310 = arith.constant 48 : index
        %swap3A_1311 = tpu.vector_load %arg9[%swap3A_1309, %swap3A_1310] {strides = array<i32>} : memref<64x64xf32, #tpu.memory_space<vmem>>, vector<16xf32>,
        tpu.vector_store %arg9[%swap3A_1309, %swap3A_1310], %gather3A_1308 {strides = array<i32>} : memref<64x64xf32, #tpu.memory_space<vmem>>, vector<16xf32>,
        %dma_start3A_1312 = arith.constant 0 : i32
        %dma_start3A_1313 = tpu.memref_slice %arg9[%select_n3A_1237, %dma_start3A_1312] : memref<64x64xf32, #tpu.memory_space<vmem>> -> memref<1x64xf32, #tpu.memory_space<vmem>>
        %dma_start3A_1314 = arith.constant 0 : i32
        %dma_start3A_1315 = tpu.memref_slice %arg4[%shift_right_arithmetic3A_1226, %dma_start3A_1314] : memref<16384x64xf32, #tpu.memory_space<hbm>> -> memref<1x64xf32, #tpu.memory_space<hbm>>
        %dma_start3A_1316 = arith.constant 0 : i32
        %dma_start3A_1317 = tpu.memref_slice %arg4[%shift_right_arithmetic3A_1226, %dma_start3A_1316] : memref<16384x64xf32, #tpu.memory_space<hbm>> -> memref<1x64xf32, #tpu.memory_space<hbm>>
        %dma_start3A_1318 = arith.constant 0 : i32
        %dma_start3A_1319 = tpu.memref_slice %arg9[%select_n3A_1237, %dma_start3A_1318] : memref<64x64xf32, #tpu.memory_space<vmem>> -> memref<1x64xf32, #tpu.memory_space<vmem>>
        tpu.enqueue_dma source(%dma_start3A_1319 : memref<1x64xf32, #tpu.memory_space<vmem>>) target(%dma_start3A_1317 : memref<1x64xf32, #tpu.memory_space<hbm>>) target_semaphore(%arg14 : memref<!tpu.dma_semaphore, #tpu.memory_space<semaphore_mem>>)
        %add3A_1320 = arith.constant 1 : i32
        %add3A_1321 = arith.addi %select_n3A_1237, %add3A_1320 : i32
        scf.yield %add3A_1321 : i32
      }
      %while3A_871 = arith.constant 1 : i32
      %while3A_872 = scf.for %while3A_1220 = %while3A_868 to %while3A_864 step %while3A_871 iter_args(%while3A_1221 = %while3A_870) -> (i32)  : i32 {
        %get3A = arith.index_cast %while3A_1220 : i32 to index
        %get3A_1222 = tpu.vector_load %arg7[%get3A] {strides = array<i32>} : memref<16400xi32, #tpu.memory_space<vmem>>, vector<16xi32>,
        %slice3A = vector.extract_strided_slice %get3A_1222 {offsets = [0], sizes = [1], strides = [1]} : vector<16xi32> to vector<1xi32>
        %squeeze3A = vector.extract %slice3A[0] : i32 from vector<1xi32>
        %and3A_1223 = arith.constant 255 : i32
        %and3A_1224 = arith.andi %squeeze3A, %and3A_1223 : i32
        %add3A_1225 = arith.addi %and3A_1224, %sub3A_861 : i32
        %shift_right_arithmetic3A = arith.constant 9 : i32
        %shift_right_arithmetic3A_1226 = arith.shrsi %squeeze3A, %shift_right_arithmetic3A : i32
        %mul3A_1227 = arith.constant 0 : i32
        %mul3A_1228 = vector.broadcast %mul3A_1227 : i32 to vector<16xi32>
        %mul3A_1229 = arith.muli %iota3A, %mul3A_1228 : vector<16xi32>
        %add3A_1230 = vector.broadcast %add3A_1225 : i32 to vector<16xi32>
        %add3A_1231 = arith.addi %mul3A_1229, %add3A_1230 : vector<16xi32>
        %ge3A = arith.constant 64 : i32
        %ge3A_1232 = arith.cmpi sge, %while3A_1221, %ge3A : i32
        %convert_element_type3A_1233 = arith.extui %ge3A_1232 : i1 to i32
        %cond3A_1234 = arith.constant 0 : i32
        %cond3A_1235 = arith.cmpi ne, %convert_element_type3A_1233, %cond3A_1234 : i32
        scf.if %cond3A_1235 {
          %scan3A_1322 = arith.constant 0 : i32
          %scan3A_1323 = arith.constant 0 : i32
          %scan3A_1324 = arith.constant 64 : i32
          %scan3A_1325 = arith.addi %scan3A_1323, %scan3A_1324 : i32
          %scan3A_1326 = arith.constant 1 : i32
          scf.for %scan3A_1328 = %scan3A_1323 to %scan3A_1325 step %scan3A_1326  : i32 {
            %dma_wait3A_1329 = arith.constant 0 : i32
            %dma_wait3A_1330 = arith.constant 0 : i32
            %dma_wait3A_1331 = tpu.memref_slice %arg9[%dma_wait3A_1329, %dma_wait3A_1330] : memref<64x64xf32, #tpu.memory_space<vmem>> -> memref<1x64xf32, #tpu.memory_space<vmem>>
            %dma_wait3A_1332 = arith.constant 0 : i32
            %dma_wait3A_1333 = arith.constant 0 : i32
            %dma_wait3A_1334 = tpu.memref_slice %arg4[%dma_wait3A_1332, %dma_wait3A_1333] : memref<16384x64xf32, #tpu.memory_space<hbm>> -> memref<1x64xf32, #tpu.memory_space<hbm>>
            %dma_wait3A_1335 = arith.constant 0 : i32
            %dma_wait3A_1336 = arith.constant 0 : i32
            %dma_wait3A_1337 = tpu.memref_slice %arg4[%dma_wait3A_1335, %dma_wait3A_1336] : memref<16384x64xf32, #tpu.memory_space<hbm>> -> memref<1x64xf32, #tpu.memory_space<hbm>>
            %dma_wait3A_1338 = arith.constant 0 : i32
            %dma_wait3A_1339 = arith.constant 0 : i32
            %dma_wait3A_1340 = tpu.memref_slice %arg9[%dma_wait3A_1338, %dma_wait3A_1339] : memref<64x64xf32, #tpu.memory_space<vmem>> -> memref<1x64xf32, #tpu.memory_space<vmem>>
            tpu.wait_dma2 semaphore(%arg14 : memref<!tpu.dma_semaphore, #tpu.memory_space<semaphore_mem>>) src(%dma_wait3A_1340 : memref<1x64xf32, #tpu.memory_space<vmem>>) dst(%dma_wait3A_1337 : memref<1x64xf32, #tpu.memory_space<hbm>>)
          }
          %scan3A_1327 = arith.constant 64 : i32
        } else {
        }
        %jit3A_1236 = arith.constant 0 : i32
        %select_n3A_1237 = arith.select %ge3A_1232, %jit3A_1236, %while3A_1221 : i32
        %add3A_1238 = arith.constant 0 : i32
        %add3A_1239 = vector.broadcast %add3A_1238 : i32 to vector<16xi32>
        %add3A_1240 = arith.addi %iota3A, %add3A_1239 : vector<16xi32>
        %shift_right_arithmetic3A_1241 = arith.constant 3 : i32
        %shift_right_arithmetic3A_1242 = vector.broadcast %shift_right_arithmetic3A_1241 : i32 to vector<16xi32>
        %shift_right_arithmetic3A_1243 = arith.shrsi %add3A_1240, %shift_right_arithmetic3A_1242 : vector<16xi32>
        %and3A_1244 = arith.constant 7 : i32
        %and3A_1245 = vector.broadcast %and3A_1244 : i32 to vector<16xi32>
        %and3A_1246 = arith.andi %add3A_1240, %and3A_1245 : vector<16xi32>
        %gather3A = arith.constant 1 : i32
        %gather3A_1247 = arith.constant 0 : i32
        %gather3A_1248 = arith.constant 0 : i32
        %gather3A_1249 = arith.constant 0 : i32
        %gather3A_1250 = tpu.memref_slice %arg8[%gather3A, %gather3A_1247, %gather3A_1248, %gather3A_1249] : memref<4x8x8x256xf32, #tpu.memory_space<vmem>> -> memref<1x8x8x256xf32, #tpu.memory_space<vmem>>
        %gather3A_1251 = tpu.memref_squeeze %gather3A_1250 : memref<1x8x8x256xf32, #tpu.memory_space<vmem>> -> memref<8x8x256xf32, #tpu.memory_space<vmem>>
        %gather3A_1252 = tpu.vector_load_idx %gather3A_1251[%shift_right_arithmetic3A_1243, %and3A_1246, %add3A_1231] : memref<8x8x256xf32, #tpu.memory_space<vmem>>[vector<16xi32>, vector<16xi32>, vector<16xi32>], vector<16xf32>,
        %swap3A = arith.index_cast %select_n3A_1237 : i32 to index
        %swap3A_1253 = arith.constant 0 : index
        %swap3A_1254 = tpu.vector_load %arg9[%swap3A, %swap3A_1253] {strides = array<i32>} : memref<64x64xf32, #tpu.memory_space<vmem>>, vector<16xf32>,
        tpu.vector_store %arg9[%swap3A, %swap3A_1253], %gather3A_1252 {strides = array<i32>} : memref<64x64xf32, #tpu.memory_space<vmem>>, vector<16xf32>,
        %add3A_1255 = arith.constant 16 : i32
        %add3A_1256 = vector.broadcast %add3A_1255 : i32 to vector<16xi32>
        %add3A_1257 = arith.addi %iota3A, %add3A_1256 : vector<16xi32>
        %shift_right_arithmetic3A_1258 = arith.constant 3 : i32
        %shift_right_arithmetic3A_1259 = vector.broadcast %shift_right_arithmetic3A_1258 : i32 to vector<16xi32>
        %shift_right_arithmetic3A_1260 = arith.shrsi %add3A_1257, %shift_right_arithmetic3A_1259 : vector<16xi32>
        %and3A_1261 = arith.constant 7 : i32
        %and3A_1262 = vector.broadcast %and3A_1261 : i32 to vector<16xi32>
        %and3A_1263 = arith.andi %add3A_1257, %and3A_1262 : vector<16xi32>
        %gather3A_1264 = arith.constant 1 : i32
        %gather3A_1265 = arith.constant 0 : i32
        %gather3A_1266 = arith.constant 0 : i32
        %gather3A_1267 = arith.constant 0 : i32
        %gather3A_1268 = tpu.memref_slice %arg8[%gather3A_1264, %gather3A_1265, %gather3A_1266, %gather3A_1267] : memref<4x8x8x256xf32, #tpu.memory_space<vmem>> -> memref<1x8x8x256xf32, #tpu.memory_space<vmem>>
        %gather3A_1269 = tpu.memref_squeeze %gather3A_1268 : memref<1x8x8x256xf32, #tpu.memory_space<vmem>> -> memref<8x8x256xf32, #tpu.memory_space<vmem>>
        %gather3A_1270 = tpu.vector_load_idx %gather3A_1269[%shift_right_arithmetic3A_1260, %and3A_1263, %add3A_1231] : memref<8x8x256xf32, #tpu.memory_space<vmem>>[vector<16xi32>, vector<16xi32>, vector<16xi32>], vector<16xf32>,
        %swap3A_1271 = arith.index_cast %select_n3A_1237 : i32 to index
        %swap3A_1272 = arith.constant 16 : index
        %swap3A_1273 = tpu.vector_load %arg9[%swap3A_1271, %swap3A_1272] {strides = array<i32>} : memref<64x64xf32, #tpu.memory_space<vmem>>, vector<16xf32>,
        tpu.vector_store %arg9[%swap3A_1271, %swap3A_1272], %gather3A_1270 {strides = array<i32>} : memref<64x64xf32, #tpu.memory_space<vmem>>, vector<16xf32>,
        %add3A_1274 = arith.constant 32 : i32
        %add3A_1275 = vector.broadcast %add3A_1274 : i32 to vector<16xi32>
        %add3A_1276 = arith.addi %iota3A, %add3A_1275 : vector<16xi32>
        %shift_right_arithmetic3A_1277 = arith.constant 3 : i32
        %shift_right_arithmetic3A_1278 = vector.broadcast %shift_right_arithmetic3A_1277 : i32 to vector<16xi32>
        %shift_right_arithmetic3A_1279 = arith.shrsi %add3A_1276, %shift_right_arithmetic3A_1278 : vector<16xi32>
        %and3A_1280 = arith.constant 7 : i32
        %and3A_1281 = vector.broadcast %and3A_1280 : i32 to vector<16xi32>
        %and3A_1282 = arith.andi %add3A_1276, %and3A_1281 : vector<16xi32>
        %gather3A_1283 = arith.constant 1 : i32
        %gather3A_1284 = arith.constant 0 : i32
        %gather3A_1285 = arith.constant 0 : i32
        %gather3A_1286 = arith.constant 0 : i32
        %gather3A_1287 = tpu.memref_slice %arg8[%gather3A_1283, %gather3A_1284, %gather3A_1285, %gather3A_1286] : memref<4x8x8x256xf32, #tpu.memory_space<vmem>> -> memref<1x8x8x256xf32, #tpu.memory_space<vmem>>
        %gather3A_1288 = tpu.memref_squeeze %gather3A_1287 : memref<1x8x8x256xf32, #tpu.memory_space<vmem>> -> memref<8x8x256xf32, #tpu.memory_space<vmem>>
        %gather3A_1289 = tpu.vector_load_idx %gather3A_1288[%shift_right_arithmetic3A_1279, %and3A_1282, %add3A_1231] : memref<8x8x256xf32, #tpu.memory_space<vmem>>[vector<16xi32>, vector<16xi32>, vector<16xi32>], vector<16xf32>,
        %swap3A_1290 = arith.index_cast %select_n3A_1237 : i32 to index
        %swap3A_1291 = arith.constant 32 : index
        %swap3A_1292 = tpu.vector_load %arg9[%swap3A_1290, %swap3A_1291] {strides = array<i32>} : memref<64x64xf32, #tpu.memory_space<vmem>>, vector<16xf32>,
        tpu.vector_store %arg9[%swap3A_1290, %swap3A_1291], %gather3A_1289 {strides = array<i32>} : memref<64x64xf32, #tpu.memory_space<vmem>>, vector<16xf32>,
        %add3A_1293 = arith.constant 48 : i32
        %add3A_1294 = vector.broadcast %add3A_1293 : i32 to vector<16xi32>
        %add3A_1295 = arith.addi %iota3A, %add3A_1294 : vector<16xi32>
        %shift_right_arithmetic3A_1296 = arith.constant 3 : i32
        %shift_right_arithmetic3A_1297 = vector.broadcast %shift_right_arithmetic3A_1296 : i32 to vector<16xi32>
        %shift_right_arithmetic3A_1298 = arith.shrsi %add3A_1295, %shift_right_arithmetic3A_1297 : vector<16xi32>
        %and3A_1299 = arith.constant 7 : i32
        %and3A_1300 = vector.broadcast %and3A_1299 : i32 to vector<16xi32>
        %and3A_1301 = arith.andi %add3A_1295, %and3A_1300 : vector<16xi32>
        %gather3A_1302 = arith.constant 1 : i32
        %gather3A_1303 = arith.constant 0 : i32
        %gather3A_1304 = arith.constant 0 : i32
        %gather3A_1305 = arith.constant 0 : i32
        %gather3A_1306 = tpu.memref_slice %arg8[%gather3A_1302, %gather3A_1303, %gather3A_1304, %gather3A_1305] : memref<4x8x8x256xf32, #tpu.memory_space<vmem>> -> memref<1x8x8x256xf32, #tpu.memory_space<vmem>>
        %gather3A_1307 = tpu.memref_squeeze %gather3A_1306 : memref<1x8x8x256xf32, #tpu.memory_space<vmem>> -> memref<8x8x256xf32, #tpu.memory_space<vmem>>
        %gather3A_1308 = tpu.vector_load_idx %gather3A_1307[%shift_right_arithmetic3A_1298, %and3A_1301, %add3A_1231] : memref<8x8x256xf32, #tpu.memory_space<vmem>>[vector<16xi32>, vector<16xi32>, vector<16xi32>], vector<16xf32>,
        %swap3A_1309 = arith.index_cast %select_n3A_1237 : i32 to index
        %swap3A_1310 = arith.constant 48 : index
        %swap3A_1311 = tpu.vector_load %arg9[%swap3A_1309, %swap3A_1310] {strides = array<i32>} : memref<64x64xf32, #tpu.memory_space<vmem>>, vector<16xf32>,
        tpu.vector_store %arg9[%swap3A_1309, %swap3A_1310], %gather3A_1308 {strides = array<i32>} : memref<64x64xf32, #tpu.memory_space<vmem>>, vector<16xf32>,
        %dma_start3A_1312 = arith.constant 0 : i32
        %dma_start3A_1313 = tpu.memref_slice %arg9[%select_n3A_1237, %dma_start3A_1312] : memref<64x64xf32, #tpu.memory_space<vmem>> -> memref<1x64xf32, #tpu.memory_space<vmem>>
        %dma_start3A_1314 = arith.constant 0 : i32
        %dma_start3A_1315 = tpu.memref_slice %arg4[%shift_right_arithmetic3A_1226, %dma_start3A_1314] : memref<16384x64xf32, #tpu.memory_space<hbm>> -> memref<1x64xf32, #tpu.memory_space<hbm>>
        %dma_start3A_1316 = arith.constant 0 : i32
        %dma_start3A_1317 = tpu.memref_slice %arg4[%shift_right_arithmetic3A_1226, %dma_start3A_1316] : memref<16384x64xf32, #tpu.memory_space<hbm>> -> memref<1x64xf32, #tpu.memory_space<hbm>>
        %dma_start3A_1318 = arith.constant 0 : i32
        %dma_start3A_1319 = tpu.memref_slice %arg9[%select_n3A_1237, %dma_start3A_1318] : memref<64x64xf32, #tpu.memory_space<vmem>> -> memref<1x64xf32, #tpu.memory_space<vmem>>
        tpu.enqueue_dma source(%dma_start3A_1319 : memref<1x64xf32, #tpu.memory_space<vmem>>) target(%dma_start3A_1317 : memref<1x64xf32, #tpu.memory_space<hbm>>) target_semaphore(%arg14 : memref<!tpu.dma_semaphore, #tpu.memory_space<semaphore_mem>>)
        %add3A_1320 = arith.constant 1 : i32
        %add3A_1321 = arith.addi %select_n3A_1237, %add3A_1320 : i32
        scf.yield %add3A_1321 : i32
      }
      %add3A_873 = arith.constant 4 : i32
      %add3A_874 = arith.addi %add3A_713, %add3A_873 : i32
      %lt3A_875 = arith.constant 124 : i32
      %lt3A_876 = arith.cmpi slt, %add3A_874, %lt3A_875 : i32
      %convert_element_type3A_877 = arith.extui %lt3A_876 : i1 to i32
      %cond3A_878 = arith.constant 0 : i32
      %cond3A_879 = arith.cmpi ne, %convert_element_type3A_877, %cond3A_878 : i32
      scf.if %cond3A_879 {
        %mul3A_1220 = arith.constant 256 : i32
        %mul3A_1221 = arith.muli %add3A_874, %mul3A_1220 : i32
        %add3A_1222 = arith.addi %mul3A_2, %mul3A_1221 : i32
        %min3A_1223 = arith.constant 999808 : i32
        %min3A_1224 = arith.minsi %add3A_1222, %min3A_1223 : i32
        %multiple_of3A_1225 = tpu.assume_multiple %min3A_1224, 128 : i32
        %multiple_of3A_1226 = tpu.assume_multiple %multiple_of3A_1225, 128 : i32
        %dma_start3A_1227 = arith.constant 1 : i32
        %dma_start3A_1228 = arith.constant 0 : i32
        %dma_start3A_1229 = arith.constant 0 : i32
        %dma_start3A_1230 = arith.constant 0 : i32
        %dma_start3A_1231 = tpu.memref_slice %arg8[%dma_start3A_1227, %dma_start3A_1228, %dma_start3A_1229, %dma_start3A_1230] : memref<4x8x8x256xf32, #tpu.memory_space<vmem>> -> memref<1x1x8x256xf32, #tpu.memory_space<vmem>>
        %dma_start3A_1232 = tpu.memref_squeeze %dma_start3A_1231 : memref<1x1x8x256xf32, #tpu.memory_space<vmem>> -> memref<8x256xf32, #tpu.memory_space<vmem>>
        %dma_start3A_1233 = arith.constant 0 : i32
        %dma_start3A_1234 = tpu.memref_slice %arg2[%dma_start3A_1233, %multiple_of3A_1226] : memref<64x1000001xf32, #tpu.memory_space<hbm>> -> memref<8x256xf32, #tpu.memory_space<hbm>>
        %dma_start3A_1235 = arith.constant 0 : i32
        %dma_start3A_1236 = arith.constant 0 : i32
        %dma_start3A_1237 = tpu.memref_slice %arg8[%dma_start3A_1227, %dma_start3A_1228, %dma_start3A_1235, %dma_start3A_1236] : memref<4x8x8x256xf32, #tpu.memory_space<vmem>> -> memref<1x1x8x256xf32, #tpu.memory_space<vmem>>
        %dma_start3A_1238 = tpu.memref_squeeze %dma_start3A_1237 : memref<1x1x8x256xf32, #tpu.memory_space<vmem>> -> memref<8x256xf32, #tpu.memory_space<vmem>>
        %dma_start3A_1239 = arith.constant 0 : i32
        %dma_start3A_1240 = tpu.memref_slice %arg2[%dma_start3A_1239, %multiple_of3A_1226] : memref<64x1000001xf32, #tpu.memory_space<hbm>> -> memref<8x256xf32, #tpu.memory_space<hbm>>
        tpu.enqueue_dma source(%dma_start3A_1240 : memref<8x256xf32, #tpu.memory_space<hbm>>) target(%dma_start3A_1238 : memref<8x256xf32, #tpu.memory_space<vmem>>) target_semaphore(%arg11 : memref<!tpu.dma_semaphore, #tpu.memory_space<semaphore_mem>>)
        %multiple_of3A_1241 = tpu.assume_multiple %multiple_of3A_1225, 128 : i32
        %dma_start3A_1242 = arith.constant 1 : i32
        %dma_start3A_1243 = arith.constant 1 : i32
        %dma_start3A_1244 = arith.constant 0 : i32
        %dma_start3A_1245 = arith.constant 0 : i32
        %dma_start3A_1246 = tpu.memref_slice %arg8[%dma_start3A_1242, %dma_start3A_1243, %dma_start3A_1244, %dma_start3A_1245] : memref<4x8x8x256xf32, #tpu.memory_space<vmem>> -> memref<1x1x8x256xf32, #tpu.memory_space<vmem>>
        %dma_start3A_1247 = tpu.memref_squeeze %dma_start3A_1246 : memref<1x1x8x256xf32, #tpu.memory_space<vmem>> -> memref<8x256xf32, #tpu.memory_space<vmem>>
        %dma_start3A_1248 = arith.constant 8 : i32
        %dma_start3A_1249 = tpu.memref_slice %arg2[%dma_start3A_1248, %multiple_of3A_1241] : memref<64x1000001xf32, #tpu.memory_space<hbm>> -> memref<8x256xf32, #tpu.memory_space<hbm>>
        %dma_start3A_1250 = arith.constant 0 : i32
        %dma_start3A_1251 = arith.constant 0 : i32
        %dma_start3A_1252 = tpu.memref_slice %arg8[%dma_start3A_1242, %dma_start3A_1243, %dma_start3A_1250, %dma_start3A_1251] : memref<4x8x8x256xf32, #tpu.memory_space<vmem>> -> memref<1x1x8x256xf32, #tpu.memory_space<vmem>>
        %dma_start3A_1253 = tpu.memref_squeeze %dma_start3A_1252 : memref<1x1x8x256xf32, #tpu.memory_space<vmem>> -> memref<8x256xf32, #tpu.memory_space<vmem>>
        %dma_start3A_1254 = arith.constant 8 : i32
        %dma_start3A_1255 = tpu.memref_slice %arg2[%dma_start3A_1254, %multiple_of3A_1241] : memref<64x1000001xf32, #tpu.memory_space<hbm>> -> memref<8x256xf32, #tpu.memory_space<hbm>>
        tpu.enqueue_dma source(%dma_start3A_1255 : memref<8x256xf32, #tpu.memory_space<hbm>>) target(%dma_start3A_1253 : memref<8x256xf32, #tpu.memory_space<vmem>>) target_semaphore(%arg11 : memref<!tpu.dma_semaphore, #tpu.memory_space<semaphore_mem>>)
        %multiple_of3A_1256 = tpu.assume_multiple %multiple_of3A_1225, 128 : i32
        %dma_start3A_1257 = arith.constant 1 : i32
        %dma_start3A_1258 = arith.constant 2 : i32
        %dma_start3A_1259 = arith.constant 0 : i32
        %dma_start3A_1260 = arith.constant 0 : i32
        %dma_start3A_1261 = tpu.memref_slice %arg8[%dma_start3A_1257, %dma_start3A_1258, %dma_start3A_1259, %dma_start3A_1260] : memref<4x8x8x256xf32, #tpu.memory_space<vmem>> -> memref<1x1x8x256xf32, #tpu.memory_space<vmem>>
        %dma_start3A_1262 = tpu.memref_squeeze %dma_start3A_1261 : memref<1x1x8x256xf32, #tpu.memory_space<vmem>> -> memref<8x256xf32, #tpu.memory_space<vmem>>
        %dma_start3A_1263 = arith.constant 16 : i32
        %dma_start3A_1264 = tpu.memref_slice %arg2[%dma_start3A_1263, %multiple_of3A_1256] : memref<64x1000001xf32, #tpu.memory_space<hbm>> -> memref<8x256xf32, #tpu.memory_space<hbm>>
        %dma_start3A_1265 = arith.constant 0 : i32
        %dma_start3A_1266 = arith.constant 0 : i32
        %dma_start3A_1267 = tpu.memref_slice %arg8[%dma_start3A_1257, %dma_start3A_1258, %dma_start3A_1265, %dma_start3A_1266] : memref<4x8x8x256xf32, #tpu.memory_space<vmem>> -> memref<1x1x8x256xf32, #tpu.memory_space<vmem>>
        %dma_start3A_1268 = tpu.memref_squeeze %dma_start3A_1267 : memref<1x1x8x256xf32, #tpu.memory_space<vmem>> -> memref<8x256xf32, #tpu.memory_space<vmem>>
        %dma_start3A_1269 = arith.constant 16 : i32
        %dma_start3A_1270 = tpu.memref_slice %arg2[%dma_start3A_1269, %multiple_of3A_1256] : memref<64x1000001xf32, #tpu.memory_space<hbm>> -> memref<8x256xf32, #tpu.memory_space<hbm>>
        tpu.enqueue_dma source(%dma_start3A_1270 : memref<8x256xf32, #tpu.memory_space<hbm>>) target(%dma_start3A_1268 : memref<8x256xf32, #tpu.memory_space<vmem>>) target_semaphore(%arg11 : memref<!tpu.dma_semaphore, #tpu.memory_space<semaphore_mem>>)
        %multiple_of3A_1271 = tpu.assume_multiple %multiple_of3A_1225, 128 : i32
        %dma_start3A_1272 = arith.constant 1 : i32
        %dma_start3A_1273 = arith.constant 3 : i32
        %dma_start3A_1274 = arith.constant 0 : i32
        %dma_start3A_1275 = arith.constant 0 : i32
        %dma_start3A_1276 = tpu.memref_slice %arg8[%dma_start3A_1272, %dma_start3A_1273, %dma_start3A_1274, %dma_start3A_1275] : memref<4x8x8x256xf32, #tpu.memory_space<vmem>> -> memref<1x1x8x256xf32, #tpu.memory_space<vmem>>
        %dma_start3A_1277 = tpu.memref_squeeze %dma_start3A_1276 : memref<1x1x8x256xf32, #tpu.memory_space<vmem>> -> memref<8x256xf32, #tpu.memory_space<vmem>>
        %dma_start3A_1278 = arith.constant 24 : i32
        %dma_start3A_1279 = tpu.memref_slice %arg2[%dma_start3A_1278, %multiple_of3A_1271] : memref<64x1000001xf32, #tpu.memory_space<hbm>> -> memref<8x256xf32, #tpu.memory_space<hbm>>
        %dma_start3A_1280 = arith.constant 0 : i32
        %dma_start3A_1281 = arith.constant 0 : i32
        %dma_start3A_1282 = tpu.memref_slice %arg8[%dma_start3A_1272, %dma_start3A_1273, %dma_start3A_1280, %dma_start3A_1281] : memref<4x8x8x256xf32, #tpu.memory_space<vmem>> -> memref<1x1x8x256xf32, #tpu.memory_space<vmem>>
        %dma_start3A_1283 = tpu.memref_squeeze %dma_start3A_1282 : memref<1x1x8x256xf32, #tpu.memory_space<vmem>> -> memref<8x256xf32, #tpu.memory_space<vmem>>
        %dma_start3A_1284 = arith.constant 24 : i32
        %dma_start3A_1285 = tpu.memref_slice %arg2[%dma_start3A_1284, %multiple_of3A_1271] : memref<64x1000001xf32, #tpu.memory_space<hbm>> -> memref<8x256xf32, #tpu.memory_space<hbm>>
        tpu.enqueue_dma source(%dma_start3A_1285 : memref<8x256xf32, #tpu.memory_space<hbm>>) target(%dma_start3A_1283 : memref<8x256xf32, #tpu.memory_space<vmem>>) target_semaphore(%arg11 : memref<!tpu.dma_semaphore, #tpu.memory_space<semaphore_mem>>)
        %multiple_of3A_1286 = tpu.assume_multiple %multiple_of3A_1225, 128 : i32
        %dma_start3A_1287 = arith.constant 1 : i32
        %dma_start3A_1288 = arith.constant 4 : i32
        %dma_start3A_1289 = arith.constant 0 : i32
        %dma_start3A_1290 = arith.constant 0 : i32
        %dma_start3A_1291 = tpu.memref_slice %arg8[%dma_start3A_1287, %dma_start3A_1288, %dma_start3A_1289, %dma_start3A_1290] : memref<4x8x8x256xf32, #tpu.memory_space<vmem>> -> memref<1x1x8x256xf32, #tpu.memory_space<vmem>>
        %dma_start3A_1292 = tpu.memref_squeeze %dma_start3A_1291 : memref<1x1x8x256xf32, #tpu.memory_space<vmem>> -> memref<8x256xf32, #tpu.memory_space<vmem>>
        %dma_start3A_1293 = arith.constant 32 : i32
        %dma_start3A_1294 = tpu.memref_slice %arg2[%dma_start3A_1293, %multiple_of3A_1286] : memref<64x1000001xf32, #tpu.memory_space<hbm>> -> memref<8x256xf32, #tpu.memory_space<hbm>>
        %dma_start3A_1295 = arith.constant 0 : i32
        %dma_start3A_1296 = arith.constant 0 : i32
        %dma_start3A_1297 = tpu.memref_slice %arg8[%dma_start3A_1287, %dma_start3A_1288, %dma_start3A_1295, %dma_start3A_1296] : memref<4x8x8x256xf32, #tpu.memory_space<vmem>> -> memref<1x1x8x256xf32, #tpu.memory_space<vmem>>
        %dma_start3A_1298 = tpu.memref_squeeze %dma_start3A_1297 : memref<1x1x8x256xf32, #tpu.memory_space<vmem>> -> memref<8x256xf32, #tpu.memory_space<vmem>>
        %dma_start3A_1299 = arith.constant 32 : i32
        %dma_start3A_1300 = tpu.memref_slice %arg2[%dma_start3A_1299, %multiple_of3A_1286] : memref<64x1000001xf32, #tpu.memory_space<hbm>> -> memref<8x256xf32, #tpu.memory_space<hbm>>
        tpu.enqueue_dma source(%dma_start3A_1300 : memref<8x256xf32, #tpu.memory_space<hbm>>) target(%dma_start3A_1298 : memref<8x256xf32, #tpu.memory_space<vmem>>) target_semaphore(%arg11 : memref<!tpu.dma_semaphore, #tpu.memory_space<semaphore_mem>>)
        %multiple_of3A_1301 = tpu.assume_multiple %multiple_of3A_1225, 128 : i32
        %dma_start3A_1302 = arith.constant 1 : i32
        %dma_start3A_1303 = arith.constant 5 : i32
        %dma_start3A_1304 = arith.constant 0 : i32
        %dma_start3A_1305 = arith.constant 0 : i32
        %dma_start3A_1306 = tpu.memref_slice %arg8[%dma_start3A_1302, %dma_start3A_1303, %dma_start3A_1304, %dma_start3A_1305] : memref<4x8x8x256xf32, #tpu.memory_space<vmem>> -> memref<1x1x8x256xf32, #tpu.memory_space<vmem>>
        %dma_start3A_1307 = tpu.memref_squeeze %dma_start3A_1306 : memref<1x1x8x256xf32, #tpu.memory_space<vmem>> -> memref<8x256xf32, #tpu.memory_space<vmem>>
        %dma_start3A_1308 = arith.constant 40 : i32
        %dma_start3A_1309 = tpu.memref_slice %arg2[%dma_start3A_1308, %multiple_of3A_1301] : memref<64x1000001xf32, #tpu.memory_space<hbm>> -> memref<8x256xf32, #tpu.memory_space<hbm>>
        %dma_start3A_1310 = arith.constant 0 : i32
        %dma_start3A_1311 = arith.constant 0 : i32
        %dma_start3A_1312 = tpu.memref_slice %arg8[%dma_start3A_1302, %dma_start3A_1303, %dma_start3A_1310, %dma_start3A_1311] : memref<4x8x8x256xf32, #tpu.memory_space<vmem>> -> memref<1x1x8x256xf32, #tpu.memory_space<vmem>>
        %dma_start3A_1313 = tpu.memref_squeeze %dma_start3A_1312 : memref<1x1x8x256xf32, #tpu.memory_space<vmem>> -> memref<8x256xf32, #tpu.memory_space<vmem>>
        %dma_start3A_1314 = arith.constant 40 : i32
        %dma_start3A_1315 = tpu.memref_slice %arg2[%dma_start3A_1314, %multiple_of3A_1301] : memref<64x1000001xf32, #tpu.memory_space<hbm>> -> memref<8x256xf32, #tpu.memory_space<hbm>>
        tpu.enqueue_dma source(%dma_start3A_1315 : memref<8x256xf32, #tpu.memory_space<hbm>>) target(%dma_start3A_1313 : memref<8x256xf32, #tpu.memory_space<vmem>>) target_semaphore(%arg11 : memref<!tpu.dma_semaphore, #tpu.memory_space<semaphore_mem>>)
        %multiple_of3A_1316 = tpu.assume_multiple %multiple_of3A_1225, 128 : i32
        %dma_start3A_1317 = arith.constant 1 : i32
        %dma_start3A_1318 = arith.constant 6 : i32
        %dma_start3A_1319 = arith.constant 0 : i32
        %dma_start3A_1320 = arith.constant 0 : i32
        %dma_start3A_1321 = tpu.memref_slice %arg8[%dma_start3A_1317, %dma_start3A_1318, %dma_start3A_1319, %dma_start3A_1320] : memref<4x8x8x256xf32, #tpu.memory_space<vmem>> -> memref<1x1x8x256xf32, #tpu.memory_space<vmem>>
        %dma_start3A_1322 = tpu.memref_squeeze %dma_start3A_1321 : memref<1x1x8x256xf32, #tpu.memory_space<vmem>> -> memref<8x256xf32, #tpu.memory_space<vmem>>
        %dma_start3A_1323 = arith.constant 48 : i32
        %dma_start3A_1324 = tpu.memref_slice %arg2[%dma_start3A_1323, %multiple_of3A_1316] : memref<64x1000001xf32, #tpu.memory_space<hbm>> -> memref<8x256xf32, #tpu.memory_space<hbm>>
        %dma_start3A_1325 = arith.constant 0 : i32
        %dma_start3A_1326 = arith.constant 0 : i32
        %dma_start3A_1327 = tpu.memref_slice %arg8[%dma_start3A_1317, %dma_start3A_1318, %dma_start3A_1325, %dma_start3A_1326] : memref<4x8x8x256xf32, #tpu.memory_space<vmem>> -> memref<1x1x8x256xf32, #tpu.memory_space<vmem>>
        %dma_start3A_1328 = tpu.memref_squeeze %dma_start3A_1327 : memref<1x1x8x256xf32, #tpu.memory_space<vmem>> -> memref<8x256xf32, #tpu.memory_space<vmem>>
        %dma_start3A_1329 = arith.constant 48 : i32
        %dma_start3A_1330 = tpu.memref_slice %arg2[%dma_start3A_1329, %multiple_of3A_1316] : memref<64x1000001xf32, #tpu.memory_space<hbm>> -> memref<8x256xf32, #tpu.memory_space<hbm>>
        tpu.enqueue_dma source(%dma_start3A_1330 : memref<8x256xf32, #tpu.memory_space<hbm>>) target(%dma_start3A_1328 : memref<8x256xf32, #tpu.memory_space<vmem>>) target_semaphore(%arg11 : memref<!tpu.dma_semaphore, #tpu.memory_space<semaphore_mem>>)
        %multiple_of3A_1331 = tpu.assume_multiple %multiple_of3A_1225, 128 : i32
        %dma_start3A_1332 = arith.constant 1 : i32
        %dma_start3A_1333 = arith.constant 7 : i32
        %dma_start3A_1334 = arith.constant 0 : i32
        %dma_start3A_1335 = arith.constant 0 : i32
        %dma_start3A_1336 = tpu.memref_slice %arg8[%dma_start3A_1332, %dma_start3A_1333, %dma_start3A_1334, %dma_start3A_1335] : memref<4x8x8x256xf32, #tpu.memory_space<vmem>> -> memref<1x1x8x256xf32, #tpu.memory_space<vmem>>
        %dma_start3A_1337 = tpu.memref_squeeze %dma_start3A_1336 : memref<1x1x8x256xf32, #tpu.memory_space<vmem>> -> memref<8x256xf32, #tpu.memory_space<vmem>>
        %dma_start3A_1338 = arith.constant 56 : i32
        %dma_start3A_1339 = tpu.memref_slice %arg2[%dma_start3A_1338, %multiple_of3A_1331] : memref<64x1000001xf32, #tpu.memory_space<hbm>> -> memref<8x256xf32, #tpu.memory_space<hbm>>
        %dma_start3A_1340 = arith.constant 0 : i32
        %dma_start3A_1341 = arith.constant 0 : i32
        %dma_start3A_1342 = tpu.memref_slice %arg8[%dma_start3A_1332, %dma_start3A_1333, %dma_start3A_1340, %dma_start3A_1341] : memref<4x8x8x256xf32, #tpu.memory_space<vmem>> -> memref<1x1x8x256xf32, #tpu.memory_space<vmem>>
        %dma_start3A_1343 = tpu.memref_squeeze %dma_start3A_1342 : memref<1x1x8x256xf32, #tpu.memory_space<vmem>> -> memref<8x256xf32, #tpu.memory_space<vmem>>
        %dma_start3A_1344 = arith.constant 56 : i32
        %dma_start3A_1345 = tpu.memref_slice %arg2[%dma_start3A_1344, %multiple_of3A_1331] : memref<64x1000001xf32, #tpu.memory_space<hbm>> -> memref<8x256xf32, #tpu.memory_space<hbm>>
        tpu.enqueue_dma source(%dma_start3A_1345 : memref<8x256xf32, #tpu.memory_space<hbm>>) target(%dma_start3A_1343 : memref<8x256xf32, #tpu.memory_space<vmem>>) target_semaphore(%arg11 : memref<!tpu.dma_semaphore, #tpu.memory_space<semaphore_mem>>)
      } else {
      }
      %mul3A_880 = arith.constant 4 : i32
      %mul3A_881 = arith.muli %scan3A_542, %mul3A_880 : i32
      %add3A_882 = arith.constant 2 : i32
      %add3A_883 = arith.addi %mul3A_881, %add3A_882 : i32
      %mul3A_884 = arith.constant 256 : i32
      %mul3A_885 = arith.muli %add3A_883, %mul3A_884 : i32
      %add3A_886 = arith.addi %mul3A_2, %mul3A_885 : i32
      %mul3A_887 = arith.constant 256 : i32
      %mul3A_888 = arith.muli %add3A_883, %mul3A_887 : i32
      %add3A_889 = arith.addi %mul3A_2, %mul3A_888 : i32
      %min3A_890 = arith.constant 999808 : i32
      %min3A_891 = arith.minsi %add3A_889, %min3A_890 : i32
      %multiple_of3A_892 = tpu.assume_multiple %min3A_891, 128 : i32
      %mul3A_893 = arith.constant 256 : i32
      %mul3A_894 = arith.muli %add3A_883, %mul3A_893 : i32
      %add3A_895 = arith.addi %mul3A_2, %mul3A_894 : i32
      %min3A_896 = arith.constant 999808 : i32
      %min3A_897 = arith.minsi %add3A_895, %min3A_896 : i32
      %multiple_of3A_898 = tpu.assume_multiple %min3A_897, 128 : i32
      %multiple_of3A_899 = tpu.assume_multiple %multiple_of3A_898, 128 : i32
      %dma_wait3A_900 = arith.constant 2 : i32
      %dma_wait3A_901 = arith.constant 0 : i32
      %dma_wait3A_902 = arith.constant 0 : i32
      %dma_wait3A_903 = arith.constant 0 : i32
      %dma_wait3A_904 = tpu.memref_slice %arg8[%dma_wait3A_900, %dma_wait3A_901, %dma_wait3A_902, %dma_wait3A_903] : memref<4x8x8x256xf32, #tpu.memory_space<vmem>> -> memref<1x1x8x256xf32, #tpu.memory_space<vmem>>
      %dma_wait3A_905 = tpu.memref_squeeze %dma_wait3A_904 : memref<1x1x8x256xf32, #tpu.memory_space<vmem>> -> memref<8x256xf32, #tpu.memory_space<vmem>>
      %dma_wait3A_906 = arith.constant 0 : i32
      %dma_wait3A_907 = tpu.memref_slice %arg2[%dma_wait3A_906, %multiple_of3A_899] : memref<64x1000001xf32, #tpu.memory_space<hbm>> -> memref<8x256xf32, #tpu.memory_space<hbm>>
      %dma_wait3A_908 = arith.constant 0 : i32
      %dma_wait3A_909 = arith.constant 0 : i32
      %dma_wait3A_910 = tpu.memref_slice %arg8[%dma_wait3A_900, %dma_wait3A_901, %dma_wait3A_908, %dma_wait3A_909] : memref<4x8x8x256xf32, #tpu.memory_space<vmem>> -> memref<1x1x8x256xf32, #tpu.memory_space<vmem>>
      %dma_wait3A_911 = tpu.memref_squeeze %dma_wait3A_910 : memref<1x1x8x256xf32, #tpu.memory_space<vmem>> -> memref<8x256xf32, #tpu.memory_space<vmem>>
      %dma_wait3A_912 = arith.constant 0 : i32
      %dma_wait3A_913 = tpu.memref_slice %arg2[%dma_wait3A_912, %multiple_of3A_899] : memref<64x1000001xf32, #tpu.memory_space<hbm>> -> memref<8x256xf32, #tpu.memory_space<hbm>>
      tpu.wait_dma2 semaphore(%arg12 : memref<!tpu.dma_semaphore, #tpu.memory_space<semaphore_mem>>) src(%dma_wait3A_913 : memref<8x256xf32, #tpu.memory_space<hbm>>) dst(%dma_wait3A_911 : memref<8x256xf32, #tpu.memory_space<vmem>>)
      %multiple_of3A_914 = tpu.assume_multiple %multiple_of3A_898, 128 : i32
      %dma_wait3A_915 = arith.constant 2 : i32
      %dma_wait3A_916 = arith.constant 1 : i32
      %dma_wait3A_917 = arith.constant 0 : i32
      %dma_wait3A_918 = arith.constant 0 : i32
      %dma_wait3A_919 = tpu.memref_slice %arg8[%dma_wait3A_915, %dma_wait3A_916, %dma_wait3A_917, %dma_wait3A_918] : memref<4x8x8x256xf32, #tpu.memory_space<vmem>> -> memref<1x1x8x256xf32, #tpu.memory_space<vmem>>
      %dma_wait3A_920 = tpu.memref_squeeze %dma_wait3A_919 : memref<1x1x8x256xf32, #tpu.memory_space<vmem>> -> memref<8x256xf32, #tpu.memory_space<vmem>>
      %dma_wait3A_921 = arith.constant 8 : i32
      %dma_wait3A_922 = tpu.memref_slice %arg2[%dma_wait3A_921, %multiple_of3A_914] : memref<64x1000001xf32, #tpu.memory_space<hbm>> -> memref<8x256xf32, #tpu.memory_space<hbm>>
      %dma_wait3A_923 = arith.constant 0 : i32
      %dma_wait3A_924 = arith.constant 0 : i32
      %dma_wait3A_925 = tpu.memref_slice %arg8[%dma_wait3A_915, %dma_wait3A_916, %dma_wait3A_923, %dma_wait3A_924] : memref<4x8x8x256xf32, #tpu.memory_space<vmem>> -> memref<1x1x8x256xf32, #tpu.memory_space<vmem>>
      %dma_wait3A_926 = tpu.memref_squeeze %dma_wait3A_925 : memref<1x1x8x256xf32, #tpu.memory_space<vmem>> -> memref<8x256xf32, #tpu.memory_space<vmem>>
      %dma_wait3A_927 = arith.constant 8 : i32
      %dma_wait3A_928 = tpu.memref_slice %arg2[%dma_wait3A_927, %multiple_of3A_914] : memref<64x1000001xf32, #tpu.memory_space<hbm>> -> memref<8x256xf32, #tpu.memory_space<hbm>>
      tpu.wait_dma2 semaphore(%arg12 : memref<!tpu.dma_semaphore, #tpu.memory_space<semaphore_mem>>) src(%dma_wait3A_928 : memref<8x256xf32, #tpu.memory_space<hbm>>) dst(%dma_wait3A_926 : memref<8x256xf32, #tpu.memory_space<vmem>>)
      %multiple_of3A_929 = tpu.assume_multiple %multiple_of3A_898, 128 : i32
      %dma_wait3A_930 = arith.constant 2 : i32
      %dma_wait3A_931 = arith.constant 2 : i32
      %dma_wait3A_932 = arith.constant 0 : i32
      %dma_wait3A_933 = arith.constant 0 : i32
      %dma_wait3A_934 = tpu.memref_slice %arg8[%dma_wait3A_930, %dma_wait3A_931, %dma_wait3A_932, %dma_wait3A_933] : memref<4x8x8x256xf32, #tpu.memory_space<vmem>> -> memref<1x1x8x256xf32, #tpu.memory_space<vmem>>
      %dma_wait3A_935 = tpu.memref_squeeze %dma_wait3A_934 : memref<1x1x8x256xf32, #tpu.memory_space<vmem>> -> memref<8x256xf32, #tpu.memory_space<vmem>>
      %dma_wait3A_936 = arith.constant 16 : i32
      %dma_wait3A_937 = tpu.memref_slice %arg2[%dma_wait3A_936, %multiple_of3A_929] : memref<64x1000001xf32, #tpu.memory_space<hbm>> -> memref<8x256xf32, #tpu.memory_space<hbm>>
      %dma_wait3A_938 = arith.constant 0 : i32
      %dma_wait3A_939 = arith.constant 0 : i32
      %dma_wait3A_940 = tpu.memref_slice %arg8[%dma_wait3A_930, %dma_wait3A_931, %dma_wait3A_938, %dma_wait3A_939] : memref<4x8x8x256xf32, #tpu.memory_space<vmem>> -> memref<1x1x8x256xf32, #tpu.memory_space<vmem>>
      %dma_wait3A_941 = tpu.memref_squeeze %dma_wait3A_940 : memref<1x1x8x256xf32, #tpu.memory_space<vmem>> -> memref<8x256xf32, #tpu.memory_space<vmem>>
      %dma_wait3A_942 = arith.constant 16 : i32
      %dma_wait3A_943 = tpu.memref_slice %arg2[%dma_wait3A_942, %multiple_of3A_929] : memref<64x1000001xf32, #tpu.memory_space<hbm>> -> memref<8x256xf32, #tpu.memory_space<hbm>>
      tpu.wait_dma2 semaphore(%arg12 : memref<!tpu.dma_semaphore, #tpu.memory_space<semaphore_mem>>) src(%dma_wait3A_943 : memref<8x256xf32, #tpu.memory_space<hbm>>) dst(%dma_wait3A_941 : memref<8x256xf32, #tpu.memory_space<vmem>>)
      %multiple_of3A_944 = tpu.assume_multiple %multiple_of3A_898, 128 : i32
      %dma_wait3A_945 = arith.constant 2 : i32
      %dma_wait3A_946 = arith.constant 3 : i32
      %dma_wait3A_947 = arith.constant 0 : i32
      %dma_wait3A_948 = arith.constant 0 : i32
      %dma_wait3A_949 = tpu.memref_slice %arg8[%dma_wait3A_945, %dma_wait3A_946, %dma_wait3A_947, %dma_wait3A_948] : memref<4x8x8x256xf32, #tpu.memory_space<vmem>> -> memref<1x1x8x256xf32, #tpu.memory_space<vmem>>
      %dma_wait3A_950 = tpu.memref_squeeze %dma_wait3A_949 : memref<1x1x8x256xf32, #tpu.memory_space<vmem>> -> memref<8x256xf32, #tpu.memory_space<vmem>>
      %dma_wait3A_951 = arith.constant 24 : i32
      %dma_wait3A_952 = tpu.memref_slice %arg2[%dma_wait3A_951, %multiple_of3A_944] : memref<64x1000001xf32, #tpu.memory_space<hbm>> -> memref<8x256xf32, #tpu.memory_space<hbm>>
      %dma_wait3A_953 = arith.constant 0 : i32
      %dma_wait3A_954 = arith.constant 0 : i32
      %dma_wait3A_955 = tpu.memref_slice %arg8[%dma_wait3A_945, %dma_wait3A_946, %dma_wait3A_953, %dma_wait3A_954] : memref<4x8x8x256xf32, #tpu.memory_space<vmem>> -> memref<1x1x8x256xf32, #tpu.memory_space<vmem>>
      %dma_wait3A_956 = tpu.memref_squeeze %dma_wait3A_955 : memref<1x1x8x256xf32, #tpu.memory_space<vmem>> -> memref<8x256xf32, #tpu.memory_space<vmem>>
      %dma_wait3A_957 = arith.constant 24 : i32
      %dma_wait3A_958 = tpu.memref_slice %arg2[%dma_wait3A_957, %multiple_of3A_944] : memref<64x1000001xf32, #tpu.memory_space<hbm>> -> memref<8x256xf32, #tpu.memory_space<hbm>>
      tpu.wait_dma2 semaphore(%arg12 : memref<!tpu.dma_semaphore, #tpu.memory_space<semaphore_mem>>) src(%dma_wait3A_958 : memref<8x256xf32, #tpu.memory_space<hbm>>) dst(%dma_wait3A_956 : memref<8x256xf32, #tpu.memory_space<vmem>>)
      %multiple_of3A_959 = tpu.assume_multiple %multiple_of3A_898, 128 : i32
      %dma_wait3A_960 = arith.constant 2 : i32
      %dma_wait3A_961 = arith.constant 4 : i32
      %dma_wait3A_962 = arith.constant 0 : i32
      %dma_wait3A_963 = arith.constant 0 : i32
      %dma_wait3A_964 = tpu.memref_slice %arg8[%dma_wait3A_960, %dma_wait3A_961, %dma_wait3A_962, %dma_wait3A_963] : memref<4x8x8x256xf32, #tpu.memory_space<vmem>> -> memref<1x1x8x256xf32, #tpu.memory_space<vmem>>
      %dma_wait3A_965 = tpu.memref_squeeze %dma_wait3A_964 : memref<1x1x8x256xf32, #tpu.memory_space<vmem>> -> memref<8x256xf32, #tpu.memory_space<vmem>>
      %dma_wait3A_966 = arith.constant 32 : i32
      %dma_wait3A_967 = tpu.memref_slice %arg2[%dma_wait3A_966, %multiple_of3A_959] : memref<64x1000001xf32, #tpu.memory_space<hbm>> -> memref<8x256xf32, #tpu.memory_space<hbm>>
      %dma_wait3A_968 = arith.constant 0 : i32
      %dma_wait3A_969 = arith.constant 0 : i32
      %dma_wait3A_970 = tpu.memref_slice %arg8[%dma_wait3A_960, %dma_wait3A_961, %dma_wait3A_968, %dma_wait3A_969] : memref<4x8x8x256xf32, #tpu.memory_space<vmem>> -> memref<1x1x8x256xf32, #tpu.memory_space<vmem>>
      %dma_wait3A_971 = tpu.memref_squeeze %dma_wait3A_970 : memref<1x1x8x256xf32, #tpu.memory_space<vmem>> -> memref<8x256xf32, #tpu.memory_space<vmem>>
      %dma_wait3A_972 = arith.constant 32 : i32
      %dma_wait3A_973 = tpu.memref_slice %arg2[%dma_wait3A_972, %multiple_of3A_959] : memref<64x1000001xf32, #tpu.memory_space<hbm>> -> memref<8x256xf32, #tpu.memory_space<hbm>>
      tpu.wait_dma2 semaphore(%arg12 : memref<!tpu.dma_semaphore, #tpu.memory_space<semaphore_mem>>) src(%dma_wait3A_973 : memref<8x256xf32, #tpu.memory_space<hbm>>) dst(%dma_wait3A_971 : memref<8x256xf32, #tpu.memory_space<vmem>>)
      %multiple_of3A_974 = tpu.assume_multiple %multiple_of3A_898, 128 : i32
      %dma_wait3A_975 = arith.constant 2 : i32
      %dma_wait3A_976 = arith.constant 5 : i32
      %dma_wait3A_977 = arith.constant 0 : i32
      %dma_wait3A_978 = arith.constant 0 : i32
      %dma_wait3A_979 = tpu.memref_slice %arg8[%dma_wait3A_975, %dma_wait3A_976, %dma_wait3A_977, %dma_wait3A_978] : memref<4x8x8x256xf32, #tpu.memory_space<vmem>> -> memref<1x1x8x256xf32, #tpu.memory_space<vmem>>
      %dma_wait3A_980 = tpu.memref_squeeze %dma_wait3A_979 : memref<1x1x8x256xf32, #tpu.memory_space<vmem>> -> memref<8x256xf32, #tpu.memory_space<vmem>>
      %dma_wait3A_981 = arith.constant 40 : i32
      %dma_wait3A_982 = tpu.memref_slice %arg2[%dma_wait3A_981, %multiple_of3A_974] : memref<64x1000001xf32, #tpu.memory_space<hbm>> -> memref<8x256xf32, #tpu.memory_space<hbm>>
      %dma_wait3A_983 = arith.constant 0 : i32
      %dma_wait3A_984 = arith.constant 0 : i32
      %dma_wait3A_985 = tpu.memref_slice %arg8[%dma_wait3A_975, %dma_wait3A_976, %dma_wait3A_983, %dma_wait3A_984] : memref<4x8x8x256xf32, #tpu.memory_space<vmem>> -> memref<1x1x8x256xf32, #tpu.memory_space<vmem>>
      %dma_wait3A_986 = tpu.memref_squeeze %dma_wait3A_985 : memref<1x1x8x256xf32, #tpu.memory_space<vmem>> -> memref<8x256xf32, #tpu.memory_space<vmem>>
      %dma_wait3A_987 = arith.constant 40 : i32
      %dma_wait3A_988 = tpu.memref_slice %arg2[%dma_wait3A_987, %multiple_of3A_974] : memref<64x1000001xf32, #tpu.memory_space<hbm>> -> memref<8x256xf32, #tpu.memory_space<hbm>>
      tpu.wait_dma2 semaphore(%arg12 : memref<!tpu.dma_semaphore, #tpu.memory_space<semaphore_mem>>) src(%dma_wait3A_988 : memref<8x256xf32, #tpu.memory_space<hbm>>) dst(%dma_wait3A_986 : memref<8x256xf32, #tpu.memory_space<vmem>>)
      %multiple_of3A_989 = tpu.assume_multiple %multiple_of3A_898, 128 : i32
      %dma_wait3A_990 = arith.constant 2 : i32
      %dma_wait3A_991 = arith.constant 6 : i32
      %dma_wait3A_992 = arith.constant 0 : i32
      %dma_wait3A_993 = arith.constant 0 : i32
      %dma_wait3A_994 = tpu.memref_slice %arg8[%dma_wait3A_990, %dma_wait3A_991, %dma_wait3A_992, %dma_wait3A_993] : memref<4x8x8x256xf32, #tpu.memory_space<vmem>> -> memref<1x1x8x256xf32, #tpu.memory_space<vmem>>
      %dma_wait3A_995 = tpu.memref_squeeze %dma_wait3A_994 : memref<1x1x8x256xf32, #tpu.memory_space<vmem>> -> memref<8x256xf32, #tpu.memory_space<vmem>>
      %dma_wait3A_996 = arith.constant 48 : i32
      %dma_wait3A_997 = tpu.memref_slice %arg2[%dma_wait3A_996, %multiple_of3A_989] : memref<64x1000001xf32, #tpu.memory_space<hbm>> -> memref<8x256xf32, #tpu.memory_space<hbm>>
      %dma_wait3A_998 = arith.constant 0 : i32
      %dma_wait3A_999 = arith.constant 0 : i32
      %dma_wait3A_1000 = tpu.memref_slice %arg8[%dma_wait3A_990, %dma_wait3A_991, %dma_wait3A_998, %dma_wait3A_999] : memref<4x8x8x256xf32, #tpu.memory_space<vmem>> -> memref<1x1x8x256xf32, #tpu.memory_space<vmem>>
      %dma_wait3A_1001 = tpu.memref_squeeze %dma_wait3A_1000 : memref<1x1x8x256xf32, #tpu.memory_space<vmem>> -> memref<8x256xf32, #tpu.memory_space<vmem>>
      %dma_wait3A_1002 = arith.constant 48 : i32
      %dma_wait3A_1003 = tpu.memref_slice %arg2[%dma_wait3A_1002, %multiple_of3A_989] : memref<64x1000001xf32, #tpu.memory_space<hbm>> -> memref<8x256xf32, #tpu.memory_space<hbm>>
      tpu.wait_dma2 semaphore(%arg12 : memref<!tpu.dma_semaphore, #tpu.memory_space<semaphore_mem>>) src(%dma_wait3A_1003 : memref<8x256xf32, #tpu.memory_space<hbm>>) dst(%dma_wait3A_1001 : memref<8x256xf32, #tpu.memory_space<vmem>>)
      %multiple_of3A_1004 = tpu.assume_multiple %multiple_of3A_898, 128 : i32
      %dma_wait3A_1005 = arith.constant 2 : i32
      %dma_wait3A_1006 = arith.constant 7 : i32
      %dma_wait3A_1007 = arith.constant 0 : i32
      %dma_wait3A_1008 = arith.constant 0 : i32
      %dma_wait3A_1009 = tpu.memref_slice %arg8[%dma_wait3A_1005, %dma_wait3A_1006, %dma_wait3A_1007, %dma_wait3A_1008] : memref<4x8x8x256xf32, #tpu.memory_space<vmem>> -> memref<1x1x8x256xf32, #tpu.memory_space<vmem>>
      %dma_wait3A_1010 = tpu.memref_squeeze %dma_wait3A_1009 : memref<1x1x8x256xf32, #tpu.memory_space<vmem>> -> memref<8x256xf32, #tpu.memory_space<vmem>>
      %dma_wait3A_1011 = arith.constant 56 : i32
      %dma_wait3A_1012 = tpu.memref_slice %arg2[%dma_wait3A_1011, %multiple_of3A_1004] : memref<64x1000001xf32, #tpu.memory_space<hbm>> -> memref<8x256xf32, #tpu.memory_space<hbm>>
      %dma_wait3A_1013 = arith.constant 0 : i32
      %dma_wait3A_1014 = arith.constant 0 : i32
      %dma_wait3A_1015 = tpu.memref_slice %arg8[%dma_wait3A_1005, %dma_wait3A_1006, %dma_wait3A_1013, %dma_wait3A_1014] : memref<4x8x8x256xf32, #tpu.memory_space<vmem>> -> memref<1x1x8x256xf32, #tpu.memory_space<vmem>>
      %dma_wait3A_1016 = tpu.memref_squeeze %dma_wait3A_1015 : memref<1x1x8x256xf32, #tpu.memory_space<vmem>> -> memref<8x256xf32, #tpu.memory_space<vmem>>
      %dma_wait3A_1017 = arith.constant 56 : i32
      %dma_wait3A_1018 = tpu.memref_slice %arg2[%dma_wait3A_1017, %multiple_of3A_1004] : memref<64x1000001xf32, #tpu.memory_space<hbm>> -> memref<8x256xf32, #tpu.memory_space<hbm>>
      tpu.wait_dma2 semaphore(%arg12 : memref<!tpu.dma_semaphore, #tpu.memory_space<semaphore_mem>>) src(%dma_wait3A_1018 : memref<8x256xf32, #tpu.memory_space<hbm>>) dst(%dma_wait3A_1016 : memref<8x256xf32, #tpu.memory_space<vmem>>)
      %while3A_1019 = arith.constant 0 : i32
      %while3A_1020 = arith.constant 0 : i32
      %while3A_1021 = arith.subi %select_n3A, %while3A_1019 : i32
      %while3A_1022 = arith.addi %while3A_1019, %while3A_1021 : i32
      %while3A_1023 = arith.constant 1 : i32
      %while3A_1024 = arith.divsi %while3A_1021, %while3A_1023 : i32
      %while3A_1025 = arith.muli %while3A_1024, %while3A_1023 : i32
      %while3A_1026 = arith.addi %while3A_1019, %while3A_1025 : i32
      %while3A_1027 = arith.constant 1 : i32
      %while3A_1028 = scf.for %while3A_1220 = %while3A_1019 to %while3A_1026 step %while3A_1027 iter_args(%while3A_1221 = %while3A_1020) -> (i32)  : i32 {
        %mul3A_1222 = arith.constant 16 : i32
        %mul3A_1223 = arith.muli %while3A_1220, %mul3A_1222 : i32
        %get3A = arith.index_cast %mul3A_1223 : i32 to index
        %get3A_1224 = tpu.vector_load %arg5[%get3A] {strides = array<i32>} : memref<16384xi32, #tpu.memory_space<vmem>>, vector<16xi32>,
        %mul3A_1225 = arith.constant 16 : i32
        %mul3A_1226 = arith.muli %while3A_1220, %mul3A_1225 : i32
        %get3A_1227 = arith.index_cast %mul3A_1226 : i32 to index
        %get3A_1228 = tpu.vector_load %arg6[%get3A_1227] {strides = array<i32>} : memref<16384xi32, #tpu.memory_space<vmem>>, vector<16xi32>,
        %ge3A = vector.broadcast %add3A_886 : i32 to vector<16xi32>
        %ge3A_1229 = arith.cmpi sge, %get3A_1224, %ge3A : vector<16xi32>
        %add3A_1230 = arith.constant 256 : i32
        %add3A_1231 = arith.addi %add3A_886, %add3A_1230 : i32
        %lt3A_1232 = vector.broadcast %add3A_1231 : i32 to vector<16xi32>
        %lt3A_1233 = arith.cmpi slt, %get3A_1224, %lt3A_1232 : vector<16xi32>
        %and3A_1234 = arith.andi %ge3A_1229, %lt3A_1233 : vector<16xi1>
        %mul3A_1235 = arith.constant 16 : i32
        %mul3A_1236 = arith.muli %while3A_1220, %mul3A_1235 : i32
        %add3A_1237 = vector.broadcast %mul3A_1236 : i32 to vector<16xi32>
        %add3A_1238 = arith.addi %iota3A, %add3A_1237 : vector<16xi32>
        %lt3A_1239 = vector.broadcast %scan3A_9 : i32 to vector<16xi32>
        %lt3A_1240 = arith.cmpi slt, %add3A_1238, %lt3A_1239 : vector<16xi32>
        %and3A_1241 = arith.andi %and3A_1234, %lt3A_1240 : vector<16xi1>
        %sub3A_1242 = vector.broadcast %add3A_886 : i32 to vector<16xi32>
        %sub3A_1243 = arith.subi %get3A_1224, %sub3A_1242 : vector<16xi32>
        %shift_left3A = arith.constant 9 : i32
        %shift_left3A_1244 = vector.broadcast %shift_left3A : i32 to vector<16xi32>
        %shift_left3A_1245 = arith.shli %get3A_1228, %shift_left3A_1244 : vector<16xi32>
        %or3A = arith.ori %sub3A_1243, %shift_left3A_1245 : vector<16xi32>
        %swap3A = arith.index_cast %while3A_1221 : i32 to index
        %swap3A_1246 = tpu.vector_load %arg7[%swap3A] masked %and3A_1241 {strides = array<i32>} : memref<16400xi32, #tpu.memory_space<vmem>>, vector<16xi32>, vector<16xi1>
        tpu.vector_store %arg7[%swap3A], %or3A masked %and3A_1241 {strides = array<i32>} : memref<16400xi32, #tpu.memory_space<vmem>>, vector<16xi32>, vector<16xi1>
        %all_reduce_population_count3A = tpu.all_reduce %and3A_1241 {dim = 0 : i64, kind = #tpu.reduction_kind<sum>} : vector<16xi1> -> vector<16xi32>
        %slice3A = vector.extract_strided_slice %all_reduce_population_count3A {offsets = [0], sizes = [1], strides = [1]} : vector<16xi32> to vector<1xi32>
        %squeeze3A = vector.extract %slice3A[0] : i32 from vector<1xi32>
        %add3A_1247 = arith.addi %while3A_1221, %squeeze3A : i32
        scf.yield %add3A_1247 : i32
      }
      %while3A_1029 = arith.constant 1 : i32
      %while3A_1030 = scf.for %while3A_1220 = %while3A_1026 to %while3A_1022 step %while3A_1029 iter_args(%while3A_1221 = %while3A_1028) -> (i32)  : i32 {
        %mul3A_1222 = arith.constant 16 : i32
        %mul3A_1223 = arith.muli %while3A_1220, %mul3A_1222 : i32
        %get3A = arith.index_cast %mul3A_1223 : i32 to index
        %get3A_1224 = tpu.vector_load %arg5[%get3A] {strides = array<i32>} : memref<16384xi32, #tpu.memory_space<vmem>>, vector<16xi32>,
        %mul3A_1225 = arith.constant 16 : i32
        %mul3A_1226 = arith.muli %while3A_1220, %mul3A_1225 : i32
        %get3A_1227 = arith.index_cast %mul3A_1226 : i32 to index
        %get3A_1228 = tpu.vector_load %arg6[%get3A_1227] {strides = array<i32>} : memref<16384xi32, #tpu.memory_space<vmem>>, vector<16xi32>,
        %ge3A = vector.broadcast %add3A_886 : i32 to vector<16xi32>
        %ge3A_1229 = arith.cmpi sge, %get3A_1224, %ge3A : vector<16xi32>
        %add3A_1230 = arith.constant 256 : i32
        %add3A_1231 = arith.addi %add3A_886, %add3A_1230 : i32
        %lt3A_1232 = vector.broadcast %add3A_1231 : i32 to vector<16xi32>
        %lt3A_1233 = arith.cmpi slt, %get3A_1224, %lt3A_1232 : vector<16xi32>
        %and3A_1234 = arith.andi %ge3A_1229, %lt3A_1233 : vector<16xi1>
        %mul3A_1235 = arith.constant 16 : i32
        %mul3A_1236 = arith.muli %while3A_1220, %mul3A_1235 : i32
        %add3A_1237 = vector.broadcast %mul3A_1236 : i32 to vector<16xi32>
        %add3A_1238 = arith.addi %iota3A, %add3A_1237 : vector<16xi32>
        %lt3A_1239 = vector.broadcast %scan3A_9 : i32 to vector<16xi32>
        %lt3A_1240 = arith.cmpi slt, %add3A_1238, %lt3A_1239 : vector<16xi32>
        %and3A_1241 = arith.andi %and3A_1234, %lt3A_1240 : vector<16xi1>
        %sub3A_1242 = vector.broadcast %add3A_886 : i32 to vector<16xi32>
        %sub3A_1243 = arith.subi %get3A_1224, %sub3A_1242 : vector<16xi32>
        %shift_left3A = arith.constant 9 : i32
        %shift_left3A_1244 = vector.broadcast %shift_left3A : i32 to vector<16xi32>
        %shift_left3A_1245 = arith.shli %get3A_1228, %shift_left3A_1244 : vector<16xi32>
        %or3A = arith.ori %sub3A_1243, %shift_left3A_1245 : vector<16xi32>
        %swap3A = arith.index_cast %while3A_1221 : i32 to index
        %swap3A_1246 = tpu.vector_load %arg7[%swap3A] masked %and3A_1241 {strides = array<i32>} : memref<16400xi32, #tpu.memory_space<vmem>>, vector<16xi32>, vector<16xi1>
        tpu.vector_store %arg7[%swap3A], %or3A masked %and3A_1241 {strides = array<i32>} : memref<16400xi32, #tpu.memory_space<vmem>>, vector<16xi32>, vector<16xi1>
        %all_reduce_population_count3A = tpu.all_reduce %and3A_1241 {dim = 0 : i64, kind = #tpu.reduction_kind<sum>} : vector<16xi1> -> vector<16xi32>
        %slice3A = vector.extract_strided_slice %all_reduce_population_count3A {offsets = [0], sizes = [1], strides = [1]} : vector<16xi32> to vector<1xi32>
        %squeeze3A = vector.extract %slice3A[0] : i32 from vector<1xi32>
        %add3A_1247 = arith.addi %while3A_1221, %squeeze3A : i32
        scf.yield %add3A_1247 : i32
      }
      %sub3A_1031 = arith.subi %add3A_886, %multiple_of3A_892 : i32
      %while3A_1032 = arith.constant 0 : i32
      %while3A_1033 = arith.subi %while3A_1030, %while3A_1032 : i32
      %while3A_1034 = arith.addi %while3A_1032, %while3A_1033 : i32
      %while3A_1035 = arith.constant 1 : i32
      %while3A_1036 = arith.divsi %while3A_1033, %while3A_1035 : i32
      %while3A_1037 = arith.muli %while3A_1036, %while3A_1035 : i32
      %while3A_1038 = arith.addi %while3A_1032, %while3A_1037 : i32
      %while3A_1039 = arith.constant 1 : i32
      %while3A_1040 = scf.for %while3A_1220 = %while3A_1032 to %while3A_1038 step %while3A_1039 iter_args(%while3A_1221 = %while3A_872) -> (i32)  : i32 {
        %get3A = arith.index_cast %while3A_1220 : i32 to index
        %get3A_1222 = tpu.vector_load %arg7[%get3A] {strides = array<i32>} : memref<16400xi32, #tpu.memory_space<vmem>>, vector<16xi32>,
        %slice3A = vector.extract_strided_slice %get3A_1222 {offsets = [0], sizes = [1], strides = [1]} : vector<16xi32> to vector<1xi32>
        %squeeze3A = vector.extract %slice3A[0] : i32 from vector<1xi32>
        %and3A_1223 = arith.constant 255 : i32
        %and3A_1224 = arith.andi %squeeze3A, %and3A_1223 : i32
        %add3A_1225 = arith.addi %and3A_1224, %sub3A_1031 : i32
        %shift_right_arithmetic3A = arith.constant 9 : i32
        %shift_right_arithmetic3A_1226 = arith.shrsi %squeeze3A, %shift_right_arithmetic3A : i32
        %mul3A_1227 = arith.constant 0 : i32
        %mul3A_1228 = vector.broadcast %mul3A_1227 : i32 to vector<16xi32>
        %mul3A_1229 = arith.muli %iota3A, %mul3A_1228 : vector<16xi32>
        %add3A_1230 = vector.broadcast %add3A_1225 : i32 to vector<16xi32>
        %add3A_1231 = arith.addi %mul3A_1229, %add3A_1230 : vector<16xi32>
        %ge3A = arith.constant 64 : i32
        %ge3A_1232 = arith.cmpi sge, %while3A_1221, %ge3A : i32
        %convert_element_type3A_1233 = arith.extui %ge3A_1232 : i1 to i32
        %cond3A_1234 = arith.constant 0 : i32
        %cond3A_1235 = arith.cmpi ne, %convert_element_type3A_1233, %cond3A_1234 : i32
        scf.if %cond3A_1235 {
          %scan3A_1322 = arith.constant 0 : i32
          %scan3A_1323 = arith.constant 0 : i32
          %scan3A_1324 = arith.constant 64 : i32
          %scan3A_1325 = arith.addi %scan3A_1323, %scan3A_1324 : i32
          %scan3A_1326 = arith.constant 1 : i32
          scf.for %scan3A_1328 = %scan3A_1323 to %scan3A_1325 step %scan3A_1326  : i32 {
            %dma_wait3A_1329 = arith.constant 0 : i32
            %dma_wait3A_1330 = arith.constant 0 : i32
            %dma_wait3A_1331 = tpu.memref_slice %arg9[%dma_wait3A_1329, %dma_wait3A_1330] : memref<64x64xf32, #tpu.memory_space<vmem>> -> memref<1x64xf32, #tpu.memory_space<vmem>>
            %dma_wait3A_1332 = arith.constant 0 : i32
            %dma_wait3A_1333 = arith.constant 0 : i32
            %dma_wait3A_1334 = tpu.memref_slice %arg4[%dma_wait3A_1332, %dma_wait3A_1333] : memref<16384x64xf32, #tpu.memory_space<hbm>> -> memref<1x64xf32, #tpu.memory_space<hbm>>
            %dma_wait3A_1335 = arith.constant 0 : i32
            %dma_wait3A_1336 = arith.constant 0 : i32
            %dma_wait3A_1337 = tpu.memref_slice %arg4[%dma_wait3A_1335, %dma_wait3A_1336] : memref<16384x64xf32, #tpu.memory_space<hbm>> -> memref<1x64xf32, #tpu.memory_space<hbm>>
            %dma_wait3A_1338 = arith.constant 0 : i32
            %dma_wait3A_1339 = arith.constant 0 : i32
            %dma_wait3A_1340 = tpu.memref_slice %arg9[%dma_wait3A_1338, %dma_wait3A_1339] : memref<64x64xf32, #tpu.memory_space<vmem>> -> memref<1x64xf32, #tpu.memory_space<vmem>>
            tpu.wait_dma2 semaphore(%arg14 : memref<!tpu.dma_semaphore, #tpu.memory_space<semaphore_mem>>) src(%dma_wait3A_1340 : memref<1x64xf32, #tpu.memory_space<vmem>>) dst(%dma_wait3A_1337 : memref<1x64xf32, #tpu.memory_space<hbm>>)
          }
          %scan3A_1327 = arith.constant 64 : i32
        } else {
        }
        %jit3A_1236 = arith.constant 0 : i32
        %select_n3A_1237 = arith.select %ge3A_1232, %jit3A_1236, %while3A_1221 : i32
        %add3A_1238 = arith.constant 0 : i32
        %add3A_1239 = vector.broadcast %add3A_1238 : i32 to vector<16xi32>
        %add3A_1240 = arith.addi %iota3A, %add3A_1239 : vector<16xi32>
        %shift_right_arithmetic3A_1241 = arith.constant 3 : i32
        %shift_right_arithmetic3A_1242 = vector.broadcast %shift_right_arithmetic3A_1241 : i32 to vector<16xi32>
        %shift_right_arithmetic3A_1243 = arith.shrsi %add3A_1240, %shift_right_arithmetic3A_1242 : vector<16xi32>
        %and3A_1244 = arith.constant 7 : i32
        %and3A_1245 = vector.broadcast %and3A_1244 : i32 to vector<16xi32>
        %and3A_1246 = arith.andi %add3A_1240, %and3A_1245 : vector<16xi32>
        %gather3A = arith.constant 2 : i32
        %gather3A_1247 = arith.constant 0 : i32
        %gather3A_1248 = arith.constant 0 : i32
        %gather3A_1249 = arith.constant 0 : i32
        %gather3A_1250 = tpu.memref_slice %arg8[%gather3A, %gather3A_1247, %gather3A_1248, %gather3A_1249] : memref<4x8x8x256xf32, #tpu.memory_space<vmem>> -> memref<1x8x8x256xf32, #tpu.memory_space<vmem>>
        %gather3A_1251 = tpu.memref_squeeze %gather3A_1250 : memref<1x8x8x256xf32, #tpu.memory_space<vmem>> -> memref<8x8x256xf32, #tpu.memory_space<vmem>>
        %gather3A_1252 = tpu.vector_load_idx %gather3A_1251[%shift_right_arithmetic3A_1243, %and3A_1246, %add3A_1231] : memref<8x8x256xf32, #tpu.memory_space<vmem>>[vector<16xi32>, vector<16xi32>, vector<16xi32>], vector<16xf32>,
        %swap3A = arith.index_cast %select_n3A_1237 : i32 to index
        %swap3A_1253 = arith.constant 0 : index
        %swap3A_1254 = tpu.vector_load %arg9[%swap3A, %swap3A_1253] {strides = array<i32>} : memref<64x64xf32, #tpu.memory_space<vmem>>, vector<16xf32>,
        tpu.vector_store %arg9[%swap3A, %swap3A_1253], %gather3A_1252 {strides = array<i32>} : memref<64x64xf32, #tpu.memory_space<vmem>>, vector<16xf32>,
        %add3A_1255 = arith.constant 16 : i32
        %add3A_1256 = vector.broadcast %add3A_1255 : i32 to vector<16xi32>
        %add3A_1257 = arith.addi %iota3A, %add3A_1256 : vector<16xi32>
        %shift_right_arithmetic3A_1258 = arith.constant 3 : i32
        %shift_right_arithmetic3A_1259 = vector.broadcast %shift_right_arithmetic3A_1258 : i32 to vector<16xi32>
        %shift_right_arithmetic3A_1260 = arith.shrsi %add3A_1257, %shift_right_arithmetic3A_1259 : vector<16xi32>
        %and3A_1261 = arith.constant 7 : i32
        %and3A_1262 = vector.broadcast %and3A_1261 : i32 to vector<16xi32>
        %and3A_1263 = arith.andi %add3A_1257, %and3A_1262 : vector<16xi32>
        %gather3A_1264 = arith.constant 2 : i32
        %gather3A_1265 = arith.constant 0 : i32
        %gather3A_1266 = arith.constant 0 : i32
        %gather3A_1267 = arith.constant 0 : i32
        %gather3A_1268 = tpu.memref_slice %arg8[%gather3A_1264, %gather3A_1265, %gather3A_1266, %gather3A_1267] : memref<4x8x8x256xf32, #tpu.memory_space<vmem>> -> memref<1x8x8x256xf32, #tpu.memory_space<vmem>>
        %gather3A_1269 = tpu.memref_squeeze %gather3A_1268 : memref<1x8x8x256xf32, #tpu.memory_space<vmem>> -> memref<8x8x256xf32, #tpu.memory_space<vmem>>
        %gather3A_1270 = tpu.vector_load_idx %gather3A_1269[%shift_right_arithmetic3A_1260, %and3A_1263, %add3A_1231] : memref<8x8x256xf32, #tpu.memory_space<vmem>>[vector<16xi32>, vector<16xi32>, vector<16xi32>], vector<16xf32>,
        %swap3A_1271 = arith.index_cast %select_n3A_1237 : i32 to index
        %swap3A_1272 = arith.constant 16 : index
        %swap3A_1273 = tpu.vector_load %arg9[%swap3A_1271, %swap3A_1272] {strides = array<i32>} : memref<64x64xf32, #tpu.memory_space<vmem>>, vector<16xf32>,
        tpu.vector_store %arg9[%swap3A_1271, %swap3A_1272], %gather3A_1270 {strides = array<i32>} : memref<64x64xf32, #tpu.memory_space<vmem>>, vector<16xf32>,
        %add3A_1274 = arith.constant 32 : i32
        %add3A_1275 = vector.broadcast %add3A_1274 : i32 to vector<16xi32>
        %add3A_1276 = arith.addi %iota3A, %add3A_1275 : vector<16xi32>
        %shift_right_arithmetic3A_1277 = arith.constant 3 : i32
        %shift_right_arithmetic3A_1278 = vector.broadcast %shift_right_arithmetic3A_1277 : i32 to vector<16xi32>
        %shift_right_arithmetic3A_1279 = arith.shrsi %add3A_1276, %shift_right_arithmetic3A_1278 : vector<16xi32>
        %and3A_1280 = arith.constant 7 : i32
        %and3A_1281 = vector.broadcast %and3A_1280 : i32 to vector<16xi32>
        %and3A_1282 = arith.andi %add3A_1276, %and3A_1281 : vector<16xi32>
        %gather3A_1283 = arith.constant 2 : i32
        %gather3A_1284 = arith.constant 0 : i32
        %gather3A_1285 = arith.constant 0 : i32
        %gather3A_1286 = arith.constant 0 : i32
        %gather3A_1287 = tpu.memref_slice %arg8[%gather3A_1283, %gather3A_1284, %gather3A_1285, %gather3A_1286] : memref<4x8x8x256xf32, #tpu.memory_space<vmem>> -> memref<1x8x8x256xf32, #tpu.memory_space<vmem>>
        %gather3A_1288 = tpu.memref_squeeze %gather3A_1287 : memref<1x8x8x256xf32, #tpu.memory_space<vmem>> -> memref<8x8x256xf32, #tpu.memory_space<vmem>>
        %gather3A_1289 = tpu.vector_load_idx %gather3A_1288[%shift_right_arithmetic3A_1279, %and3A_1282, %add3A_1231] : memref<8x8x256xf32, #tpu.memory_space<vmem>>[vector<16xi32>, vector<16xi32>, vector<16xi32>], vector<16xf32>,
        %swap3A_1290 = arith.index_cast %select_n3A_1237 : i32 to index
        %swap3A_1291 = arith.constant 32 : index
        %swap3A_1292 = tpu.vector_load %arg9[%swap3A_1290, %swap3A_1291] {strides = array<i32>} : memref<64x64xf32, #tpu.memory_space<vmem>>, vector<16xf32>,
        tpu.vector_store %arg9[%swap3A_1290, %swap3A_1291], %gather3A_1289 {strides = array<i32>} : memref<64x64xf32, #tpu.memory_space<vmem>>, vector<16xf32>,
        %add3A_1293 = arith.constant 48 : i32
        %add3A_1294 = vector.broadcast %add3A_1293 : i32 to vector<16xi32>
        %add3A_1295 = arith.addi %iota3A, %add3A_1294 : vector<16xi32>
        %shift_right_arithmetic3A_1296 = arith.constant 3 : i32
        %shift_right_arithmetic3A_1297 = vector.broadcast %shift_right_arithmetic3A_1296 : i32 to vector<16xi32>
        %shift_right_arithmetic3A_1298 = arith.shrsi %add3A_1295, %shift_right_arithmetic3A_1297 : vector<16xi32>
        %and3A_1299 = arith.constant 7 : i32
        %and3A_1300 = vector.broadcast %and3A_1299 : i32 to vector<16xi32>
        %and3A_1301 = arith.andi %add3A_1295, %and3A_1300 : vector<16xi32>
        %gather3A_1302 = arith.constant 2 : i32
        %gather3A_1303 = arith.constant 0 : i32
        %gather3A_1304 = arith.constant 0 : i32
        %gather3A_1305 = arith.constant 0 : i32
        %gather3A_1306 = tpu.memref_slice %arg8[%gather3A_1302, %gather3A_1303, %gather3A_1304, %gather3A_1305] : memref<4x8x8x256xf32, #tpu.memory_space<vmem>> -> memref<1x8x8x256xf32, #tpu.memory_space<vmem>>
        %gather3A_1307 = tpu.memref_squeeze %gather3A_1306 : memref<1x8x8x256xf32, #tpu.memory_space<vmem>> -> memref<8x8x256xf32, #tpu.memory_space<vmem>>
        %gather3A_1308 = tpu.vector_load_idx %gather3A_1307[%shift_right_arithmetic3A_1298, %and3A_1301, %add3A_1231] : memref<8x8x256xf32, #tpu.memory_space<vmem>>[vector<16xi32>, vector<16xi32>, vector<16xi32>], vector<16xf32>,
        %swap3A_1309 = arith.index_cast %select_n3A_1237 : i32 to index
        %swap3A_1310 = arith.constant 48 : index
        %swap3A_1311 = tpu.vector_load %arg9[%swap3A_1309, %swap3A_1310] {strides = array<i32>} : memref<64x64xf32, #tpu.memory_space<vmem>>, vector<16xf32>,
        tpu.vector_store %arg9[%swap3A_1309, %swap3A_1310], %gather3A_1308 {strides = array<i32>} : memref<64x64xf32, #tpu.memory_space<vmem>>, vector<16xf32>,
        %dma_start3A_1312 = arith.constant 0 : i32
        %dma_start3A_1313 = tpu.memref_slice %arg9[%select_n3A_1237, %dma_start3A_1312] : memref<64x64xf32, #tpu.memory_space<vmem>> -> memref<1x64xf32, #tpu.memory_space<vmem>>
        %dma_start3A_1314 = arith.constant 0 : i32
        %dma_start3A_1315 = tpu.memref_slice %arg4[%shift_right_arithmetic3A_1226, %dma_start3A_1314] : memref<16384x64xf32, #tpu.memory_space<hbm>> -> memref<1x64xf32, #tpu.memory_space<hbm>>
        %dma_start3A_1316 = arith.constant 0 : i32
        %dma_start3A_1317 = tpu.memref_slice %arg4[%shift_right_arithmetic3A_1226, %dma_start3A_1316] : memref<16384x64xf32, #tpu.memory_space<hbm>> -> memref<1x64xf32, #tpu.memory_space<hbm>>
        %dma_start3A_1318 = arith.constant 0 : i32
        %dma_start3A_1319 = tpu.memref_slice %arg9[%select_n3A_1237, %dma_start3A_1318] : memref<64x64xf32, #tpu.memory_space<vmem>> -> memref<1x64xf32, #tpu.memory_space<vmem>>
        tpu.enqueue_dma source(%dma_start3A_1319 : memref<1x64xf32, #tpu.memory_space<vmem>>) target(%dma_start3A_1317 : memref<1x64xf32, #tpu.memory_space<hbm>>) target_semaphore(%arg14 : memref<!tpu.dma_semaphore, #tpu.memory_space<semaphore_mem>>)
        %add3A_1320 = arith.constant 1 : i32
        %add3A_1321 = arith.addi %select_n3A_1237, %add3A_1320 : i32
        scf.yield %add3A_1321 : i32
      }
      %while3A_1041 = arith.constant 1 : i32
      %while3A_1042 = scf.for %while3A_1220 = %while3A_1038 to %while3A_1034 step %while3A_1041 iter_args(%while3A_1221 = %while3A_1040) -> (i32)  : i32 {
        %get3A = arith.index_cast %while3A_1220 : i32 to index
        %get3A_1222 = tpu.vector_load %arg7[%get3A] {strides = array<i32>} : memref<16400xi32, #tpu.memory_space<vmem>>, vector<16xi32>,
        %slice3A = vector.extract_strided_slice %get3A_1222 {offsets = [0], sizes = [1], strides = [1]} : vector<16xi32> to vector<1xi32>
        %squeeze3A = vector.extract %slice3A[0] : i32 from vector<1xi32>
        %and3A_1223 = arith.constant 255 : i32
        %and3A_1224 = arith.andi %squeeze3A, %and3A_1223 : i32
        %add3A_1225 = arith.addi %and3A_1224, %sub3A_1031 : i32
        %shift_right_arithmetic3A = arith.constant 9 : i32
        %shift_right_arithmetic3A_1226 = arith.shrsi %squeeze3A, %shift_right_arithmetic3A : i32
        %mul3A_1227 = arith.constant 0 : i32
        %mul3A_1228 = vector.broadcast %mul3A_1227 : i32 to vector<16xi32>
        %mul3A_1229 = arith.muli %iota3A, %mul3A_1228 : vector<16xi32>
        %add3A_1230 = vector.broadcast %add3A_1225 : i32 to vector<16xi32>
        %add3A_1231 = arith.addi %mul3A_1229, %add3A_1230 : vector<16xi32>
        %ge3A = arith.constant 64 : i32
        %ge3A_1232 = arith.cmpi sge, %while3A_1221, %ge3A : i32
        %convert_element_type3A_1233 = arith.extui %ge3A_1232 : i1 to i32
        %cond3A_1234 = arith.constant 0 : i32
        %cond3A_1235 = arith.cmpi ne, %convert_element_type3A_1233, %cond3A_1234 : i32
        scf.if %cond3A_1235 {
          %scan3A_1322 = arith.constant 0 : i32
          %scan3A_1323 = arith.constant 0 : i32
          %scan3A_1324 = arith.constant 64 : i32
          %scan3A_1325 = arith.addi %scan3A_1323, %scan3A_1324 : i32
          %scan3A_1326 = arith.constant 1 : i32
          scf.for %scan3A_1328 = %scan3A_1323 to %scan3A_1325 step %scan3A_1326  : i32 {
            %dma_wait3A_1329 = arith.constant 0 : i32
            %dma_wait3A_1330 = arith.constant 0 : i32
            %dma_wait3A_1331 = tpu.memref_slice %arg9[%dma_wait3A_1329, %dma_wait3A_1330] : memref<64x64xf32, #tpu.memory_space<vmem>> -> memref<1x64xf32, #tpu.memory_space<vmem>>
            %dma_wait3A_1332 = arith.constant 0 : i32
            %dma_wait3A_1333 = arith.constant 0 : i32
            %dma_wait3A_1334 = tpu.memref_slice %arg4[%dma_wait3A_1332, %dma_wait3A_1333] : memref<16384x64xf32, #tpu.memory_space<hbm>> -> memref<1x64xf32, #tpu.memory_space<hbm>>
            %dma_wait3A_1335 = arith.constant 0 : i32
            %dma_wait3A_1336 = arith.constant 0 : i32
            %dma_wait3A_1337 = tpu.memref_slice %arg4[%dma_wait3A_1335, %dma_wait3A_1336] : memref<16384x64xf32, #tpu.memory_space<hbm>> -> memref<1x64xf32, #tpu.memory_space<hbm>>
            %dma_wait3A_1338 = arith.constant 0 : i32
            %dma_wait3A_1339 = arith.constant 0 : i32
            %dma_wait3A_1340 = tpu.memref_slice %arg9[%dma_wait3A_1338, %dma_wait3A_1339] : memref<64x64xf32, #tpu.memory_space<vmem>> -> memref<1x64xf32, #tpu.memory_space<vmem>>
            tpu.wait_dma2 semaphore(%arg14 : memref<!tpu.dma_semaphore, #tpu.memory_space<semaphore_mem>>) src(%dma_wait3A_1340 : memref<1x64xf32, #tpu.memory_space<vmem>>) dst(%dma_wait3A_1337 : memref<1x64xf32, #tpu.memory_space<hbm>>)
          }
          %scan3A_1327 = arith.constant 64 : i32
        } else {
        }
        %jit3A_1236 = arith.constant 0 : i32
        %select_n3A_1237 = arith.select %ge3A_1232, %jit3A_1236, %while3A_1221 : i32
        %add3A_1238 = arith.constant 0 : i32
        %add3A_1239 = vector.broadcast %add3A_1238 : i32 to vector<16xi32>
        %add3A_1240 = arith.addi %iota3A, %add3A_1239 : vector<16xi32>
        %shift_right_arithmetic3A_1241 = arith.constant 3 : i32
        %shift_right_arithmetic3A_1242 = vector.broadcast %shift_right_arithmetic3A_1241 : i32 to vector<16xi32>
        %shift_right_arithmetic3A_1243 = arith.shrsi %add3A_1240, %shift_right_arithmetic3A_1242 : vector<16xi32>
        %and3A_1244 = arith.constant 7 : i32
        %and3A_1245 = vector.broadcast %and3A_1244 : i32 to vector<16xi32>
        %and3A_1246 = arith.andi %add3A_1240, %and3A_1245 : vector<16xi32>
        %gather3A = arith.constant 2 : i32
        %gather3A_1247 = arith.constant 0 : i32
        %gather3A_1248 = arith.constant 0 : i32
        %gather3A_1249 = arith.constant 0 : i32
        %gather3A_1250 = tpu.memref_slice %arg8[%gather3A, %gather3A_1247, %gather3A_1248, %gather3A_1249] : memref<4x8x8x256xf32, #tpu.memory_space<vmem>> -> memref<1x8x8x256xf32, #tpu.memory_space<vmem>>
        %gather3A_1251 = tpu.memref_squeeze %gather3A_1250 : memref<1x8x8x256xf32, #tpu.memory_space<vmem>> -> memref<8x8x256xf32, #tpu.memory_space<vmem>>
        %gather3A_1252 = tpu.vector_load_idx %gather3A_1251[%shift_right_arithmetic3A_1243, %and3A_1246, %add3A_1231] : memref<8x8x256xf32, #tpu.memory_space<vmem>>[vector<16xi32>, vector<16xi32>, vector<16xi32>], vector<16xf32>,
        %swap3A = arith.index_cast %select_n3A_1237 : i32 to index
        %swap3A_1253 = arith.constant 0 : index
        %swap3A_1254 = tpu.vector_load %arg9[%swap3A, %swap3A_1253] {strides = array<i32>} : memref<64x64xf32, #tpu.memory_space<vmem>>, vector<16xf32>,
        tpu.vector_store %arg9[%swap3A, %swap3A_1253], %gather3A_1252 {strides = array<i32>} : memref<64x64xf32, #tpu.memory_space<vmem>>, vector<16xf32>,
        %add3A_1255 = arith.constant 16 : i32
        %add3A_1256 = vector.broadcast %add3A_1255 : i32 to vector<16xi32>
        %add3A_1257 = arith.addi %iota3A, %add3A_1256 : vector<16xi32>
        %shift_right_arithmetic3A_1258 = arith.constant 3 : i32
        %shift_right_arithmetic3A_1259 = vector.broadcast %shift_right_arithmetic3A_1258 : i32 to vector<16xi32>
        %shift_right_arithmetic3A_1260 = arith.shrsi %add3A_1257, %shift_right_arithmetic3A_1259 : vector<16xi32>
        %and3A_1261 = arith.constant 7 : i32
        %and3A_1262 = vector.broadcast %and3A_1261 : i32 to vector<16xi32>
        %and3A_1263 = arith.andi %add3A_1257, %and3A_1262 : vector<16xi32>
        %gather3A_1264 = arith.constant 2 : i32
        %gather3A_1265 = arith.constant 0 : i32
        %gather3A_1266 = arith.constant 0 : i32
        %gather3A_1267 = arith.constant 0 : i32
        %gather3A_1268 = tpu.memref_slice %arg8[%gather3A_1264, %gather3A_1265, %gather3A_1266, %gather3A_1267] : memref<4x8x8x256xf32, #tpu.memory_space<vmem>> -> memref<1x8x8x256xf32, #tpu.memory_space<vmem>>
        %gather3A_1269 = tpu.memref_squeeze %gather3A_1268 : memref<1x8x8x256xf32, #tpu.memory_space<vmem>> -> memref<8x8x256xf32, #tpu.memory_space<vmem>>
        %gather3A_1270 = tpu.vector_load_idx %gather3A_1269[%shift_right_arithmetic3A_1260, %and3A_1263, %add3A_1231] : memref<8x8x256xf32, #tpu.memory_space<vmem>>[vector<16xi32>, vector<16xi32>, vector<16xi32>], vector<16xf32>,
        %swap3A_1271 = arith.index_cast %select_n3A_1237 : i32 to index
        %swap3A_1272 = arith.constant 16 : index
        %swap3A_1273 = tpu.vector_load %arg9[%swap3A_1271, %swap3A_1272] {strides = array<i32>} : memref<64x64xf32, #tpu.memory_space<vmem>>, vector<16xf32>,
        tpu.vector_store %arg9[%swap3A_1271, %swap3A_1272], %gather3A_1270 {strides = array<i32>} : memref<64x64xf32, #tpu.memory_space<vmem>>, vector<16xf32>,
        %add3A_1274 = arith.constant 32 : i32
        %add3A_1275 = vector.broadcast %add3A_1274 : i32 to vector<16xi32>
        %add3A_1276 = arith.addi %iota3A, %add3A_1275 : vector<16xi32>
        %shift_right_arithmetic3A_1277 = arith.constant 3 : i32
        %shift_right_arithmetic3A_1278 = vector.broadcast %shift_right_arithmetic3A_1277 : i32 to vector<16xi32>
        %shift_right_arithmetic3A_1279 = arith.shrsi %add3A_1276, %shift_right_arithmetic3A_1278 : vector<16xi32>
        %and3A_1280 = arith.constant 7 : i32
        %and3A_1281 = vector.broadcast %and3A_1280 : i32 to vector<16xi32>
        %and3A_1282 = arith.andi %add3A_1276, %and3A_1281 : vector<16xi32>
        %gather3A_1283 = arith.constant 2 : i32
        %gather3A_1284 = arith.constant 0 : i32
        %gather3A_1285 = arith.constant 0 : i32
        %gather3A_1286 = arith.constant 0 : i32
        %gather3A_1287 = tpu.memref_slice %arg8[%gather3A_1283, %gather3A_1284, %gather3A_1285, %gather3A_1286] : memref<4x8x8x256xf32, #tpu.memory_space<vmem>> -> memref<1x8x8x256xf32, #tpu.memory_space<vmem>>
        %gather3A_1288 = tpu.memref_squeeze %gather3A_1287 : memref<1x8x8x256xf32, #tpu.memory_space<vmem>> -> memref<8x8x256xf32, #tpu.memory_space<vmem>>
        %gather3A_1289 = tpu.vector_load_idx %gather3A_1288[%shift_right_arithmetic3A_1279, %and3A_1282, %add3A_1231] : memref<8x8x256xf32, #tpu.memory_space<vmem>>[vector<16xi32>, vector<16xi32>, vector<16xi32>], vector<16xf32>,
        %swap3A_1290 = arith.index_cast %select_n3A_1237 : i32 to index
        %swap3A_1291 = arith.constant 32 : index
        %swap3A_1292 = tpu.vector_load %arg9[%swap3A_1290, %swap3A_1291] {strides = array<i32>} : memref<64x64xf32, #tpu.memory_space<vmem>>, vector<16xf32>,
        tpu.vector_store %arg9[%swap3A_1290, %swap3A_1291], %gather3A_1289 {strides = array<i32>} : memref<64x64xf32, #tpu.memory_space<vmem>>, vector<16xf32>,
        %add3A_1293 = arith.constant 48 : i32
        %add3A_1294 = vector.broadcast %add3A_1293 : i32 to vector<16xi32>
        %add3A_1295 = arith.addi %iota3A, %add3A_1294 : vector<16xi32>
        %shift_right_arithmetic3A_1296 = arith.constant 3 : i32
        %shift_right_arithmetic3A_1297 = vector.broadcast %shift_right_arithmetic3A_1296 : i32 to vector<16xi32>
        %shift_right_arithmetic3A_1298 = arith.shrsi %add3A_1295, %shift_right_arithmetic3A_1297 : vector<16xi32>
        %and3A_1299 = arith.constant 7 : i32
        %and3A_1300 = vector.broadcast %and3A_1299 : i32 to vector<16xi32>
        %and3A_1301 = arith.andi %add3A_1295, %and3A_1300 : vector<16xi32>
        %gather3A_1302 = arith.constant 2 : i32
        %gather3A_1303 = arith.constant 0 : i32
        %gather3A_1304 = arith.constant 0 : i32
        %gather3A_1305 = arith.constant 0 : i32
        %gather3A_1306 = tpu.memref_slice %arg8[%gather3A_1302, %gather3A_1303, %gather3A_1304, %gather3A_1305] : memref<4x8x8x256xf32, #tpu.memory_space<vmem>> -> memref<1x8x8x256xf32, #tpu.memory_space<vmem>>
        %gather3A_1307 = tpu.memref_squeeze %gather3A_1306 : memref<1x8x8x256xf32, #tpu.memory_space<vmem>> -> memref<8x8x256xf32, #tpu.memory_space<vmem>>
        %gather3A_1308 = tpu.vector_load_idx %gather3A_1307[%shift_right_arithmetic3A_1298, %and3A_1301, %add3A_1231] : memref<8x8x256xf32, #tpu.memory_space<vmem>>[vector<16xi32>, vector<16xi32>, vector<16xi32>], vector<16xf32>,
        %swap3A_1309 = arith.index_cast %select_n3A_1237 : i32 to index
        %swap3A_1310 = arith.constant 48 : index
        %swap3A_1311 = tpu.vector_load %arg9[%swap3A_1309, %swap3A_1310] {strides = array<i32>} : memref<64x64xf32, #tpu.memory_space<vmem>>, vector<16xf32>,
        tpu.vector_store %arg9[%swap3A_1309, %swap3A_1310], %gather3A_1308 {strides = array<i32>} : memref<64x64xf32, #tpu.memory_space<vmem>>, vector<16xf32>,
        %dma_start3A_1312 = arith.constant 0 : i32
        %dma_start3A_1313 = tpu.memref_slice %arg9[%select_n3A_1237, %dma_start3A_1312] : memref<64x64xf32, #tpu.memory_space<vmem>> -> memref<1x64xf32, #tpu.memory_space<vmem>>
        %dma_start3A_1314 = arith.constant 0 : i32
        %dma_start3A_1315 = tpu.memref_slice %arg4[%shift_right_arithmetic3A_1226, %dma_start3A_1314] : memref<16384x64xf32, #tpu.memory_space<hbm>> -> memref<1x64xf32, #tpu.memory_space<hbm>>
        %dma_start3A_1316 = arith.constant 0 : i32
        %dma_start3A_1317 = tpu.memref_slice %arg4[%shift_right_arithmetic3A_1226, %dma_start3A_1316] : memref<16384x64xf32, #tpu.memory_space<hbm>> -> memref<1x64xf32, #tpu.memory_space<hbm>>
        %dma_start3A_1318 = arith.constant 0 : i32
        %dma_start3A_1319 = tpu.memref_slice %arg9[%select_n3A_1237, %dma_start3A_1318] : memref<64x64xf32, #tpu.memory_space<vmem>> -> memref<1x64xf32, #tpu.memory_space<vmem>>
        tpu.enqueue_dma source(%dma_start3A_1319 : memref<1x64xf32, #tpu.memory_space<vmem>>) target(%dma_start3A_1317 : memref<1x64xf32, #tpu.memory_space<hbm>>) target_semaphore(%arg14 : memref<!tpu.dma_semaphore, #tpu.memory_space<semaphore_mem>>)
        %add3A_1320 = arith.constant 1 : i32
        %add3A_1321 = arith.addi %select_n3A_1237, %add3A_1320 : i32
        scf.yield %add3A_1321 : i32
      }
      %add3A_1043 = arith.constant 4 : i32
      %add3A_1044 = arith.addi %add3A_883, %add3A_1043 : i32
      %lt3A_1045 = arith.constant 124 : i32
      %lt3A_1046 = arith.cmpi slt, %add3A_1044, %lt3A_1045 : i32
      %convert_element_type3A_1047 = arith.extui %lt3A_1046 : i1 to i32
      %cond3A_1048 = arith.constant 0 : i32
      %cond3A_1049 = arith.cmpi ne, %convert_element_type3A_1047, %cond3A_1048 : i32
      scf.if %cond3A_1049 {
        %mul3A_1220 = arith.constant 256 : i32
        %mul3A_1221 = arith.muli %add3A_1044, %mul3A_1220 : i32
        %add3A_1222 = arith.addi %mul3A_2, %mul3A_1221 : i32
        %min3A_1223 = arith.constant 999808 : i32
        %min3A_1224 = arith.minsi %add3A_1222, %min3A_1223 : i32
        %multiple_of3A_1225 = tpu.assume_multiple %min3A_1224, 128 : i32
        %multiple_of3A_1226 = tpu.assume_multiple %multiple_of3A_1225, 128 : i32
        %dma_start3A_1227 = arith.constant 2 : i32
        %dma_start3A_1228 = arith.constant 0 : i32
        %dma_start3A_1229 = arith.constant 0 : i32
        %dma_start3A_1230 = arith.constant 0 : i32
        %dma_start3A_1231 = tpu.memref_slice %arg8[%dma_start3A_1227, %dma_start3A_1228, %dma_start3A_1229, %dma_start3A_1230] : memref<4x8x8x256xf32, #tpu.memory_space<vmem>> -> memref<1x1x8x256xf32, #tpu.memory_space<vmem>>
        %dma_start3A_1232 = tpu.memref_squeeze %dma_start3A_1231 : memref<1x1x8x256xf32, #tpu.memory_space<vmem>> -> memref<8x256xf32, #tpu.memory_space<vmem>>
        %dma_start3A_1233 = arith.constant 0 : i32
        %dma_start3A_1234 = tpu.memref_slice %arg2[%dma_start3A_1233, %multiple_of3A_1226] : memref<64x1000001xf32, #tpu.memory_space<hbm>> -> memref<8x256xf32, #tpu.memory_space<hbm>>
        %dma_start3A_1235 = arith.constant 0 : i32
        %dma_start3A_1236 = arith.constant 0 : i32
        %dma_start3A_1237 = tpu.memref_slice %arg8[%dma_start3A_1227, %dma_start3A_1228, %dma_start3A_1235, %dma_start3A_1236] : memref<4x8x8x256xf32, #tpu.memory_space<vmem>> -> memref<1x1x8x256xf32, #tpu.memory_space<vmem>>
        %dma_start3A_1238 = tpu.memref_squeeze %dma_start3A_1237 : memref<1x1x8x256xf32, #tpu.memory_space<vmem>> -> memref<8x256xf32, #tpu.memory_space<vmem>>
        %dma_start3A_1239 = arith.constant 0 : i32
        %dma_start3A_1240 = tpu.memref_slice %arg2[%dma_start3A_1239, %multiple_of3A_1226] : memref<64x1000001xf32, #tpu.memory_space<hbm>> -> memref<8x256xf32, #tpu.memory_space<hbm>>
        tpu.enqueue_dma source(%dma_start3A_1240 : memref<8x256xf32, #tpu.memory_space<hbm>>) target(%dma_start3A_1238 : memref<8x256xf32, #tpu.memory_space<vmem>>) target_semaphore(%arg12 : memref<!tpu.dma_semaphore, #tpu.memory_space<semaphore_mem>>)
        %multiple_of3A_1241 = tpu.assume_multiple %multiple_of3A_1225, 128 : i32
        %dma_start3A_1242 = arith.constant 2 : i32
        %dma_start3A_1243 = arith.constant 1 : i32
        %dma_start3A_1244 = arith.constant 0 : i32
        %dma_start3A_1245 = arith.constant 0 : i32
        %dma_start3A_1246 = tpu.memref_slice %arg8[%dma_start3A_1242, %dma_start3A_1243, %dma_start3A_1244, %dma_start3A_1245] : memref<4x8x8x256xf32, #tpu.memory_space<vmem>> -> memref<1x1x8x256xf32, #tpu.memory_space<vmem>>
        %dma_start3A_1247 = tpu.memref_squeeze %dma_start3A_1246 : memref<1x1x8x256xf32, #tpu.memory_space<vmem>> -> memref<8x256xf32, #tpu.memory_space<vmem>>
        %dma_start3A_1248 = arith.constant 8 : i32
        %dma_start3A_1249 = tpu.memref_slice %arg2[%dma_start3A_1248, %multiple_of3A_1241] : memref<64x1000001xf32, #tpu.memory_space<hbm>> -> memref<8x256xf32, #tpu.memory_space<hbm>>
        %dma_start3A_1250 = arith.constant 0 : i32
        %dma_start3A_1251 = arith.constant 0 : i32
        %dma_start3A_1252 = tpu.memref_slice %arg8[%dma_start3A_1242, %dma_start3A_1243, %dma_start3A_1250, %dma_start3A_1251] : memref<4x8x8x256xf32, #tpu.memory_space<vmem>> -> memref<1x1x8x256xf32, #tpu.memory_space<vmem>>
        %dma_start3A_1253 = tpu.memref_squeeze %dma_start3A_1252 : memref<1x1x8x256xf32, #tpu.memory_space<vmem>> -> memref<8x256xf32, #tpu.memory_space<vmem>>
        %dma_start3A_1254 = arith.constant 8 : i32
        %dma_start3A_1255 = tpu.memref_slice %arg2[%dma_start3A_1254, %multiple_of3A_1241] : memref<64x1000001xf32, #tpu.memory_space<hbm>> -> memref<8x256xf32, #tpu.memory_space<hbm>>
        tpu.enqueue_dma source(%dma_start3A_1255 : memref<8x256xf32, #tpu.memory_space<hbm>>) target(%dma_start3A_1253 : memref<8x256xf32, #tpu.memory_space<vmem>>) target_semaphore(%arg12 : memref<!tpu.dma_semaphore, #tpu.memory_space<semaphore_mem>>)
        %multiple_of3A_1256 = tpu.assume_multiple %multiple_of3A_1225, 128 : i32
        %dma_start3A_1257 = arith.constant 2 : i32
        %dma_start3A_1258 = arith.constant 2 : i32
        %dma_start3A_1259 = arith.constant 0 : i32
        %dma_start3A_1260 = arith.constant 0 : i32
        %dma_start3A_1261 = tpu.memref_slice %arg8[%dma_start3A_1257, %dma_start3A_1258, %dma_start3A_1259, %dma_start3A_1260] : memref<4x8x8x256xf32, #tpu.memory_space<vmem>> -> memref<1x1x8x256xf32, #tpu.memory_space<vmem>>
        %dma_start3A_1262 = tpu.memref_squeeze %dma_start3A_1261 : memref<1x1x8x256xf32, #tpu.memory_space<vmem>> -> memref<8x256xf32, #tpu.memory_space<vmem>>
        %dma_start3A_1263 = arith.constant 16 : i32
        %dma_start3A_1264 = tpu.memref_slice %arg2[%dma_start3A_1263, %multiple_of3A_1256] : memref<64x1000001xf32, #tpu.memory_space<hbm>> -> memref<8x256xf32, #tpu.memory_space<hbm>>
        %dma_start3A_1265 = arith.constant 0 : i32
        %dma_start3A_1266 = arith.constant 0 : i32
        %dma_start3A_1267 = tpu.memref_slice %arg8[%dma_start3A_1257, %dma_start3A_1258, %dma_start3A_1265, %dma_start3A_1266] : memref<4x8x8x256xf32, #tpu.memory_space<vmem>> -> memref<1x1x8x256xf32, #tpu.memory_space<vmem>>
        %dma_start3A_1268 = tpu.memref_squeeze %dma_start3A_1267 : memref<1x1x8x256xf32, #tpu.memory_space<vmem>> -> memref<8x256xf32, #tpu.memory_space<vmem>>
        %dma_start3A_1269 = arith.constant 16 : i32
        %dma_start3A_1270 = tpu.memref_slice %arg2[%dma_start3A_1269, %multiple_of3A_1256] : memref<64x1000001xf32, #tpu.memory_space<hbm>> -> memref<8x256xf32, #tpu.memory_space<hbm>>
        tpu.enqueue_dma source(%dma_start3A_1270 : memref<8x256xf32, #tpu.memory_space<hbm>>) target(%dma_start3A_1268 : memref<8x256xf32, #tpu.memory_space<vmem>>) target_semaphore(%arg12 : memref<!tpu.dma_semaphore, #tpu.memory_space<semaphore_mem>>)
        %multiple_of3A_1271 = tpu.assume_multiple %multiple_of3A_1225, 128 : i32
        %dma_start3A_1272 = arith.constant 2 : i32
        %dma_start3A_1273 = arith.constant 3 : i32
        %dma_start3A_1274 = arith.constant 0 : i32
        %dma_start3A_1275 = arith.constant 0 : i32
        %dma_start3A_1276 = tpu.memref_slice %arg8[%dma_start3A_1272, %dma_start3A_1273, %dma_start3A_1274, %dma_start3A_1275] : memref<4x8x8x256xf32, #tpu.memory_space<vmem>> -> memref<1x1x8x256xf32, #tpu.memory_space<vmem>>
        %dma_start3A_1277 = tpu.memref_squeeze %dma_start3A_1276 : memref<1x1x8x256xf32, #tpu.memory_space<vmem>> -> memref<8x256xf32, #tpu.memory_space<vmem>>
        %dma_start3A_1278 = arith.constant 24 : i32
        %dma_start3A_1279 = tpu.memref_slice %arg2[%dma_start3A_1278, %multiple_of3A_1271] : memref<64x1000001xf32, #tpu.memory_space<hbm>> -> memref<8x256xf32, #tpu.memory_space<hbm>>
        %dma_start3A_1280 = arith.constant 0 : i32
        %dma_start3A_1281 = arith.constant 0 : i32
        %dma_start3A_1282 = tpu.memref_slice %arg8[%dma_start3A_1272, %dma_start3A_1273, %dma_start3A_1280, %dma_start3A_1281] : memref<4x8x8x256xf32, #tpu.memory_space<vmem>> -> memref<1x1x8x256xf32, #tpu.memory_space<vmem>>
        %dma_start3A_1283 = tpu.memref_squeeze %dma_start3A_1282 : memref<1x1x8x256xf32, #tpu.memory_space<vmem>> -> memref<8x256xf32, #tpu.memory_space<vmem>>
        %dma_start3A_1284 = arith.constant 24 : i32
        %dma_start3A_1285 = tpu.memref_slice %arg2[%dma_start3A_1284, %multiple_of3A_1271] : memref<64x1000001xf32, #tpu.memory_space<hbm>> -> memref<8x256xf32, #tpu.memory_space<hbm>>
        tpu.enqueue_dma source(%dma_start3A_1285 : memref<8x256xf32, #tpu.memory_space<hbm>>) target(%dma_start3A_1283 : memref<8x256xf32, #tpu.memory_space<vmem>>) target_semaphore(%arg12 : memref<!tpu.dma_semaphore, #tpu.memory_space<semaphore_mem>>)
        %multiple_of3A_1286 = tpu.assume_multiple %multiple_of3A_1225, 128 : i32
        %dma_start3A_1287 = arith.constant 2 : i32
        %dma_start3A_1288 = arith.constant 4 : i32
        %dma_start3A_1289 = arith.constant 0 : i32
        %dma_start3A_1290 = arith.constant 0 : i32
        %dma_start3A_1291 = tpu.memref_slice %arg8[%dma_start3A_1287, %dma_start3A_1288, %dma_start3A_1289, %dma_start3A_1290] : memref<4x8x8x256xf32, #tpu.memory_space<vmem>> -> memref<1x1x8x256xf32, #tpu.memory_space<vmem>>
        %dma_start3A_1292 = tpu.memref_squeeze %dma_start3A_1291 : memref<1x1x8x256xf32, #tpu.memory_space<vmem>> -> memref<8x256xf32, #tpu.memory_space<vmem>>
        %dma_start3A_1293 = arith.constant 32 : i32
        %dma_start3A_1294 = tpu.memref_slice %arg2[%dma_start3A_1293, %multiple_of3A_1286] : memref<64x1000001xf32, #tpu.memory_space<hbm>> -> memref<8x256xf32, #tpu.memory_space<hbm>>
        %dma_start3A_1295 = arith.constant 0 : i32
        %dma_start3A_1296 = arith.constant 0 : i32
        %dma_start3A_1297 = tpu.memref_slice %arg8[%dma_start3A_1287, %dma_start3A_1288, %dma_start3A_1295, %dma_start3A_1296] : memref<4x8x8x256xf32, #tpu.memory_space<vmem>> -> memref<1x1x8x256xf32, #tpu.memory_space<vmem>>
        %dma_start3A_1298 = tpu.memref_squeeze %dma_start3A_1297 : memref<1x1x8x256xf32, #tpu.memory_space<vmem>> -> memref<8x256xf32, #tpu.memory_space<vmem>>
        %dma_start3A_1299 = arith.constant 32 : i32
        %dma_start3A_1300 = tpu.memref_slice %arg2[%dma_start3A_1299, %multiple_of3A_1286] : memref<64x1000001xf32, #tpu.memory_space<hbm>> -> memref<8x256xf32, #tpu.memory_space<hbm>>
        tpu.enqueue_dma source(%dma_start3A_1300 : memref<8x256xf32, #tpu.memory_space<hbm>>) target(%dma_start3A_1298 : memref<8x256xf32, #tpu.memory_space<vmem>>) target_semaphore(%arg12 : memref<!tpu.dma_semaphore, #tpu.memory_space<semaphore_mem>>)
        %multiple_of3A_1301 = tpu.assume_multiple %multiple_of3A_1225, 128 : i32
        %dma_start3A_1302 = arith.constant 2 : i32
        %dma_start3A_1303 = arith.constant 5 : i32
        %dma_start3A_1304 = arith.constant 0 : i32
        %dma_start3A_1305 = arith.constant 0 : i32
        %dma_start3A_1306 = tpu.memref_slice %arg8[%dma_start3A_1302, %dma_start3A_1303, %dma_start3A_1304, %dma_start3A_1305] : memref<4x8x8x256xf32, #tpu.memory_space<vmem>> -> memref<1x1x8x256xf32, #tpu.memory_space<vmem>>
        %dma_start3A_1307 = tpu.memref_squeeze %dma_start3A_1306 : memref<1x1x8x256xf32, #tpu.memory_space<vmem>> -> memref<8x256xf32, #tpu.memory_space<vmem>>
        %dma_start3A_1308 = arith.constant 40 : i32
        %dma_start3A_1309 = tpu.memref_slice %arg2[%dma_start3A_1308, %multiple_of3A_1301] : memref<64x1000001xf32, #tpu.memory_space<hbm>> -> memref<8x256xf32, #tpu.memory_space<hbm>>
        %dma_start3A_1310 = arith.constant 0 : i32
        %dma_start3A_1311 = arith.constant 0 : i32
        %dma_start3A_1312 = tpu.memref_slice %arg8[%dma_start3A_1302, %dma_start3A_1303, %dma_start3A_1310, %dma_start3A_1311] : memref<4x8x8x256xf32, #tpu.memory_space<vmem>> -> memref<1x1x8x256xf32, #tpu.memory_space<vmem>>
        %dma_start3A_1313 = tpu.memref_squeeze %dma_start3A_1312 : memref<1x1x8x256xf32, #tpu.memory_space<vmem>> -> memref<8x256xf32, #tpu.memory_space<vmem>>
        %dma_start3A_1314 = arith.constant 40 : i32
        %dma_start3A_1315 = tpu.memref_slice %arg2[%dma_start3A_1314, %multiple_of3A_1301] : memref<64x1000001xf32, #tpu.memory_space<hbm>> -> memref<8x256xf32, #tpu.memory_space<hbm>>
        tpu.enqueue_dma source(%dma_start3A_1315 : memref<8x256xf32, #tpu.memory_space<hbm>>) target(%dma_start3A_1313 : memref<8x256xf32, #tpu.memory_space<vmem>>) target_semaphore(%arg12 : memref<!tpu.dma_semaphore, #tpu.memory_space<semaphore_mem>>)
        %multiple_of3A_1316 = tpu.assume_multiple %multiple_of3A_1225, 128 : i32
        %dma_start3A_1317 = arith.constant 2 : i32
        %dma_start3A_1318 = arith.constant 6 : i32
        %dma_start3A_1319 = arith.constant 0 : i32
        %dma_start3A_1320 = arith.constant 0 : i32
        %dma_start3A_1321 = tpu.memref_slice %arg8[%dma_start3A_1317, %dma_start3A_1318, %dma_start3A_1319, %dma_start3A_1320] : memref<4x8x8x256xf32, #tpu.memory_space<vmem>> -> memref<1x1x8x256xf32, #tpu.memory_space<vmem>>
        %dma_start3A_1322 = tpu.memref_squeeze %dma_start3A_1321 : memref<1x1x8x256xf32, #tpu.memory_space<vmem>> -> memref<8x256xf32, #tpu.memory_space<vmem>>
        %dma_start3A_1323 = arith.constant 48 : i32
        %dma_start3A_1324 = tpu.memref_slice %arg2[%dma_start3A_1323, %multiple_of3A_1316] : memref<64x1000001xf32, #tpu.memory_space<hbm>> -> memref<8x256xf32, #tpu.memory_space<hbm>>
        %dma_start3A_1325 = arith.constant 0 : i32
        %dma_start3A_1326 = arith.constant 0 : i32
        %dma_start3A_1327 = tpu.memref_slice %arg8[%dma_start3A_1317, %dma_start3A_1318, %dma_start3A_1325, %dma_start3A_1326] : memref<4x8x8x256xf32, #tpu.memory_space<vmem>> -> memref<1x1x8x256xf32, #tpu.memory_space<vmem>>
        %dma_start3A_1328 = tpu.memref_squeeze %dma_start3A_1327 : memref<1x1x8x256xf32, #tpu.memory_space<vmem>> -> memref<8x256xf32, #tpu.memory_space<vmem>>
        %dma_start3A_1329 = arith.constant 48 : i32
        %dma_start3A_1330 = tpu.memref_slice %arg2[%dma_start3A_1329, %multiple_of3A_1316] : memref<64x1000001xf32, #tpu.memory_space<hbm>> -> memref<8x256xf32, #tpu.memory_space<hbm>>
        tpu.enqueue_dma source(%dma_start3A_1330 : memref<8x256xf32, #tpu.memory_space<hbm>>) target(%dma_start3A_1328 : memref<8x256xf32, #tpu.memory_space<vmem>>) target_semaphore(%arg12 : memref<!tpu.dma_semaphore, #tpu.memory_space<semaphore_mem>>)
        %multiple_of3A_1331 = tpu.assume_multiple %multiple_of3A_1225, 128 : i32
        %dma_start3A_1332 = arith.constant 2 : i32
        %dma_start3A_1333 = arith.constant 7 : i32
        %dma_start3A_1334 = arith.constant 0 : i32
        %dma_start3A_1335 = arith.constant 0 : i32
        %dma_start3A_1336 = tpu.memref_slice %arg8[%dma_start3A_1332, %dma_start3A_1333, %dma_start3A_1334, %dma_start3A_1335] : memref<4x8x8x256xf32, #tpu.memory_space<vmem>> -> memref<1x1x8x256xf32, #tpu.memory_space<vmem>>
        %dma_start3A_1337 = tpu.memref_squeeze %dma_start3A_1336 : memref<1x1x8x256xf32, #tpu.memory_space<vmem>> -> memref<8x256xf32, #tpu.memory_space<vmem>>
        %dma_start3A_1338 = arith.constant 56 : i32
        %dma_start3A_1339 = tpu.memref_slice %arg2[%dma_start3A_1338, %multiple_of3A_1331] : memref<64x1000001xf32, #tpu.memory_space<hbm>> -> memref<8x256xf32, #tpu.memory_space<hbm>>
        %dma_start3A_1340 = arith.constant 0 : i32
        %dma_start3A_1341 = arith.constant 0 : i32
        %dma_start3A_1342 = tpu.memref_slice %arg8[%dma_start3A_1332, %dma_start3A_1333, %dma_start3A_1340, %dma_start3A_1341] : memref<4x8x8x256xf32, #tpu.memory_space<vmem>> -> memref<1x1x8x256xf32, #tpu.memory_space<vmem>>
        %dma_start3A_1343 = tpu.memref_squeeze %dma_start3A_1342 : memref<1x1x8x256xf32, #tpu.memory_space<vmem>> -> memref<8x256xf32, #tpu.memory_space<vmem>>
        %dma_start3A_1344 = arith.constant 56 : i32
        %dma_start3A_1345 = tpu.memref_slice %arg2[%dma_start3A_1344, %multiple_of3A_1331] : memref<64x1000001xf32, #tpu.memory_space<hbm>> -> memref<8x256xf32, #tpu.memory_space<hbm>>
        tpu.enqueue_dma source(%dma_start3A_1345 : memref<8x256xf32, #tpu.memory_space<hbm>>) target(%dma_start3A_1343 : memref<8x256xf32, #tpu.memory_space<vmem>>) target_semaphore(%arg12 : memref<!tpu.dma_semaphore, #tpu.memory_space<semaphore_mem>>)
      } else {
      }
      %mul3A_1050 = arith.constant 4 : i32
      %mul3A_1051 = arith.muli %scan3A_542, %mul3A_1050 : i32
      %add3A_1052 = arith.constant 3 : i32
      %add3A_1053 = arith.addi %mul3A_1051, %add3A_1052 : i32
      %mul3A_1054 = arith.constant 256 : i32
      %mul3A_1055 = arith.muli %add3A_1053, %mul3A_1054 : i32
      %add3A_1056 = arith.addi %mul3A_2, %mul3A_1055 : i32
      %mul3A_1057 = arith.constant 256 : i32
      %mul3A_1058 = arith.muli %add3A_1053, %mul3A_1057 : i32
      %add3A_1059 = arith.addi %mul3A_2, %mul3A_1058 : i32
      %min3A_1060 = arith.constant 999808 : i32
      %min3A_1061 = arith.minsi %add3A_1059, %min3A_1060 : i32
      %multiple_of3A_1062 = tpu.assume_multiple %min3A_1061, 128 : i32
      %mul3A_1063 = arith.constant 256 : i32
      %mul3A_1064 = arith.muli %add3A_1053, %mul3A_1063 : i32
      %add3A_1065 = arith.addi %mul3A_2, %mul3A_1064 : i32
      %min3A_1066 = arith.constant 999808 : i32
      %min3A_1067 = arith.minsi %add3A_1065, %min3A_1066 : i32
      %multiple_of3A_1068 = tpu.assume_multiple %min3A_1067, 128 : i32
      %multiple_of3A_1069 = tpu.assume_multiple %multiple_of3A_1068, 128 : i32
      %dma_wait3A_1070 = arith.constant 3 : i32
      %dma_wait3A_1071 = arith.constant 0 : i32
      %dma_wait3A_1072 = arith.constant 0 : i32
      %dma_wait3A_1073 = arith.constant 0 : i32
      %dma_wait3A_1074 = tpu.memref_slice %arg8[%dma_wait3A_1070, %dma_wait3A_1071, %dma_wait3A_1072, %dma_wait3A_1073] : memref<4x8x8x256xf32, #tpu.memory_space<vmem>> -> memref<1x1x8x256xf32, #tpu.memory_space<vmem>>
      %dma_wait3A_1075 = tpu.memref_squeeze %dma_wait3A_1074 : memref<1x1x8x256xf32, #tpu.memory_space<vmem>> -> memref<8x256xf32, #tpu.memory_space<vmem>>
      %dma_wait3A_1076 = arith.constant 0 : i32
      %dma_wait3A_1077 = tpu.memref_slice %arg2[%dma_wait3A_1076, %multiple_of3A_1069] : memref<64x1000001xf32, #tpu.memory_space<hbm>> -> memref<8x256xf32, #tpu.memory_space<hbm>>
      %dma_wait3A_1078 = arith.constant 0 : i32
      %dma_wait3A_1079 = arith.constant 0 : i32
      %dma_wait3A_1080 = tpu.memref_slice %arg8[%dma_wait3A_1070, %dma_wait3A_1071, %dma_wait3A_1078, %dma_wait3A_1079] : memref<4x8x8x256xf32, #tpu.memory_space<vmem>> -> memref<1x1x8x256xf32, #tpu.memory_space<vmem>>
      %dma_wait3A_1081 = tpu.memref_squeeze %dma_wait3A_1080 : memref<1x1x8x256xf32, #tpu.memory_space<vmem>> -> memref<8x256xf32, #tpu.memory_space<vmem>>
      %dma_wait3A_1082 = arith.constant 0 : i32
      %dma_wait3A_1083 = tpu.memref_slice %arg2[%dma_wait3A_1082, %multiple_of3A_1069] : memref<64x1000001xf32, #tpu.memory_space<hbm>> -> memref<8x256xf32, #tpu.memory_space<hbm>>
      tpu.wait_dma2 semaphore(%arg13 : memref<!tpu.dma_semaphore, #tpu.memory_space<semaphore_mem>>) src(%dma_wait3A_1083 : memref<8x256xf32, #tpu.memory_space<hbm>>) dst(%dma_wait3A_1081 : memref<8x256xf32, #tpu.memory_space<vmem>>)
      %multiple_of3A_1084 = tpu.assume_multiple %multiple_of3A_1068, 128 : i32
      %dma_wait3A_1085 = arith.constant 3 : i32
      %dma_wait3A_1086 = arith.constant 1 : i32
      %dma_wait3A_1087 = arith.constant 0 : i32
      %dma_wait3A_1088 = arith.constant 0 : i32
      %dma_wait3A_1089 = tpu.memref_slice %arg8[%dma_wait3A_1085, %dma_wait3A_1086, %dma_wait3A_1087, %dma_wait3A_1088] : memref<4x8x8x256xf32, #tpu.memory_space<vmem>> -> memref<1x1x8x256xf32, #tpu.memory_space<vmem>>
      %dma_wait3A_1090 = tpu.memref_squeeze %dma_wait3A_1089 : memref<1x1x8x256xf32, #tpu.memory_space<vmem>> -> memref<8x256xf32, #tpu.memory_space<vmem>>
      %dma_wait3A_1091 = arith.constant 8 : i32
      %dma_wait3A_1092 = tpu.memref_slice %arg2[%dma_wait3A_1091, %multiple_of3A_1084] : memref<64x1000001xf32, #tpu.memory_space<hbm>> -> memref<8x256xf32, #tpu.memory_space<hbm>>
      %dma_wait3A_1093 = arith.constant 0 : i32
      %dma_wait3A_1094 = arith.constant 0 : i32
      %dma_wait3A_1095 = tpu.memref_slice %arg8[%dma_wait3A_1085, %dma_wait3A_1086, %dma_wait3A_1093, %dma_wait3A_1094] : memref<4x8x8x256xf32, #tpu.memory_space<vmem>> -> memref<1x1x8x256xf32, #tpu.memory_space<vmem>>
      %dma_wait3A_1096 = tpu.memref_squeeze %dma_wait3A_1095 : memref<1x1x8x256xf32, #tpu.memory_space<vmem>> -> memref<8x256xf32, #tpu.memory_space<vmem>>
      %dma_wait3A_1097 = arith.constant 8 : i32
      %dma_wait3A_1098 = tpu.memref_slice %arg2[%dma_wait3A_1097, %multiple_of3A_1084] : memref<64x1000001xf32, #tpu.memory_space<hbm>> -> memref<8x256xf32, #tpu.memory_space<hbm>>
      tpu.wait_dma2 semaphore(%arg13 : memref<!tpu.dma_semaphore, #tpu.memory_space<semaphore_mem>>) src(%dma_wait3A_1098 : memref<8x256xf32, #tpu.memory_space<hbm>>) dst(%dma_wait3A_1096 : memref<8x256xf32, #tpu.memory_space<vmem>>)
      %multiple_of3A_1099 = tpu.assume_multiple %multiple_of3A_1068, 128 : i32
      %dma_wait3A_1100 = arith.constant 3 : i32
      %dma_wait3A_1101 = arith.constant 2 : i32
      %dma_wait3A_1102 = arith.constant 0 : i32
      %dma_wait3A_1103 = arith.constant 0 : i32
      %dma_wait3A_1104 = tpu.memref_slice %arg8[%dma_wait3A_1100, %dma_wait3A_1101, %dma_wait3A_1102, %dma_wait3A_1103] : memref<4x8x8x256xf32, #tpu.memory_space<vmem>> -> memref<1x1x8x256xf32, #tpu.memory_space<vmem>>
      %dma_wait3A_1105 = tpu.memref_squeeze %dma_wait3A_1104 : memref<1x1x8x256xf32, #tpu.memory_space<vmem>> -> memref<8x256xf32, #tpu.memory_space<vmem>>
      %dma_wait3A_1106 = arith.constant 16 : i32
      %dma_wait3A_1107 = tpu.memref_slice %arg2[%dma_wait3A_1106, %multiple_of3A_1099] : memref<64x1000001xf32, #tpu.memory_space<hbm>> -> memref<8x256xf32, #tpu.memory_space<hbm>>
      %dma_wait3A_1108 = arith.constant 0 : i32
      %dma_wait3A_1109 = arith.constant 0 : i32
      %dma_wait3A_1110 = tpu.memref_slice %arg8[%dma_wait3A_1100, %dma_wait3A_1101, %dma_wait3A_1108, %dma_wait3A_1109] : memref<4x8x8x256xf32, #tpu.memory_space<vmem>> -> memref<1x1x8x256xf32, #tpu.memory_space<vmem>>
      %dma_wait3A_1111 = tpu.memref_squeeze %dma_wait3A_1110 : memref<1x1x8x256xf32, #tpu.memory_space<vmem>> -> memref<8x256xf32, #tpu.memory_space<vmem>>
      %dma_wait3A_1112 = arith.constant 16 : i32
      %dma_wait3A_1113 = tpu.memref_slice %arg2[%dma_wait3A_1112, %multiple_of3A_1099] : memref<64x1000001xf32, #tpu.memory_space<hbm>> -> memref<8x256xf32, #tpu.memory_space<hbm>>
      tpu.wait_dma2 semaphore(%arg13 : memref<!tpu.dma_semaphore, #tpu.memory_space<semaphore_mem>>) src(%dma_wait3A_1113 : memref<8x256xf32, #tpu.memory_space<hbm>>) dst(%dma_wait3A_1111 : memref<8x256xf32, #tpu.memory_space<vmem>>)
      %multiple_of3A_1114 = tpu.assume_multiple %multiple_of3A_1068, 128 : i32
      %dma_wait3A_1115 = arith.constant 3 : i32
      %dma_wait3A_1116 = arith.constant 3 : i32
      %dma_wait3A_1117 = arith.constant 0 : i32
      %dma_wait3A_1118 = arith.constant 0 : i32
      %dma_wait3A_1119 = tpu.memref_slice %arg8[%dma_wait3A_1115, %dma_wait3A_1116, %dma_wait3A_1117, %dma_wait3A_1118] : memref<4x8x8x256xf32, #tpu.memory_space<vmem>> -> memref<1x1x8x256xf32, #tpu.memory_space<vmem>>
      %dma_wait3A_1120 = tpu.memref_squeeze %dma_wait3A_1119 : memref<1x1x8x256xf32, #tpu.memory_space<vmem>> -> memref<8x256xf32, #tpu.memory_space<vmem>>
      %dma_wait3A_1121 = arith.constant 24 : i32
      %dma_wait3A_1122 = tpu.memref_slice %arg2[%dma_wait3A_1121, %multiple_of3A_1114] : memref<64x1000001xf32, #tpu.memory_space<hbm>> -> memref<8x256xf32, #tpu.memory_space<hbm>>
      %dma_wait3A_1123 = arith.constant 0 : i32
      %dma_wait3A_1124 = arith.constant 0 : i32
      %dma_wait3A_1125 = tpu.memref_slice %arg8[%dma_wait3A_1115, %dma_wait3A_1116, %dma_wait3A_1123, %dma_wait3A_1124] : memref<4x8x8x256xf32, #tpu.memory_space<vmem>> -> memref<1x1x8x256xf32, #tpu.memory_space<vmem>>
      %dma_wait3A_1126 = tpu.memref_squeeze %dma_wait3A_1125 : memref<1x1x8x256xf32, #tpu.memory_space<vmem>> -> memref<8x256xf32, #tpu.memory_space<vmem>>
      %dma_wait3A_1127 = arith.constant 24 : i32
      %dma_wait3A_1128 = tpu.memref_slice %arg2[%dma_wait3A_1127, %multiple_of3A_1114] : memref<64x1000001xf32, #tpu.memory_space<hbm>> -> memref<8x256xf32, #tpu.memory_space<hbm>>
      tpu.wait_dma2 semaphore(%arg13 : memref<!tpu.dma_semaphore, #tpu.memory_space<semaphore_mem>>) src(%dma_wait3A_1128 : memref<8x256xf32, #tpu.memory_space<hbm>>) dst(%dma_wait3A_1126 : memref<8x256xf32, #tpu.memory_space<vmem>>)
      %multiple_of3A_1129 = tpu.assume_multiple %multiple_of3A_1068, 128 : i32
      %dma_wait3A_1130 = arith.constant 3 : i32
      %dma_wait3A_1131 = arith.constant 4 : i32
      %dma_wait3A_1132 = arith.constant 0 : i32
      %dma_wait3A_1133 = arith.constant 0 : i32
      %dma_wait3A_1134 = tpu.memref_slice %arg8[%dma_wait3A_1130, %dma_wait3A_1131, %dma_wait3A_1132, %dma_wait3A_1133] : memref<4x8x8x256xf32, #tpu.memory_space<vmem>> -> memref<1x1x8x256xf32, #tpu.memory_space<vmem>>
      %dma_wait3A_1135 = tpu.memref_squeeze %dma_wait3A_1134 : memref<1x1x8x256xf32, #tpu.memory_space<vmem>> -> memref<8x256xf32, #tpu.memory_space<vmem>>
      %dma_wait3A_1136 = arith.constant 32 : i32
      %dma_wait3A_1137 = tpu.memref_slice %arg2[%dma_wait3A_1136, %multiple_of3A_1129] : memref<64x1000001xf32, #tpu.memory_space<hbm>> -> memref<8x256xf32, #tpu.memory_space<hbm>>
      %dma_wait3A_1138 = arith.constant 0 : i32
      %dma_wait3A_1139 = arith.constant 0 : i32
      %dma_wait3A_1140 = tpu.memref_slice %arg8[%dma_wait3A_1130, %dma_wait3A_1131, %dma_wait3A_1138, %dma_wait3A_1139] : memref<4x8x8x256xf32, #tpu.memory_space<vmem>> -> memref<1x1x8x256xf32, #tpu.memory_space<vmem>>
      %dma_wait3A_1141 = tpu.memref_squeeze %dma_wait3A_1140 : memref<1x1x8x256xf32, #tpu.memory_space<vmem>> -> memref<8x256xf32, #tpu.memory_space<vmem>>
      %dma_wait3A_1142 = arith.constant 32 : i32
      %dma_wait3A_1143 = tpu.memref_slice %arg2[%dma_wait3A_1142, %multiple_of3A_1129] : memref<64x1000001xf32, #tpu.memory_space<hbm>> -> memref<8x256xf32, #tpu.memory_space<hbm>>
      tpu.wait_dma2 semaphore(%arg13 : memref<!tpu.dma_semaphore, #tpu.memory_space<semaphore_mem>>) src(%dma_wait3A_1143 : memref<8x256xf32, #tpu.memory_space<hbm>>) dst(%dma_wait3A_1141 : memref<8x256xf32, #tpu.memory_space<vmem>>)
      %multiple_of3A_1144 = tpu.assume_multiple %multiple_of3A_1068, 128 : i32
      %dma_wait3A_1145 = arith.constant 3 : i32
      %dma_wait3A_1146 = arith.constant 5 : i32
      %dma_wait3A_1147 = arith.constant 0 : i32
      %dma_wait3A_1148 = arith.constant 0 : i32
      %dma_wait3A_1149 = tpu.memref_slice %arg8[%dma_wait3A_1145, %dma_wait3A_1146, %dma_wait3A_1147, %dma_wait3A_1148] : memref<4x8x8x256xf32, #tpu.memory_space<vmem>> -> memref<1x1x8x256xf32, #tpu.memory_space<vmem>>
      %dma_wait3A_1150 = tpu.memref_squeeze %dma_wait3A_1149 : memref<1x1x8x256xf32, #tpu.memory_space<vmem>> -> memref<8x256xf32, #tpu.memory_space<vmem>>
      %dma_wait3A_1151 = arith.constant 40 : i32
      %dma_wait3A_1152 = tpu.memref_slice %arg2[%dma_wait3A_1151, %multiple_of3A_1144] : memref<64x1000001xf32, #tpu.memory_space<hbm>> -> memref<8x256xf32, #tpu.memory_space<hbm>>
      %dma_wait3A_1153 = arith.constant 0 : i32
      %dma_wait3A_1154 = arith.constant 0 : i32
      %dma_wait3A_1155 = tpu.memref_slice %arg8[%dma_wait3A_1145, %dma_wait3A_1146, %dma_wait3A_1153, %dma_wait3A_1154] : memref<4x8x8x256xf32, #tpu.memory_space<vmem>> -> memref<1x1x8x256xf32, #tpu.memory_space<vmem>>
      %dma_wait3A_1156 = tpu.memref_squeeze %dma_wait3A_1155 : memref<1x1x8x256xf32, #tpu.memory_space<vmem>> -> memref<8x256xf32, #tpu.memory_space<vmem>>
      %dma_wait3A_1157 = arith.constant 40 : i32
      %dma_wait3A_1158 = tpu.memref_slice %arg2[%dma_wait3A_1157, %multiple_of3A_1144] : memref<64x1000001xf32, #tpu.memory_space<hbm>> -> memref<8x256xf32, #tpu.memory_space<hbm>>
      tpu.wait_dma2 semaphore(%arg13 : memref<!tpu.dma_semaphore, #tpu.memory_space<semaphore_mem>>) src(%dma_wait3A_1158 : memref<8x256xf32, #tpu.memory_space<hbm>>) dst(%dma_wait3A_1156 : memref<8x256xf32, #tpu.memory_space<vmem>>)
      %multiple_of3A_1159 = tpu.assume_multiple %multiple_of3A_1068, 128 : i32
      %dma_wait3A_1160 = arith.constant 3 : i32
      %dma_wait3A_1161 = arith.constant 6 : i32
      %dma_wait3A_1162 = arith.constant 0 : i32
      %dma_wait3A_1163 = arith.constant 0 : i32
      %dma_wait3A_1164 = tpu.memref_slice %arg8[%dma_wait3A_1160, %dma_wait3A_1161, %dma_wait3A_1162, %dma_wait3A_1163] : memref<4x8x8x256xf32, #tpu.memory_space<vmem>> -> memref<1x1x8x256xf32, #tpu.memory_space<vmem>>
      %dma_wait3A_1165 = tpu.memref_squeeze %dma_wait3A_1164 : memref<1x1x8x256xf32, #tpu.memory_space<vmem>> -> memref<8x256xf32, #tpu.memory_space<vmem>>
      %dma_wait3A_1166 = arith.constant 48 : i32
      %dma_wait3A_1167 = tpu.memref_slice %arg2[%dma_wait3A_1166, %multiple_of3A_1159] : memref<64x1000001xf32, #tpu.memory_space<hbm>> -> memref<8x256xf32, #tpu.memory_space<hbm>>
      %dma_wait3A_1168 = arith.constant 0 : i32
      %dma_wait3A_1169 = arith.constant 0 : i32
      %dma_wait3A_1170 = tpu.memref_slice %arg8[%dma_wait3A_1160, %dma_wait3A_1161, %dma_wait3A_1168, %dma_wait3A_1169] : memref<4x8x8x256xf32, #tpu.memory_space<vmem>> -> memref<1x1x8x256xf32, #tpu.memory_space<vmem>>
      %dma_wait3A_1171 = tpu.memref_squeeze %dma_wait3A_1170 : memref<1x1x8x256xf32, #tpu.memory_space<vmem>> -> memref<8x256xf32, #tpu.memory_space<vmem>>
      %dma_wait3A_1172 = arith.constant 48 : i32
      %dma_wait3A_1173 = tpu.memref_slice %arg2[%dma_wait3A_1172, %multiple_of3A_1159] : memref<64x1000001xf32, #tpu.memory_space<hbm>> -> memref<8x256xf32, #tpu.memory_space<hbm>>
      tpu.wait_dma2 semaphore(%arg13 : memref<!tpu.dma_semaphore, #tpu.memory_space<semaphore_mem>>) src(%dma_wait3A_1173 : memref<8x256xf32, #tpu.memory_space<hbm>>) dst(%dma_wait3A_1171 : memref<8x256xf32, #tpu.memory_space<vmem>>)
      %multiple_of3A_1174 = tpu.assume_multiple %multiple_of3A_1068, 128 : i32
      %dma_wait3A_1175 = arith.constant 3 : i32
      %dma_wait3A_1176 = arith.constant 7 : i32
      %dma_wait3A_1177 = arith.constant 0 : i32
      %dma_wait3A_1178 = arith.constant 0 : i32
      %dma_wait3A_1179 = tpu.memref_slice %arg8[%dma_wait3A_1175, %dma_wait3A_1176, %dma_wait3A_1177, %dma_wait3A_1178] : memref<4x8x8x256xf32, #tpu.memory_space<vmem>> -> memref<1x1x8x256xf32, #tpu.memory_space<vmem>>
      %dma_wait3A_1180 = tpu.memref_squeeze %dma_wait3A_1179 : memref<1x1x8x256xf32, #tpu.memory_space<vmem>> -> memref<8x256xf32, #tpu.memory_space<vmem>>
      %dma_wait3A_1181 = arith.constant 56 : i32
      %dma_wait3A_1182 = tpu.memref_slice %arg2[%dma_wait3A_1181, %multiple_of3A_1174] : memref<64x1000001xf32, #tpu.memory_space<hbm>> -> memref<8x256xf32, #tpu.memory_space<hbm>>
      %dma_wait3A_1183 = arith.constant 0 : i32
      %dma_wait3A_1184 = arith.constant 0 : i32
      %dma_wait3A_1185 = tpu.memref_slice %arg8[%dma_wait3A_1175, %dma_wait3A_1176, %dma_wait3A_1183, %dma_wait3A_1184] : memref<4x8x8x256xf32, #tpu.memory_space<vmem>> -> memref<1x1x8x256xf32, #tpu.memory_space<vmem>>
      %dma_wait3A_1186 = tpu.memref_squeeze %dma_wait3A_1185 : memref<1x1x8x256xf32, #tpu.memory_space<vmem>> -> memref<8x256xf32, #tpu.memory_space<vmem>>
      %dma_wait3A_1187 = arith.constant 56 : i32
      %dma_wait3A_1188 = tpu.memref_slice %arg2[%dma_wait3A_1187, %multiple_of3A_1174] : memref<64x1000001xf32, #tpu.memory_space<hbm>> -> memref<8x256xf32, #tpu.memory_space<hbm>>
      tpu.wait_dma2 semaphore(%arg13 : memref<!tpu.dma_semaphore, #tpu.memory_space<semaphore_mem>>) src(%dma_wait3A_1188 : memref<8x256xf32, #tpu.memory_space<hbm>>) dst(%dma_wait3A_1186 : memref<8x256xf32, #tpu.memory_space<vmem>>)
      %while3A_1189 = arith.constant 0 : i32
      %while3A_1190 = arith.constant 0 : i32
      %while3A_1191 = arith.subi %select_n3A, %while3A_1189 : i32
      %while3A_1192 = arith.addi %while3A_1189, %while3A_1191 : i32
      %while3A_1193 = arith.constant 1 : i32
      %while3A_1194 = arith.divsi %while3A_1191, %while3A_1193 : i32
      %while3A_1195 = arith.muli %while3A_1194, %while3A_1193 : i32
      %while3A_1196 = arith.addi %while3A_1189, %while3A_1195 : i32
      %while3A_1197 = arith.constant 1 : i32
      %while3A_1198 = scf.for %while3A_1220 = %while3A_1189 to %while3A_1196 step %while3A_1197 iter_args(%while3A_1221 = %while3A_1190) -> (i32)  : i32 {
        %mul3A_1222 = arith.constant 16 : i32
        %mul3A_1223 = arith.muli %while3A_1220, %mul3A_1222 : i32
        %get3A = arith.index_cast %mul3A_1223 : i32 to index
        %get3A_1224 = tpu.vector_load %arg5[%get3A] {strides = array<i32>} : memref<16384xi32, #tpu.memory_space<vmem>>, vector<16xi32>,
        %mul3A_1225 = arith.constant 16 : i32
        %mul3A_1226 = arith.muli %while3A_1220, %mul3A_1225 : i32
        %get3A_1227 = arith.index_cast %mul3A_1226 : i32 to index
        %get3A_1228 = tpu.vector_load %arg6[%get3A_1227] {strides = array<i32>} : memref<16384xi32, #tpu.memory_space<vmem>>, vector<16xi32>,
        %ge3A = vector.broadcast %add3A_1056 : i32 to vector<16xi32>
        %ge3A_1229 = arith.cmpi sge, %get3A_1224, %ge3A : vector<16xi32>
        %add3A_1230 = arith.constant 256 : i32
        %add3A_1231 = arith.addi %add3A_1056, %add3A_1230 : i32
        %lt3A_1232 = vector.broadcast %add3A_1231 : i32 to vector<16xi32>
        %lt3A_1233 = arith.cmpi slt, %get3A_1224, %lt3A_1232 : vector<16xi32>
        %and3A_1234 = arith.andi %ge3A_1229, %lt3A_1233 : vector<16xi1>
        %mul3A_1235 = arith.constant 16 : i32
        %mul3A_1236 = arith.muli %while3A_1220, %mul3A_1235 : i32
        %add3A_1237 = vector.broadcast %mul3A_1236 : i32 to vector<16xi32>
        %add3A_1238 = arith.addi %iota3A, %add3A_1237 : vector<16xi32>
        %lt3A_1239 = vector.broadcast %scan3A_9 : i32 to vector<16xi32>
        %lt3A_1240 = arith.cmpi slt, %add3A_1238, %lt3A_1239 : vector<16xi32>
        %and3A_1241 = arith.andi %and3A_1234, %lt3A_1240 : vector<16xi1>
        %sub3A_1242 = vector.broadcast %add3A_1056 : i32 to vector<16xi32>
        %sub3A_1243 = arith.subi %get3A_1224, %sub3A_1242 : vector<16xi32>
        %shift_left3A = arith.constant 9 : i32
        %shift_left3A_1244 = vector.broadcast %shift_left3A : i32 to vector<16xi32>
        %shift_left3A_1245 = arith.shli %get3A_1228, %shift_left3A_1244 : vector<16xi32>
        %or3A = arith.ori %sub3A_1243, %shift_left3A_1245 : vector<16xi32>
        %swap3A = arith.index_cast %while3A_1221 : i32 to index
        %swap3A_1246 = tpu.vector_load %arg7[%swap3A] masked %and3A_1241 {strides = array<i32>} : memref<16400xi32, #tpu.memory_space<vmem>>, vector<16xi32>, vector<16xi1>
        tpu.vector_store %arg7[%swap3A], %or3A masked %and3A_1241 {strides = array<i32>} : memref<16400xi32, #tpu.memory_space<vmem>>, vector<16xi32>, vector<16xi1>
        %all_reduce_population_count3A = tpu.all_reduce %and3A_1241 {dim = 0 : i64, kind = #tpu.reduction_kind<sum>} : vector<16xi1> -> vector<16xi32>
        %slice3A = vector.extract_strided_slice %all_reduce_population_count3A {offsets = [0], sizes = [1], strides = [1]} : vector<16xi32> to vector<1xi32>
        %squeeze3A = vector.extract %slice3A[0] : i32 from vector<1xi32>
        %add3A_1247 = arith.addi %while3A_1221, %squeeze3A : i32
        scf.yield %add3A_1247 : i32
      }
      %while3A_1199 = arith.constant 1 : i32
      %while3A_1200 = scf.for %while3A_1220 = %while3A_1196 to %while3A_1192 step %while3A_1199 iter_args(%while3A_1221 = %while3A_1198) -> (i32)  : i32 {
        %mul3A_1222 = arith.constant 16 : i32
        %mul3A_1223 = arith.muli %while3A_1220, %mul3A_1222 : i32
        %get3A = arith.index_cast %mul3A_1223 : i32 to index
        %get3A_1224 = tpu.vector_load %arg5[%get3A] {strides = array<i32>} : memref<16384xi32, #tpu.memory_space<vmem>>, vector<16xi32>,
        %mul3A_1225 = arith.constant 16 : i32
        %mul3A_1226 = arith.muli %while3A_1220, %mul3A_1225 : i32
        %get3A_1227 = arith.index_cast %mul3A_1226 : i32 to index
        %get3A_1228 = tpu.vector_load %arg6[%get3A_1227] {strides = array<i32>} : memref<16384xi32, #tpu.memory_space<vmem>>, vector<16xi32>,
        %ge3A = vector.broadcast %add3A_1056 : i32 to vector<16xi32>
        %ge3A_1229 = arith.cmpi sge, %get3A_1224, %ge3A : vector<16xi32>
        %add3A_1230 = arith.constant 256 : i32
        %add3A_1231 = arith.addi %add3A_1056, %add3A_1230 : i32
        %lt3A_1232 = vector.broadcast %add3A_1231 : i32 to vector<16xi32>
        %lt3A_1233 = arith.cmpi slt, %get3A_1224, %lt3A_1232 : vector<16xi32>
        %and3A_1234 = arith.andi %ge3A_1229, %lt3A_1233 : vector<16xi1>
        %mul3A_1235 = arith.constant 16 : i32
        %mul3A_1236 = arith.muli %while3A_1220, %mul3A_1235 : i32
        %add3A_1237 = vector.broadcast %mul3A_1236 : i32 to vector<16xi32>
        %add3A_1238 = arith.addi %iota3A, %add3A_1237 : vector<16xi32>
        %lt3A_1239 = vector.broadcast %scan3A_9 : i32 to vector<16xi32>
        %lt3A_1240 = arith.cmpi slt, %add3A_1238, %lt3A_1239 : vector<16xi32>
        %and3A_1241 = arith.andi %and3A_1234, %lt3A_1240 : vector<16xi1>
        %sub3A_1242 = vector.broadcast %add3A_1056 : i32 to vector<16xi32>
        %sub3A_1243 = arith.subi %get3A_1224, %sub3A_1242 : vector<16xi32>
        %shift_left3A = arith.constant 9 : i32
        %shift_left3A_1244 = vector.broadcast %shift_left3A : i32 to vector<16xi32>
        %shift_left3A_1245 = arith.shli %get3A_1228, %shift_left3A_1244 : vector<16xi32>
        %or3A = arith.ori %sub3A_1243, %shift_left3A_1245 : vector<16xi32>
        %swap3A = arith.index_cast %while3A_1221 : i32 to index
        %swap3A_1246 = tpu.vector_load %arg7[%swap3A] masked %and3A_1241 {strides = array<i32>} : memref<16400xi32, #tpu.memory_space<vmem>>, vector<16xi32>, vector<16xi1>
        tpu.vector_store %arg7[%swap3A], %or3A masked %and3A_1241 {strides = array<i32>} : memref<16400xi32, #tpu.memory_space<vmem>>, vector<16xi32>, vector<16xi1>
        %all_reduce_population_count3A = tpu.all_reduce %and3A_1241 {dim = 0 : i64, kind = #tpu.reduction_kind<sum>} : vector<16xi1> -> vector<16xi32>
        %slice3A = vector.extract_strided_slice %all_reduce_population_count3A {offsets = [0], sizes = [1], strides = [1]} : vector<16xi32> to vector<1xi32>
        %squeeze3A = vector.extract %slice3A[0] : i32 from vector<1xi32>
        %add3A_1247 = arith.addi %while3A_1221, %squeeze3A : i32
        scf.yield %add3A_1247 : i32
      }
      %sub3A_1201 = arith.subi %add3A_1056, %multiple_of3A_1062 : i32
      %while3A_1202 = arith.constant 0 : i32
      %while3A_1203 = arith.subi %while3A_1200, %while3A_1202 : i32
      %while3A_1204 = arith.addi %while3A_1202, %while3A_1203 : i32
      %while3A_1205 = arith.constant 1 : i32
      %while3A_1206 = arith.divsi %while3A_1203, %while3A_1205 : i32
      %while3A_1207 = arith.muli %while3A_1206, %while3A_1205 : i32
      %while3A_1208 = arith.addi %while3A_1202, %while3A_1207 : i32
      %while3A_1209 = arith.constant 1 : i32
      %while3A_1210 = scf.for %while3A_1220 = %while3A_1202 to %while3A_1208 step %while3A_1209 iter_args(%while3A_1221 = %while3A_1042) -> (i32)  : i32 {
        %get3A = arith.index_cast %while3A_1220 : i32 to index
        %get3A_1222 = tpu.vector_load %arg7[%get3A] {strides = array<i32>} : memref<16400xi32, #tpu.memory_space<vmem>>, vector<16xi32>,
        %slice3A = vector.extract_strided_slice %get3A_1222 {offsets = [0], sizes = [1], strides = [1]} : vector<16xi32> to vector<1xi32>
        %squeeze3A = vector.extract %slice3A[0] : i32 from vector<1xi32>
        %and3A_1223 = arith.constant 255 : i32
        %and3A_1224 = arith.andi %squeeze3A, %and3A_1223 : i32
        %add3A_1225 = arith.addi %and3A_1224, %sub3A_1201 : i32
        %shift_right_arithmetic3A = arith.constant 9 : i32
        %shift_right_arithmetic3A_1226 = arith.shrsi %squeeze3A, %shift_right_arithmetic3A : i32
        %mul3A_1227 = arith.constant 0 : i32
        %mul3A_1228 = vector.broadcast %mul3A_1227 : i32 to vector<16xi32>
        %mul3A_1229 = arith.muli %iota3A, %mul3A_1228 : vector<16xi32>
        %add3A_1230 = vector.broadcast %add3A_1225 : i32 to vector<16xi32>
        %add3A_1231 = arith.addi %mul3A_1229, %add3A_1230 : vector<16xi32>
        %ge3A = arith.constant 64 : i32
        %ge3A_1232 = arith.cmpi sge, %while3A_1221, %ge3A : i32
        %convert_element_type3A_1233 = arith.extui %ge3A_1232 : i1 to i32
        %cond3A_1234 = arith.constant 0 : i32
        %cond3A_1235 = arith.cmpi ne, %convert_element_type3A_1233, %cond3A_1234 : i32
        scf.if %cond3A_1235 {
          %scan3A_1322 = arith.constant 0 : i32
          %scan3A_1323 = arith.constant 0 : i32
          %scan3A_1324 = arith.constant 64 : i32
          %scan3A_1325 = arith.addi %scan3A_1323, %scan3A_1324 : i32
          %scan3A_1326 = arith.constant 1 : i32
          scf.for %scan3A_1328 = %scan3A_1323 to %scan3A_1325 step %scan3A_1326  : i32 {
            %dma_wait3A_1329 = arith.constant 0 : i32
            %dma_wait3A_1330 = arith.constant 0 : i32
            %dma_wait3A_1331 = tpu.memref_slice %arg9[%dma_wait3A_1329, %dma_wait3A_1330] : memref<64x64xf32, #tpu.memory_space<vmem>> -> memref<1x64xf32, #tpu.memory_space<vmem>>
            %dma_wait3A_1332 = arith.constant 0 : i32
            %dma_wait3A_1333 = arith.constant 0 : i32
            %dma_wait3A_1334 = tpu.memref_slice %arg4[%dma_wait3A_1332, %dma_wait3A_1333] : memref<16384x64xf32, #tpu.memory_space<hbm>> -> memref<1x64xf32, #tpu.memory_space<hbm>>
            %dma_wait3A_1335 = arith.constant 0 : i32
            %dma_wait3A_1336 = arith.constant 0 : i32
            %dma_wait3A_1337 = tpu.memref_slice %arg4[%dma_wait3A_1335, %dma_wait3A_1336] : memref<16384x64xf32, #tpu.memory_space<hbm>> -> memref<1x64xf32, #tpu.memory_space<hbm>>
            %dma_wait3A_1338 = arith.constant 0 : i32
            %dma_wait3A_1339 = arith.constant 0 : i32
            %dma_wait3A_1340 = tpu.memref_slice %arg9[%dma_wait3A_1338, %dma_wait3A_1339] : memref<64x64xf32, #tpu.memory_space<vmem>> -> memref<1x64xf32, #tpu.memory_space<vmem>>
            tpu.wait_dma2 semaphore(%arg14 : memref<!tpu.dma_semaphore, #tpu.memory_space<semaphore_mem>>) src(%dma_wait3A_1340 : memref<1x64xf32, #tpu.memory_space<vmem>>) dst(%dma_wait3A_1337 : memref<1x64xf32, #tpu.memory_space<hbm>>)
          }
          %scan3A_1327 = arith.constant 64 : i32
        } else {
        }
        %jit3A_1236 = arith.constant 0 : i32
        %select_n3A_1237 = arith.select %ge3A_1232, %jit3A_1236, %while3A_1221 : i32
        %add3A_1238 = arith.constant 0 : i32
        %add3A_1239 = vector.broadcast %add3A_1238 : i32 to vector<16xi32>
        %add3A_1240 = arith.addi %iota3A, %add3A_1239 : vector<16xi32>
        %shift_right_arithmetic3A_1241 = arith.constant 3 : i32
        %shift_right_arithmetic3A_1242 = vector.broadcast %shift_right_arithmetic3A_1241 : i32 to vector<16xi32>
        %shift_right_arithmetic3A_1243 = arith.shrsi %add3A_1240, %shift_right_arithmetic3A_1242 : vector<16xi32>
        %and3A_1244 = arith.constant 7 : i32
        %and3A_1245 = vector.broadcast %and3A_1244 : i32 to vector<16xi32>
        %and3A_1246 = arith.andi %add3A_1240, %and3A_1245 : vector<16xi32>
        %gather3A = arith.constant 3 : i32
        %gather3A_1247 = arith.constant 0 : i32
        %gather3A_1248 = arith.constant 0 : i32
        %gather3A_1249 = arith.constant 0 : i32
        %gather3A_1250 = tpu.memref_slice %arg8[%gather3A, %gather3A_1247, %gather3A_1248, %gather3A_1249] : memref<4x8x8x256xf32, #tpu.memory_space<vmem>> -> memref<1x8x8x256xf32, #tpu.memory_space<vmem>>
        %gather3A_1251 = tpu.memref_squeeze %gather3A_1250 : memref<1x8x8x256xf32, #tpu.memory_space<vmem>> -> memref<8x8x256xf32, #tpu.memory_space<vmem>>
        %gather3A_1252 = tpu.vector_load_idx %gather3A_1251[%shift_right_arithmetic3A_1243, %and3A_1246, %add3A_1231] : memref<8x8x256xf32, #tpu.memory_space<vmem>>[vector<16xi32>, vector<16xi32>, vector<16xi32>], vector<16xf32>,
        %swap3A = arith.index_cast %select_n3A_1237 : i32 to index
        %swap3A_1253 = arith.constant 0 : index
        %swap3A_1254 = tpu.vector_load %arg9[%swap3A, %swap3A_1253] {strides = array<i32>} : memref<64x64xf32, #tpu.memory_space<vmem>>, vector<16xf32>,
        tpu.vector_store %arg9[%swap3A, %swap3A_1253], %gather3A_1252 {strides = array<i32>} : memref<64x64xf32, #tpu.memory_space<vmem>>, vector<16xf32>,
        %add3A_1255 = arith.constant 16 : i32
        %add3A_1256 = vector.broadcast %add3A_1255 : i32 to vector<16xi32>
        %add3A_1257 = arith.addi %iota3A, %add3A_1256 : vector<16xi32>
        %shift_right_arithmetic3A_1258 = arith.constant 3 : i32
        %shift_right_arithmetic3A_1259 = vector.broadcast %shift_right_arithmetic3A_1258 : i32 to vector<16xi32>
        %shift_right_arithmetic3A_1260 = arith.shrsi %add3A_1257, %shift_right_arithmetic3A_1259 : vector<16xi32>
        %and3A_1261 = arith.constant 7 : i32
        %and3A_1262 = vector.broadcast %and3A_1261 : i32 to vector<16xi32>
        %and3A_1263 = arith.andi %add3A_1257, %and3A_1262 : vector<16xi32>
        %gather3A_1264 = arith.constant 3 : i32
        %gather3A_1265 = arith.constant 0 : i32
        %gather3A_1266 = arith.constant 0 : i32
        %gather3A_1267 = arith.constant 0 : i32
        %gather3A_1268 = tpu.memref_slice %arg8[%gather3A_1264, %gather3A_1265, %gather3A_1266, %gather3A_1267] : memref<4x8x8x256xf32, #tpu.memory_space<vmem>> -> memref<1x8x8x256xf32, #tpu.memory_space<vmem>>
        %gather3A_1269 = tpu.memref_squeeze %gather3A_1268 : memref<1x8x8x256xf32, #tpu.memory_space<vmem>> -> memref<8x8x256xf32, #tpu.memory_space<vmem>>
        %gather3A_1270 = tpu.vector_load_idx %gather3A_1269[%shift_right_arithmetic3A_1260, %and3A_1263, %add3A_1231] : memref<8x8x256xf32, #tpu.memory_space<vmem>>[vector<16xi32>, vector<16xi32>, vector<16xi32>], vector<16xf32>,
        %swap3A_1271 = arith.index_cast %select_n3A_1237 : i32 to index
        %swap3A_1272 = arith.constant 16 : index
        %swap3A_1273 = tpu.vector_load %arg9[%swap3A_1271, %swap3A_1272] {strides = array<i32>} : memref<64x64xf32, #tpu.memory_space<vmem>>, vector<16xf32>,
        tpu.vector_store %arg9[%swap3A_1271, %swap3A_1272], %gather3A_1270 {strides = array<i32>} : memref<64x64xf32, #tpu.memory_space<vmem>>, vector<16xf32>,
        %add3A_1274 = arith.constant 32 : i32
        %add3A_1275 = vector.broadcast %add3A_1274 : i32 to vector<16xi32>
        %add3A_1276 = arith.addi %iota3A, %add3A_1275 : vector<16xi32>
        %shift_right_arithmetic3A_1277 = arith.constant 3 : i32
        %shift_right_arithmetic3A_1278 = vector.broadcast %shift_right_arithmetic3A_1277 : i32 to vector<16xi32>
        %shift_right_arithmetic3A_1279 = arith.shrsi %add3A_1276, %shift_right_arithmetic3A_1278 : vector<16xi32>
        %and3A_1280 = arith.constant 7 : i32
        %and3A_1281 = vector.broadcast %and3A_1280 : i32 to vector<16xi32>
        %and3A_1282 = arith.andi %add3A_1276, %and3A_1281 : vector<16xi32>
        %gather3A_1283 = arith.constant 3 : i32
        %gather3A_1284 = arith.constant 0 : i32
        %gather3A_1285 = arith.constant 0 : i32
        %gather3A_1286 = arith.constant 0 : i32
        %gather3A_1287 = tpu.memref_slice %arg8[%gather3A_1283, %gather3A_1284, %gather3A_1285, %gather3A_1286] : memref<4x8x8x256xf32, #tpu.memory_space<vmem>> -> memref<1x8x8x256xf32, #tpu.memory_space<vmem>>
        %gather3A_1288 = tpu.memref_squeeze %gather3A_1287 : memref<1x8x8x256xf32, #tpu.memory_space<vmem>> -> memref<8x8x256xf32, #tpu.memory_space<vmem>>
        %gather3A_1289 = tpu.vector_load_idx %gather3A_1288[%shift_right_arithmetic3A_1279, %and3A_1282, %add3A_1231] : memref<8x8x256xf32, #tpu.memory_space<vmem>>[vector<16xi32>, vector<16xi32>, vector<16xi32>], vector<16xf32>,
        %swap3A_1290 = arith.index_cast %select_n3A_1237 : i32 to index
        %swap3A_1291 = arith.constant 32 : index
        %swap3A_1292 = tpu.vector_load %arg9[%swap3A_1290, %swap3A_1291] {strides = array<i32>} : memref<64x64xf32, #tpu.memory_space<vmem>>, vector<16xf32>,
        tpu.vector_store %arg9[%swap3A_1290, %swap3A_1291], %gather3A_1289 {strides = array<i32>} : memref<64x64xf32, #tpu.memory_space<vmem>>, vector<16xf32>,
        %add3A_1293 = arith.constant 48 : i32
        %add3A_1294 = vector.broadcast %add3A_1293 : i32 to vector<16xi32>
        %add3A_1295 = arith.addi %iota3A, %add3A_1294 : vector<16xi32>
        %shift_right_arithmetic3A_1296 = arith.constant 3 : i32
        %shift_right_arithmetic3A_1297 = vector.broadcast %shift_right_arithmetic3A_1296 : i32 to vector<16xi32>
        %shift_right_arithmetic3A_1298 = arith.shrsi %add3A_1295, %shift_right_arithmetic3A_1297 : vector<16xi32>
        %and3A_1299 = arith.constant 7 : i32
        %and3A_1300 = vector.broadcast %and3A_1299 : i32 to vector<16xi32>
        %and3A_1301 = arith.andi %add3A_1295, %and3A_1300 : vector<16xi32>
        %gather3A_1302 = arith.constant 3 : i32
        %gather3A_1303 = arith.constant 0 : i32
        %gather3A_1304 = arith.constant 0 : i32
        %gather3A_1305 = arith.constant 0 : i32
        %gather3A_1306 = tpu.memref_slice %arg8[%gather3A_1302, %gather3A_1303, %gather3A_1304, %gather3A_1305] : memref<4x8x8x256xf32, #tpu.memory_space<vmem>> -> memref<1x8x8x256xf32, #tpu.memory_space<vmem>>
        %gather3A_1307 = tpu.memref_squeeze %gather3A_1306 : memref<1x8x8x256xf32, #tpu.memory_space<vmem>> -> memref<8x8x256xf32, #tpu.memory_space<vmem>>
        %gather3A_1308 = tpu.vector_load_idx %gather3A_1307[%shift_right_arithmetic3A_1298, %and3A_1301, %add3A_1231] : memref<8x8x256xf32, #tpu.memory_space<vmem>>[vector<16xi32>, vector<16xi32>, vector<16xi32>], vector<16xf32>,
        %swap3A_1309 = arith.index_cast %select_n3A_1237 : i32 to index
        %swap3A_1310 = arith.constant 48 : index
        %swap3A_1311 = tpu.vector_load %arg9[%swap3A_1309, %swap3A_1310] {strides = array<i32>} : memref<64x64xf32, #tpu.memory_space<vmem>>, vector<16xf32>,
        tpu.vector_store %arg9[%swap3A_1309, %swap3A_1310], %gather3A_1308 {strides = array<i32>} : memref<64x64xf32, #tpu.memory_space<vmem>>, vector<16xf32>,
        %dma_start3A_1312 = arith.constant 0 : i32
        %dma_start3A_1313 = tpu.memref_slice %arg9[%select_n3A_1237, %dma_start3A_1312] : memref<64x64xf32, #tpu.memory_space<vmem>> -> memref<1x64xf32, #tpu.memory_space<vmem>>
        %dma_start3A_1314 = arith.constant 0 : i32
        %dma_start3A_1315 = tpu.memref_slice %arg4[%shift_right_arithmetic3A_1226, %dma_start3A_1314] : memref<16384x64xf32, #tpu.memory_space<hbm>> -> memref<1x64xf32, #tpu.memory_space<hbm>>
        %dma_start3A_1316 = arith.constant 0 : i32
        %dma_start3A_1317 = tpu.memref_slice %arg4[%shift_right_arithmetic3A_1226, %dma_start3A_1316] : memref<16384x64xf32, #tpu.memory_space<hbm>> -> memref<1x64xf32, #tpu.memory_space<hbm>>
        %dma_start3A_1318 = arith.constant 0 : i32
        %dma_start3A_1319 = tpu.memref_slice %arg9[%select_n3A_1237, %dma_start3A_1318] : memref<64x64xf32, #tpu.memory_space<vmem>> -> memref<1x64xf32, #tpu.memory_space<vmem>>
        tpu.enqueue_dma source(%dma_start3A_1319 : memref<1x64xf32, #tpu.memory_space<vmem>>) target(%dma_start3A_1317 : memref<1x64xf32, #tpu.memory_space<hbm>>) target_semaphore(%arg14 : memref<!tpu.dma_semaphore, #tpu.memory_space<semaphore_mem>>)
        %add3A_1320 = arith.constant 1 : i32
        %add3A_1321 = arith.addi %select_n3A_1237, %add3A_1320 : i32
        scf.yield %add3A_1321 : i32
      }
      %while3A_1211 = arith.constant 1 : i32
      %while3A_1212 = scf.for %while3A_1220 = %while3A_1208 to %while3A_1204 step %while3A_1211 iter_args(%while3A_1221 = %while3A_1210) -> (i32)  : i32 {
        %get3A = arith.index_cast %while3A_1220 : i32 to index
        %get3A_1222 = tpu.vector_load %arg7[%get3A] {strides = array<i32>} : memref<16400xi32, #tpu.memory_space<vmem>>, vector<16xi32>,
        %slice3A = vector.extract_strided_slice %get3A_1222 {offsets = [0], sizes = [1], strides = [1]} : vector<16xi32> to vector<1xi32>
        %squeeze3A = vector.extract %slice3A[0] : i32 from vector<1xi32>
        %and3A_1223 = arith.constant 255 : i32
        %and3A_1224 = arith.andi %squeeze3A, %and3A_1223 : i32
        %add3A_1225 = arith.addi %and3A_1224, %sub3A_1201 : i32
        %shift_right_arithmetic3A = arith.constant 9 : i32
        %shift_right_arithmetic3A_1226 = arith.shrsi %squeeze3A, %shift_right_arithmetic3A : i32
        %mul3A_1227 = arith.constant 0 : i32
        %mul3A_1228 = vector.broadcast %mul3A_1227 : i32 to vector<16xi32>
        %mul3A_1229 = arith.muli %iota3A, %mul3A_1228 : vector<16xi32>
        %add3A_1230 = vector.broadcast %add3A_1225 : i32 to vector<16xi32>
        %add3A_1231 = arith.addi %mul3A_1229, %add3A_1230 : vector<16xi32>
        %ge3A = arith.constant 64 : i32
        %ge3A_1232 = arith.cmpi sge, %while3A_1221, %ge3A : i32
        %convert_element_type3A_1233 = arith.extui %ge3A_1232 : i1 to i32
        %cond3A_1234 = arith.constant 0 : i32
        %cond3A_1235 = arith.cmpi ne, %convert_element_type3A_1233, %cond3A_1234 : i32
        scf.if %cond3A_1235 {
          %scan3A_1322 = arith.constant 0 : i32
          %scan3A_1323 = arith.constant 0 : i32
          %scan3A_1324 = arith.constant 64 : i32
          %scan3A_1325 = arith.addi %scan3A_1323, %scan3A_1324 : i32
          %scan3A_1326 = arith.constant 1 : i32
          scf.for %scan3A_1328 = %scan3A_1323 to %scan3A_1325 step %scan3A_1326  : i32 {
            %dma_wait3A_1329 = arith.constant 0 : i32
            %dma_wait3A_1330 = arith.constant 0 : i32
            %dma_wait3A_1331 = tpu.memref_slice %arg9[%dma_wait3A_1329, %dma_wait3A_1330] : memref<64x64xf32, #tpu.memory_space<vmem>> -> memref<1x64xf32, #tpu.memory_space<vmem>>
            %dma_wait3A_1332 = arith.constant 0 : i32
            %dma_wait3A_1333 = arith.constant 0 : i32
            %dma_wait3A_1334 = tpu.memref_slice %arg4[%dma_wait3A_1332, %dma_wait3A_1333] : memref<16384x64xf32, #tpu.memory_space<hbm>> -> memref<1x64xf32, #tpu.memory_space<hbm>>
            %dma_wait3A_1335 = arith.constant 0 : i32
            %dma_wait3A_1336 = arith.constant 0 : i32
            %dma_wait3A_1337 = tpu.memref_slice %arg4[%dma_wait3A_1335, %dma_wait3A_1336] : memref<16384x64xf32, #tpu.memory_space<hbm>> -> memref<1x64xf32, #tpu.memory_space<hbm>>
            %dma_wait3A_1338 = arith.constant 0 : i32
            %dma_wait3A_1339 = arith.constant 0 : i32
            %dma_wait3A_1340 = tpu.memref_slice %arg9[%dma_wait3A_1338, %dma_wait3A_1339] : memref<64x64xf32, #tpu.memory_space<vmem>> -> memref<1x64xf32, #tpu.memory_space<vmem>>
            tpu.wait_dma2 semaphore(%arg14 : memref<!tpu.dma_semaphore, #tpu.memory_space<semaphore_mem>>) src(%dma_wait3A_1340 : memref<1x64xf32, #tpu.memory_space<vmem>>) dst(%dma_wait3A_1337 : memref<1x64xf32, #tpu.memory_space<hbm>>)
          }
          %scan3A_1327 = arith.constant 64 : i32
        } else {
        }
        %jit3A_1236 = arith.constant 0 : i32
        %select_n3A_1237 = arith.select %ge3A_1232, %jit3A_1236, %while3A_1221 : i32
        %add3A_1238 = arith.constant 0 : i32
        %add3A_1239 = vector.broadcast %add3A_1238 : i32 to vector<16xi32>
        %add3A_1240 = arith.addi %iota3A, %add3A_1239 : vector<16xi32>
        %shift_right_arithmetic3A_1241 = arith.constant 3 : i32
        %shift_right_arithmetic3A_1242 = vector.broadcast %shift_right_arithmetic3A_1241 : i32 to vector<16xi32>
        %shift_right_arithmetic3A_1243 = arith.shrsi %add3A_1240, %shift_right_arithmetic3A_1242 : vector<16xi32>
        %and3A_1244 = arith.constant 7 : i32
        %and3A_1245 = vector.broadcast %and3A_1244 : i32 to vector<16xi32>
        %and3A_1246 = arith.andi %add3A_1240, %and3A_1245 : vector<16xi32>
        %gather3A = arith.constant 3 : i32
        %gather3A_1247 = arith.constant 0 : i32
        %gather3A_1248 = arith.constant 0 : i32
        %gather3A_1249 = arith.constant 0 : i32
        %gather3A_1250 = tpu.memref_slice %arg8[%gather3A, %gather3A_1247, %gather3A_1248, %gather3A_1249] : memref<4x8x8x256xf32, #tpu.memory_space<vmem>> -> memref<1x8x8x256xf32, #tpu.memory_space<vmem>>
        %gather3A_1251 = tpu.memref_squeeze %gather3A_1250 : memref<1x8x8x256xf32, #tpu.memory_space<vmem>> -> memref<8x8x256xf32, #tpu.memory_space<vmem>>
        %gather3A_1252 = tpu.vector_load_idx %gather3A_1251[%shift_right_arithmetic3A_1243, %and3A_1246, %add3A_1231] : memref<8x8x256xf32, #tpu.memory_space<vmem>>[vector<16xi32>, vector<16xi32>, vector<16xi32>], vector<16xf32>,
        %swap3A = arith.index_cast %select_n3A_1237 : i32 to index
        %swap3A_1253 = arith.constant 0 : index
        %swap3A_1254 = tpu.vector_load %arg9[%swap3A, %swap3A_1253] {strides = array<i32>} : memref<64x64xf32, #tpu.memory_space<vmem>>, vector<16xf32>,
        tpu.vector_store %arg9[%swap3A, %swap3A_1253], %gather3A_1252 {strides = array<i32>} : memref<64x64xf32, #tpu.memory_space<vmem>>, vector<16xf32>,
        %add3A_1255 = arith.constant 16 : i32
        %add3A_1256 = vector.broadcast %add3A_1255 : i32 to vector<16xi32>
        %add3A_1257 = arith.addi %iota3A, %add3A_1256 : vector<16xi32>
        %shift_right_arithmetic3A_1258 = arith.constant 3 : i32
        %shift_right_arithmetic3A_1259 = vector.broadcast %shift_right_arithmetic3A_1258 : i32 to vector<16xi32>
        %shift_right_arithmetic3A_1260 = arith.shrsi %add3A_1257, %shift_right_arithmetic3A_1259 : vector<16xi32>
        %and3A_1261 = arith.constant 7 : i32
        %and3A_1262 = vector.broadcast %and3A_1261 : i32 to vector<16xi32>
        %and3A_1263 = arith.andi %add3A_1257, %and3A_1262 : vector<16xi32>
        %gather3A_1264 = arith.constant 3 : i32
        %gather3A_1265 = arith.constant 0 : i32
        %gather3A_1266 = arith.constant 0 : i32
        %gather3A_1267 = arith.constant 0 : i32
        %gather3A_1268 = tpu.memref_slice %arg8[%gather3A_1264, %gather3A_1265, %gather3A_1266, %gather3A_1267] : memref<4x8x8x256xf32, #tpu.memory_space<vmem>> -> memref<1x8x8x256xf32, #tpu.memory_space<vmem>>
        %gather3A_1269 = tpu.memref_squeeze %gather3A_1268 : memref<1x8x8x256xf32, #tpu.memory_space<vmem>> -> memref<8x8x256xf32, #tpu.memory_space<vmem>>
        %gather3A_1270 = tpu.vector_load_idx %gather3A_1269[%shift_right_arithmetic3A_1260, %and3A_1263, %add3A_1231] : memref<8x8x256xf32, #tpu.memory_space<vmem>>[vector<16xi32>, vector<16xi32>, vector<16xi32>], vector<16xf32>,
        %swap3A_1271 = arith.index_cast %select_n3A_1237 : i32 to index
        %swap3A_1272 = arith.constant 16 : index
        %swap3A_1273 = tpu.vector_load %arg9[%swap3A_1271, %swap3A_1272] {strides = array<i32>} : memref<64x64xf32, #tpu.memory_space<vmem>>, vector<16xf32>,
        tpu.vector_store %arg9[%swap3A_1271, %swap3A_1272], %gather3A_1270 {strides = array<i32>} : memref<64x64xf32, #tpu.memory_space<vmem>>, vector<16xf32>,
        %add3A_1274 = arith.constant 32 : i32
        %add3A_1275 = vector.broadcast %add3A_1274 : i32 to vector<16xi32>
        %add3A_1276 = arith.addi %iota3A, %add3A_1275 : vector<16xi32>
        %shift_right_arithmetic3A_1277 = arith.constant 3 : i32
        %shift_right_arithmetic3A_1278 = vector.broadcast %shift_right_arithmetic3A_1277 : i32 to vector<16xi32>
        %shift_right_arithmetic3A_1279 = arith.shrsi %add3A_1276, %shift_right_arithmetic3A_1278 : vector<16xi32>
        %and3A_1280 = arith.constant 7 : i32
        %and3A_1281 = vector.broadcast %and3A_1280 : i32 to vector<16xi32>
        %and3A_1282 = arith.andi %add3A_1276, %and3A_1281 : vector<16xi32>
        %gather3A_1283 = arith.constant 3 : i32
        %gather3A_1284 = arith.constant 0 : i32
        %gather3A_1285 = arith.constant 0 : i32
        %gather3A_1286 = arith.constant 0 : i32
        %gather3A_1287 = tpu.memref_slice %arg8[%gather3A_1283, %gather3A_1284, %gather3A_1285, %gather3A_1286] : memref<4x8x8x256xf32, #tpu.memory_space<vmem>> -> memref<1x8x8x256xf32, #tpu.memory_space<vmem>>
        %gather3A_1288 = tpu.memref_squeeze %gather3A_1287 : memref<1x8x8x256xf32, #tpu.memory_space<vmem>> -> memref<8x8x256xf32, #tpu.memory_space<vmem>>
        %gather3A_1289 = tpu.vector_load_idx %gather3A_1288[%shift_right_arithmetic3A_1279, %and3A_1282, %add3A_1231] : memref<8x8x256xf32, #tpu.memory_space<vmem>>[vector<16xi32>, vector<16xi32>, vector<16xi32>], vector<16xf32>,
        %swap3A_1290 = arith.index_cast %select_n3A_1237 : i32 to index
        %swap3A_1291 = arith.constant 32 : index
        %swap3A_1292 = tpu.vector_load %arg9[%swap3A_1290, %swap3A_1291] {strides = array<i32>} : memref<64x64xf32, #tpu.memory_space<vmem>>, vector<16xf32>,
        tpu.vector_store %arg9[%swap3A_1290, %swap3A_1291], %gather3A_1289 {strides = array<i32>} : memref<64x64xf32, #tpu.memory_space<vmem>>, vector<16xf32>,
        %add3A_1293 = arith.constant 48 : i32
        %add3A_1294 = vector.broadcast %add3A_1293 : i32 to vector<16xi32>
        %add3A_1295 = arith.addi %iota3A, %add3A_1294 : vector<16xi32>
        %shift_right_arithmetic3A_1296 = arith.constant 3 : i32
        %shift_right_arithmetic3A_1297 = vector.broadcast %shift_right_arithmetic3A_1296 : i32 to vector<16xi32>
        %shift_right_arithmetic3A_1298 = arith.shrsi %add3A_1295, %shift_right_arithmetic3A_1297 : vector<16xi32>
        %and3A_1299 = arith.constant 7 : i32
        %and3A_1300 = vector.broadcast %and3A_1299 : i32 to vector<16xi32>
        %and3A_1301 = arith.andi %add3A_1295, %and3A_1300 : vector<16xi32>
        %gather3A_1302 = arith.constant 3 : i32
        %gather3A_1303 = arith.constant 0 : i32
        %gather3A_1304 = arith.constant 0 : i32
        %gather3A_1305 = arith.constant 0 : i32
        %gather3A_1306 = tpu.memref_slice %arg8[%gather3A_1302, %gather3A_1303, %gather3A_1304, %gather3A_1305] : memref<4x8x8x256xf32, #tpu.memory_space<vmem>> -> memref<1x8x8x256xf32, #tpu.memory_space<vmem>>
        %gather3A_1307 = tpu.memref_squeeze %gather3A_1306 : memref<1x8x8x256xf32, #tpu.memory_space<vmem>> -> memref<8x8x256xf32, #tpu.memory_space<vmem>>
        %gather3A_1308 = tpu.vector_load_idx %gather3A_1307[%shift_right_arithmetic3A_1298, %and3A_1301, %add3A_1231] : memref<8x8x256xf32, #tpu.memory_space<vmem>>[vector<16xi32>, vector<16xi32>, vector<16xi32>], vector<16xf32>,
        %swap3A_1309 = arith.index_cast %select_n3A_1237 : i32 to index
        %swap3A_1310 = arith.constant 48 : index
        %swap3A_1311 = tpu.vector_load %arg9[%swap3A_1309, %swap3A_1310] {strides = array<i32>} : memref<64x64xf32, #tpu.memory_space<vmem>>, vector<16xf32>,
        tpu.vector_store %arg9[%swap3A_1309, %swap3A_1310], %gather3A_1308 {strides = array<i32>} : memref<64x64xf32, #tpu.memory_space<vmem>>, vector<16xf32>,
        %dma_start3A_1312 = arith.constant 0 : i32
        %dma_start3A_1313 = tpu.memref_slice %arg9[%select_n3A_1237, %dma_start3A_1312] : memref<64x64xf32, #tpu.memory_space<vmem>> -> memref<1x64xf32, #tpu.memory_space<vmem>>
        %dma_start3A_1314 = arith.constant 0 : i32
        %dma_start3A_1315 = tpu.memref_slice %arg4[%shift_right_arithmetic3A_1226, %dma_start3A_1314] : memref<16384x64xf32, #tpu.memory_space<hbm>> -> memref<1x64xf32, #tpu.memory_space<hbm>>
        %dma_start3A_1316 = arith.constant 0 : i32
        %dma_start3A_1317 = tpu.memref_slice %arg4[%shift_right_arithmetic3A_1226, %dma_start3A_1316] : memref<16384x64xf32, #tpu.memory_space<hbm>> -> memref<1x64xf32, #tpu.memory_space<hbm>>
        %dma_start3A_1318 = arith.constant 0 : i32
        %dma_start3A_1319 = tpu.memref_slice %arg9[%select_n3A_1237, %dma_start3A_1318] : memref<64x64xf32, #tpu.memory_space<vmem>> -> memref<1x64xf32, #tpu.memory_space<vmem>>
        tpu.enqueue_dma source(%dma_start3A_1319 : memref<1x64xf32, #tpu.memory_space<vmem>>) target(%dma_start3A_1317 : memref<1x64xf32, #tpu.memory_space<hbm>>) target_semaphore(%arg14 : memref<!tpu.dma_semaphore, #tpu.memory_space<semaphore_mem>>)
        %add3A_1320 = arith.constant 1 : i32
        %add3A_1321 = arith.addi %select_n3A_1237, %add3A_1320 : i32
        scf.yield %add3A_1321 : i32
      }
      %add3A_1213 = arith.constant 4 : i32
      %add3A_1214 = arith.addi %add3A_1053, %add3A_1213 : i32
      %lt3A_1215 = arith.constant 124 : i32
      %lt3A_1216 = arith.cmpi slt, %add3A_1214, %lt3A_1215 : i32
      %convert_element_type3A_1217 = arith.extui %lt3A_1216 : i1 to i32
      %cond3A_1218 = arith.constant 0 : i32
      %cond3A_1219 = arith.cmpi ne, %convert_element_type3A_1217, %cond3A_1218 : i32
      scf.if %cond3A_1219 {
        %mul3A_1220 = arith.constant 256 : i32
        %mul3A_1221 = arith.muli %add3A_1214, %mul3A_1220 : i32
        %add3A_1222 = arith.addi %mul3A_2, %mul3A_1221 : i32
        %min3A_1223 = arith.constant 999808 : i32
        %min3A_1224 = arith.minsi %add3A_1222, %min3A_1223 : i32
        %multiple_of3A_1225 = tpu.assume_multiple %min3A_1224, 128 : i32
        %multiple_of3A_1226 = tpu.assume_multiple %multiple_of3A_1225, 128 : i32
        %dma_start3A_1227 = arith.constant 3 : i32
        %dma_start3A_1228 = arith.constant 0 : i32
        %dma_start3A_1229 = arith.constant 0 : i32
        %dma_start3A_1230 = arith.constant 0 : i32
        %dma_start3A_1231 = tpu.memref_slice %arg8[%dma_start3A_1227, %dma_start3A_1228, %dma_start3A_1229, %dma_start3A_1230] : memref<4x8x8x256xf32, #tpu.memory_space<vmem>> -> memref<1x1x8x256xf32, #tpu.memory_space<vmem>>
        %dma_start3A_1232 = tpu.memref_squeeze %dma_start3A_1231 : memref<1x1x8x256xf32, #tpu.memory_space<vmem>> -> memref<8x256xf32, #tpu.memory_space<vmem>>
        %dma_start3A_1233 = arith.constant 0 : i32
        %dma_start3A_1234 = tpu.memref_slice %arg2[%dma_start3A_1233, %multiple_of3A_1226] : memref<64x1000001xf32, #tpu.memory_space<hbm>> -> memref<8x256xf32, #tpu.memory_space<hbm>>
        %dma_start3A_1235 = arith.constant 0 : i32
        %dma_start3A_1236 = arith.constant 0 : i32
        %dma_start3A_1237 = tpu.memref_slice %arg8[%dma_start3A_1227, %dma_start3A_1228, %dma_start3A_1235, %dma_start3A_1236] : memref<4x8x8x256xf32, #tpu.memory_space<vmem>> -> memref<1x1x8x256xf32, #tpu.memory_space<vmem>>
        %dma_start3A_1238 = tpu.memref_squeeze %dma_start3A_1237 : memref<1x1x8x256xf32, #tpu.memory_space<vmem>> -> memref<8x256xf32, #tpu.memory_space<vmem>>
        %dma_start3A_1239 = arith.constant 0 : i32
        %dma_start3A_1240 = tpu.memref_slice %arg2[%dma_start3A_1239, %multiple_of3A_1226] : memref<64x1000001xf32, #tpu.memory_space<hbm>> -> memref<8x256xf32, #tpu.memory_space<hbm>>
        tpu.enqueue_dma source(%dma_start3A_1240 : memref<8x256xf32, #tpu.memory_space<hbm>>) target(%dma_start3A_1238 : memref<8x256xf32, #tpu.memory_space<vmem>>) target_semaphore(%arg13 : memref<!tpu.dma_semaphore, #tpu.memory_space<semaphore_mem>>)
        %multiple_of3A_1241 = tpu.assume_multiple %multiple_of3A_1225, 128 : i32
        %dma_start3A_1242 = arith.constant 3 : i32
        %dma_start3A_1243 = arith.constant 1 : i32
        %dma_start3A_1244 = arith.constant 0 : i32
        %dma_start3A_1245 = arith.constant 0 : i32
        %dma_start3A_1246 = tpu.memref_slice %arg8[%dma_start3A_1242, %dma_start3A_1243, %dma_start3A_1244, %dma_start3A_1245] : memref<4x8x8x256xf32, #tpu.memory_space<vmem>> -> memref<1x1x8x256xf32, #tpu.memory_space<vmem>>
        %dma_start3A_1247 = tpu.memref_squeeze %dma_start3A_1246 : memref<1x1x8x256xf32, #tpu.memory_space<vmem>> -> memref<8x256xf32, #tpu.memory_space<vmem>>
        %dma_start3A_1248 = arith.constant 8 : i32
        %dma_start3A_1249 = tpu.memref_slice %arg2[%dma_start3A_1248, %multiple_of3A_1241] : memref<64x1000001xf32, #tpu.memory_space<hbm>> -> memref<8x256xf32, #tpu.memory_space<hbm>>
        %dma_start3A_1250 = arith.constant 0 : i32
        %dma_start3A_1251 = arith.constant 0 : i32
        %dma_start3A_1252 = tpu.memref_slice %arg8[%dma_start3A_1242, %dma_start3A_1243, %dma_start3A_1250, %dma_start3A_1251] : memref<4x8x8x256xf32, #tpu.memory_space<vmem>> -> memref<1x1x8x256xf32, #tpu.memory_space<vmem>>
        %dma_start3A_1253 = tpu.memref_squeeze %dma_start3A_1252 : memref<1x1x8x256xf32, #tpu.memory_space<vmem>> -> memref<8x256xf32, #tpu.memory_space<vmem>>
        %dma_start3A_1254 = arith.constant 8 : i32
        %dma_start3A_1255 = tpu.memref_slice %arg2[%dma_start3A_1254, %multiple_of3A_1241] : memref<64x1000001xf32, #tpu.memory_space<hbm>> -> memref<8x256xf32, #tpu.memory_space<hbm>>
        tpu.enqueue_dma source(%dma_start3A_1255 : memref<8x256xf32, #tpu.memory_space<hbm>>) target(%dma_start3A_1253 : memref<8x256xf32, #tpu.memory_space<vmem>>) target_semaphore(%arg13 : memref<!tpu.dma_semaphore, #tpu.memory_space<semaphore_mem>>)
        %multiple_of3A_1256 = tpu.assume_multiple %multiple_of3A_1225, 128 : i32
        %dma_start3A_1257 = arith.constant 3 : i32
        %dma_start3A_1258 = arith.constant 2 : i32
        %dma_start3A_1259 = arith.constant 0 : i32
        %dma_start3A_1260 = arith.constant 0 : i32
        %dma_start3A_1261 = tpu.memref_slice %arg8[%dma_start3A_1257, %dma_start3A_1258, %dma_start3A_1259, %dma_start3A_1260] : memref<4x8x8x256xf32, #tpu.memory_space<vmem>> -> memref<1x1x8x256xf32, #tpu.memory_space<vmem>>
        %dma_start3A_1262 = tpu.memref_squeeze %dma_start3A_1261 : memref<1x1x8x256xf32, #tpu.memory_space<vmem>> -> memref<8x256xf32, #tpu.memory_space<vmem>>
        %dma_start3A_1263 = arith.constant 16 : i32
        %dma_start3A_1264 = tpu.memref_slice %arg2[%dma_start3A_1263, %multiple_of3A_1256] : memref<64x1000001xf32, #tpu.memory_space<hbm>> -> memref<8x256xf32, #tpu.memory_space<hbm>>
        %dma_start3A_1265 = arith.constant 0 : i32
        %dma_start3A_1266 = arith.constant 0 : i32
        %dma_start3A_1267 = tpu.memref_slice %arg8[%dma_start3A_1257, %dma_start3A_1258, %dma_start3A_1265, %dma_start3A_1266] : memref<4x8x8x256xf32, #tpu.memory_space<vmem>> -> memref<1x1x8x256xf32, #tpu.memory_space<vmem>>
        %dma_start3A_1268 = tpu.memref_squeeze %dma_start3A_1267 : memref<1x1x8x256xf32, #tpu.memory_space<vmem>> -> memref<8x256xf32, #tpu.memory_space<vmem>>
        %dma_start3A_1269 = arith.constant 16 : i32
        %dma_start3A_1270 = tpu.memref_slice %arg2[%dma_start3A_1269, %multiple_of3A_1256] : memref<64x1000001xf32, #tpu.memory_space<hbm>> -> memref<8x256xf32, #tpu.memory_space<hbm>>
        tpu.enqueue_dma source(%dma_start3A_1270 : memref<8x256xf32, #tpu.memory_space<hbm>>) target(%dma_start3A_1268 : memref<8x256xf32, #tpu.memory_space<vmem>>) target_semaphore(%arg13 : memref<!tpu.dma_semaphore, #tpu.memory_space<semaphore_mem>>)
        %multiple_of3A_1271 = tpu.assume_multiple %multiple_of3A_1225, 128 : i32
        %dma_start3A_1272 = arith.constant 3 : i32
        %dma_start3A_1273 = arith.constant 3 : i32
        %dma_start3A_1274 = arith.constant 0 : i32
        %dma_start3A_1275 = arith.constant 0 : i32
        %dma_start3A_1276 = tpu.memref_slice %arg8[%dma_start3A_1272, %dma_start3A_1273, %dma_start3A_1274, %dma_start3A_1275] : memref<4x8x8x256xf32, #tpu.memory_space<vmem>> -> memref<1x1x8x256xf32, #tpu.memory_space<vmem>>
        %dma_start3A_1277 = tpu.memref_squeeze %dma_start3A_1276 : memref<1x1x8x256xf32, #tpu.memory_space<vmem>> -> memref<8x256xf32, #tpu.memory_space<vmem>>
        %dma_start3A_1278 = arith.constant 24 : i32
        %dma_start3A_1279 = tpu.memref_slice %arg2[%dma_start3A_1278, %multiple_of3A_1271] : memref<64x1000001xf32, #tpu.memory_space<hbm>> -> memref<8x256xf32, #tpu.memory_space<hbm>>
        %dma_start3A_1280 = arith.constant 0 : i32
        %dma_start3A_1281 = arith.constant 0 : i32
        %dma_start3A_1282 = tpu.memref_slice %arg8[%dma_start3A_1272, %dma_start3A_1273, %dma_start3A_1280, %dma_start3A_1281] : memref<4x8x8x256xf32, #tpu.memory_space<vmem>> -> memref<1x1x8x256xf32, #tpu.memory_space<vmem>>
        %dma_start3A_1283 = tpu.memref_squeeze %dma_start3A_1282 : memref<1x1x8x256xf32, #tpu.memory_space<vmem>> -> memref<8x256xf32, #tpu.memory_space<vmem>>
        %dma_start3A_1284 = arith.constant 24 : i32
        %dma_start3A_1285 = tpu.memref_slice %arg2[%dma_start3A_1284, %multiple_of3A_1271] : memref<64x1000001xf32, #tpu.memory_space<hbm>> -> memref<8x256xf32, #tpu.memory_space<hbm>>
        tpu.enqueue_dma source(%dma_start3A_1285 : memref<8x256xf32, #tpu.memory_space<hbm>>) target(%dma_start3A_1283 : memref<8x256xf32, #tpu.memory_space<vmem>>) target_semaphore(%arg13 : memref<!tpu.dma_semaphore, #tpu.memory_space<semaphore_mem>>)
        %multiple_of3A_1286 = tpu.assume_multiple %multiple_of3A_1225, 128 : i32
        %dma_start3A_1287 = arith.constant 3 : i32
        %dma_start3A_1288 = arith.constant 4 : i32
        %dma_start3A_1289 = arith.constant 0 : i32
        %dma_start3A_1290 = arith.constant 0 : i32
        %dma_start3A_1291 = tpu.memref_slice %arg8[%dma_start3A_1287, %dma_start3A_1288, %dma_start3A_1289, %dma_start3A_1290] : memref<4x8x8x256xf32, #tpu.memory_space<vmem>> -> memref<1x1x8x256xf32, #tpu.memory_space<vmem>>
        %dma_start3A_1292 = tpu.memref_squeeze %dma_start3A_1291 : memref<1x1x8x256xf32, #tpu.memory_space<vmem>> -> memref<8x256xf32, #tpu.memory_space<vmem>>
        %dma_start3A_1293 = arith.constant 32 : i32
        %dma_start3A_1294 = tpu.memref_slice %arg2[%dma_start3A_1293, %multiple_of3A_1286] : memref<64x1000001xf32, #tpu.memory_space<hbm>> -> memref<8x256xf32, #tpu.memory_space<hbm>>
        %dma_start3A_1295 = arith.constant 0 : i32
        %dma_start3A_1296 = arith.constant 0 : i32
        %dma_start3A_1297 = tpu.memref_slice %arg8[%dma_start3A_1287, %dma_start3A_1288, %dma_start3A_1295, %dma_start3A_1296] : memref<4x8x8x256xf32, #tpu.memory_space<vmem>> -> memref<1x1x8x256xf32, #tpu.memory_space<vmem>>
        %dma_start3A_1298 = tpu.memref_squeeze %dma_start3A_1297 : memref<1x1x8x256xf32, #tpu.memory_space<vmem>> -> memref<8x256xf32, #tpu.memory_space<vmem>>
        %dma_start3A_1299 = arith.constant 32 : i32
        %dma_start3A_1300 = tpu.memref_slice %arg2[%dma_start3A_1299, %multiple_of3A_1286] : memref<64x1000001xf32, #tpu.memory_space<hbm>> -> memref<8x256xf32, #tpu.memory_space<hbm>>
        tpu.enqueue_dma source(%dma_start3A_1300 : memref<8x256xf32, #tpu.memory_space<hbm>>) target(%dma_start3A_1298 : memref<8x256xf32, #tpu.memory_space<vmem>>) target_semaphore(%arg13 : memref<!tpu.dma_semaphore, #tpu.memory_space<semaphore_mem>>)
        %multiple_of3A_1301 = tpu.assume_multiple %multiple_of3A_1225, 128 : i32
        %dma_start3A_1302 = arith.constant 3 : i32
        %dma_start3A_1303 = arith.constant 5 : i32
        %dma_start3A_1304 = arith.constant 0 : i32
        %dma_start3A_1305 = arith.constant 0 : i32
        %dma_start3A_1306 = tpu.memref_slice %arg8[%dma_start3A_1302, %dma_start3A_1303, %dma_start3A_1304, %dma_start3A_1305] : memref<4x8x8x256xf32, #tpu.memory_space<vmem>> -> memref<1x1x8x256xf32, #tpu.memory_space<vmem>>
        %dma_start3A_1307 = tpu.memref_squeeze %dma_start3A_1306 : memref<1x1x8x256xf32, #tpu.memory_space<vmem>> -> memref<8x256xf32, #tpu.memory_space<vmem>>
        %dma_start3A_1308 = arith.constant 40 : i32
        %dma_start3A_1309 = tpu.memref_slice %arg2[%dma_start3A_1308, %multiple_of3A_1301] : memref<64x1000001xf32, #tpu.memory_space<hbm>> -> memref<8x256xf32, #tpu.memory_space<hbm>>
        %dma_start3A_1310 = arith.constant 0 : i32
        %dma_start3A_1311 = arith.constant 0 : i32
        %dma_start3A_1312 = tpu.memref_slice %arg8[%dma_start3A_1302, %dma_start3A_1303, %dma_start3A_1310, %dma_start3A_1311] : memref<4x8x8x256xf32, #tpu.memory_space<vmem>> -> memref<1x1x8x256xf32, #tpu.memory_space<vmem>>
        %dma_start3A_1313 = tpu.memref_squeeze %dma_start3A_1312 : memref<1x1x8x256xf32, #tpu.memory_space<vmem>> -> memref<8x256xf32, #tpu.memory_space<vmem>>
        %dma_start3A_1314 = arith.constant 40 : i32
        %dma_start3A_1315 = tpu.memref_slice %arg2[%dma_start3A_1314, %multiple_of3A_1301] : memref<64x1000001xf32, #tpu.memory_space<hbm>> -> memref<8x256xf32, #tpu.memory_space<hbm>>
        tpu.enqueue_dma source(%dma_start3A_1315 : memref<8x256xf32, #tpu.memory_space<hbm>>) target(%dma_start3A_1313 : memref<8x256xf32, #tpu.memory_space<vmem>>) target_semaphore(%arg13 : memref<!tpu.dma_semaphore, #tpu.memory_space<semaphore_mem>>)
        %multiple_of3A_1316 = tpu.assume_multiple %multiple_of3A_1225, 128 : i32
        %dma_start3A_1317 = arith.constant 3 : i32
        %dma_start3A_1318 = arith.constant 6 : i32
        %dma_start3A_1319 = arith.constant 0 : i32
        %dma_start3A_1320 = arith.constant 0 : i32
        %dma_start3A_1321 = tpu.memref_slice %arg8[%dma_start3A_1317, %dma_start3A_1318, %dma_start3A_1319, %dma_start3A_1320] : memref<4x8x8x256xf32, #tpu.memory_space<vmem>> -> memref<1x1x8x256xf32, #tpu.memory_space<vmem>>
        %dma_start3A_1322 = tpu.memref_squeeze %dma_start3A_1321 : memref<1x1x8x256xf32, #tpu.memory_space<vmem>> -> memref<8x256xf32, #tpu.memory_space<vmem>>
        %dma_start3A_1323 = arith.constant 48 : i32
        %dma_start3A_1324 = tpu.memref_slice %arg2[%dma_start3A_1323, %multiple_of3A_1316] : memref<64x1000001xf32, #tpu.memory_space<hbm>> -> memref<8x256xf32, #tpu.memory_space<hbm>>
        %dma_start3A_1325 = arith.constant 0 : i32
        %dma_start3A_1326 = arith.constant 0 : i32
        %dma_start3A_1327 = tpu.memref_slice %arg8[%dma_start3A_1317, %dma_start3A_1318, %dma_start3A_1325, %dma_start3A_1326] : memref<4x8x8x256xf32, #tpu.memory_space<vmem>> -> memref<1x1x8x256xf32, #tpu.memory_space<vmem>>
        %dma_start3A_1328 = tpu.memref_squeeze %dma_start3A_1327 : memref<1x1x8x256xf32, #tpu.memory_space<vmem>> -> memref<8x256xf32, #tpu.memory_space<vmem>>
        %dma_start3A_1329 = arith.constant 48 : i32
        %dma_start3A_1330 = tpu.memref_slice %arg2[%dma_start3A_1329, %multiple_of3A_1316] : memref<64x1000001xf32, #tpu.memory_space<hbm>> -> memref<8x256xf32, #tpu.memory_space<hbm>>
        tpu.enqueue_dma source(%dma_start3A_1330 : memref<8x256xf32, #tpu.memory_space<hbm>>) target(%dma_start3A_1328 : memref<8x256xf32, #tpu.memory_space<vmem>>) target_semaphore(%arg13 : memref<!tpu.dma_semaphore, #tpu.memory_space<semaphore_mem>>)
        %multiple_of3A_1331 = tpu.assume_multiple %multiple_of3A_1225, 128 : i32
        %dma_start3A_1332 = arith.constant 3 : i32
        %dma_start3A_1333 = arith.constant 7 : i32
        %dma_start3A_1334 = arith.constant 0 : i32
        %dma_start3A_1335 = arith.constant 0 : i32
        %dma_start3A_1336 = tpu.memref_slice %arg8[%dma_start3A_1332, %dma_start3A_1333, %dma_start3A_1334, %dma_start3A_1335] : memref<4x8x8x256xf32, #tpu.memory_space<vmem>> -> memref<1x1x8x256xf32, #tpu.memory_space<vmem>>
        %dma_start3A_1337 = tpu.memref_squeeze %dma_start3A_1336 : memref<1x1x8x256xf32, #tpu.memory_space<vmem>> -> memref<8x256xf32, #tpu.memory_space<vmem>>
        %dma_start3A_1338 = arith.constant 56 : i32
        %dma_start3A_1339 = tpu.memref_slice %arg2[%dma_start3A_1338, %multiple_of3A_1331] : memref<64x1000001xf32, #tpu.memory_space<hbm>> -> memref<8x256xf32, #tpu.memory_space<hbm>>
        %dma_start3A_1340 = arith.constant 0 : i32
        %dma_start3A_1341 = arith.constant 0 : i32
        %dma_start3A_1342 = tpu.memref_slice %arg8[%dma_start3A_1332, %dma_start3A_1333, %dma_start3A_1340, %dma_start3A_1341] : memref<4x8x8x256xf32, #tpu.memory_space<vmem>> -> memref<1x1x8x256xf32, #tpu.memory_space<vmem>>
        %dma_start3A_1343 = tpu.memref_squeeze %dma_start3A_1342 : memref<1x1x8x256xf32, #tpu.memory_space<vmem>> -> memref<8x256xf32, #tpu.memory_space<vmem>>
        %dma_start3A_1344 = arith.constant 56 : i32
        %dma_start3A_1345 = tpu.memref_slice %arg2[%dma_start3A_1344, %multiple_of3A_1331] : memref<64x1000001xf32, #tpu.memory_space<hbm>> -> memref<8x256xf32, #tpu.memory_space<hbm>>
        tpu.enqueue_dma source(%dma_start3A_1345 : memref<8x256xf32, #tpu.memory_space<hbm>>) target(%dma_start3A_1343 : memref<8x256xf32, #tpu.memory_space<vmem>>) target_semaphore(%arg13 : memref<!tpu.dma_semaphore, #tpu.memory_space<semaphore_mem>>)
      } else {
      }
      scf.yield %while3A_1212 : i32
    }
    %scan3A_532 = arith.constant 31 : i32
    %while3A = arith.constant 0 : i32
    %while3A_533 = arith.constant 0 : i32
    %while3A_534 = arith.subi %scan3A_531, %while3A_533 : i32
    %while3A_535 = arith.addi %while3A_533, %while3A_534 : i32
    %while3A_536 = arith.constant 1 : i32
    %while3A_537 = arith.divsi %while3A_534, %while3A_536 : i32
    %while3A_538 = arith.muli %while3A_537, %while3A_536 : i32
    %while3A_539 = arith.addi %while3A_533, %while3A_538 : i32
    %while3A_540 = arith.constant 1 : i32
    scf.for %while3A_542 = %while3A_533 to %while3A_539 step %while3A_540  : i32 {
      %dma_wait3A = arith.constant 0 : i32
      %dma_wait3A_543 = arith.constant 0 : i32
      %dma_wait3A_544 = tpu.memref_slice %arg9[%dma_wait3A, %dma_wait3A_543] : memref<64x64xf32, #tpu.memory_space<vmem>> -> memref<1x64xf32, #tpu.memory_space<vmem>>
      %dma_wait3A_545 = arith.constant 0 : i32
      %dma_wait3A_546 = arith.constant 0 : i32
      %dma_wait3A_547 = tpu.memref_slice %arg4[%dma_wait3A_545, %dma_wait3A_546] : memref<16384x64xf32, #tpu.memory_space<hbm>> -> memref<1x64xf32, #tpu.memory_space<hbm>>
      %dma_wait3A_548 = arith.constant 0 : i32
      %dma_wait3A_549 = arith.constant 0 : i32
      %dma_wait3A_550 = tpu.memref_slice %arg4[%dma_wait3A_548, %dma_wait3A_549] : memref<16384x64xf32, #tpu.memory_space<hbm>> -> memref<1x64xf32, #tpu.memory_space<hbm>>
      %dma_wait3A_551 = arith.constant 0 : i32
      %dma_wait3A_552 = arith.constant 0 : i32
      %dma_wait3A_553 = tpu.memref_slice %arg9[%dma_wait3A_551, %dma_wait3A_552] : memref<64x64xf32, #tpu.memory_space<vmem>> -> memref<1x64xf32, #tpu.memory_space<vmem>>
      tpu.wait_dma2 semaphore(%arg14 : memref<!tpu.dma_semaphore, #tpu.memory_space<semaphore_mem>>) src(%dma_wait3A_553 : memref<1x64xf32, #tpu.memory_space<vmem>>) dst(%dma_wait3A_550 : memref<1x64xf32, #tpu.memory_space<hbm>>)
    }
    %while3A_541 = arith.constant 1 : i32
    scf.for %while3A_542 = %while3A_539 to %while3A_535 step %while3A_541  : i32 {
      %dma_wait3A = arith.constant 0 : i32
      %dma_wait3A_543 = arith.constant 0 : i32
      %dma_wait3A_544 = tpu.memref_slice %arg9[%dma_wait3A, %dma_wait3A_543] : memref<64x64xf32, #tpu.memory_space<vmem>> -> memref<1x64xf32, #tpu.memory_space<vmem>>
      %dma_wait3A_545 = arith.constant 0 : i32
      %dma_wait3A_546 = arith.constant 0 : i32
      %dma_wait3A_547 = tpu.memref_slice %arg4[%dma_wait3A_545, %dma_wait3A_546] : memref<16384x64xf32, #tpu.memory_space<hbm>> -> memref<1x64xf32, #tpu.memory_space<hbm>>
      %dma_wait3A_548 = arith.constant 0 : i32
      %dma_wait3A_549 = arith.constant 0 : i32
      %dma_wait3A_550 = tpu.memref_slice %arg4[%dma_wait3A_548, %dma_wait3A_549] : memref<16384x64xf32, #tpu.memory_space<hbm>> -> memref<1x64xf32, #tpu.memory_space<hbm>>
      %dma_wait3A_551 = arith.constant 0 : i32
      %dma_wait3A_552 = arith.constant 0 : i32
      %dma_wait3A_553 = tpu.memref_slice %arg9[%dma_wait3A_551, %dma_wait3A_552] : memref<64x64xf32, #tpu.memory_space<vmem>> -> memref<1x64xf32, #tpu.memory_space<vmem>>
      tpu.wait_dma2 semaphore(%arg14 : memref<!tpu.dma_semaphore, #tpu.memory_space<semaphore_mem>>) src(%dma_wait3A_553 : memref<1x64xf32, #tpu.memory_space<vmem>>) dst(%dma_wait3A_550 : memref<1x64xf32, #tpu.memory_space<hbm>>)
    }
    return
  }
}

</mosaic_0001>

<sc_bundles>
// kernel: kernel.3.cloned.1.call-start
scs
__scs_entry_jumppad:
0x0: {  	(pc) =	sbr.rel $0x88, $3  }
0x1: {  	(tag) =	ssettag $0x0;
	lr =	simm.s32 $0x1  }
0x2: {  	[smem:$0x3F9F] =	sst lr;
	_ =	strace $0xD0000000  }
0x3: {  	_ = 	snop  }
0x4: {  	_ = 	snop  }
0x5: {  	_ = 	snop  }
0x6: {  	_ = 	snop  }
0x7: {  	_ = 	snop  }
__scs_overlays_trampoline_lowered:
0x8: {  	[smem:$0x3FAE] =	sst s0  }
0x9: {  	[smem:$0x3FAF] =	sst s1  }
0xa: {  	[smem:$0x3FB0] =	sst s2  }
0xb: {  	[smem:$0x3FB1] =	sst s3  }
0xc: {  	[smem:$0x3FB2] =	sst s4  }
0xd: {  	[smem:$0x3FB3] =	sst s5  }
0xe: {  	[smem:$0x3FB4] =	sst s6  }
0xf: {  	[smem:$0x3FB5] =	sst s7  }
0x10: {  	[smem:$0x3FB6] =	sst s8  }
0x11: {  	[smem:$0x3FB7] =	sst s9;
	s0 =	simm.s32 @!p0 $0x0  }
0x12: {  	s1 =	sld [smem:$0x3F9D];
	s0 =	simm.s32 @p0 $0x1  }
0x13: {  	[smem:$0x3FB8] =	sst s0;
	s0 =	simm.s32 @!p1 $0x0  }
0x14: {  	s2 =	sld [smem:$0x3F9C];
	s0 =	simm.s32 @p1 $0x1  }
0x15: {  	[smem:$0x3FB9] =	sst s0;
	s0 =	simm.s32 @!p2 $0x0  }
0x16: {  	s3 =	sld [smem:$0x3FDB];
	s0 =	simm.s32 @p2 $0x1  }
0x17: {  	s4 =	simm.s32 $0x1BF5;
	[smem:$0x3FBB] =	sst s0  }
0x18: {  	s0 =	sld [smem:$0x3F9E];
	_ =	swait.ge [sflag:s4], $0x0  }
0x19: {  	s7 =	sld [smem:$0x3F9F]  }
0x1a: {  	s8 =	sadd.s32 $0xFFFFE003, lr  }
0x1b: {  	s9 =	sadd.s32 $0xFFFFFEF7, lr;
	s5 =	simm.s32 $0xFFFFFFFF;
	p2 =	slt.u32 s8, $0xFFFFF086  }
0x1c: {  	p1 =	slt.u32 s9, $0xF7A;
	s5 =	simm.s32 @!p2 $0x0  }
0x1d: {  	s5 =	simm.s32 @p1 $0x1;
	p0 =	seq.s32 s7, s2  }
0x1e: {  	s7 =	smul.u32 @!p0 $0xF7A, s2;
	p2 =	seq.s32 @!p0 s5, $0x0  }
0x1f: {  	s9 =	smul.u32 $0xF7A, s1;
	s8 =	simm.s32 @!p0 $0x1BF5;
	p2 =	por !p2, p0  }
0x20: {  	[sflag:s8] =	ssyncset.s32 @!p0 $0xFFFFF086;
	s6 =	sadd.s32 @!p0 s3, s7;
	s7 =	simm.s32 @!p0 $0x108  }
0x21: {  	s3 =	sadd.s32 s3, s9;
	s6 =	sadd.s32 @!p0 $0x88, s6;
	s7 =	simm.s32 @p2 $0x1082  }
0x22: {  	[simem:s7], [sflag:s8] =	dma.local @!p0 [hbm:s6], $0xF7A  }
0x23: {  	s9 =	sor.u32 $0xD0000000, s2;
	s6 =	simm.s32 $0x108;
	_ =	swait.ge @!p0 [sflag:s8], $0x0  }
0x24: {  	s3 =	sadd.s32 $0x88, s3;
	s6 =	simm.s32 @!p1 $0x1082;
	[sflag:s4] =	ssyncset.s32 $0xFFFFF086  }
0x25: {  	[simem:s6], [sflag:s4] =	dma.local [hbm:s3], $0xF7A  }
0x26: {  	[smem:$0x3F9F] =	sst s1;
	(tag) =	ssettag s2;
	_ =	strace s9  }
0x27: {  	s1 =	sld [smem:$0x3FAF]  }
0x28: {  	s2 =	sld [smem:$0x3FB0]  }
0x29: {  	s4 =	sld [smem:$0x3FB2]  }
0x2a: {  	p0 =	seq.s32 s5, $0x0;
	s5 =	sld [smem:$0x3FB3]  }
0x2b: {  	s6 =	sld [smem:$0x3FB4]  }
0x2c: {  	s7 =	sld [smem:$0x3FB5]  }
0x2d: {  	s3 =	simm.s32 $0x108;
	s8 =	sld [smem:$0x3FB6]  }
0x2e: {  	s3 =	simm.s32 @!p0 $0x1082;
	s9 =	sld [smem:$0x3FB7]  }
0x2f: {  	lr =	sadd.s32 s0, s3;
	s0 =	sld [smem:$0x3FAE]  }
0x30: {  	s3 =	sld [smem:$0x3FB1]  }
0x31: {  	[smem:$0x3FBA] =	sst s10  }
0x32: {  	s10 =	sld [smem:$0x3FB8];
	_ =	sdelay $0x3  }
0x33: {  	p0 =	seq.s32 s10, $0x1;
	s10 =	sld [smem:$0x3FBA];
	_ =	sdelay $0x3  }
0x34: {  	[smem:$0x3FBA] =	sst s10  }
0x35: {  	s10 =	sld [smem:$0x3FB9];
	_ =	sdelay $0x3  }
0x36: {  	p1 =	seq.s32 s10, $0x1;
	s10 =	sld [smem:$0x3FBA];
	_ =	sdelay $0x3  }
0x37: {  	[smem:$0x3FBA] =	sst s10  }
0x38: {  	s10 =	sld [smem:$0x3FBB]  }
0x39: {  	_ = 	snop;
	(pc) =	sbr.ind lr, $3  }
0x3a: {  	_ = 	snop  }
0x3b: {  	_ = 	snop  }
0x3c: {  	p2 =	seq.s32 s10, $0x1;
	s10 =	sld [smem:$0x3FBA]  }
0x3d: {  	_ =	shalt  }
0x3e: {  	_ =	shalt  }
0x3f: {  	_ =	shalt  }
0x40: {  	_ =	shalt  }
0x41: {  	_ =	shalt  }
0x42: {  	_ =	shalt  }
0x43: {  	_ =	shalt  }
0x44: {  	_ =	shalt  }
0x45: {  	_ =	shalt  }
0x46: {  	_ =	shalt  }
0x47: {  	_ =	shalt  }
0x48: {  	_ =	shalt  }
0x49: {  	_ =	shalt  }
0x4a: {  	_ =	shalt  }
0x4b: {  	_ =	shalt  }
0x4c: {  	_ =	shalt  }
0x4d: {  	_ =	shalt  }
0x4e: {  	_ =	shalt  }
0x4f: {  	_ =	shalt  }
0x50: {  	_ =	shalt  }
0x51: {  	_ =	shalt  }
0x52: {  	_ =	shalt  }
0x53: {  	_ =	shalt  }
0x54: {  	_ =	shalt  }
0x55: {  	_ =	shalt  }
0x56: {  	_ =	shalt  }
0x57: {  	_ =	shalt  }
0x58: {  	_ =	shalt  }
0x59: {  	_ =	shalt  }
0x5a: {  	_ =	shalt  }
0x5b: {  	_ =	shalt  }
0x5c: {  	_ =	shalt  }
0x5d: {  	_ =	shalt  }
0x5e: {  	_ =	shalt  }
0x5f: {  	_ =	shalt  }
0x60: {  	_ =	shalt  }
0x61: {  	_ =	shalt  }
0x62: {  	_ =	shalt  }
0x63: {  	_ =	shalt  }
0x64: {  	_ =	shalt  }
0x65: {  	_ =	shalt  }
0x66: {  	_ =	shalt  }
0x67: {  	_ =	shalt  }
0x68: {  	_ =	shalt  }
0x69: {  	_ =	shalt  }
0x6a: {  	_ =	shalt  }
0x6b: {  	_ =	shalt  }
0x6c: {  	_ =	shalt  }
0x6d: {  	_ =	shalt  }
0x6e: {  	_ =	shalt  }
0x6f: {  	_ =	shalt  }
0x70: {  	_ =	shalt  }
0x71: {  	_ =	shalt  }
0x72: {  	_ =	shalt  }
0x73: {  	_ =	shalt  }
0x74: {  	_ =	shalt  }
0x75: {  	_ =	shalt  }
0x76: {  	_ =	shalt  }
0x77: {  	_ =	shalt  }
0x78: {  	_ =	shalt  }
0x79: {  	_ =	shalt  }
0x7a: {  	_ =	shalt  }
0x7b: {  	_ =	shalt  }
0x7c: {  	_ =	shalt  }
0x7d: {  	_ =	shalt  }
0x7e: {  	_ =	shalt  }
0x7f: {  	_ =	shalt  }
0x80: {  	_ =	shalt  }
0x81: {  	_ =	shalt  }
0x82: {  	_ =	shalt  }
0x83: {  	_ =	shalt  }
0x84: {  	_ =	shalt  }
0x85: {  	_ =	shalt  }
0x86: {  	_ =	shalt  }
0x87: {  	_ =	shalt  }
.Lfunc_end0:
.L_simem_size_0:
called_computation_lowered:
.L_overlay_start_0:
0x88: {  	s2 =	sld [smem:$0x3FD9]  }
0x89: {  	s3 =	sld [smem:$0x3FFE];
	_ =	sdelay $0x1  }
0x8a: {  	s1 =	srdreg.scid  }
0x8b: {  	s0 =	sand.u32 $0x1, s1  }
0x8c: {  	s17 =	sshll.u32 s0, $0xA;
	s2 =	sadd.s32 s3, s2  }
0x8d: {  	s2 =	sadd.s32 s2, s17  }
0x8e: {  	[smem:$0x3FC6] =	sst s2  }
0x8f: {  	_ = 	snop  }
0x90: {  	s2 =	sld [smem:$0x3FC9]  }
0x91: {  	s18 =	sld [smem:$0x3FC8];
	(tm) =	ssettm $0x1  }
0x92: {  	s4 =	sld [smem:$0x3FFB];
	_ =	sdelay $0x3  }
0x93: {  	_ =	strace s4  }
0x94: {  	s4 =	sld [smem:$0x3FFC];
	_ =	sdelay $0x3  }
0x95: {  	_ =	strace s4  }
0x96: {  	s4 =	sld [smem:$0x3FFD];
	_ =	sdelay $0x3  }
0x97: {  	_ =	strace s4  }
0x98: {  	_ =	strace $0x8FFFFFFF  }
0x99: {  	s19 =	sld [smem:$0x3FDB];
	_ =	sdelay $0x1  }
0x9a: {  	s5 =	simm.s32 $_scs_section_size  }
0x9b: {  	s6 =	simm.s32 $_size__tile_overlayer_lowered;
	s7 =	simm.s32 $_tile_overlayer_lowered  }
0x9c: {  	s22 =	simm.s32 $0x1BFF;
	s21 =	sshll.u32 s7, $0x1;
	s4 =	sadd.s32 s5, s19  }
0x9d: {  	s8 =	simm.s32 $0x0;
	s20 =	sshll.u32 s6, $0x1;
	s6 =	sadd.s32 s21, s4  }
0x9e: {  	[timem:s8], [sflag:s22] =	dma.local [hbm:s6], s20  }
0x9f: {  	_ =	swait.ge [sflag:s22], s20  }
0xa0: {  	s5 =	ssub.s32 $0x0, s20;
	[sflag:s22] =	ssyncset.done $0x0  }
0xa1: {  	[sflag:s22] =	ssyncadd.s32 s5;
	_ =	sdelay $0x1  }
0xa2: {  	s23 =	simm.s32 $0x1B8B  }
0xa3: {  	_ =	swait.ge [sflag:s23], $0x1  }
0xa4: {  	[sflag:s23] =	ssyncset.done $0x0  }
0xa5: {  	s25 =	simm.s32 $0x1B8E;
	s24 =	sld [smem:$0x3FFE];
	[sflag:s23] =	ssyncadd.s32 $0xFFFFFFFF  }
0xa6: {  	s26 =	simm.s32 $execute0_lowered;
	[smem:$0x3FD2] =	sst s25  }
0xa7: {  	s6 =	sshll.u32 s26, $0x1;
	_ =	strace $0x80000046;
	[dreg:$0x1] =	wrdreg $0xFFFFFFFF  }
0xa8: {  	s28 =	simm.s32 $_size_execute0_lowered;
	s4 =	sadd.s32 s4, s6;
	[dreg:$0x0] =	wrdreg $0x0  }
0xa9: {  	s6 =	sshll.u32 s28, $0x1;
	[dreg:$0x2] =	wrdreg s4  }
0xaa: {  	[dreg:$0x3] =	wrdreg s6  }
0xab: {  	[dreg:$0x4] =	wrdreg $0xC0  }
0xac: {  	_ =	task [dreg:s8], $0x5FFFF  }
0xad: {  	[dreg:$0x1] =	wrdreg $0xFFFFFFFF  }
0xae: {  	[dreg:$0x0] =	wrdreg $0x60  }
0xaf: {  	[dreg:$0x2] =	wrdreg s18  }
0xb0: {  	[dreg:$0x3] =	wrdreg s2  }
0xb1: {  	[dreg:$0x4] =	wrdreg s24  }
0xb2: {  	[dreg:$0x5] =	wrdreg $0x9  }
0xb3: {  	_ =	task.clear_ibuf [dreg:s8], $0x6FFFF;
	_ =	strace $0x90000046  }
0xb4: {  	s29 =	simm.s32 $0x9;
	_ =	strace $0x80000048  }
0xb5: {  	_ =	swait.ge [sflag:s29], $0x1  }
0xb6: {  	[sflag:s29] =	ssyncadd.s32 $0xFFFFFFFF  }
0xb7: {  	_ =	strace $0x90000048  }
0xb8: {  	_ =	sfence  }
0xb9: {  	s30 =	sld [smem:$0x0];
	_ =	sdelay $0x2  }
0xba: {  	s31 =	sshll.u32 s1, $0xD;
	s1 =	sshrl.u32 s1, $0x2  }
0xbb: {  	s3 =	sand.u32 $0x4000, s31;
	s1 =	sadd.s32 s1, s30  }
0xbc: {  	s0 =	sor.u32 s3, s0;
	s1 =	sshll.u32 s1, $0x11  }
0xbd: {  	s0 =	sor.u32 s1, s0  }
0xbe: {  	s0 =	sadd.s32 $0x8F2B, s0  }
0xbf: {  	[sflag:s0] =	ssyncadd.remote.s32 $0x1  }
0xc0: {  	_ =	sfence.sel $0xFFFF  }
0xc1: {  	[dreg:$0x0] =	wrdreg $0xFFFFFFFF;
	(pc) =	sbr.abs _section_cstart, $3  }
0xc2: {  	[dreg:$0x1] =	wrdreg $0xFFFFFFFF  }
0xc3: {  	_ =	task.clear_ibuf [dreg:s8], $0x2FFFF;
	_ =	strace $0x9FFFFFFF  }
0xc4: {  	(tm) =	ssettm $0x7FFFFFFF  }
0xc5: {  	_ =	shalt  }
tec
execute0_lowered:
.L_overlay_start_1:
0x0: {  	(tag) =	ssettag $0x1  }
0x1: {  	s31 =	rddreg [dreg:$0x0]  }
0x2: {  	s0 =	rddreg [dreg:$0x2];
	s4 =	simm.s32 $0x0;
	s1 =	srdreg.scid  }
0x3: {  	s2 =	stileid.u32;
	[smem:$0x7FF] =	sst s4  }
0x4: {  	s1 =	sand.u32 $0x1, s1;
	s2 =	sshll.u32 s2, $0x1;
	s5 =	sadd.s32 $0x400, s0  }
0x5: {  	s30 =	sadd.s32 $0x5B8F00, s31;
	s23 =	ssub.s32 $0x2, s1;
	s1 =	sor.u32 s1, s2  }
0x6: {  	s3 =	sadd.s32 $0x6AD180, s31;
	s24 =	sshrl.u32 s23, $0x1;
	s10 =	smul.u32 $0x7C00, s1  }
0x7: {  	_ =	strace $0x80000047;
	[dreg:$0x5] =	wrdreg s3;
	s0 =	ssub.s32 s23, s24  }
0x8: {  	[dreg:$0x4] =	wrdreg s30;
	s1 =	sor.u32 $0x100, s10;
	s0 =	smax.u32 s0, $0x1  }
0x9: {  	s11 =	sadd.s32 $0xF4280, s31;
	s25 =	sadd.s32 s31, s1;
	[dreg:$0x1e] =	wrdreg s0  }
0xa: {  	s12 =	sadd.s32 $0x1E8500, s31;
	s26 =	sadd.s32 s1, s11;
	[dreg:$0x6] =	wrdreg s25  }
0xb: {  	s13 =	sadd.s32 $0x2DC780, s31;
	s28 =	sadd.s32 s1, s12;
	[dreg:$0x7] =	wrdreg s26  }
0xc: {  	s19 =	sadd.s32 $0x3D0A00, s31;
	s29 =	sadd.s32 s1, s13;
	[dreg:$0x8] =	wrdreg s28  }
0xd: {  	s18 =	sadd.s32 $0x4C4C80, s31;
	s6 =	sadd.s32 s1, s19;
	[dreg:$0x9] =	wrdreg s29  }
0xe: {  	s8 =	sor.u32 $0x200, s10;
	s7 =	sadd.s32 s1, s18;
	[dreg:$0xa] =	wrdreg s6  }
0xf: {  	s9 =	sadd.s32 s31, s8;
	[dreg:$0xb] =	wrdreg s7  }
0x10: {  	s14 =	sadd.s32 s8, s11;
	[dreg:$0xe] =	wrdreg s9  }
0x11: {  	s15 =	sadd.s32 s8, s12;
	[dreg:$0xf] =	wrdreg s14  }
0x12: {  	s16 =	sadd.s32 s8, s13;
	[dreg:$0x10] =	wrdreg s15  }
0x13: {  	v0 =	vimm.s32 $0xB80;
	s17 =	sadd.s32 s8, s19;
	[dreg:$0x11] =	wrdreg s16  }
0x14: {  	vm14 =	vcmask $0x300;
	vm13 =	vcmask $0x704;
	vm12 =	vcmask $0xB08;
	s20 =	sadd.s32 s8, s18;
	[dreg:$0x12] =	wrdreg s17  }
0x15: {  	vm11 =	vcmask $0xF0C;
	vm10 =	vcmask $0x1310;
	vm9 =	vcmask $0x1714;
	s21 =	sadd.s32 s8, s30;
	[dreg:$0x13] =	wrdreg s20  }
0x16: {  	vm8 =	vcmask $0x1B18;
	vm7 =	vcmask $0x1F1C;
	vm6 =	vcmask $0x2320;
	s24 =	sor.u32 $0x300, s10;
	s22 =	sadd.s32 s8, s3;
	[dreg:$0x14] =	wrdreg s21  }
0x17: {  	vm5 =	vcmask $0x2724;
	vm2 =	vcmask $0x2B28;
	vm3 =	vcmask $0x2F2C;
	s8 =	sadd.s32 s24, s18;
	[dreg:$0x15] =	wrdreg s22  }
0x18: {  	vm1 =	vcmask $0x3330;
	vm0 =	vcmask $0x3734;
	vm4 =	vcmask $0x3B38;
	s6 =	sadd.s32 s1, s30;
	[dreg:$0x1b] =	wrdreg s8  }
0x19: {  	v2 =	vlaneseq.u32;
	v4 =	vimm.s32 $0x1B80;
	v5 =	vimm.s32 $0x2B80;
	s1 =	sadd.s32 s1, s3;
	[dreg:$0xc] =	wrdreg s6  }
0x1a: {  	v6 =	vimm.s32 $0x3B80;
	v0 =	vsel vm14, $0x0, v0;
	v4 =	vsel vm14, $0x1000, v4;
	s25 =	sadd.s32 s31, s24;
	[dreg:$0xd] =	wrdreg s1  }
0x1b: {  	v5 =	vsel vm14, $0x2000, v5;
	v6 =	vsel vm14, $0x3000, v6;
	v0 =	vsel vm13, $0x80, v0;
	s26 =	sadd.s32 s24, s11;
	[dreg:$0x16] =	wrdreg s25  }
0x1c: {  	v4 =	vsel vm13, $0x1080, v4;
	v5 =	vsel vm13, $0x2080, v5;
	v6 =	vsel vm13, $0x3080, v6;
	s28 =	sadd.s32 s24, s12;
	[dreg:$0x17] =	wrdreg s26  }
0x1d: {  	v0 =	vsel vm12, $0x100, v0;
	v4 =	vsel vm12, $0x1100, v4;
	v5 =	vsel vm12, $0x2100, v5;
	s29 =	sadd.s32 s24, s13;
	[dreg:$0x18] =	wrdreg s28  }
0x1e: {  	v6 =	vsel vm12, $0x3100, v6;
	v0 =	vsel vm11, $0x180, v0;
	v4 =	vsel vm11, $0x1180, v4;
	s7 =	sadd.s32 s24, s19;
	[dreg:$0x19] =	wrdreg s29  }
0x1f: {  	v5 =	vsel vm11, $0x2180, v5;
	v6 =	vsel vm11, $0x3180, v6;
	v0 =	vsel vm10, $0x200, v0;
	s9 =	sadd.s32 s24, s30;
	[dreg:$0x1a] =	wrdreg s7  }
0x20: {  	v4 =	vsel vm10, $0x1200, v4;
	v5 =	vsel vm10, $0x2200, v5;
	v6 =	vsel vm10, $0x3200, v6;
	s14 =	sadd.s32 s24, s3;
	[dreg:$0x1c] =	wrdreg s9  }
0x21: {  	v0 =	vsel vm9, $0x280, v0;
	v4 =	vsel vm9, $0x1280, v4;
	v5 =	vsel vm9, $0x2280, v5;
	s15 =	sadd.s32 s31, s10;
	[dreg:$0x1d] =	wrdreg s14  }
0x22: {  	v6 =	vsel vm9, $0x3280, v6;
	v0 =	vsel vm8, $0x300, v0;
	s16 =	sadd.s32 s10, s11;
	v4 =	vsel vm8, $0x1300, v4;
	[dreg:$0x1f] =	wrdreg s15  }
0x23: {  	s17 =	sadd.s32 s10, s12;
	v5 =	vsel vm8, $0x2300, v5;
	v6 =	vsel vm8, $0x3300, v6;
	v0 =	vsel vm7, $0x380, v0;
	[smem:$0x7F3] =	sst s16  }
0x24: {  	s20 =	sadd.s32 s10, s13;
	[smem:$0x7F4] =	sst s17;
	v4 =	vsel vm7, $0x1380, v4;
	v5 =	vsel vm7, $0x2380, v5;
	v6 =	vsel vm7, $0x3380, v6  }
0x25: {  	s21 =	sadd.s32 s10, s19;
	[smem:$0x7F5] =	sst s20;
	v0 =	vsel vm6, $0x800, v0;
	v4 =	vsel vm6, $0x1800, v4;
	v5 =	vsel vm6, $0x2800, v5  }
0x26: {  	s2 =	simm.s32 $0xC080;
	s22 =	sadd.s32 s10, s18;
	[smem:$0x7F6] =	sst s21;
	v6 =	vsel vm6, $0x3800, v6;
	v0 =	vsel vm5, $0x880, v0;
	v4 =	vsel vm5, $0x1880, v4  }
0x27: {  	s23 =	sadd.s32 $0x7C00, s10;
	s24 =	sadd.s32 s10, s3;
	[smem:$0x7F7] =	sst s22;
	v5 =	vsel vm5, $0x2880, v5;
	v6 =	vsel vm5, $0x3880, v6;
	v0 =	vsel vm2, $0x900, v0  }
0x28: {  	s0 =	simm.s32 $0x4;
	s3 =	simm.s32 $0x1;
	[smem:$0x7F9] =	sst s24;
	v4 =	vsel vm2, $0x1900, v4;
	v5 =	vsel vm2, $0x2900, v5;
	v6 =	vsel vm2, $0x3900, v6  }
0x29: {  	s25 =	sadd.s32 $0x400, s10;
	s26 =	sadd.s32 $0x500, s10;
	s28 =	sadd.s32 $0x600, s10;
	v0 =	vsel vm3, $0x980, v0;
	v4 =	vsel vm3, $0x1980, v4;
	v5 =	vsel vm3, $0x2980, v5  }
.Ltmp0:
0x2a: {  	s29 =	sadd.s32 $0x700, s10;
	[smem:$0x7FA] =	sst s25;
	v6 =	vsel vm3, $0x3980, v6;
	v1 =	vsel vm1, $0xA00, v0;
	v0 =	vmov s23;
	(pc) =	sbr.rel .LBB2_1-.Ltmp0, $4  }
0x2b: {  	s14 =	simm.s32 $0x10080;
	s15 =	simm.s32 $0x14080;
	[smem:$0x7FB] =	sst s26;
	v4 =	vsel vm1, $0x1A00, v4;
	v5 =	vsel vm1, $0x2A00, v5;
	v6 =	vsel vm1, $0x3A00, v6  }
0x2c: {  	s16 =	simm.s32 $0x18080;
	s24 =	simm.s32 $0x5;
	[smem:$0x7FC] =	sst s28;
	v3 =	vsel vm0, $0xA80, v1;
	v1 =	vmov s10;
	v4 =	vsel vm0, $0x1A80, v4  }
0x2d: {  	s6 =	simm.s32 $0x0;
	[smem:$0x7FD] =	sst s29;
	s23 =	sadd.s32 s10, s30;
	v5 =	vsel vm0, $0x2A80, v5;
	v6 =	vsel vm0, $0x3A80, v6;
	v3 =	vsel vm4, $0xB00, v3  }
0x2e: {  	s25 =	simm.s32 $0x2;
	s26 =	simm.s32 $0x3;
	[smem:$0x7F8] =	sst s23;
	v4 =	vsel vm4, $0x1B00, v4;
	v5 =	vsel vm4, $0x2B00, v5;
	v6 =	vsel vm4, $0x3B00, v6  }
.LBB2_60:
0x2f: {  	[sflag:s24] =	ssyncadd.s32 $0xFFFFFF80  }
.LBB2_61:
0x30: {  	s6 =	sadd.s32 $0x1, s6;
	s1 =	rddreg [dreg:$0x1e]  }
0x31: {  	p0 =	sne.s32 s6, s1  }
.Ltmp1:
0x32: {  	_ = 	snop;
	(pc) =	sbr.rel @!p0 .LBB2_62-.Ltmp1, $1  }
0x33: {  	_ =	sdelay $0x3  }
.LBB2_1:
0x34: {  	[smem:$0x7F2] =	sst s6  }
0x35: {  	s1 =	rddreg [dreg:$0x1];
	s29 =	simm.s32 $0x6  }
0x36: {  	[tilespmem:s4], [sflag:$0x6] =	stream.linear.gather [hbm4b:s1+s4], $0x4000, $0x38;
	[tilespmem:$0x1E080] =	vst v63  }
0x37: {  	_ =	swait.ge [sflag:s29], $0x4000  }
0x38: {  	[sflag:s29] =	ssyncset.done $0x0  }
0x39: {  	[sflag:s29] =	ssyncadd.s32 $0xFFFFC000  }
0x3a: {  	v7 =	vld [tilespmem:s4+$0x0];
	_ =	sdelay $0x4  }
0x3b: {  	vm0 =	vge.s32 v7, v1;
	vm1 =	vlt.s32 v7, v0  }
0x3c: {  	vm0 =	vmand vm0, vm1  }
0x3d: {  	v8 =	vmpcnt.ones.xlane vm0;
	_ =	sdelay $0x1  }
0x3e: {  	(v2sf) =	vpush v8, $0x0;
	_ =	sdelay $0x4  }
0x3f: {  	[tilespmem:s4+$0x0] =	vst.msk vm0, v7;
	v7 =	vor.u32 s4, v2  }
0x40: {  	s1 =	simm.s32 $0x10;
	[tilespmem:s4+$0x4000] =	vst.msk vm0, v7  }
0x41: {  	s7 =	simm.s32 $0x20;
	s6 =	simm.s32 $0x0;
	s8 =	simm.s32 $0x10;
	v7 =	vld [tilespmem:s1+$0x0]  }
.LBB2_2:
0x42: {  	p0 =	sne.s32 s7, $0x3FF0;
	_ =	sdelay $0x3  }
0x43: {  	vm0 =	vge.s32 v7, v1;
	vm1 =	vlt.s32 v7, v0  }
0x44: {  	vm0 =	vmand vm0, vm1  }
0x45: {  	v8 =	vmpcnt.ones.xlane vm0  }
0x46: {  	s17 =	spop (v2sf)  }
0x47: {  	(v2sf) =	vpush v8, $0x0;
	s6 =	sadd.s32 s6, s17  }
0x48: {  	v8 =	vor.u32 s1, v2;
	s1 =	smov.u32 s7;
	[tilespmem:s6+$0x0] =	vst.msk vm0, v7  }
0x49: {  	[tilespmem:s6+$0x4000] =	vst.msk vm0, v8  }
.Ltmp2:
0x4a: {  	(pc) =	sbr.rel @p0 .LBB2_2-.Ltmp2, $3  }
0x4b: {  	_ =	sdelay $0x1  }
0x4c: {  	s8 =	sadd.s32 $0x10, s8  }
0x4d: {  	s7 =	sadd.s32 $0x10, s7;
	v7 =	vld [tilespmem:s8+$0x0]  }
0x4e: {  	_ =	sdelay $0x6  }
0x4f: {  	vm0 =	vge.s32 v7, v1;
	vm1 =	vlt.s32 v7, v0;
	s7 =	spop (v2sf)  }
0x50: {  	s21 =	rddreg [dreg:$0x1f];
	vm0 =	vmand vm0, vm1;
	s6 =	sadd.s32 s6, s7  }
0x51: {  	v8 =	vor.u32 s1, v2;
	s22 =	sld [smem:$0x7F3];
	[tilespmem:s6+$0x0] =	vst.msk vm0, v7  }
0x52: {  	s17 =	simm.s32 $0x0;
	s28 =	sld [smem:$0x7F4];
	[tilespmem:s6+$0x4000] =	vst.msk vm0, v8  }
0x53: {  	[tilespmem:s2], [sflag:$0x1] =	stream.linear.gather [hbm4b:s21+s17], $0x800, $0x38;
	[tilespmem:$0x1E080] =	vst v63  }
0x54: {  	s23 =	simm.s32 $0xC880;
	s8 =	sld [smem:$0x7F5]  }
0x55: {  	[tilespmem:s23], [sflag:$0x1] =	stream.linear.gather [hbm4b:s22+s17], $0x800, $0x38;
	[tilespmem:$0x1E080] =	vst v63  }
0x56: {  	s29 =	simm.s32 $0xD080;
	s20 =	sld [smem:$0x7F6]  }
0x57: {  	[tilespmem:s29], [sflag:$0x1] =	stream.linear.gather [hbm4b:s28+s17], $0x800, $0x38;
	[tilespmem:$0x1E080] =	vst v63  }
0x58: {  	s9 =	simm.s32 $0xD880;
	s7 =	sld [smem:$0x7F9]  }
0x59: {  	[tilespmem:s9], [sflag:$0x1] =	stream.linear.gather [hbm4b:s8+s17], $0x800, $0x38;
	[tilespmem:$0x1E080] =	vst v63  }
0x5a: {  	s21 =	simm.s32 $0xE080;
	s22 =	sld [smem:$0x7F7]  }
0x5b: {  	[tilespmem:s21], [sflag:$0x1] =	stream.linear.gather [hbm4b:s20+s17], $0x800, $0x38;
	[tilespmem:$0x1E080] =	vst v63  }
0x5c: {  	s23 =	simm.s32 $0xE880;
	s28 =	sld [smem:$0x7F8]  }
0x5d: {  	[tilespmem:s23], [sflag:$0x1] =	stream.linear.gather [hbm4b:s22+s17], $0x800, $0x38;
	[tilespmem:$0x1E080] =	vst v63  }
0x5e: {  	s29 =	simm.s32 $0xF080;
	s9 =	rddreg [dreg:$0x6]  }
0x5f: {  	[tilespmem:s29], [sflag:$0x1] =	stream.linear.gather [hbm4b:s28+s17], $0x800, $0x38;
	[tilespmem:$0x1E080] =	vst v63  }
0x60: {  	s8 =	simm.s32 $0xF880;
	s20 =	rddreg [dreg:$0x7]  }
0x61: {  	[tilespmem:s8], [sflag:$0x1] =	stream.linear.gather [hbm4b:s7+s17], $0x800, $0x38;
	[tilespmem:$0x1E080] =	vst v63  }
0x62: {  	s22 =	rddreg [dreg:$0x8]  }
0x63: {  	[tilespmem:s14], [sflag:$0x2] =	stream.linear.gather [hbm4b:s9+s17], $0x800, $0x38;
	[tilespmem:$0x1E080] =	vst v63  }
0x64: {  	s21 =	simm.s32 $0x10880;
	s28 =	rddreg [dreg:$0x9]  }
0x65: {  	[tilespmem:s21], [sflag:$0x2] =	stream.linear.gather [hbm4b:s20+s17], $0x800, $0x38;
	[tilespmem:$0x1E080] =	vst v63  }
0x66: {  	s23 =	simm.s32 $0x11080;
	s8 =	rddreg [dreg:$0xa]  }
0x67: {  	[tilespmem:s23], [sflag:$0x2] =	stream.linear.gather [hbm4b:s22+s17], $0x800, $0x38;
	[tilespmem:$0x1E080] =	vst v63  }
0x68: {  	s29 =	simm.s32 $0x11880;
	s7 =	rddreg [dreg:$0xe]  }
0x69: {  	[tilespmem:s29], [sflag:$0x2] =	stream.linear.gather [hbm4b:s28+s17], $0x800, $0x38;
	[tilespmem:$0x1E080] =	vst v63  }
0x6a: {  	s9 =	simm.s32 $0x12080;
	s20 =	rddreg [dreg:$0xb]  }
0x6b: {  	v7 =	vmpcnt.ones.xlane vm0;
	[tilespmem:s9], [sflag:$0x2] =	stream.linear.gather [hbm4b:s8+s17], $0x800, $0x38;
	[tilespmem:$0x1E080] =	vst v63  }
0x6c: {  	s21 =	simm.s32 $0x12880;
	s22 =	rddreg [dreg:$0xc]  }
0x6d: {  	(v2sf) =	vpush v7, $0x0;
	[tilespmem:s21], [sflag:$0x2] =	stream.linear.gather [hbm4b:s20+s17], $0x800, $0x38;
	[tilespmem:$0x1E080] =	vst v63  }
0x6e: {  	s23 =	simm.s32 $0x13080;
	s28 =	rddreg [dreg:$0xd]  }
0x6f: {  	[tilespmem:s23], [sflag:$0x2] =	stream.linear.gather [hbm4b:s22+s17], $0x800, $0x38;
	[tilespmem:$0x1E080] =	vst v63  }
0x70: {  	s29 =	simm.s32 $0x13880;
	s8 =	rddreg [dreg:$0xf]  }
0x71: {  	[tilespmem:s29], [sflag:$0x2] =	stream.linear.gather [hbm4b:s28+s17], $0x800, $0x38;
	[tilespmem:$0x1E080] =	vst v63  }
0x72: {  	s20 =	rddreg [dreg:$0x10]  }
0x73: {  	[tilespmem:s15], [sflag:$0x3] =	stream.linear.gather [hbm4b:s7+s17], $0x800, $0x38;
	[tilespmem:$0x1E080] =	vst v63  }
0x74: {  	s9 =	simm.s32 $0x14880;
	s22 =	rddreg [dreg:$0x11]  }
0x75: {  	[tilespmem:s9], [sflag:$0x3] =	stream.linear.gather [hbm4b:s8+s17], $0x800, $0x38;
	[tilespmem:$0x1E080] =	vst v63  }
0x76: {  	s21 =	simm.s32 $0x15080;
	s28 =	rddreg [dreg:$0x12]  }
0x77: {  	[tilespmem:s21], [sflag:$0x3] =	stream.linear.gather [hbm4b:s20+s17], $0x800, $0x38;
	[tilespmem:$0x1E080] =	vst v63  }
0x78: {  	s23 =	simm.s32 $0x15880;
	s8 =	rddreg [dreg:$0x13]  }
0x79: {  	[tilespmem:s23], [sflag:$0x3] =	stream.linear.gather [hbm4b:s22+s17], $0x800, $0x38;
	[tilespmem:$0x1E080] =	vst v63  }
0x7a: {  	s29 =	simm.s32 $0x16080;
	s20 =	rddreg [dreg:$0x14]  }
0x7b: {  	[tilespmem:s29], [sflag:$0x3] =	stream.linear.gather [hbm4b:s28+s17], $0x800, $0x38;
	[tilespmem:$0x1E080] =	vst v63  }
0x7c: {  	s9 =	simm.s32 $0x16880;
	s22 =	rddreg [dreg:$0x15];
	s28 =	spop (v2sf)  }
0x7d: {  	s21 =	simm.s32 $0x17080;
	s29 =	rddreg [dreg:$0x16];
	s1 =	sadd.s32 s6, s28  }
0x7e: {  	[tilespmem:s9], [sflag:$0x3] =	stream.linear.gather [hbm4b:s8+s17], $0x800, $0x38;
	[tilespmem:$0x1E080] =	vst v63  }
0x7f: {  	s23 =	simm.s32 $0x17880;
	s28 =	rddreg [dreg:$0x1a];
	s6 =	sadd.s32 $0xF, s1  }
0x80: {  	[tilespmem:s21], [sflag:$0x3] =	stream.linear.gather [hbm4b:s20+s17], $0x800, $0x38;
	[tilespmem:$0x1E080] =	vst v63  }
0x81: {  	s8 =	rddreg [dreg:$0x17];
	s9 =	simm.s32 $0x18880;
	s21 =	sand.u32 $0xF, s6  }
0x82: {  	[tilespmem:s23], [sflag:$0x3] =	stream.linear.gather [hbm4b:s22+s17], $0x800, $0x38;
	[tilespmem:$0x1E080] =	vst v63  }
0x83: {  	p1 =	slt.s32 s6, $0x1;
	p0 =	sne.s32 s21, $0x0;
	s23 =	sshra.s32 s6, $0x1F  }
0x84: {  	s20 =	rddreg [dreg:$0x18];
	p0 =	por !p1, !p0;
	s7 =	sshrl.u32 s23, $0x1C  }
0x85: {  	[tilespmem:s16], [sflag:$0x4] =	stream.linear.gather [hbm4b:s29+s17], $0x800, $0x38;
	[tilespmem:$0x1E080] =	vst v63  }
0x86: {  	p0 =	por !p0, !p0;
	s6 =	sadd.s32 s7, s6;
	s7 =	simm.s32 $0x1  }
0x87: {  	[tilespmem:s9], [sflag:$0x4] =	stream.linear.gather [hbm4b:s8+s17], $0x800, $0x38;
	[tilespmem:$0x1E080] =	vst v63  }
0x88: {  	s6 =	sshra.s32 s6, $0x4;
	s7 =	simm.s32 @!p0 $0x0;
	s8 =	simm.s32 $0x19080  }
0x89: {  	[tilespmem:s8], [sflag:$0x4] =	stream.linear.gather [hbm4b:s20+s17], $0x800, $0x38;
	[tilespmem:$0x1E080] =	vst v63  }
0x8a: {  	s22 =	rddreg [dreg:$0x19];
	s9 =	simm.s32 $0x19880;
	s6 =	ssub.s32 s6, s7  }
0x8b: {  	[tilespmem:s9], [sflag:$0x4] =	stream.linear.gather [hbm4b:s22+s17], $0x800, $0x38;
	[tilespmem:$0x1E080] =	vst v63  }
0x8c: {  	s29 =	simm.s32 $0x1A080;
	[smem:$0x7F1] =	sst s6  }
0x8d: {  	[tilespmem:s29], [sflag:$0x4] =	stream.linear.gather [hbm4b:s28+s17], $0x800, $0x38;
	[tilespmem:$0x1E080] =	vst v63  }
0x8e: {  	s21 =	simm.s32 $0x1A880;
	s20 =	rddreg [dreg:$0x1b]  }
0x8f: {  	[tilespmem:s21], [sflag:$0x4] =	stream.linear.gather [hbm4b:s20+s17], $0x800, $0x38;
	[tilespmem:$0x1E080] =	vst v63  }
0x90: {  	s23 =	simm.s32 $0x1B080;
	p0 =	slt.s32 s6, $0x1;
	s22 =	rddreg [dreg:$0x1c]  }
0x91: {  	[tilespmem:s23], [sflag:$0x4] =	stream.linear.gather [hbm4b:s22+s17], $0x800, $0x38;
	[tilespmem:$0x1E080] =	vst v63  }
0x92: {  	s9 =	simm.s32 $0x0;
	s28 =	rddreg [dreg:$0x1d];
	s29 =	simm.s32 $0x1B880  }
0x93: {  	v7 =	vmov s1;
	[tilespmem:s29], [sflag:$0x4] =	stream.linear.gather [hbm4b:s28+s17], $0x800, $0x38;
	[tilespmem:$0x1E080] =	vst v63  }
.LBB2_4:
0x94: {  	_ =	swait.ge [sflag:s3], $0x800  }
0x95: {  	[sflag:s3] =	ssyncset.done $0x0  }
0x96: {  	[sflag:s3] =	ssyncadd.s32 $0xFFFFF800  }
0x97: {  	_ =	swait.ge [sflag:s3], $0x800  }
0x98: {  	[sflag:s3] =	ssyncset.done $0x0  }
0x99: {  	[sflag:s3] =	ssyncadd.s32 $0xFFFFF800  }
0x9a: {  	_ =	swait.ge [sflag:s3], $0x800  }
0x9b: {  	[sflag:s3] =	ssyncset.done $0x0  }
0x9c: {  	[sflag:s3] =	ssyncadd.s32 $0xFFFFF800  }
0x9d: {  	_ =	swait.ge [sflag:s3], $0x800  }
0x9e: {  	[sflag:s3] =	ssyncset.done $0x0  }
0x9f: {  	[sflag:s3] =	ssyncadd.s32 $0xFFFFF800  }
0xa0: {  	_ =	swait.ge [sflag:s3], $0x800  }
0xa1: {  	[sflag:s3] =	ssyncset.done $0x0  }
0xa2: {  	[sflag:s3] =	ssyncadd.s32 $0xFFFFF800  }
0xa3: {  	_ =	swait.ge [sflag:s3], $0x800  }
0xa4: {  	[sflag:s3] =	ssyncset.done $0x0  }
0xa5: {  	[sflag:s3] =	ssyncadd.s32 $0xFFFFF800  }
0xa6: {  	_ =	swait.ge [sflag:s3], $0x800  }
.Ltmp3:
0xa7: {  	[sflag:s3] =	ssyncset.done $0x0;
	(pc) =	sbr.rel @p0 .LBB2_17-.Ltmp3, $4  }
0xa8: {  	[sflag:s3] =	ssyncadd.s32 $0xFFFFF800  }
0xa9: {  	_ =	swait.ge [sflag:s3], $0x800  }
0xaa: {  	[sflag:s3] =	ssyncset.done $0x0  }
0xab: {  	s20 =	sshll.u32 s9, $0xA;
	[sflag:s3] =	ssyncadd.s32 $0xFFFFF800  }
0xac: {  	s6 =	sld [smem:$0x7F1];
	_ =	sdelay $0x2  }
0xad: {  	p2 =	sne.s32 s6, $0x1  }
.Ltmp4:
0xae: {  	_ = 	snop;
	(pc) =	sbr.rel @!p2 .LBB2_6-.Ltmp4, $4  }
0xaf: {  	_ = 	snop  }
0xb0: {  	s21 =	sadd.s32 s10, s20  }
0xb1: {  	s23 =	simm.s32 $0x0;
	s28 =	simm.s32 $0x4000;
	s1 =	sor.u32 $0x100, s21  }
0xb2: {  	p1 =	por $0x0, $0x0;
	s22 =	smin.u32 s21, $0xF4180;
	v8 =	vmov s21;
	v10 =	vld [tilespmem:s23+$0x0];
	v9 =	vmov s1;
	s6 =	sadd.s32 $0xFFFFFFFF, s6  }
0xb3: {  	_ =	sdelay $0x2  }
0xb4: {  	v12 =	vor.u32 s23, v2  }
0xb5: {  	vm1 =	vlt.s32 v12, v7;
	vm0 =	vlt.s32 v10, v9  }
0xb6: {  	vm2 =	vge.s32 v10, v8;
	vm0 =	vmand vm0, vm1  }
0xb7: {  	vm0 =	vmand vm0, vm2  }
0xb8: {  	v11 =	vld [tilespmem:s28+$0x0];
	v63 =	vmpcnt.ones.xlane vm0;
	_ =	sdelay $0x1  }
0xb9: {  	(v2sf) =	vpush v63, $0x0  }
0xba: {  	p2 =	sne.s32 s6, $0x1  }
.Ltmp5:
0xbb: {  	_ = 	snop;
	(pc) =	sbr.rel @!p2 .LBB2_8-.Ltmp5, $4  }
0xbc: {  	v10 =	vsub.s32 v10, v8;
	v11 =	vshll.u32 v11, $0x9  }
0xbd: {  	v10 =	vor.u32 v10, v11  }
0xbe: {  	s1 =	simm.s32 $0x10;
	s7 =	sadd.s32 $0xFFFFFFFF, s6;
	p1 =	por $0x1, $0x1;
	[tilespmem:s23+$0x8000] =	vst.msk vm0, v10  }
0xbf: {  	s29 =	simm.s32 $0x4000;
	s6 =	simm.s32 $0x0;
	s30 =	simm.s32 $0x0;
	v10 =	vld [tilespmem:s1+$0x0]  }
.LBB2_9:
0xc0: {  	p2 =	sne.s32 s7, $0x1;
	_ =	sdelay $0x1  }
0xc1: {  	s29 =	sadd.s32 $0x10, s29;
	s6 =	sadd.s32 $0x10, s6  }
0xc2: {  	v12 =	vor.u32 s6, v2;
	v11 =	vld [tilespmem:s29+$0x0]  }
0xc3: {  	vm1 =	vlt.s32 v12, v7;
	vm0 =	vlt.s32 v10, v9;
	v12 =	vsub.s32 v10, v8  }
0xc4: {  	vm2 =	vge.s32 v10, v8;
	vm0 =	vmand vm0, vm1  }
0xc5: {  	vm0 =	vmand vm0, vm2  }
0xc6: {  	v10 =	vmpcnt.ones.xlane vm0  }
0xc7: {  	v11 =	vshll.u32 v11, $0x9;
	s8 =	spop (v2sf)  }
0xc8: {  	v11 =	vor.u32 v12, v11;
	(v2sf) =	vpush v10, $0x0;
	s30 =	sadd.s32 s30, s8  }
0xc9: {  	[tilespmem:s30+$0x8000] =	vst.msk vm0, v11  }
.Ltmp6:
0xca: {  	(pc) =	sbr.rel @p2 .LBB2_9-.Ltmp6, $3  }
0xcb: {  	_ =	sdelay $0x1  }
0xcc: {  	s1 =	sadd.s32 $0x10, s1  }
0xcd: {  	s7 =	sadd.s32 $0xFFFFFFFF, s7;
	v10 =	vld [tilespmem:s1+$0x0]  }
.LBB2_10:
0xce: {  	_ = 	snop  }
0xcf: {  	s1 =	sadd.s32 @p1 $0x10, s6;
	s6 =	simm.s32 $0x0  }
0xd0: {  	s6 =	smov.u32 @p1 s1  }
0xd1: {  	v11 =	vor.u32 s6, v2  }
0xd2: {  	vm1 =	vlt.s32 v11, v7;
	vm0 =	vlt.s32 v10, v9  }
0xd3: {  	vm2 =	vge.s32 v10, v8;
	vm0 =	vmand vm0, vm1  }
0xd4: {  	vm0 =	vmand vm0, vm2  }
0xd5: {  	v62 =	vmpcnt.ones.xlane vm0;
	_ =	sdelay $0x1  }
0xd6: {  	(v2sf) =	vpush v62, $0x0;
	_ =	sdelay $0xb  }
0xd7: {  	s1 =	sadd.s32 @p1 $0x10, s29  }
0xd8: {  	s28 =	smov.u32 @p1 s1;
	s1 =	spop @p1 (v2sf)  }
0xd9: {  	s1 =	sadd.s32 @p1 s30, s1  }
0xda: {  	v63 =	vld [tilespmem:s28+$0x0];
	s23 =	smov.u32 @p1 s1;
	s30 =	spop (v2sf)  }
0xdb: {  	s6 =	sadd.s32 s23, s30  }
0xdc: {  	p1 =	slt.s32 s6, $0x1  }
.Ltmp7:
0xdd: {  	_ = 	snop;
	(pc) =	sbr.rel @p1 .LBB2_11-.Ltmp7, $4  }
0xde: {  	_ = 	snop  }
0xdf: {  	v8 =	vsub.s32 v10, v8;
	v9 =	vshll.u32 v63, $0x9  }
0xe0: {  	v8 =	vor.u32 v8, v9  }
0xe1: {  	[tilespmem:s23+$0x8000] =	vst.msk vm0, v8  }
.Ltmp8:
0xe2: {  	(pc) =	sbr.rel .LBB2_13-.Ltmp8, $2  }
0xe3: {  	_ =	sdelay $0x2  }
0xe4: {  	s21 =	ssub.s32 s21, s22;
	s1 =	simm.s32 $0x0;
	s30 =	rddreg [dreg:$0x4]  }
.LBB2_16:
0xe5: {  	s8 =	sand.u32 $0xFF, s7  }
0xe6: {  	s8 =	sadd.s32 s8, s21  }
0xe7: {  	v8 =	vmov s8  }
0xe8: {  	v9 =	vshll.u32 v8, $0x3  }
0xe9: {  	v8 =	vand.u32 $0x7F, v8;
	v9 =	vand.u32 $0xFFFFFC00, v9  }
0xea: {  	v8 =	vor.u32 v8, v9  }
0xeb: {  	v9 =	vadd.s32 v3, v8;
	_ =	sdelay $0x4  }
0xec: {  	v9 =	vld.idx.msk [tilespmem:v9+s2+$0x0], $0xffff  }
0xed: {  	v10 =	vadd.s32 v4, v8;
	_ =	sdelay $0x1  }
0xee: {  	s28 =	sshll.u32 s17, $0x9  }
0xef: {  	s8 =	sshra.s32 s28, $0x2  }
0xf0: {  	[tilespmem:s8+$0x1C080] =	vst v9  }
0xf1: {  	v9 =	vld.idx.msk [tilespmem:v10+s2+$0x0], $0xffff  }
0xf2: {  	v63 =	vadd.s32 v5, v8;
	_ =	sdelay $0x3  }
0xf3: {  	[tilespmem:s8+$0x1C090] =	vst v9  }
0xf4: {  	v9 =	vld.idx.msk [tilespmem:v63+s2+$0x0], $0xffff  }
0xf5: {  	v8 =	vadd.s32 v6, v8;
	_ =	sdelay $0x3  }
0xf6: {  	[tilespmem:s8+$0x1C0A0] =	vst v9  }
0xf7: {  	s1 =	sadd.s32 $0x1, s1;
	v8 =	vld.idx.msk [tilespmem:v8+s2+$0x0], $0xffff  }
0xf8: {  	p1 =	sne.s32 s1, s6  }
.Ltmp9:
0xf9: {  	_ = 	snop;
	(pc) =	sbr.rel @!p1 .LBB2_17-.Ltmp9, $4  }
0xfa: {  	s29 =	sshra.s32 s7, $0x5  }
0xfb: {  	s7 =	sand.u32 $0x1FFFFFF0, s29  }
0xfc: {  	s17 =	sadd.s32 $0x1, s17;
	s7 =	sadd.s32 s5, s7;
	s22 =	sadd.s32 $0x1C080, s8;
	[tilespmem:s8+$0x1C0B0] =	vst v8  }
0xfd: {  	[hbm4b:s7+s4] =	stream.linear.scatter [tilespmem:s22], [sflag:$0x5], $0x80, $0x38;
	[tilespmem:$0x1E080] =	vst v63  }
.LBB2_13:
0xfe: {  	v8 =	vld [tilespmem:s1+$0x8000];
	_ =	sdelay $0x4  }
0xff: {  	(v2sf) =	vpush v8, $0x0;
	_ =	sdelay $0x9  }
0x100: {  	p1 =	slt.s32 s17, $0x40  }
.Ltmp10:
0x101: {  	_ = 	snop;
	(pc) =	sbr.rel @p1 .LBB2_16-.Ltmp10, $2  }
0x102: {  	_ =	sdelay $0x2  }
0x103: {  	s8 =	simm.s32 $0x40;
	s7 =	spop (v2sf)  }
.LBB2_14:
0x104: {  	p1 =	sne.s32 s8, $0x1  }
.Ltmp11:
0x105: {  	_ = 	snop;
	(pc) =	sbr.rel @p1 .LBB2_14-.Ltmp11, $4  }
0x106: {  	_ = 	snop  }
0x107: {  	_ =	swait.ge [sflag:s24], $0x80  }
0x108: {  	[sflag:s24] =	ssyncset.done $0x0  }
0x109: {  	s8 =	sadd.s32 $0xFFFFFFFF, s8;
	[sflag:s24] =	ssyncadd.s32 $0xFFFFFF80  }
.Ltmp12:
0x10a: {  	(pc) =	sbr.rel .LBB2_16-.Ltmp12, $2  }
0x10b: {  	_ =	sdelay $0x2  }
0x10c: {  	s17 =	simm.s32 $0x0  }
.LBB2_11:
0x10d: {  	s30 =	rddreg [dreg:$0x4]  }
.LBB2_17:
0x10e: {  	s1 =	sld [smem:$0x7FA];
	_ =	sdelay $0x1  }
0x10f: {  	p1 =	seq.s32 s9, $0x1E  }
0x110: {  	s1 =	sadd.s32 @!p1 s20, s1  }
0x111: {  	s1 =	smin.u32 @!p1 s1, $0xF4180  }
0x112: {  	s22 =	simm.s32 @!p1 $0x0;
	s7 =	simm.s32 @!p1 $0xC080;
	s6 =	sadd.s32 @!p1 s31, s1  }
0x113: {  	[tilespmem:s7], [sflag:$0x1] =	stream.linear.gather @!p1 [hbm4b:s6+s22], $0x800, $0x38;
	[tilespmem:$0x1E080] =	vst v63  }
0x114: {  	s6 =	sadd.s32 @!p1 s1, s11;
	s7 =	simm.s32 @!p1 $0xC880  }
0x115: {  	[tilespmem:s7], [sflag:$0x1] =	stream.linear.gather @!p1 [hbm4b:s6+s22], $0x800, $0x38;
	[tilespmem:$0x1E080] =	vst v63  }
0x116: {  	s6 =	sadd.s32 @!p1 s1, s12;
	s7 =	simm.s32 @!p1 $0xD080  }
0x117: {  	[tilespmem:s7], [sflag:$0x1] =	stream.linear.gather @!p1 [hbm4b:s6+s22], $0x800, $0x38;
	[tilespmem:$0x1E080] =	vst v63  }
0x118: {  	s6 =	sadd.s32 @!p1 s1, s13;
	s7 =	simm.s32 @!p1 $0xD880  }
0x119: {  	[tilespmem:s7], [sflag:$0x1] =	stream.linear.gather @!p1 [hbm4b:s6+s22], $0x800, $0x38;
	[tilespmem:$0x1E080] =	vst v63  }
0x11a: {  	s6 =	sadd.s32 @!p1 s1, s19;
	s7 =	simm.s32 @!p1 $0xE080  }
0x11b: {  	[tilespmem:s7], [sflag:$0x1] =	stream.linear.gather @!p1 [hbm4b:s6+s22], $0x800, $0x38;
	[tilespmem:$0x1E080] =	vst v63  }
0x11c: {  	s6 =	sadd.s32 @!p1 s1, s18;
	s7 =	simm.s32 @!p1 $0xE880  }
0x11d: {  	[tilespmem:s7], [sflag:$0x1] =	stream.linear.gather @!p1 [hbm4b:s6+s22], $0x800, $0x38;
	[tilespmem:$0x1E080] =	vst v63  }
0x11e: {  	s6 =	sadd.s32 @!p1 s1, s30;
	s7 =	simm.s32 @!p1 $0xF080  }
0x11f: {  	[tilespmem:s7], [sflag:$0x1] =	stream.linear.gather @!p1 [hbm4b:s6+s22], $0x800, $0x38;
	[tilespmem:$0x1E080] =	vst v63  }
0x120: {  	s6 =	rddreg [dreg:$0x5]  }
0x121: {  	s1 =	sadd.s32 @!p1 s1, s6;
	s6 =	simm.s32 @!p1 $0xF880  }
0x122: {  	[tilespmem:s6], [sflag:$0x1] =	stream.linear.gather @!p1 [hbm4b:s1+s22], $0x800, $0x38;
	[tilespmem:$0x1E080] =	vst v63  }
0x123: {  	_ =	swait.ge [sflag:s25], $0x800  }
0x124: {  	[sflag:s25] =	ssyncset.done $0x0  }
0x125: {  	[sflag:s25] =	ssyncadd.s32 $0xFFFFF800  }
0x126: {  	_ =	swait.ge [sflag:s25], $0x800  }
0x127: {  	[sflag:s25] =	ssyncset.done $0x0  }
0x128: {  	[sflag:s25] =	ssyncadd.s32 $0xFFFFF800  }
0x129: {  	_ =	swait.ge [sflag:s25], $0x800  }
0x12a: {  	[sflag:s25] =	ssyncset.done $0x0  }
0x12b: {  	[sflag:s25] =	ssyncadd.s32 $0xFFFFF800  }
0x12c: {  	_ =	swait.ge [sflag:s25], $0x800  }
0x12d: {  	[sflag:s25] =	ssyncset.done $0x0  }
0x12e: {  	[sflag:s25] =	ssyncadd.s32 $0xFFFFF800  }
0x12f: {  	_ =	swait.ge [sflag:s25], $0x800  }
0x130: {  	[sflag:s25] =	ssyncset.done $0x0  }
0x131: {  	[sflag:s25] =	ssyncadd.s32 $0xFFFFF800  }
0x132: {  	_ =	swait.ge [sflag:s25], $0x800  }
0x133: {  	[sflag:s25] =	ssyncset.done $0x0  }
0x134: {  	[sflag:s25] =	ssyncadd.s32 $0xFFFFF800  }
0x135: {  	_ =	swait.ge [sflag:s25], $0x800  }
.Ltmp13:
0x136: {  	[sflag:s25] =	ssyncset.done $0x0;
	(pc) =	sbr.rel @p0 .LBB2_30-.Ltmp13, $4  }
0x137: {  	[sflag:s25] =	ssyncadd.s32 $0xFFFFF800  }
0x138: {  	_ =	swait.ge [sflag:s25], $0x800  }
0x139: {  	[sflag:s25] =	ssyncset.done $0x0  }
0x13a: {  	s21 =	sadd.s32 s20, s10;
	[smem:$0x7F0] =	sst s9;
	[sflag:s25] =	ssyncadd.s32 $0xFFFFF800  }
0x13b: {  	s6 =	sld [smem:$0x7F1];
	_ =	sdelay $0x2  }
0x13c: {  	p3 =	sne.s32 s6, $0x1  }
.Ltmp14:
0x13d: {  	_ = 	snop;
	(pc) =	sbr.rel @!p3 .LBB2_19-.Ltmp14, $4  }
0x13e: {  	_ = 	snop  }
0x13f: {  	[smem:$0x7EF] =	sst s20;
	s20 =	smov.u32 s21;
	s23 =	sadd.s32 $0x100, s21  }
0x140: {  	s28 =	simm.s32 $0x0;
	s29 =	simm.s32 $0x4000;
	s1 =	sadd.s32 $0x100, s23  }
0x141: {  	p2 =	por $0x0, $0x0;
	s21 =	smin.u32 s23, $0xF4180;
	v8 =	vmov s23;
	v10 =	vld [tilespmem:s28+$0x0];
	v9 =	vmov s1;
	s1 =	sadd.s32 $0xFFFFFFFF, s6  }
0x142: {  	_ =	sdelay $0x2  }
0x143: {  	v12 =	vor.u32 s28, v2  }
0x144: {  	vm1 =	vlt.s32 v12, v7;
	vm0 =	vlt.s32 v10, v9  }
0x145: {  	vm2 =	vge.s32 v10, v8;
	vm0 =	vmand vm0, vm1  }
0x146: {  	vm0 =	vmand vm0, vm2  }
0x147: {  	v11 =	vld [tilespmem:s29+$0x0];
	v63 =	vmpcnt.ones.xlane vm0;
	_ =	sdelay $0x1  }
0x148: {  	(v2sf) =	vpush v63, $0x0  }
0x149: {  	p3 =	sne.s32 s1, $0x1  }
.Ltmp15:
0x14a: {  	_ = 	snop;
	(pc) =	sbr.rel @!p3 .LBB2_21-.Ltmp15, $4  }
0x14b: {  	v10 =	vsub.s32 v10, v8;
	v11 =	vshll.u32 v11, $0x9  }
0x14c: {  	v10 =	vor.u32 v10, v11  }
0x14d: {  	s7 =	simm.s32 $0x10;
	s8 =	sadd.s32 $0xFFFFFFFF, s1;
	p2 =	por $0x1, $0x1;
	[tilespmem:s28+$0x8000] =	vst.msk vm0, v10  }
0x14e: {  	s30 =	simm.s32 $0x4000;
	s1 =	simm.s32 $0x0;
	s6 =	simm.s32 $0x0;
	v10 =	vld [tilespmem:s7+$0x0]  }
.LBB2_22:
0x14f: {  	p3 =	sne.s32 s8, $0x1;
	_ =	sdelay $0x1  }
0x150: {  	s30 =	sadd.s32 $0x10, s30;
	s1 =	sadd.s32 $0x10, s1  }
0x151: {  	v12 =	vor.u32 s1, v2;
	v11 =	vld [tilespmem:s30+$0x0]  }
0x152: {  	vm1 =	vlt.s32 v12, v7;
	vm0 =	vlt.s32 v10, v9;
	v12 =	vsub.s32 v10, v8  }
0x153: {  	vm2 =	vge.s32 v10, v8;
	vm0 =	vmand vm0, vm1  }
0x154: {  	vm0 =	vmand vm0, vm2  }
0x155: {  	v10 =	vmpcnt.ones.xlane vm0  }
0x156: {  	v11 =	vshll.u32 v11, $0x9;
	s9 =	spop (v2sf)  }
0x157: {  	v11 =	vor.u32 v12, v11;
	(v2sf) =	vpush v10, $0x0;
	s6 =	sadd.s32 s6, s9  }
0x158: {  	[tilespmem:s6+$0x8000] =	vst.msk vm0, v11  }
.Ltmp16:
0x159: {  	(pc) =	sbr.rel @p3 .LBB2_22-.Ltmp16, $3  }
0x15a: {  	_ =	sdelay $0x1  }
0x15b: {  	s7 =	sadd.s32 $0x10, s7  }
0x15c: {  	s8 =	sadd.s32 $0xFFFFFFFF, s8;
	v10 =	vld [tilespmem:s7+$0x0]  }
.LBB2_23:
0x15d: {  	_ = 	snop  }
0x15e: {  	s1 =	sadd.s32 @p2 $0x10, s1;
	s7 =	simm.s32 $0x0  }
0x15f: {  	s7 =	smov.u32 @p2 s1  }
0x160: {  	v11 =	vor.u32 s7, v2  }
0x161: {  	vm1 =	vlt.s32 v11, v7;
	vm0 =	vlt.s32 v10, v9  }
0x162: {  	vm2 =	vge.s32 v10, v8;
	vm0 =	vmand vm0, vm1  }
0x163: {  	vm0 =	vmand vm0, vm2  }
0x164: {  	v62 =	vmpcnt.ones.xlane vm0;
	_ =	sdelay $0x1  }
0x165: {  	(v2sf) =	vpush v62, $0x0;
	_ =	sdelay $0xb  }
0x166: {  	s1 =	sadd.s32 @p2 $0x10, s30  }
0x167: {  	s29 =	smov.u32 @p2 s1;
	s1 =	spop @p2 (v2sf)  }
0x168: {  	s1 =	sadd.s32 @p2 s6, s1  }
0x169: {  	v63 =	vld [tilespmem:s29+$0x0];
	s28 =	smov.u32 @p2 s1;
	s30 =	spop (v2sf)  }
0x16a: {  	s6 =	sadd.s32 s28, s30  }
0x16b: {  	p2 =	slt.s32 s6, $0x1  }
.Ltmp17:
0x16c: {  	_ = 	snop;
	(pc) =	sbr.rel @p2 .LBB2_24-.Ltmp17, $4  }
0x16d: {  	_ = 	snop  }
0x16e: {  	v8 =	vsub.s32 v10, v8;
	v9 =	vshll.u32 v63, $0x9  }
0x16f: {  	v8 =	vor.u32 v8, v9  }
0x170: {  	[tilespmem:s28+$0x8000] =	vst.msk vm0, v8  }
.Ltmp18:
0x171: {  	(pc) =	sbr.rel .LBB2_26-.Ltmp18, $3  }
0x172: {  	_ =	sdelay $0x1  }
0x173: {  	s23 =	ssub.s32 s23, s21;
	s30 =	rddreg [dreg:$0x4]  }
0x174: {  	s1 =	simm.s32 $0x0;
	s21 =	smov.u32 s20;
	s20 =	sld [smem:$0x7EF]  }
.LBB2_29:
0x175: {  	s8 =	sand.u32 $0xFF, s7  }
0x176: {  	s8 =	sadd.s32 s8, s23  }
0x177: {  	v8 =	vmov s8  }
0x178: {  	v9 =	vshll.u32 v8, $0x3  }
0x179: {  	v8 =	vand.u32 $0x7F, v8;
	v9 =	vand.u32 $0xFFFFFC00, v9  }
0x17a: {  	v8 =	vor.u32 v8, v9  }
0x17b: {  	v9 =	vadd.s32 v3, v8;
	_ =	sdelay $0x4  }
0x17c: {  	v9 =	vld.idx.msk [tilespmem:v9+s14+$0x0], $0xffff  }
0x17d: {  	v10 =	vadd.s32 v4, v8;
	_ =	sdelay $0x1  }
0x17e: {  	s28 =	sshll.u32 s17, $0x9  }
0x17f: {  	s8 =	sshra.s32 s28, $0x2  }
0x180: {  	[tilespmem:s8+$0x1C080] =	vst v9  }
0x181: {  	v9 =	vld.idx.msk [tilespmem:v10+s14+$0x0], $0xffff  }
0x182: {  	v63 =	vadd.s32 v5, v8;
	_ =	sdelay $0x3  }
0x183: {  	[tilespmem:s8+$0x1C090] =	vst v9  }
0x184: {  	v9 =	vld.idx.msk [tilespmem:v63+s14+$0x0], $0xffff  }
0x185: {  	v8 =	vadd.s32 v6, v8;
	_ =	sdelay $0x3  }
0x186: {  	[tilespmem:s8+$0x1C0A0] =	vst v9  }
0x187: {  	s1 =	sadd.s32 $0x1, s1;
	v8 =	vld.idx.msk [tilespmem:v8+s14+$0x0], $0xffff  }
0x188: {  	p2 =	sne.s32 s1, s6  }
.Ltmp19:
0x189: {  	_ = 	snop;
	(pc) =	sbr.rel @!p2 .LBB2_30-.Ltmp19, $4  }
0x18a: {  	s29 =	sshra.s32 s7, $0x5  }
0x18b: {  	s7 =	sand.u32 $0x1FFFFFF0, s29  }
0x18c: {  	s17 =	sadd.s32 $0x1, s17;
	s7 =	sadd.s32 s5, s7;
	s9 =	sadd.s32 $0x1C080, s8;
	[tilespmem:s8+$0x1C0B0] =	vst v8  }
0x18d: {  	[hbm4b:s7+s4] =	stream.linear.scatter [tilespmem:s9], [sflag:$0x5], $0x80, $0x38;
	[tilespmem:$0x1E080] =	vst v63  }
.LBB2_26:
0x18e: {  	v8 =	vld [tilespmem:s1+$0x8000];
	_ =	sdelay $0x4  }
0x18f: {  	(v2sf) =	vpush v8, $0x0;
	_ =	sdelay $0x9  }
0x190: {  	p2 =	slt.s32 s17, $0x40  }
.Ltmp20:
0x191: {  	_ = 	snop;
	(pc) =	sbr.rel @p2 .LBB2_29-.Ltmp20, $2  }
0x192: {  	_ =	sdelay $0x2  }
0x193: {  	s8 =	simm.s32 $0x40;
	s7 =	spop (v2sf)  }
.LBB2_27:
0x194: {  	p2 =	sne.s32 s8, $0x1  }
.Ltmp21:
0x195: {  	_ = 	snop;
	(pc) =	sbr.rel @p2 .LBB2_27-.Ltmp21, $4  }
0x196: {  	_ = 	snop  }
0x197: {  	_ =	swait.ge [sflag:s24], $0x80  }
0x198: {  	[sflag:s24] =	ssyncset.done $0x0  }
0x199: {  	s8 =	sadd.s32 $0xFFFFFFFF, s8;
	[sflag:s24] =	ssyncadd.s32 $0xFFFFFF80  }
.Ltmp22:
0x19a: {  	(pc) =	sbr.rel .LBB2_29-.Ltmp22, $2  }
0x19b: {  	_ =	sdelay $0x2  }
0x19c: {  	s17 =	simm.s32 $0x0  }
.LBB2_24:
0x19d: {  	s30 =	rddreg [dreg:$0x4]  }
0x19e: {  	s21 =	smov.u32 s20;
	s20 =	sld [smem:$0x7EF]  }
.LBB2_30:
0x19f: {  	s1 =	sld [smem:$0x7FB];
	_ =	sdelay $0x2  }
0x1a0: {  	s1 =	sadd.s32 @!p1 s20, s1  }
0x1a1: {  	s1 =	smin.u32 @!p1 s1, $0xF4180  }
0x1a2: {  	s7 =	simm.s32 @!p1 $0x10080;
	s6 =	sadd.s32 @!p1 s31, s1  }
0x1a3: {  	[tilespmem:s7], [sflag:$0x2] =	stream.linear.gather @!p1 [hbm4b:s6+s22], $0x800, $0x38;
	[tilespmem:$0x1E080] =	vst v63  }
0x1a4: {  	s6 =	sadd.s32 @!p1 s1, s11;
	s7 =	simm.s32 @!p1 $0x10880  }
0x1a5: {  	[tilespmem:s7], [sflag:$0x2] =	stream.linear.gather @!p1 [hbm4b:s6+s22], $0x800, $0x38;
	[tilespmem:$0x1E080] =	vst v63  }
0x1a6: {  	s6 =	sadd.s32 @!p1 s1, s12;
	s7 =	simm.s32 @!p1 $0x11080  }
0x1a7: {  	[tilespmem:s7], [sflag:$0x2] =	stream.linear.gather @!p1 [hbm4b:s6+s22], $0x800, $0x38;
	[tilespmem:$0x1E080] =	vst v63  }
0x1a8: {  	s6 =	sadd.s32 @!p1 s1, s13;
	s7 =	simm.s32 @!p1 $0x11880  }
0x1a9: {  	[tilespmem:s7], [sflag:$0x2] =	stream.linear.gather @!p1 [hbm4b:s6+s22], $0x800, $0x38;
	[tilespmem:$0x1E080] =	vst v63  }
0x1aa: {  	s6 =	sadd.s32 @!p1 s1, s19;
	s7 =	simm.s32 @!p1 $0x12080  }
0x1ab: {  	[tilespmem:s7], [sflag:$0x2] =	stream.linear.gather @!p1 [hbm4b:s6+s22], $0x800, $0x38;
	[tilespmem:$0x1E080] =	vst v63  }
0x1ac: {  	s6 =	sadd.s32 @!p1 s1, s18;
	s7 =	simm.s32 @!p1 $0x12880  }
0x1ad: {  	[tilespmem:s7], [sflag:$0x2] =	stream.linear.gather @!p1 [hbm4b:s6+s22], $0x800, $0x38;
	[tilespmem:$0x1E080] =	vst v63  }
0x1ae: {  	s6 =	sadd.s32 @!p1 s1, s30;
	s7 =	simm.s32 @!p1 $0x13080  }
0x1af: {  	[tilespmem:s7], [sflag:$0x2] =	stream.linear.gather @!p1 [hbm4b:s6+s22], $0x800, $0x38;
	[tilespmem:$0x1E080] =	vst v63  }
0x1b0: {  	s6 =	rddreg [dreg:$0x5]  }
0x1b1: {  	s1 =	sadd.s32 @!p1 s1, s6;
	s6 =	simm.s32 @!p1 $0x13880  }
0x1b2: {  	[tilespmem:s6], [sflag:$0x2] =	stream.linear.gather @!p1 [hbm4b:s1+s22], $0x800, $0x38;
	[tilespmem:$0x1E080] =	vst v63  }
0x1b3: {  	_ =	swait.ge [sflag:s26], $0x800  }
0x1b4: {  	[sflag:s26] =	ssyncset.done $0x0  }
0x1b5: {  	[sflag:s26] =	ssyncadd.s32 $0xFFFFF800  }
0x1b6: {  	_ =	swait.ge [sflag:s26], $0x800  }
0x1b7: {  	[sflag:s26] =	ssyncset.done $0x0  }
0x1b8: {  	[sflag:s26] =	ssyncadd.s32 $0xFFFFF800  }
0x1b9: {  	_ =	swait.ge [sflag:s26], $0x800  }
0x1ba: {  	[sflag:s26] =	ssyncset.done $0x0  }
0x1bb: {  	[sflag:s26] =	ssyncadd.s32 $0xFFFFF800  }
0x1bc: {  	_ =	swait.ge [sflag:s26], $0x800  }
0x1bd: {  	[sflag:s26] =	ssyncset.done $0x0  }
0x1be: {  	[sflag:s26] =	ssyncadd.s32 $0xFFFFF800  }
0x1bf: {  	_ =	swait.ge [sflag:s26], $0x800  }
0x1c0: {  	[sflag:s26] =	ssyncset.done $0x0  }
0x1c1: {  	[sflag:s26] =	ssyncadd.s32 $0xFFFFF800  }
0x1c2: {  	_ =	swait.ge [sflag:s26], $0x800  }
0x1c3: {  	[sflag:s26] =	ssyncset.done $0x0  }
0x1c4: {  	[sflag:s26] =	ssyncadd.s32 $0xFFFFF800  }
0x1c5: {  	_ =	swait.ge [sflag:s26], $0x800  }
.Ltmp23:
0x1c6: {  	[sflag:s26] =	ssyncset.done $0x0;
	(pc) =	sbr.rel @p0 .LBB2_43-.Ltmp23, $4  }
0x1c7: {  	[sflag:s26] =	ssyncadd.s32 $0xFFFFF800  }
0x1c8: {  	_ =	swait.ge [sflag:s26], $0x800  }
0x1c9: {  	[sflag:s26] =	ssyncset.done $0x0  }
0x1ca: {  	[sflag:s26] =	ssyncadd.s32 $0xFFFFF800  }
0x1cb: {  	s6 =	sld [smem:$0x7F1];
	_ =	sdelay $0x2  }
0x1cc: {  	p3 =	sne.s32 s6, $0x1  }
.Ltmp24:
0x1cd: {  	_ = 	snop;
	(pc) =	sbr.rel @!p3 .LBB2_32-.Ltmp24, $4  }
0x1ce: {  	_ = 	snop  }
0x1cf: {  	s22 =	sadd.s32 $0x200, s21  }
0x1d0: {  	s28 =	simm.s32 $0x0;
	s29 =	simm.s32 $0x4000;
	s1 =	sor.u32 $0x100, s22  }
0x1d1: {  	p2 =	por $0x0, $0x0;
	s23 =	smin.u32 s22, $0xF4180;
	v8 =	vmov s22;
	v10 =	vld [tilespmem:s28+$0x0];
	v9 =	vmov s1;
	s1 =	sadd.s32 $0xFFFFFFFF, s6  }
0x1d2: {  	_ =	sdelay $0x2  }
0x1d3: {  	v12 =	vor.u32 s28, v2  }
0x1d4: {  	vm1 =	vlt.s32 v12, v7;
	vm0 =	vlt.s32 v10, v9  }
0x1d5: {  	vm2 =	vge.s32 v10, v8;
	vm0 =	vmand vm0, vm1  }
0x1d6: {  	vm0 =	vmand vm0, vm2  }
0x1d7: {  	v11 =	vld [tilespmem:s29+$0x0];
	v63 =	vmpcnt.ones.xlane vm0;
	_ =	sdelay $0x1  }
0x1d8: {  	(v2sf) =	vpush v63, $0x0  }
0x1d9: {  	p3 =	sne.s32 s1, $0x1  }
.Ltmp25:
0x1da: {  	_ = 	snop;
	(pc) =	sbr.rel @!p3 .LBB2_34-.Ltmp25, $4  }
0x1db: {  	v10 =	vsub.s32 v10, v8;
	v11 =	vshll.u32 v11, $0x9  }
0x1dc: {  	v10 =	vor.u32 v10, v11  }
0x1dd: {  	s7 =	simm.s32 $0x10;
	s8 =	sadd.s32 $0xFFFFFFFF, s1;
	p2 =	por $0x1, $0x1;
	[tilespmem:s28+$0x8000] =	vst.msk vm0, v10  }
0x1de: {  	s30 =	simm.s32 $0x4000;
	s1 =	simm.s32 $0x0;
	s6 =	simm.s32 $0x0;
	v10 =	vld [tilespmem:s7+$0x0]  }
.LBB2_35:
0x1df: {  	p3 =	sne.s32 s8, $0x1;
	_ =	sdelay $0x1  }
0x1e0: {  	s30 =	sadd.s32 $0x10, s30;
	s1 =	sadd.s32 $0x10, s1  }
0x1e1: {  	v12 =	vor.u32 s1, v2;
	v11 =	vld [tilespmem:s30+$0x0]  }
0x1e2: {  	vm1 =	vlt.s32 v12, v7;
	vm0 =	vlt.s32 v10, v9;
	v12 =	vsub.s32 v10, v8  }
0x1e3: {  	vm2 =	vge.s32 v10, v8;
	vm0 =	vmand vm0, vm1  }
0x1e4: {  	vm0 =	vmand vm0, vm2  }
0x1e5: {  	v10 =	vmpcnt.ones.xlane vm0  }
0x1e6: {  	v11 =	vshll.u32 v11, $0x9;
	s9 =	spop (v2sf)  }
0x1e7: {  	v11 =	vor.u32 v12, v11;
	(v2sf) =	vpush v10, $0x0;
	s6 =	sadd.s32 s6, s9  }
0x1e8: {  	[tilespmem:s6+$0x8000] =	vst.msk vm0, v11  }
.Ltmp26:
0x1e9: {  	(pc) =	sbr.rel @p3 .LBB2_35-.Ltmp26, $3  }
0x1ea: {  	_ =	sdelay $0x1  }
0x1eb: {  	s7 =	sadd.s32 $0x10, s7  }
0x1ec: {  	s8 =	sadd.s32 $0xFFFFFFFF, s8;
	v10 =	vld [tilespmem:s7+$0x0]  }
.LBB2_36:
0x1ed: {  	_ = 	snop  }
0x1ee: {  	s1 =	sadd.s32 @p2 $0x10, s1;
	s7 =	simm.s32 $0x0  }
0x1ef: {  	s7 =	smov.u32 @p2 s1  }
0x1f0: {  	v11 =	vor.u32 s7, v2  }
0x1f1: {  	vm1 =	vlt.s32 v11, v7;
	vm0 =	vlt.s32 v10, v9  }
0x1f2: {  	vm2 =	vge.s32 v10, v8;
	vm0 =	vmand vm0, vm1  }
0x1f3: {  	vm0 =	vmand vm0, vm2  }
0x1f4: {  	v62 =	vmpcnt.ones.xlane vm0;
	_ =	sdelay $0x1  }
0x1f5: {  	(v2sf) =	vpush v62, $0x0;
	_ =	sdelay $0xb  }
0x1f6: {  	s1 =	sadd.s32 @p2 $0x10, s30  }
0x1f7: {  	s29 =	smov.u32 @p2 s1;
	s1 =	spop @p2 (v2sf)  }
0x1f8: {  	s1 =	sadd.s32 @p2 s6, s1  }
0x1f9: {  	v63 =	vld [tilespmem:s29+$0x0];
	s28 =	smov.u32 @p2 s1;
	s30 =	spop (v2sf)  }
0x1fa: {  	s6 =	sadd.s32 s28, s30  }
0x1fb: {  	p2 =	slt.s32 s6, $0x1  }
.Ltmp27:
0x1fc: {  	_ = 	snop;
	(pc) =	sbr.rel @p2 .LBB2_37-.Ltmp27, $4  }
0x1fd: {  	_ = 	snop  }
0x1fe: {  	v8 =	vsub.s32 v10, v8;
	v9 =	vshll.u32 v63, $0x9  }
0x1ff: {  	v8 =	vor.u32 v8, v9  }
0x200: {  	[tilespmem:s28+$0x8000] =	vst.msk vm0, v8  }
.Ltmp28:
0x201: {  	(pc) =	sbr.rel .LBB2_39-.Ltmp28, $2  }
0x202: {  	_ =	sdelay $0x2  }
0x203: {  	s22 =	ssub.s32 s22, s23;
	s1 =	simm.s32 $0x0;
	s30 =	rddreg [dreg:$0x4]  }
.LBB2_42:
0x204: {  	s8 =	sand.u32 $0xFF, s7  }
0x205: {  	s8 =	sadd.s32 s8, s22  }
0x206: {  	v8 =	vmov s8  }
0x207: {  	v9 =	vshll.u32 v8, $0x3  }
0x208: {  	v8 =	vand.u32 $0x7F, v8;
	v9 =	vand.u32 $0xFFFFFC00, v9  }
0x209: {  	v8 =	vor.u32 v8, v9  }
0x20a: {  	v9 =	vadd.s32 v3, v8;
	_ =	sdelay $0x4  }
0x20b: {  	v9 =	vld.idx.msk [tilespmem:v9+s15+$0x0], $0xffff  }
0x20c: {  	v10 =	vadd.s32 v4, v8;
	_ =	sdelay $0x1  }
0x20d: {  	s28 =	sshll.u32 s17, $0x9  }
0x20e: {  	s8 =	sshra.s32 s28, $0x2  }
0x20f: {  	[tilespmem:s8+$0x1C080] =	vst v9  }
0x210: {  	v9 =	vld.idx.msk [tilespmem:v10+s15+$0x0], $0xffff  }
0x211: {  	v63 =	vadd.s32 v5, v8;
	_ =	sdelay $0x3  }
0x212: {  	[tilespmem:s8+$0x1C090] =	vst v9  }
0x213: {  	v9 =	vld.idx.msk [tilespmem:v63+s15+$0x0], $0xffff  }
0x214: {  	v8 =	vadd.s32 v6, v8;
	_ =	sdelay $0x3  }
0x215: {  	[tilespmem:s8+$0x1C0A0] =	vst v9  }
0x216: {  	s1 =	sadd.s32 $0x1, s1;
	v8 =	vld.idx.msk [tilespmem:v8+s15+$0x0], $0xffff  }
0x217: {  	p2 =	sne.s32 s1, s6  }
.Ltmp29:
0x218: {  	_ = 	snop;
	(pc) =	sbr.rel @!p2 .LBB2_43-.Ltmp29, $4  }
0x219: {  	s29 =	sshra.s32 s7, $0x5  }
0x21a: {  	s7 =	sand.u32 $0x1FFFFFF0, s29  }
0x21b: {  	s17 =	sadd.s32 $0x1, s17;
	s7 =	sadd.s32 s5, s7;
	s9 =	sadd.s32 $0x1C080, s8;
	[tilespmem:s8+$0x1C0B0] =	vst v8  }
0x21c: {  	[hbm4b:s7+s4] =	stream.linear.scatter [tilespmem:s9], [sflag:$0x5], $0x80, $0x38;
	[tilespmem:$0x1E080] =	vst v63  }
.LBB2_39:
0x21d: {  	v8 =	vld [tilespmem:s1+$0x8000];
	_ =	sdelay $0x4  }
0x21e: {  	(v2sf) =	vpush v8, $0x0;
	_ =	sdelay $0x9  }
0x21f: {  	p2 =	slt.s32 s17, $0x40  }
.Ltmp30:
0x220: {  	_ = 	snop;
	(pc) =	sbr.rel @p2 .LBB2_42-.Ltmp30, $2  }
0x221: {  	_ =	sdelay $0x2  }
0x222: {  	s8 =	simm.s32 $0x40;
	s7 =	spop (v2sf)  }
.LBB2_40:
0x223: {  	p2 =	sne.s32 s8, $0x1  }
.Ltmp31:
0x224: {  	_ = 	snop;
	(pc) =	sbr.rel @p2 .LBB2_40-.Ltmp31, $4  }
0x225: {  	_ = 	snop  }
0x226: {  	_ =	swait.ge [sflag:s24], $0x80  }
0x227: {  	[sflag:s24] =	ssyncset.done $0x0  }
0x228: {  	s8 =	sadd.s32 $0xFFFFFFFF, s8;
	[sflag:s24] =	ssyncadd.s32 $0xFFFFFF80  }
.Ltmp32:
0x229: {  	(pc) =	sbr.rel .LBB2_42-.Ltmp32, $2  }
0x22a: {  	_ =	sdelay $0x2  }
0x22b: {  	s17 =	simm.s32 $0x0  }
.LBB2_37:
0x22c: {  	s30 =	rddreg [dreg:$0x4]  }
.LBB2_43:
0x22d: {  	s1 =	sld [smem:$0x7FC];
	_ =	sdelay $0x2  }
0x22e: {  	s1 =	sadd.s32 @!p1 s20, s1  }
0x22f: {  	s1 =	smin.u32 @!p1 s1, $0xF4180  }
0x230: {  	s7 =	simm.s32 @!p1 $0x0;
	s8 =	simm.s32 @!p1 $0x14080;
	s6 =	sadd.s32 @!p1 s31, s1  }
0x231: {  	[tilespmem:s8], [sflag:$0x3] =	stream.linear.gather @!p1 [hbm4b:s6+s7], $0x800, $0x38;
	[tilespmem:$0x1E080] =	vst v63  }
0x232: {  	s6 =	sadd.s32 @!p1 s1, s11;
	s8 =	simm.s32 @!p1 $0x14880  }
0x233: {  	[tilespmem:s8], [sflag:$0x3] =	stream.linear.gather @!p1 [hbm4b:s6+s7], $0x800, $0x38;
	[tilespmem:$0x1E080] =	vst v63  }
0x234: {  	s6 =	sadd.s32 @!p1 s1, s12;
	s8 =	simm.s32 @!p1 $0x15080  }
0x235: {  	[tilespmem:s8], [sflag:$0x3] =	stream.linear.gather @!p1 [hbm4b:s6+s7], $0x800, $0x38;
	[tilespmem:$0x1E080] =	vst v63  }
0x236: {  	s6 =	sadd.s32 @!p1 s1, s13;
	s8 =	simm.s32 @!p1 $0x15880  }
0x237: {  	[tilespmem:s8], [sflag:$0x3] =	stream.linear.gather @!p1 [hbm4b:s6+s7], $0x800, $0x38;
	[tilespmem:$0x1E080] =	vst v63  }
0x238: {  	s6 =	sadd.s32 @!p1 s1, s19;
	s8 =	simm.s32 @!p1 $0x16080  }
0x239: {  	[tilespmem:s8], [sflag:$0x3] =	stream.linear.gather @!p1 [hbm4b:s6+s7], $0x800, $0x38;
	[tilespmem:$0x1E080] =	vst v63  }
0x23a: {  	s6 =	sadd.s32 @!p1 s1, s18;
	s8 =	simm.s32 @!p1 $0x16880  }
0x23b: {  	[tilespmem:s8], [sflag:$0x3] =	stream.linear.gather @!p1 [hbm4b:s6+s7], $0x800, $0x38;
	[tilespmem:$0x1E080] =	vst v63  }
0x23c: {  	s6 =	sadd.s32 @!p1 s1, s30;
	s8 =	simm.s32 @!p1 $0x17080  }
0x23d: {  	[tilespmem:s8], [sflag:$0x3] =	stream.linear.gather @!p1 [hbm4b:s6+s7], $0x800, $0x38;
	[tilespmem:$0x1E080] =	vst v63  }
0x23e: {  	s6 =	rddreg [dreg:$0x5]  }
0x23f: {  	s1 =	sadd.s32 @!p1 s1, s6;
	s6 =	simm.s32 @!p1 $0x17880  }
0x240: {  	[tilespmem:s6], [sflag:$0x3] =	stream.linear.gather @!p1 [hbm4b:s1+s7], $0x800, $0x38;
	[tilespmem:$0x1E080] =	vst v63  }
0x241: {  	_ =	swait.ge [sflag:s0], $0x800  }
0x242: {  	[sflag:s0] =	ssyncset.done $0x0  }
0x243: {  	[sflag:s0] =	ssyncadd.s32 $0xFFFFF800  }
0x244: {  	_ =	swait.ge [sflag:s0], $0x800  }
0x245: {  	[sflag:s0] =	ssyncset.done $0x0  }
0x246: {  	[sflag:s0] =	ssyncadd.s32 $0xFFFFF800  }
0x247: {  	_ =	swait.ge [sflag:s0], $0x800  }
0x248: {  	[sflag:s0] =	ssyncset.done $0x0  }
0x249: {  	[sflag:s0] =	ssyncadd.s32 $0xFFFFF800  }
0x24a: {  	_ =	swait.ge [sflag:s0], $0x800  }
0x24b: {  	[sflag:s0] =	ssyncset.done $0x0  }
0x24c: {  	[sflag:s0] =	ssyncadd.s32 $0xFFFFF800  }
0x24d: {  	_ =	swait.ge [sflag:s0], $0x800  }
0x24e: {  	[sflag:s0] =	ssyncset.done $0x0  }
0x24f: {  	[sflag:s0] =	ssyncadd.s32 $0xFFFFF800  }
0x250: {  	_ =	swait.ge [sflag:s0], $0x800  }
0x251: {  	[sflag:s0] =	ssyncset.done $0x0  }
0x252: {  	[sflag:s0] =	ssyncadd.s32 $0xFFFFF800  }
0x253: {  	_ =	swait.ge [sflag:s0], $0x800  }
.Ltmp33:
0x254: {  	[sflag:s0] =	ssyncset.done $0x0;
	(pc) =	sbr.rel @p0 .LBB2_55-.Ltmp33, $4  }
0x255: {  	[sflag:s0] =	ssyncadd.s32 $0xFFFFF800  }
0x256: {  	_ =	swait.ge [sflag:s0], $0x800  }
0x257: {  	[sflag:s0] =	ssyncset.done $0x0  }
0x258: {  	[sflag:s0] =	ssyncadd.s32 $0xFFFFF800  }
0x259: {  	s6 =	sld [smem:$0x7F1];
	_ =	sdelay $0x2  }
0x25a: {  	p3 =	sne.s32 s6, $0x1  }
.Ltmp34:
0x25b: {  	_ = 	snop;
	(pc) =	sbr.rel @!p3 .LBB2_45-.Ltmp34, $4  }
0x25c: {  	_ = 	snop  }
0x25d: {  	s21 =	sadd.s32 $0x300, s21  }
0x25e: {  	s23 =	simm.s32 $0x0;
	s28 =	simm.s32 $0x4000;
	s1 =	sadd.s32 $0x100, s21  }
0x25f: {  	p2 =	por $0x0, $0x0;
	s22 =	smin.u32 s21, $0xF4180;
	v8 =	vmov s21;
	v10 =	vld [tilespmem:s23+$0x0];
	v9 =	vmov s1;
	s1 =	sadd.s32 $0xFFFFFFFF, s6  }
0x260: {  	_ =	sdelay $0x2  }
0x261: {  	v12 =	vor.u32 s23, v2  }
0x262: {  	vm1 =	vlt.s32 v12, v7;
	vm0 =	vlt.s32 v10, v9  }
0x263: {  	vm2 =	vge.s32 v10, v8;
	vm0 =	vmand vm0, vm1  }
0x264: {  	vm0 =	vmand vm0, vm2  }
0x265: {  	v11 =	vld [tilespmem:s28+$0x0];
	v63 =	vmpcnt.ones.xlane vm0;
	_ =	sdelay $0x1  }
0x266: {  	(v2sf) =	vpush v63, $0x0  }
0x267: {  	p3 =	sne.s32 s1, $0x1  }
.Ltmp35:
0x268: {  	_ = 	snop;
	(pc) =	sbr.rel @!p3 .LBB2_47-.Ltmp35, $4  }
0x269: {  	v10 =	vsub.s32 v10, v8;
	v11 =	vshll.u32 v11, $0x9  }
0x26a: {  	v10 =	vor.u32 v10, v11  }
0x26b: {  	s7 =	simm.s32 $0x10;
	s8 =	sadd.s32 $0xFFFFFFFF, s1;
	p2 =	por $0x1, $0x1;
	[tilespmem:s23+$0x8000] =	vst.msk vm0, v10  }
0x26c: {  	s29 =	simm.s32 $0x4000;
	s1 =	simm.s32 $0x0;
	s6 =	simm.s32 $0x0;
	v10 =	vld [tilespmem:s7+$0x0]  }
.LBB2_48:
0x26d: {  	p3 =	sne.s32 s8, $0x1;
	_ =	sdelay $0x1  }
0x26e: {  	s29 =	sadd.s32 $0x10, s29;
	s1 =	sadd.s32 $0x10, s1  }
0x26f: {  	v12 =	vor.u32 s1, v2;
	v11 =	vld [tilespmem:s29+$0x0]  }
0x270: {  	vm1 =	vlt.s32 v12, v7;
	vm0 =	vlt.s32 v10, v9;
	v12 =	vsub.s32 v10, v8  }
0x271: {  	vm2 =	vge.s32 v10, v8;
	vm0 =	vmand vm0, vm1  }
0x272: {  	vm0 =	vmand vm0, vm2  }
0x273: {  	v10 =	vmpcnt.ones.xlane vm0  }
0x274: {  	v11 =	vshll.u32 v11, $0x9;
	s9 =	spop (v2sf)  }
0x275: {  	v11 =	vor.u32 v12, v11;
	(v2sf) =	vpush v10, $0x0;
	s6 =	sadd.s32 s6, s9  }
0x276: {  	[tilespmem:s6+$0x8000] =	vst.msk vm0, v11  }
.Ltmp36:
0x277: {  	(pc) =	sbr.rel @p3 .LBB2_48-.Ltmp36, $3  }
0x278: {  	_ =	sdelay $0x1  }
0x279: {  	s7 =	sadd.s32 $0x10, s7  }
0x27a: {  	s8 =	sadd.s32 $0xFFFFFFFF, s8;
	v10 =	vld [tilespmem:s7+$0x0]  }
.LBB2_49:
0x27b: {  	_ = 	snop  }
0x27c: {  	s1 =	sadd.s32 @p2 $0x10, s1;
	s7 =	simm.s32 $0x0  }
0x27d: {  	s7 =	smov.u32 @p2 s1  }
0x27e: {  	v11 =	vor.u32 s7, v2  }
0x27f: {  	vm1 =	vlt.s32 v11, v7;
	vm0 =	vlt.s32 v10, v9  }
0x280: {  	vm2 =	vge.s32 v10, v8;
	vm0 =	vmand vm0, vm1  }
0x281: {  	vm0 =	vmand vm0, vm2  }
0x282: {  	v62 =	vmpcnt.ones.xlane vm0;
	_ =	sdelay $0x1  }
0x283: {  	(v2sf) =	vpush v62, $0x0;
	_ =	sdelay $0xb  }
0x284: {  	s1 =	sadd.s32 @p2 $0x10, s29  }
0x285: {  	s28 =	smov.u32 @p2 s1;
	s1 =	spop @p2 (v2sf)  }
0x286: {  	s1 =	sadd.s32 @p2 s6, s1  }
0x287: {  	v63 =	vld [tilespmem:s28+$0x0];
	s23 =	smov.u32 @p2 s1;
	s29 =	spop (v2sf)  }
0x288: {  	s6 =	sadd.s32 s23, s29  }
0x289: {  	p2 =	slt.s32 s6, $0x1  }
.Ltmp37:
0x28a: {  	_ = 	snop;
	(pc) =	sbr.rel @p2 .LBB2_55-.Ltmp37, $4  }
0x28b: {  	_ = 	snop  }
0x28c: {  	v8 =	vsub.s32 v10, v8;
	v9 =	vshll.u32 v63, $0x9  }
0x28d: {  	v8 =	vor.u32 v8, v9  }
0x28e: {  	[tilespmem:s23+$0x8000] =	vst.msk vm0, v8  }
.Ltmp38:
0x28f: {  	(pc) =	sbr.rel .LBB2_51-.Ltmp38, $2  }
0x290: {  	_ =	sdelay $0x2  }
0x291: {  	s21 =	ssub.s32 s21, s22;
	s1 =	simm.s32 $0x0  }
.LBB2_54:
0x292: {  	s8 =	sand.u32 $0xFF, s7  }
0x293: {  	s8 =	sadd.s32 s8, s21  }
0x294: {  	v8 =	vmov s8  }
0x295: {  	v9 =	vshll.u32 v8, $0x3  }
0x296: {  	v8 =	vand.u32 $0x7F, v8;
	v9 =	vand.u32 $0xFFFFFC00, v9  }
0x297: {  	v8 =	vor.u32 v8, v9  }
0x298: {  	v9 =	vadd.s32 v3, v8;
	_ =	sdelay $0x4  }
0x299: {  	v9 =	vld.idx.msk [tilespmem:v9+s16+$0x0], $0xffff  }
0x29a: {  	v10 =	vadd.s32 v4, v8;
	_ =	sdelay $0x1  }
0x29b: {  	s28 =	sshll.u32 s17, $0x9  }
0x29c: {  	s8 =	sshra.s32 s28, $0x2  }
0x29d: {  	[tilespmem:s8+$0x1C080] =	vst v9  }
0x29e: {  	v9 =	vld.idx.msk [tilespmem:v10+s16+$0x0], $0xffff  }
0x29f: {  	v63 =	vadd.s32 v5, v8;
	_ =	sdelay $0x3  }
0x2a0: {  	[tilespmem:s8+$0x1C090] =	vst v9  }
0x2a1: {  	v9 =	vld.idx.msk [tilespmem:v63+s16+$0x0], $0xffff  }
0x2a2: {  	v8 =	vadd.s32 v6, v8;
	_ =	sdelay $0x3  }
0x2a3: {  	[tilespmem:s8+$0x1C0A0] =	vst v9  }
0x2a4: {  	s1 =	sadd.s32 $0x1, s1;
	v8 =	vld.idx.msk [tilespmem:v8+s16+$0x0], $0xffff  }
0x2a5: {  	p2 =	sne.s32 s1, s6  }
.Ltmp39:
0x2a6: {  	_ = 	snop;
	(pc) =	sbr.rel @!p2 .LBB2_55-.Ltmp39, $4  }
0x2a7: {  	s29 =	sshra.s32 s7, $0x5  }
0x2a8: {  	s7 =	sand.u32 $0x1FFFFFF0, s29  }
0x2a9: {  	s17 =	sadd.s32 $0x1, s17;
	s7 =	sadd.s32 s5, s7;
	s9 =	sadd.s32 $0x1C080, s8;
	[tilespmem:s8+$0x1C0B0] =	vst v8  }
0x2aa: {  	[hbm4b:s7+s4] =	stream.linear.scatter [tilespmem:s9], [sflag:$0x5], $0x80, $0x38;
	[tilespmem:$0x1E080] =	vst v63  }
.LBB2_51:
0x2ab: {  	v8 =	vld [tilespmem:s1+$0x8000];
	_ =	sdelay $0x4  }
0x2ac: {  	(v2sf) =	vpush v8, $0x0;
	_ =	sdelay $0x9  }
0x2ad: {  	p2 =	slt.s32 s17, $0x40  }
.Ltmp40:
0x2ae: {  	_ = 	snop;
	(pc) =	sbr.rel @p2 .LBB2_54-.Ltmp40, $2  }
0x2af: {  	_ =	sdelay $0x2  }
0x2b0: {  	s8 =	simm.s32 $0x40;
	s7 =	spop (v2sf)  }
.LBB2_52:
0x2b1: {  	p2 =	sne.s32 s8, $0x1  }
.Ltmp41:
0x2b2: {  	_ = 	snop;
	(pc) =	sbr.rel @p2 .LBB2_52-.Ltmp41, $4  }
0x2b3: {  	_ = 	snop  }
0x2b4: {  	_ =	swait.ge [sflag:s24], $0x80  }
0x2b5: {  	[sflag:s24] =	ssyncset.done $0x0  }
0x2b6: {  	s8 =	sadd.s32 $0xFFFFFFFF, s8;
	[sflag:s24] =	ssyncadd.s32 $0xFFFFFF80  }
.Ltmp42:
0x2b7: {  	(pc) =	sbr.rel .LBB2_54-.Ltmp42, $2  }
0x2b8: {  	_ =	sdelay $0x2  }
0x2b9: {  	s17 =	simm.s32 $0x0  }
.LBB2_55:
.Ltmp43:
0x2ba: {  	(pc) =	sbr.rel @p1 .LBB2_57-.Ltmp43, $1  }
0x2bb: {  	_ =	sdelay $0x3  }
0x2bc: {  	s1 =	sld [smem:$0x7FD];
	_ =	sdelay $0x2  }
0x2bd: {  	s1 =	sadd.s32 s20, s1  }
0x2be: {  	s1 =	smin.u32 s1, $0xF4180  }
0x2bf: {  	s6 =	sadd.s32 s31, s1  }
0x2c0: {  	[tilespmem:s16], [sflag:$0x4] =	stream.linear.gather [hbm4b:s6+s4], $0x800, $0x38;
	[tilespmem:$0x1E080] =	vst v63  }
0x2c1: {  	s7 =	simm.s32 $0x18880;
	s21 =	sadd.s32 s1, s11  }
0x2c2: {  	[tilespmem:s7], [sflag:$0x4] =	stream.linear.gather [hbm4b:s21+s4], $0x800, $0x38;
	[tilespmem:$0x1E080] =	vst v63  }
0x2c3: {  	s23 =	simm.s32 $0x19080;
	s22 =	sadd.s32 s1, s12  }
0x2c4: {  	[tilespmem:s23], [sflag:$0x4] =	stream.linear.gather [hbm4b:s22+s4], $0x800, $0x38;
	[tilespmem:$0x1E080] =	vst v63  }
0x2c5: {  	s29 =	simm.s32 $0x19880;
	s28 =	sadd.s32 s1, s13  }
0x2c6: {  	[tilespmem:s29], [sflag:$0x4] =	stream.linear.gather [hbm4b:s28+s4], $0x800, $0x38;
	[tilespmem:$0x1E080] =	vst v63  }
0x2c7: {  	s9 =	simm.s32 $0x1A080;
	s8 =	sadd.s32 s1, s19  }
0x2c8: {  	[tilespmem:s9], [sflag:$0x4] =	stream.linear.gather [hbm4b:s8+s4], $0x800, $0x38;
	[tilespmem:$0x1E080] =	vst v63  }
0x2c9: {  	s20 =	sadd.s32 s1, s18;
	s21 =	simm.s32 $0x1A880  }
0x2ca: {  	[tilespmem:s21], [sflag:$0x4] =	stream.linear.gather [hbm4b:s20+s4], $0x800, $0x38;
	[tilespmem:$0x1E080] =	vst v63  }
.Ltmp44:
0x2cb: {  	s9 =	sld [smem:$0x7F0];
	(pc) =	sbr.rel .LBB2_4-.Ltmp44, $4  }
0x2cc: {  	s22 =	sadd.s32 s1, s30;
	s23 =	simm.s32 $0x1B080;
	s28 =	rddreg [dreg:$0x5]  }
0x2cd: {  	[tilespmem:s23], [sflag:$0x4] =	stream.linear.gather [hbm4b:s22+s4], $0x800, $0x38;
	[tilespmem:$0x1E080] =	vst v63  }
0x2ce: {  	s29 =	simm.s32 $0x1B880;
	s1 =	sadd.s32 s1, s28;
	s9 =	sadd.s32 $0x1, s9  }
0x2cf: {  	[tilespmem:s29], [sflag:$0x4] =	stream.linear.gather [hbm4b:s1+s4], $0x800, $0x38;
	[tilespmem:$0x1E080] =	vst v63  }
.LBB2_6:
.Ltmp45:
0x2d0: {  	(pc) =	sbr.rel .LBB2_10-.Ltmp45, $2  }
0x2d1: {  	_ =	sdelay $0x2  }
0x2d2: {  	s29 =	simm.s32 $0x4000;
	s6 =	simm.s32 $0x0;
	s30 =	simm.s32 $0x0  }
.LBB2_19:
.Ltmp46:
0x2d3: {  	(pc) =	sbr.rel .LBB2_23-.Ltmp46, $2  }
0x2d4: {  	_ =	sdelay $0x2  }
0x2d5: {  	s30 =	simm.s32 $0x4000;
	s1 =	simm.s32 $0x0;
	s6 =	simm.s32 $0x0  }
.LBB2_32:
.Ltmp47:
0x2d6: {  	(pc) =	sbr.rel .LBB2_36-.Ltmp47, $2  }
0x2d7: {  	_ =	sdelay $0x2  }
0x2d8: {  	s30 =	simm.s32 $0x4000;
	s1 =	simm.s32 $0x0;
	s6 =	simm.s32 $0x0  }
.LBB2_45:
.Ltmp48:
0x2d9: {  	(pc) =	sbr.rel .LBB2_49-.Ltmp48, $2  }
0x2da: {  	_ =	sdelay $0x2  }
0x2db: {  	s29 =	simm.s32 $0x4000;
	s1 =	simm.s32 $0x0;
	s6 =	simm.s32 $0x0  }
.LBB2_8:
.Ltmp49:
0x2dc: {  	(pc) =	sbr.rel .LBB2_10-.Ltmp49, $2  }
0x2dd: {  	_ =	sdelay $0x2  }
0x2de: {  	s29 =	simm.s32 $0x4000;
	s6 =	simm.s32 $0x0;
	s30 =	simm.s32 $0x0  }
.LBB2_21:
.Ltmp50:
0x2df: {  	(pc) =	sbr.rel .LBB2_23-.Ltmp50, $2  }
0x2e0: {  	_ =	sdelay $0x2  }
0x2e1: {  	s30 =	simm.s32 $0x4000;
	s1 =	simm.s32 $0x0;
	s6 =	simm.s32 $0x0  }
.LBB2_34:
.Ltmp51:
0x2e2: {  	(pc) =	sbr.rel .LBB2_36-.Ltmp51, $2  }
0x2e3: {  	_ =	sdelay $0x2  }
0x2e4: {  	s30 =	simm.s32 $0x4000;
	s1 =	simm.s32 $0x0;
	s6 =	simm.s32 $0x0  }
.LBB2_47:
.Ltmp52:
0x2e5: {  	(pc) =	sbr.rel .LBB2_49-.Ltmp52, $2  }
0x2e6: {  	_ =	sdelay $0x2  }
0x2e7: {  	s29 =	simm.s32 $0x4000;
	s1 =	simm.s32 $0x0;
	s6 =	simm.s32 $0x0  }
.LBB2_57:
0x2e8: {  	p0 =	sgt.s32 s17, $0x0  }
.Ltmp53:
0x2e9: {  	_ = 	snop;
	(pc) =	sbr.rel @!p0 .LBB2_61-.Ltmp53, $2  }
0x2ea: {  	_ = 	snop  }
0x2eb: {  	s6 =	sld [smem:$0x7F2];
	_ =	sdelay $0x2  }
0x2ec: {  	p0 =	sne.s32 s17, $0x1  }
.Ltmp54:
0x2ed: {  	_ = 	snop;
	(pc) =	sbr.rel @!p0 .LBB2_60-.Ltmp54, $3  }
0x2ee: {  	_ =	sdelay $0x1  }
0x2ef: {  	_ =	swait.ge [sflag:s24], $0x80  }
0x2f0: {  	s1 =	sadd.s32 $0xFFFFFFFF, s17;
	[sflag:s24] =	ssyncset.done $0x0  }
.LBB2_59:
0x2f1: {  	p0 =	sne.s32 s1, $0x1;
	s1 =	sadd.s32 $0xFFFFFFFF, s1;
	[sflag:s24] =	ssyncadd.s32 $0xFFFFFF80  }
.Ltmp55:
0x2f2: {  	(pc) =	sbr.rel @p0 .LBB2_59-.Ltmp55, $3  }
0x2f3: {  	_ =	sdelay $0x1  }
0x2f4: {  	_ =	swait.ge [sflag:s24], $0x80  }
0x2f5: {  	[sflag:s24] =	ssyncset.done $0x0  }
.Ltmp56:
0x2f6: {  	_ = 	snop;
	(pc) =	sbr.rel .LBB2_60-.Ltmp56, $1  }
0x2f7: {  	_ =	sdelay $0x3  }
.LBB2_62:
0x2f8: {  	_ =	sfence.sel $0x180000  }
0x2f9: {  	[bflag:$0x0] =	sbarrier.arrive $0xFFFF  }
0x2fa: {  	_ =	strace $0x90000047  }
0x2fb: {  	s0 =	stileid.u32;
	[bflag:$0x2] =	sbarrier.arrive $0xFFFF  }
0x2fc: {  	p0 =	sne.s32 s0, $0x0;
	s0 =	rddreg [dreg:$0x3]  }
0x2fd: {  	s0 =	sadd.s32 @!p0 $0x100000, s0  }
0x2fe: {  	[sflag:s0] =	ssyncadd.tile.s32 @!p0 $0x1;
	_ =	shalt  }
.Lfunc_end2:
_tile_overlayer_lowered:
.L_overlay_start_2:
0x2ff: {  	(tag) =	ssettag $0x2  }
0x300: {  	s0 =	rddreg [dreg:$0x0];
	s2 =	stileid.u32  }
0x301: {  	s1 =	rddreg [dreg:$0x1];
	p0 =	sne.s32 s2, $0x0  }
0x302: {  	s3 =	rddreg [dreg:$0x2];
	[bflag:$0x3] =	sbarrier.arrive $0xFFFF;
	s2 =	simm.s32 @!p0 $0x1C06  }
0x303: {  	[timem:s3], [sflag:s2] =	dma.local @!p0 [hbm:s0], s1  }
0x304: {  	s0 =	simm.s32 @!p0 $0x6  }
0x305: {  	_ =	swait.ge @!p0 [sflag:s0], s1  }
0x306: {  	s1 =	ssub.s32 @!p0 $0x0, s1;
	[sflag:s0] =	ssyncset.done @!p0 $0x0  }
0x307: {  	[sflag:s0] =	ssyncadd.s32 @!p0 s1  }
0x308: {  	[bflag:$0x3] =	sbarrier.arrive $0xFFFF  }
0x309: {  	_ =	shalt  }

</sc_bundles>
